<compile_context>
chip_gen: v7x
topology: tpu7x:2x2x1
jax: 0.10.2.dev20260603
libtpu: 0.0.44.dev20260713+nightly
codegen_flags: <defaults>
</compile_context>

<pallas_src>
import jax
import jax.numpy as jnp
from jax import lax
from jax.experimental import pallas as pl
from jax.experimental.pallas import tpu as pltpu
from jax.experimental.pallas import tpu_sc as plsc

_F32 = jnp.float32
_KCH = 80


def _dot(a, b):
    return lax.dot_general(a, b, (((1,), (1,)), ((), ())),
                           preferred_element_type=_F32,
                           precision=lax.Precision.HIGHEST)


def _tc1_body(nf_ref, wd_ref, ws_ref, b1_ref, a_ref, b_ref):
    nf = nf_ref[...]
    a_ref[...] = _dot(nf, wd_ref[...]) + b1_ref[...]
    b_ref[...] = _dot(nf, ws_ref[...])


def _tc1(nf, wd, ws, b1, Rb):
    Npad, ND = nf.shape
    GH = wd.shape[0]
    grid = (Npad // Rb,)
    return pl.pallas_call(
        _tc1_body,
        grid=grid,
        in_specs=[
            pl.BlockSpec((Rb, ND), lambda i: (i, 0)),
            pl.BlockSpec((GH, ND), lambda i: (0, 0)),
            pl.BlockSpec((GH, ND), lambda i: (0, 0)),
            pl.BlockSpec((1, GH), lambda i: (0, 0)),
        ],
        out_specs=[
            pl.BlockSpec((Rb, GH), lambda i: (i, 0)),
            pl.BlockSpec((Rb, GH), lambda i: (i, 0)),
        ],
        out_shape=[
            jax.ShapeDtypeStruct((Npad, GH), _F32),
            jax.ShapeDtypeStruct((Npad, GH), _F32),
        ],
        compiler_params=pltpu.CompilerParams(
            dimension_semantics=("arbitrary",)),
    )(nf, wd, ws, b1)


def _tc2_body(acc_ref, cnt_ref, w2_ref, b2_ref, wd2_ref, ws2_ref, b21_ref,
              ab_ref):
    S = acc_ref[0] + acc_ref[1]
    cnt = cnt_ref[0, :, 0:1] + cnt_ref[1, :, 0:1]
    mask = (cnt > 0.0).astype(_F32)
    mean = S * (1.0 / jnp.maximum(cnt, 1.0))
    h = jnp.maximum(_dot(mean, w2_ref[...]) + b2_ref[...] * mask, 0.0)
    ab_ref[...] = jnp.concatenate(
        [_dot(h, wd2_ref[...]) + b21_ref[...], _dot(h, ws2_ref[...])],
        axis=1)


def _tc2(acc, cnt, w2, b2, wd2, ws2, b21, Rb):
    _, Npad, GH = acc.shape
    G = wd2.shape[0]
    grid = (Npad // Rb,)
    return pl.pallas_call(
        _tc2_body,
        grid=grid,
        in_specs=[
            pl.BlockSpec((2, Rb, GH), lambda i: (0, i, 0)),
            pl.BlockSpec((2, Rb, 128), lambda i: (0, i, 0)),
            pl.BlockSpec((GH, GH), lambda i: (0, 0)),
            pl.BlockSpec((1, GH), lambda i: (0, 0)),
            pl.BlockSpec((G, GH), lambda i: (0, 0)),
            pl.BlockSpec((G, GH), lambda i: (0, 0)),
            pl.BlockSpec((1, G), lambda i: (0, 0)),
        ],
        out_specs=pl.BlockSpec((Rb, 2 * G), lambda i: (i, 0)),
        out_shape=jax.ShapeDtypeStruct((Npad, 2 * G), _F32),
        compiler_params=pltpu.CompilerParams(
            dimension_semantics=("arbitrary",)),
    )(acc, cnt, w2, b2, wd2, ws2, b21)


def _make_tc3_body(B, G):
    def body(acc2_ref, cnt_ref, bt_ref, st_ref, ac_ref, g2w2_ref, g2b2_ref,
             q1w1_ref, q1b1_ref, q1w2_ref, q1b2_ref, q1w3_ref, q1b3_ref,
             q2w1_ref, q2b1_ref, q2w2_ref, q2b2_ref, q2w3_ref, q2b3_ref,
             q1_ref, q2_ref, accP):
        i = pl.program_id(0)
        nsteps = pl.num_programs(0)

        @pl.when(i == 0)
        def _():
            accP[...] = jnp.zeros_like(accP)

        S2 = (acc2_ref[0] + acc2_ref[1])[:, 0:G]
        cnt = cnt_ref[0, :, 0:1] + cnt_ref[1, :, 0:1]
        mask = (cnt > 0.0).astype(_F32)
        P = S2 * (1.0 / jnp.maximum(cnt, 1.0))
        Rb = P.shape[0]
        ones = jnp.ones((Rb, 1), _F32)
        zrest = jnp.zeros((Rb, 128 - G - 2), _F32)
        P2 = jnp.concatenate([P, mask, ones, zrest], axis=1)
        bt = bt_ref[0]
        iot = lax.broadcasted_iota(jnp.int32, (128, Rb), 0)
        ohT = (iot == bt).astype(_F32)
        accP[...] += lax.dot_general(ohT, P2, (((1,), (0,)), ((), ())),
                                     preferred_element_type=_F32,
                                     precision=lax.Precision.HIGHEST)

        @pl.when(i == nsteps - 1)
        def _():
            A = accP[...]
            geS = A[:, 0:G]
            gm = A[:, G:G + 1]
            gn = A[:, G + 1:G + 2]
            ge = (_dot(geS, g2w2_ref[...]) + g2b2_ref[...] * gm) * (
                1.0 / jnp.maximum(gn, 1.0))
            z = jnp.concatenate([st_ref[...], ac_ref[...], ge], axis=1)
            h1 = jnp.maximum(_dot(z, q1w1_ref[...]) + q1b1_ref[...], 0.0)
            h1 = jnp.maximum(_dot(h1, q1w2_ref[...]) + q1b2_ref[...], 0.0)
            q1 = _dot(h1, q1w3_ref[...])[:, 0:1] + q1b3_ref[0, 0]
            h2 = jnp.maximum(_dot(z, q2w1_ref[...]) + q2b1_ref[...], 0.0)
            h2 = jnp.maximum(_dot(h2, q2w2_ref[...]) + q2b2_ref[...], 0.0)
            q2 = _dot(h2, q2w3_ref[...])[:, 0:1] + q2b3_ref[0, 0]
            q1_ref[...] = q1[0:B, :]
            q2_ref[...] = q2[0:B, :]

    return body


def _tc3(acc2, cnt, bt3, st, ac, g2w2, g2b2, qw, Rb, Bq):
    _, Npad, _ = acc2.shape
    G = g2w2.shape[0]
    H = qw[0].shape[0]
    QIN = qw[0].shape[1]
    grid = (Npad // Rb,)
    body = _make_tc3_body(Bq, G)
    wspecs = [
        pl.BlockSpec((H, QIN), lambda i: (0, 0)),
        pl.BlockSpec((1, H), lambda i: (0, 0)),
        pl.BlockSpec((H, H), lambda i: (0, 0)),
        pl.BlockSpec((1, H), lambda i: (0, 0)),
        pl.BlockSpec((128, H), lambda i: (0, 0)),
        pl.BlockSpec((1, 1), lambda i: (0, 0)),
    ]
    return pl.pallas_call(
        body,
        grid=grid,
        in_specs=[
            pl.BlockSpec((2, Rb, 128), lambda i: (0, i, 0)),
            pl.BlockSpec((2, Rb, 128), lambda i: (0, i, 0)),
            pl.BlockSpec((1, 1, Rb), lambda i: (i, 0, 0)),
            pl.BlockSpec((st.shape[0], st.shape[1]), lambda i: (0, 0)),
            pl.BlockSpec((ac.shape[0], ac.shape[1]), lambda i: (0, 0)),
            pl.BlockSpec((G, G), lambda i: (0, 0)),
            pl.BlockSpec((1, G), lambda i: (0, 0)),
        ] + wspecs + wspecs,
        out_specs=[
            pl.BlockSpec((Bq, 1), lambda i: (0, 0)),
            pl.BlockSpec((Bq, 1), lambda i: (0, 0)),
        ],
        out_shape=[
            jax.ShapeDtypeStruct((Bq, 1), _F32),
            jax.ShapeDtypeStruct((Bq, 1), _F32),
        ],
        scratch_shapes=[pltpu.VMEM((128, 128), _F32)],
        compiler_params=pltpu.CompilerParams(
            dimension_semantics=("arbitrary",)),
    )(acc2, cnt, bt3, st, ac, g2w2, g2b2, *qw)


def _sc_edge(a_nodes, b_nodes, ei3, n_nodes, K, packed):
    Npad, Dw = a_nodes.shape
    D = Dw
    Gc = (Dw // 2 if packed else Dw) // 16
    G = D // 16
    NCH = ei3.shape[0]
    mesh = plsc.VectorSubcoreMesh(core_axis_name="c", subcore_axis_name="s")
    NC, NS = mesh.num_cores, mesh.num_subcores
    NW = NC * NS
    ALGN = NS * 8
    NROW = min(Npad, ((n_nodes + 1 + ALGN - 1) // ALGN) * ALGN)
    NCHW = NCH // NW
    NPAIR = NCHW // 2

    out_type = jax.ShapeDtypeStruct((NC, Npad, D), _F32)
    scratch = [
        pltpu.VMEM((2, K), jnp.int32),
        pltpu.VMEM((2, K), jnp.int32),
        pltpu.VMEM((K, Dw), _F32),
        pltpu.VMEM((K, Dw), _F32),
        pltpu.VMEM((K, Dw), _F32),
        pltpu.VMEM((K, Dw), _F32),
        pltpu.VMEM_SHARED((NROW, D), _F32),
        pltpu.SemaphoreType.DMA,
        pltpu.SemaphoreType.DMA,
        pltpu.SemaphoreType.DMA,
        pltpu.SemaphoreType.DMA,
        pltpu.SemaphoreType.DMA,
        pltpu.SemaphoreType.DMA,
    ]

    def body(a_hbm, b_hbm, ei_hbm, acc_out,
             idx0, idx1, ga0, ga1, gb0, gb1, acc_sh,
             sga0, sga1, sgb0, sgb1, si0, si1):
        idx = (idx0, idx1)
        ga = (ga0, ga1)
        gb = (gb0, gb1)
        sga = (sga0, sga1)
        sgb = (sgb0, sgb1)
        si = (si0, si1)
        cid = lax.axis_index("c")
        sid = lax.axis_index("s")
        wid = sid * NC + cid
        cbase = wid * NCHW
        zv = jnp.zeros((16,), _F32)

        def zrow(i, carry):
            for j in range(G):
                ga0[i, pl.ds(j * 16, 16)] = zv
            return carry

        lax.fori_loop(0, K, zrow, 0)

        RPW = NROW // NS
        nfull, rem = RPW // K, RPW % K
        base = sid * RPW
        for k in range(nfull):
            pltpu.sync_copy(ga0, acc_sh.at[pl.ds(base + k * K, K)])
        if rem:
            pltpu.sync_copy(ga0.at[pl.ds(0, rem)],
                            acc_sh.at[pl.ds(base + nfull * K, rem)])

        TAIL = Npad - NROW

        @pl.when(sid == 0)
        def _():
            t = 0
            while t < TAIL:
                c = min(K, TAIL - t)
                pltpu.sync_copy(ga0.at[pl.ds(0, c)],
                                acc_out.at[cid, pl.ds(NROW + t, c)])
                t += c

        plsc.subcore_barrier()

        def gathers(c, s):
            pltpu.async_copy(a_hbm.at[idx[s].at[1]], ga[s], sga[s])
            pltpu.async_copy(b_hbm.at[idx[s].at[0]], gb[s], sgb[s])

        def step(t, s):
            c = cbase + 2 * t + s
            pltpu.make_async_copy(a_hbm.at[idx[s].at[1]], ga[s],
                                  sga[s]).wait()
            pltpu.make_async_copy(b_hbm.at[idx[s].at[0]], gb[s],
                                  sgb[s]).wait()

            @pl.when(t < NPAIR - 1)
            def _():
                pltpu.async_copy(ei_hbm.at[c + 2], idx[s], si[s])

            def crow(i, c2):
                for j in range(Gc):
                    sl = pl.ds(j * 16, 16)
                    sb = pl.ds(Dw // 2 + j * 16, 16) if packed else sl
                    ga[s][i, sl] = jnp.maximum(ga[s][i, sl] + gb[s][i, sb],
                                               0.0)
                return c2

            lax.fori_loop(0, K, crow, 0, unroll=2)
            pltpu.sync_copy(ga[s], acc_sh.at[idx[s].at[1]], add=True)

            @pl.when(t < NPAIR - 1)
            def _():
                pltpu.make_async_copy(ei_hbm.at[c + 2], idx[s], si[s]).wait()
                gathers(c + 2, s)

        pltpu.sync_copy(ei_hbm.at[cbase], idx0)
        pltpu.sync_copy(ei_hbm.at[cbase + 1], idx1)
        gathers(cbase, 0)
        gathers(cbase + 1, 1)

        def pair(t, carry):
            step(t, 0)
            step(t, 1)
            return carry

        lax.fori_loop(0, NPAIR, pair, 0)
        plsc.subcore_barrier()

        for k in range(nfull):
            r = base + k * K
            pltpu.sync_copy(acc_sh.at[pl.ds(r, K)],
                            acc_out.at[cid, pl.ds(r, K)])
        if rem:
            r = base + nfull * K
            pltpu.sync_copy(acc_sh.at[pl.ds(r, rem)],
                            acc_out.at[cid, pl.ds(r, rem)])

    fn = pl.kernel(body, out_type=out_type, mesh=mesh,
                   scratch_types=scratch)
    return fn(a_nodes, b_nodes, ei3)


def _sc_count(ei3, n_nodes, Npad, K):
    D = 128
    G = D // 16
    NCH = ei3.shape[0]
    mesh = plsc.VectorSubcoreMesh(core_axis_name="c", subcore_axis_name="s")
    NC, NS = mesh.num_cores, mesh.num_subcores
    NW = NC * NS
    ALGN = NS * 8
    NROW = min(Npad, ((n_nodes + 1 + ALGN - 1) // ALGN) * ALGN)
    NCHW = NCH // NW
    NPAIR = NCHW // 2

    def body(ei_hbm, cnt_out, idx0, idx1, ones_v, cnt_sh, si0, si1):
        idx = (idx0, idx1)
        si = (si0, si1)
        cid = lax.axis_index("c")
        sid = lax.axis_index("s")
        wid = sid * NC + cid
        cbase = wid * NCHW
        zv = jnp.zeros((16,), _F32)
        ov = jnp.ones((16,), _F32)

        def zrow(i, carry):
            for j in range(G):
                ones_v[i, pl.ds(j * 16, 16)] = zv
            return carry

        lax.fori_loop(0, K, zrow, 0)

        RPW = NROW // NS
        nfull, rem = RPW // K, RPW % K
        base = sid * RPW
        for k in range(nfull):
            pltpu.sync_copy(ones_v, cnt_sh.at[pl.ds(base + k * K, K)])
        if rem:
            pltpu.sync_copy(ones_v.at[pl.ds(0, rem)],
                            cnt_sh.at[pl.ds(base + nfull * K, rem)])
        TAIL = Npad - NROW

        @pl.when(sid == 0)
        def _():
            t = 0
            while t < TAIL:
                c = min(K, TAIL - t)
                pltpu.sync_copy(ones_v.at[pl.ds(0, c)],
                                cnt_out.at[cid, pl.ds(NROW + t, c)])
                t += c

        def orow(i, carry):
            for j in range(G):
                ones_v[i, pl.ds(j * 16, 16)] = ov
            return carry

        lax.fori_loop(0, K, orow, 0)
        plsc.subcore_barrier()

        def step(t, s):
            c = cbase + 2 * t + s

            @pl.when(t > 0)
            def _():
                pltpu.make_async_copy(ei_hbm.at[c], idx[s], si[s]).wait()

            @pl.when(t < NPAIR - 1)
            def _():
                pltpu.async_copy(ei_hbm.at[c + 2], idx[s], si[s])

            pltpu.sync_copy(ones_v, cnt_sh.at[idx[s].at[1]], add=True)

        pltpu.sync_copy(ei_hbm.at[cbase], idx0)
        pltpu.sync_copy(ei_hbm.at[cbase + 1], idx1)

        def pair(t, carry):
            step(t, 0)
            step(t, 1)
            return carry

        lax.fori_loop(0, NPAIR, pair, 0)
        plsc.subcore_barrier()

        for k in range(nfull):
            r = base + k * K
            pltpu.sync_copy(cnt_sh.at[pl.ds(r, K)],
                            cnt_out.at[cid, pl.ds(r, K)])
        if rem:
            r = base + nfull * K
            pltpu.sync_copy(cnt_sh.at[pl.ds(r, rem)],
                            cnt_out.at[cid, pl.ds(r, rem)])

    fn = pl.kernel(
        body,
        out_type=jax.ShapeDtypeStruct((NC, Npad, D), _F32),
        mesh=mesh,
        scratch_types=[
            pltpu.VMEM((2, K), jnp.int32),
            pltpu.VMEM((2, K), jnp.int32),
            pltpu.VMEM((K, D), _F32),
            pltpu.VMEM_SHARED((NROW, D), _F32),
            pltpu.SemaphoreType.DMA,
            pltpu.SemaphoreType.DMA,
        ],
    )
    return fn(ei3)


def kernel(state, action, x, edge_index, batch, g1w1, g1b1, g1w2, g1b2,
           g2w1, g2b1, g2w2, g2b2, q1w1, q1b1, q1w2, q1b2, q1w3, q1b3,
           q2w1, q2b1, q2w2, q2b2, q2w3, q2b3):
    N, SD = x.shape
    B, AD = action.shape
    E = edge_index.shape[1]
    ND = SD + AD
    GH = g1w2.shape[0]
    G = g2w2.shape[0]
    rep = N // B

    Rb = 512
    ALIGN = 2048
    Npad = ((N + 1 + ALIGN - 1) // ALIGN) * ALIGN
    CHW = _KCH * 64
    Epad = ((E + CHW - 1) // CHW) * CHW

    nf = jnp.concatenate([x, jnp.repeat(action, rep, axis=0)], axis=1)
    nf = jnp.pad(nf, ((0, Npad - N), (0, 0)))
    ei = edge_index
    if Epad != E:
        ei = jnp.concatenate(
            [ei, jnp.full((2, Epad - E), N, edge_index.dtype)], axis=1)
    ei3 = ei.astype(jnp.int32).reshape(2, Epad // _KCH, _KCH).transpose(1, 0, 2)

    cnt = _sc_count(ei3, N, Npad, _KCH)
    A1, B1 = _tc1(nf, g1w1[:, :ND], g1w1[:, ND:], g1b1.reshape(1, -1), Rb)
    acc1 = _sc_edge(A1, B1, ei3, N, K=_KCH, packed=False)
    AB2 = _tc2(acc1, cnt, g1w2, g1b2.reshape(1, -1),
               g2w1[:, :GH], g2w1[:, GH:], g2b1.reshape(1, -1), Rb)
    acc2 = _sc_edge(AB2, AB2, ei3, N, K=_KCH, packed=True)

    bt = jnp.pad(batch.astype(jnp.int32), (0, Npad - N),
                 constant_values=min(127, B))
    bt3 = bt.reshape(Npad // Rb, 1, Rb)
    stp = jnp.pad(state, ((0, 128 - B), (0, 0)))
    acp = jnp.pad(action, ((0, 128 - B), (0, 0)))
    q1w3p = jnp.pad(q1w3, ((0, 128 - q1w3.shape[0]), (0, 0)))
    q2w3p = jnp.pad(q2w3, ((0, 128 - q2w3.shape[0]), (0, 0)))
    qw = [q1w1, q1b1.reshape(1, -1), q1w2, q1b2.reshape(1, -1),
          q1w3p, q1b3.reshape(1, -1),
          q2w1, q2b1.reshape(1, -1), q2w2, q2b2.reshape(1, -1),
          q2w3p, q2b3.reshape(1, -1)]
    q1, q2 = _tc3(acc2, cnt, bt3, stp, acp, g2w2, g2b2.reshape(1, -1),
                  qw, Rb, B)
    return (q1, q2)

# --- scband reference (transcript-rebuilt; emitter-appended) ---
"""Pipeline reference for scband-critic-13125420056616 (READ-ONLY COPY).

The authoritative reference and input builder live on the scoring server;
editing this copy changes nothing except your own understanding.
"""

import jax, jax.numpy as jnp
import numpy as np

N = 10000
E = 320000
B = 100
SD = 96
AD = 32
ND = SD + AD  # 128
H = 256
GH = H // 2   # 128
G = 64
QIN = SD + AD + G  # 192


def setup_inputs(seed: int = 0) -> dict:
    key = jax.random.key(seed)
    ks = jax.random.split(key, 32)
    s = 0.02
    inp = {}
    inp['state'] = jax.random.normal(ks[0], (B, SD), jnp.float32)
    inp['action'] = jax.random.normal(ks[1], (B, AD), jnp.float32)
    inp['x'] = jax.random.normal(ks[2], (N, SD), jnp.float32)
    inp['edge_index'] = jax.random.randint(ks[3], (2, E), 0, N)
    inp['batch'] = jnp.sort(jax.random.randint(ks[4], (N,), 0, B))
    # GNN layer 1: Linear(2*ND=256 -> GH=128), Linear(128 -> 128)
    inp['g1w1'] = jax.random.normal(ks[5], (GH, 2 * ND), jnp.float32) * s
    inp['g1b1'] = jnp.zeros((GH,), jnp.float32)
    inp['g1w2'] = jax.random.normal(ks[6], (GH, GH), jnp.float32) * s
    inp['g1b2'] = jnp.zeros((GH,), jnp.float32)
    # GNN layer 2: Linear(2*GH=256 -> G=64), Linear(64 -> 64)
    inp['g2w1'] = jax.random.normal(ks[7], (G, 2 * GH), jnp.float32) * s
    inp['g2b1'] = jnp.zeros((G,), jnp.float32)
    inp['g2w2'] = jax.random.normal(ks[8], (G, G), jnp.float32) * s
    inp['g2b2'] = jnp.zeros((G,), jnp.float32)
    # Q heads: Linear(192->256), Linear(256->256), Linear(256->1)
    inp['q1w1'] = jax.random.normal(ks[9], (H, QIN), jnp.float32) * s
    inp['q1b1'] = jnp.zeros((H,), jnp.float32)
    inp['q1w2'] = jax.random.normal(ks[10], (H, H), jnp.float32) * s
    inp['q1b2'] = jnp.zeros((H,), jnp.float32)
    inp['q1w3'] = jax.random.normal(ks[11], (1, H), jnp.float32) * s
    inp['q1b3'] = jnp.zeros((1,), jnp.float32)
    inp['q2w1'] = jax.random.normal(ks[12], (H, QIN), jnp.float32) * s
    inp['q2b1'] = jnp.zeros((H,), jnp.float32)
    inp['q2w2'] = jax.random.normal(ks[13], (H, H), jnp.float32) * s
    inp['q2b2'] = jnp.zeros((H,), jnp.float32)
    inp['q2w3'] = jax.random.normal(ks[14], (1, H), jnp.float32) * s
    inp['q2b3'] = jnp.zeros((1,), jnp.float32)
    return inp


def _gnn_layer(h, edge_index, w1, b1, w2, b2):
    # PyG MessagePassing aggr='mean': src=edge_index[0] (x_j), dst=edge_index[1] (x_i)
    src = edge_index[0]
    dst = edge_index[1]
    m = jnp.concatenate([h[dst], h[src]], axis=-1)
    m = jax.nn.relu(m @ w1.T + b1) @ w2.T + b2
    agg = jax.ops.segment_sum(m, dst, num_segments=h.shape[0])
    cnt = jax.ops.segment_sum(jnp.ones((dst.shape[0],), h.dtype), dst, num_segments=h.shape[0])
    return agg / jnp.maximum(cnt, 1.0)[:, None]


def reference(state, action, x, edge_index, batch,
              g1w1, g1b1, g1w2, g1b2, g2w1, g2b1, g2w2, g2b2,
              q1w1, q1b1, q1w2, q1b2, q1w3, q1b3,
              q2w1, q2b1, q2w2, q2b2, q2w3, q2b3):
    rep = x.shape[0] // action.shape[0]
    node_features = jnp.concatenate([x, jnp.repeat(action, rep, axis=0)], axis=-1)
    h = jax.nn.relu(_gnn_layer(node_features, edge_index, g1w1, g1b1, g1w2, g1b2))
    h = _gnn_layer(h, edge_index, g2w1, g2b1, g2w2, g2b2)
    # scatter_mean over batch ids -> [B, G]
    ge_sum = jax.ops.segment_sum(h, batch, num_segments=state.shape[0])
    ge_cnt = jax.ops.segment_sum(jnp.ones((batch.shape[0],), h.dtype), batch, num_segments=state.shape[0])
    graph_embed = ge_sum / jnp.maximum(ge_cnt, 1.0)[:, None]
    z = jnp.concatenate([state, action, graph_embed], axis=-1)
    h1 = jax.nn.relu(z @ q1w1.T + q1b1)
    h1 = jax.nn.relu(h1 @ q1w2.T + q1b2)
    q1 = h1 @ q1w3.T + q1b3
    h2 = jax.nn.relu(z @ q2w1.T + q2b1)
    h2 = jax.nn.relu(h2 @ q2w2.T + q2b2)
    q2 = h2 @ q2w3.T + q2b3
    return (q1, q2)

if __name__ == "__main__":
    import jax
    _d = setup_inputs()
    print(jax.jit(kernel)(*tuple(_d.values())))

</pallas_src>

<mosaic_0001>
#map = affine_map<(d0, d1) -> (0, 0, 0)>
module attributes {stable_mosaic.version = 14 : i64} {
  func.func @body(%arg0: i32, %arg1: i32, %arg2: memref<4032x2x80xi32, #tpu.memory_space<hbm>>, %arg3: memref<2x10240x128xf32, #tpu.memory_space<hbm>>, %arg4: memref<2x80xi32, #tpu.memory_space<vmem>>, %arg5: memref<2x80xi32, #tpu.memory_space<vmem>>, %arg6: memref<80x128xf32, #tpu.memory_space<vmem>>, %arg7: memref<10112x128xf32, #tpu.memory_space<vmem_shared>>, %arg8: memref<!tpu.dma_semaphore, #tpu.memory_space<semaphore_mem>>, %arg9: memref<!tpu.dma_semaphore, #tpu.memory_space<semaphore_mem>>) attributes {dimension_semantics = [#tpu.dimension_semantics<core_parallel>, #tpu.dimension_semantics<subcore_parallel>], iteration_bounds = array<i64: 2, 16>, scalar_prefetch = 0 : i64, scratch_operands = 6 : i64, tpu.core_type = #tpu.core_type<sc_vector_subcore>, window_params = [{transform_indices = #map}, {transform_indices = #map}]} {
    %mul3A = arith.constant 2 : i32
    %mul3A_0 = arith.muli %arg1, %mul3A : i32
    %add3A = arith.addi %mul3A_0, %arg0 : i32
    %mul3A_1 = arith.constant 126 : i32
    %mul3A_2 = arith.muli %add3A, %mul3A_1 : i32
    %broadcast_in_dim3A = arith.constant 0.000000e+00 : f32
    %broadcast_in_dim3A_3 = vector.broadcast %broadcast_in_dim3A : f32 to vector<16xf32>
    %broadcast_in_dim3A_4 = arith.constant 1.000000e+00 : f32
    %broadcast_in_dim3A_5 = vector.broadcast %broadcast_in_dim3A_4 : f32 to vector<16xf32>
    %scan3A = arith.constant 0 : i32
    %scan3A_6 = arith.constant 0 : i32
    %scan3A_7 = arith.constant 80 : i32
    %scan3A_8 = arith.addi %scan3A_6, %scan3A_7 : i32
    %scan3A_9 = arith.constant 1 : i32
    scf.for %scan3A_62 = %scan3A_6 to %scan3A_8 step %scan3A_9  : i32 {
      %swap3A = arith.index_cast %scan3A_62 : i32 to index
      %swap3A_63 = arith.constant 0 : index
      %swap3A_64 = tpu.vector_load %arg6[%swap3A, %swap3A_63] {strides = array<i32>} : memref<80x128xf32, #tpu.memory_space<vmem>>, vector<1x16xf32>,
      %swap3A_65 = vector.shape_cast %swap3A_64 : vector<1x16xf32> to vector<16xf32>
      %swap3A_66 = vector.shape_cast %broadcast_in_dim3A_3 : vector<16xf32> to vector<1x16xf32>
      tpu.vector_store %arg6[%swap3A, %swap3A_63], %swap3A_66 {strides = array<i32>} : memref<80x128xf32, #tpu.memory_space<vmem>>, vector<1x16xf32>,
      %swap3A_67 = arith.index_cast %scan3A_62 : i32 to index
      %swap3A_68 = arith.constant 16 : index
      %swap3A_69 = tpu.vector_load %arg6[%swap3A_67, %swap3A_68] {strides = array<i32>} : memref<80x128xf32, #tpu.memory_space<vmem>>, vector<1x16xf32>,
      %swap3A_70 = vector.shape_cast %swap3A_69 : vector<1x16xf32> to vector<16xf32>
      %swap3A_71 = vector.shape_cast %broadcast_in_dim3A_3 : vector<16xf32> to vector<1x16xf32>
      tpu.vector_store %arg6[%swap3A_67, %swap3A_68], %swap3A_71 {strides = array<i32>} : memref<80x128xf32, #tpu.memory_space<vmem>>, vector<1x16xf32>,
      %swap3A_72 = arith.index_cast %scan3A_62 : i32 to index
      %swap3A_73 = arith.constant 32 : index
      %swap3A_74 = tpu.vector_load %arg6[%swap3A_72, %swap3A_73] {strides = array<i32>} : memref<80x128xf32, #tpu.memory_space<vmem>>, vector<1x16xf32>,
      %swap3A_75 = vector.shape_cast %swap3A_74 : vector<1x16xf32> to vector<16xf32>
      %swap3A_76 = vector.shape_cast %broadcast_in_dim3A_3 : vector<16xf32> to vector<1x16xf32>
      tpu.vector_store %arg6[%swap3A_72, %swap3A_73], %swap3A_76 {strides = array<i32>} : memref<80x128xf32, #tpu.memory_space<vmem>>, vector<1x16xf32>,
      %swap3A_77 = arith.index_cast %scan3A_62 : i32 to index
      %swap3A_78 = arith.constant 48 : index
      %swap3A_79 = tpu.vector_load %arg6[%swap3A_77, %swap3A_78] {strides = array<i32>} : memref<80x128xf32, #tpu.memory_space<vmem>>, vector<1x16xf32>,
      %swap3A_80 = vector.shape_cast %swap3A_79 : vector<1x16xf32> to vector<16xf32>
      %swap3A_81 = vector.shape_cast %broadcast_in_dim3A_3 : vector<16xf32> to vector<1x16xf32>
      tpu.vector_store %arg6[%swap3A_77, %swap3A_78], %swap3A_81 {strides = array<i32>} : memref<80x128xf32, #tpu.memory_space<vmem>>, vector<1x16xf32>,
      %swap3A_82 = arith.index_cast %scan3A_62 : i32 to index
      %swap3A_83 = arith.constant 64 : index
      %swap3A_84 = tpu.vector_load %arg6[%swap3A_82, %swap3A_83] {strides = array<i32>} : memref<80x128xf32, #tpu.memory_space<vmem>>, vector<1x16xf32>,
      %swap3A_85 = vector.shape_cast %swap3A_84 : vector<1x16xf32> to vector<16xf32>
      %swap3A_86 = vector.shape_cast %broadcast_in_dim3A_3 : vector<16xf32> to vector<1x16xf32>
      tpu.vector_store %arg6[%swap3A_82, %swap3A_83], %swap3A_86 {strides = array<i32>} : memref<80x128xf32, #tpu.memory_space<vmem>>, vector<1x16xf32>,
      %swap3A_87 = arith.index_cast %scan3A_62 : i32 to index
      %swap3A_88 = arith.constant 80 : index
      %swap3A_89 = tpu.vector_load %arg6[%swap3A_87, %swap3A_88] {strides = array<i32>} : memref<80x128xf32, #tpu.memory_space<vmem>>, vector<1x16xf32>,
      %swap3A_90 = vector.shape_cast %swap3A_89 : vector<1x16xf32> to vector<16xf32>
      %swap3A_91 = vector.shape_cast %broadcast_in_dim3A_3 : vector<16xf32> to vector<1x16xf32>
      tpu.vector_store %arg6[%swap3A_87, %swap3A_88], %swap3A_91 {strides = array<i32>} : memref<80x128xf32, #tpu.memory_space<vmem>>, vector<1x16xf32>,
      %swap3A_92 = arith.index_cast %scan3A_62 : i32 to index
      %swap3A_93 = arith.constant 96 : index
      %swap3A_94 = tpu.vector_load %arg6[%swap3A_92, %swap3A_93] {strides = array<i32>} : memref<80x128xf32, #tpu.memory_space<vmem>>, vector<1x16xf32>,
      %swap3A_95 = vector.shape_cast %swap3A_94 : vector<1x16xf32> to vector<16xf32>
      %swap3A_96 = vector.shape_cast %broadcast_in_dim3A_3 : vector<16xf32> to vector<1x16xf32>
      tpu.vector_store %arg6[%swap3A_92, %swap3A_93], %swap3A_96 {strides = array<i32>} : memref<80x128xf32, #tpu.memory_space<vmem>>, vector<1x16xf32>,
      %swap3A_97 = arith.index_cast %scan3A_62 : i32 to index
      %swap3A_98 = arith.constant 112 : index
      %swap3A_99 = tpu.vector_load %arg6[%swap3A_97, %swap3A_98] {strides = array<i32>} : memref<80x128xf32, #tpu.memory_space<vmem>>, vector<1x16xf32>,
      %swap3A_100 = vector.shape_cast %swap3A_99 : vector<1x16xf32> to vector<16xf32>
      %swap3A_101 = vector.shape_cast %broadcast_in_dim3A_3 : vector<16xf32> to vector<1x16xf32>
      tpu.vector_store %arg6[%swap3A_97, %swap3A_98], %swap3A_101 {strides = array<i32>} : memref<80x128xf32, #tpu.memory_space<vmem>>, vector<1x16xf32>,
    }
    %scan3A_10 = arith.constant 80 : i32
    %mul3A_11 = arith.constant 632 : i32
    %mul3A_12 = arith.muli %arg1, %mul3A_11 : i32
    %add3A_13 = arith.constant 0 : i32
    %add3A_14 = arith.addi %mul3A_12, %add3A_13 : i32
    "tpu.region"() ({
      %run_scoped3A = tpu.sem_alloc : memref<!tpu.dma_semaphore, #tpu.memory_space<semaphore_mem>>
      %dma_start3A = arith.constant 0 : i32
      %dma_start3A_62 = tpu.memref_slice %arg7[%add3A_14, %dma_start3A] : memref<10112x128xf32, #tpu.memory_space<vmem_shared>> -> memref<80x128xf32, #tpu.memory_space<vmem_shared>>
      %dma_start3A_63 = arith.constant 0 : i32
      %dma_start3A_64 = tpu.memref_slice %arg7[%add3A_14, %dma_start3A_63] : memref<10112x128xf32, #tpu.memory_space<vmem_shared>> -> memref<80x128xf32, #tpu.memory_space<vmem_shared>>
      tpu.enqueue_dma source(%arg6 : memref<80x128xf32, #tpu.memory_space<vmem>>) target(%dma_start3A_64 : memref<80x128xf32, #tpu.memory_space<vmem_shared>>) target_semaphore(%run_scoped3A : memref<!tpu.dma_semaphore, #tpu.memory_space<semaphore_mem>>)
      %dma_wait3A = arith.constant 0 : i32
      %dma_wait3A_65 = tpu.memref_slice %arg7[%add3A_14, %dma_wait3A] : memref<10112x128xf32, #tpu.memory_space<vmem_shared>> -> memref<80x128xf32, #tpu.memory_space<vmem_shared>>
      %dma_wait3A_66 = arith.constant 0 : i32
      %dma_wait3A_67 = tpu.memref_slice %arg7[%add3A_14, %dma_wait3A_66] : memref<10112x128xf32, #tpu.memory_space<vmem_shared>> -> memref<80x128xf32, #tpu.memory_space<vmem_shared>>
      tpu.wait_dma2 semaphore(%run_scoped3A : memref<!tpu.dma_semaphore, #tpu.memory_space<semaphore_mem>>) src(%arg6 : memref<80x128xf32, #tpu.memory_space<vmem>>) dst(%dma_wait3A_67 : memref<80x128xf32, #tpu.memory_space<vmem_shared>>)
      tpu.yield
    }) : () -> ()
    %add3A_15 = arith.constant 80 : i32
    %add3A_16 = arith.addi %mul3A_12, %add3A_15 : i32
    "tpu.region"() ({
      %run_scoped3A = tpu.sem_alloc : memref<!tpu.dma_semaphore, #tpu.memory_space<semaphore_mem>>
      %dma_start3A = arith.constant 0 : i32
      %dma_start3A_62 = tpu.memref_slice %arg7[%add3A_16, %dma_start3A] : memref<10112x128xf32, #tpu.memory_space<vmem_shared>> -> memref<80x128xf32, #tpu.memory_space<vmem_shared>>
      %dma_start3A_63 = arith.constant 0 : i32
      %dma_start3A_64 = tpu.memref_slice %arg7[%add3A_16, %dma_start3A_63] : memref<10112x128xf32, #tpu.memory_space<vmem_shared>> -> memref<80x128xf32, #tpu.memory_space<vmem_shared>>
      tpu.enqueue_dma source(%arg6 : memref<80x128xf32, #tpu.memory_space<vmem>>) target(%dma_start3A_64 : memref<80x128xf32, #tpu.memory_space<vmem_shared>>) target_semaphore(%run_scoped3A : memref<!tpu.dma_semaphore, #tpu.memory_space<semaphore_mem>>)
      %dma_wait3A = arith.constant 0 : i32
      %dma_wait3A_65 = tpu.memref_slice %arg7[%add3A_16, %dma_wait3A] : memref<10112x128xf32, #tpu.memory_space<vmem_shared>> -> memref<80x128xf32, #tpu.memory_space<vmem_shared>>
      %dma_wait3A_66 = arith.constant 0 : i32
      %dma_wait3A_67 = tpu.memref_slice %arg7[%add3A_16, %dma_wait3A_66] : memref<10112x128xf32, #tpu.memory_space<vmem_shared>> -> memref<80x128xf32, #tpu.memory_space<vmem_shared>>
      tpu.wait_dma2 semaphore(%run_scoped3A : memref<!tpu.dma_semaphore, #tpu.memory_space<semaphore_mem>>) src(%arg6 : memref<80x128xf32, #tpu.memory_space<vmem>>) dst(%dma_wait3A_67 : memref<80x128xf32, #tpu.memory_space<vmem_shared>>)
      tpu.yield
    }) : () -> ()
    %add3A_17 = arith.constant 160 : i32
    %add3A_18 = arith.addi %mul3A_12, %add3A_17 : i32
    "tpu.region"() ({
      %run_scoped3A = tpu.sem_alloc : memref<!tpu.dma_semaphore, #tpu.memory_space<semaphore_mem>>
      %dma_start3A = arith.constant 0 : i32
      %dma_start3A_62 = tpu.memref_slice %arg7[%add3A_18, %dma_start3A] : memref<10112x128xf32, #tpu.memory_space<vmem_shared>> -> memref<80x128xf32, #tpu.memory_space<vmem_shared>>
      %dma_start3A_63 = arith.constant 0 : i32
      %dma_start3A_64 = tpu.memref_slice %arg7[%add3A_18, %dma_start3A_63] : memref<10112x128xf32, #tpu.memory_space<vmem_shared>> -> memref<80x128xf32, #tpu.memory_space<vmem_shared>>
      tpu.enqueue_dma source(%arg6 : memref<80x128xf32, #tpu.memory_space<vmem>>) target(%dma_start3A_64 : memref<80x128xf32, #tpu.memory_space<vmem_shared>>) target_semaphore(%run_scoped3A : memref<!tpu.dma_semaphore, #tpu.memory_space<semaphore_mem>>)
      %dma_wait3A = arith.constant 0 : i32
      %dma_wait3A_65 = tpu.memref_slice %arg7[%add3A_18, %dma_wait3A] : memref<10112x128xf32, #tpu.memory_space<vmem_shared>> -> memref<80x128xf32, #tpu.memory_space<vmem_shared>>
      %dma_wait3A_66 = arith.constant 0 : i32
      %dma_wait3A_67 = tpu.memref_slice %arg7[%add3A_18, %dma_wait3A_66] : memref<10112x128xf32, #tpu.memory_space<vmem_shared>> -> memref<80x128xf32, #tpu.memory_space<vmem_shared>>
      tpu.wait_dma2 semaphore(%run_scoped3A : memref<!tpu.dma_semaphore, #tpu.memory_space<semaphore_mem>>) src(%arg6 : memref<80x128xf32, #tpu.memory_space<vmem>>) dst(%dma_wait3A_67 : memref<80x128xf32, #tpu.memory_space<vmem_shared>>)
      tpu.yield
    }) : () -> ()
    %add3A_19 = arith.constant 240 : i32
    %add3A_20 = arith.addi %mul3A_12, %add3A_19 : i32
    "tpu.region"() ({
      %run_scoped3A = tpu.sem_alloc : memref<!tpu.dma_semaphore, #tpu.memory_space<semaphore_mem>>
      %dma_start3A = arith.constant 0 : i32
      %dma_start3A_62 = tpu.memref_slice %arg7[%add3A_20, %dma_start3A] : memref<10112x128xf32, #tpu.memory_space<vmem_shared>> -> memref<80x128xf32, #tpu.memory_space<vmem_shared>>
      %dma_start3A_63 = arith.constant 0 : i32
      %dma_start3A_64 = tpu.memref_slice %arg7[%add3A_20, %dma_start3A_63] : memref<10112x128xf32, #tpu.memory_space<vmem_shared>> -> memref<80x128xf32, #tpu.memory_space<vmem_shared>>
      tpu.enqueue_dma source(%arg6 : memref<80x128xf32, #tpu.memory_space<vmem>>) target(%dma_start3A_64 : memref<80x128xf32, #tpu.memory_space<vmem_shared>>) target_semaphore(%run_scoped3A : memref<!tpu.dma_semaphore, #tpu.memory_space<semaphore_mem>>)
      %dma_wait3A = arith.constant 0 : i32
      %dma_wait3A_65 = tpu.memref_slice %arg7[%add3A_20, %dma_wait3A] : memref<10112x128xf32, #tpu.memory_space<vmem_shared>> -> memref<80x128xf32, #tpu.memory_space<vmem_shared>>
      %dma_wait3A_66 = arith.constant 0 : i32
      %dma_wait3A_67 = tpu.memref_slice %arg7[%add3A_20, %dma_wait3A_66] : memref<10112x128xf32, #tpu.memory_space<vmem_shared>> -> memref<80x128xf32, #tpu.memory_space<vmem_shared>>
      tpu.wait_dma2 semaphore(%run_scoped3A : memref<!tpu.dma_semaphore, #tpu.memory_space<semaphore_mem>>) src(%arg6 : memref<80x128xf32, #tpu.memory_space<vmem>>) dst(%dma_wait3A_67 : memref<80x128xf32, #tpu.memory_space<vmem_shared>>)
      tpu.yield
    }) : () -> ()
    %add3A_21 = arith.constant 320 : i32
    %add3A_22 = arith.addi %mul3A_12, %add3A_21 : i32
    "tpu.region"() ({
      %run_scoped3A = tpu.sem_alloc : memref<!tpu.dma_semaphore, #tpu.memory_space<semaphore_mem>>
      %dma_start3A = arith.constant 0 : i32
      %dma_start3A_62 = tpu.memref_slice %arg7[%add3A_22, %dma_start3A] : memref<10112x128xf32, #tpu.memory_space<vmem_shared>> -> memref<80x128xf32, #tpu.memory_space<vmem_shared>>
      %dma_start3A_63 = arith.constant 0 : i32
      %dma_start3A_64 = tpu.memref_slice %arg7[%add3A_22, %dma_start3A_63] : memref<10112x128xf32, #tpu.memory_space<vmem_shared>> -> memref<80x128xf32, #tpu.memory_space<vmem_shared>>
      tpu.enqueue_dma source(%arg6 : memref<80x128xf32, #tpu.memory_space<vmem>>) target(%dma_start3A_64 : memref<80x128xf32, #tpu.memory_space<vmem_shared>>) target_semaphore(%run_scoped3A : memref<!tpu.dma_semaphore, #tpu.memory_space<semaphore_mem>>)
      %dma_wait3A = arith.constant 0 : i32
      %dma_wait3A_65 = tpu.memref_slice %arg7[%add3A_22, %dma_wait3A] : memref<10112x128xf32, #tpu.memory_space<vmem_shared>> -> memref<80x128xf32, #tpu.memory_space<vmem_shared>>
      %dma_wait3A_66 = arith.constant 0 : i32
      %dma_wait3A_67 = tpu.memref_slice %arg7[%add3A_22, %dma_wait3A_66] : memref<10112x128xf32, #tpu.memory_space<vmem_shared>> -> memref<80x128xf32, #tpu.memory_space<vmem_shared>>
      tpu.wait_dma2 semaphore(%run_scoped3A : memref<!tpu.dma_semaphore, #tpu.memory_space<semaphore_mem>>) src(%arg6 : memref<80x128xf32, #tpu.memory_space<vmem>>) dst(%dma_wait3A_67 : memref<80x128xf32, #tpu.memory_space<vmem_shared>>)
      tpu.yield
    }) : () -> ()
    %add3A_23 = arith.constant 400 : i32
    %add3A_24 = arith.addi %mul3A_12, %add3A_23 : i32
    "tpu.region"() ({
      %run_scoped3A = tpu.sem_alloc : memref<!tpu.dma_semaphore, #tpu.memory_space<semaphore_mem>>
      %dma_start3A = arith.constant 0 : i32
      %dma_start3A_62 = tpu.memref_slice %arg7[%add3A_24, %dma_start3A] : memref<10112x128xf32, #tpu.memory_space<vmem_shared>> -> memref<80x128xf32, #tpu.memory_space<vmem_shared>>
      %dma_start3A_63 = arith.constant 0 : i32
      %dma_start3A_64 = tpu.memref_slice %arg7[%add3A_24, %dma_start3A_63] : memref<10112x128xf32, #tpu.memory_space<vmem_shared>> -> memref<80x128xf32, #tpu.memory_space<vmem_shared>>
      tpu.enqueue_dma source(%arg6 : memref<80x128xf32, #tpu.memory_space<vmem>>) target(%dma_start3A_64 : memref<80x128xf32, #tpu.memory_space<vmem_shared>>) target_semaphore(%run_scoped3A : memref<!tpu.dma_semaphore, #tpu.memory_space<semaphore_mem>>)
      %dma_wait3A = arith.constant 0 : i32
      %dma_wait3A_65 = tpu.memref_slice %arg7[%add3A_24, %dma_wait3A] : memref<10112x128xf32, #tpu.memory_space<vmem_shared>> -> memref<80x128xf32, #tpu.memory_space<vmem_shared>>
      %dma_wait3A_66 = arith.constant 0 : i32
      %dma_wait3A_67 = tpu.memref_slice %arg7[%add3A_24, %dma_wait3A_66] : memref<10112x128xf32, #tpu.memory_space<vmem_shared>> -> memref<80x128xf32, #tpu.memory_space<vmem_shared>>
      tpu.wait_dma2 semaphore(%run_scoped3A : memref<!tpu.dma_semaphore, #tpu.memory_space<semaphore_mem>>) src(%arg6 : memref<80x128xf32, #tpu.memory_space<vmem>>) dst(%dma_wait3A_67 : memref<80x128xf32, #tpu.memory_space<vmem_shared>>)
      tpu.yield
    }) : () -> ()
    %add3A_25 = arith.constant 480 : i32
    %add3A_26 = arith.addi %mul3A_12, %add3A_25 : i32
    "tpu.region"() ({
      %run_scoped3A = tpu.sem_alloc : memref<!tpu.dma_semaphore, #tpu.memory_space<semaphore_mem>>
      %dma_start3A = arith.constant 0 : i32
      %dma_start3A_62 = tpu.memref_slice %arg7[%add3A_26, %dma_start3A] : memref<10112x128xf32, #tpu.memory_space<vmem_shared>> -> memref<80x128xf32, #tpu.memory_space<vmem_shared>>
      %dma_start3A_63 = arith.constant 0 : i32
      %dma_start3A_64 = tpu.memref_slice %arg7[%add3A_26, %dma_start3A_63] : memref<10112x128xf32, #tpu.memory_space<vmem_shared>> -> memref<80x128xf32, #tpu.memory_space<vmem_shared>>
      tpu.enqueue_dma source(%arg6 : memref<80x128xf32, #tpu.memory_space<vmem>>) target(%dma_start3A_64 : memref<80x128xf32, #tpu.memory_space<vmem_shared>>) target_semaphore(%run_scoped3A : memref<!tpu.dma_semaphore, #tpu.memory_space<semaphore_mem>>)
      %dma_wait3A = arith.constant 0 : i32
      %dma_wait3A_65 = tpu.memref_slice %arg7[%add3A_26, %dma_wait3A] : memref<10112x128xf32, #tpu.memory_space<vmem_shared>> -> memref<80x128xf32, #tpu.memory_space<vmem_shared>>
      %dma_wait3A_66 = arith.constant 0 : i32
      %dma_wait3A_67 = tpu.memref_slice %arg7[%add3A_26, %dma_wait3A_66] : memref<10112x128xf32, #tpu.memory_space<vmem_shared>> -> memref<80x128xf32, #tpu.memory_space<vmem_shared>>
      tpu.wait_dma2 semaphore(%run_scoped3A : memref<!tpu.dma_semaphore, #tpu.memory_space<semaphore_mem>>) src(%arg6 : memref<80x128xf32, #tpu.memory_space<vmem>>) dst(%dma_wait3A_67 : memref<80x128xf32, #tpu.memory_space<vmem_shared>>)
      tpu.yield
    }) : () -> ()
    %add3A_27 = arith.constant 560 : i32
    %add3A_28 = arith.addi %mul3A_12, %add3A_27 : i32
    "tpu.region"() ({
      %run_scoped3A = tpu.sem_alloc : memref<!tpu.dma_semaphore, #tpu.memory_space<semaphore_mem>>
      %dma_start3A = arith.constant 0 : i32
      %dma_start3A_62 = arith.constant 0 : i32
      %dma_start3A_63 = tpu.memref_slice %arg6[%dma_start3A, %dma_start3A_62] : memref<80x128xf32, #tpu.memory_space<vmem>> -> memref<72x128xf32, #tpu.memory_space<vmem>>
      %dma_start3A_64 = arith.constant 0 : i32
      %dma_start3A_65 = tpu.memref_slice %arg7[%add3A_28, %dma_start3A_64] : memref<10112x128xf32, #tpu.memory_space<vmem_shared>> -> memref<72x128xf32, #tpu.memory_space<vmem_shared>>
      %dma_start3A_66 = arith.constant 0 : i32
      %dma_start3A_67 = tpu.memref_slice %arg7[%add3A_28, %dma_start3A_66] : memref<10112x128xf32, #tpu.memory_space<vmem_shared>> -> memref<72x128xf32, #tpu.memory_space<vmem_shared>>
      %dma_start3A_68 = arith.constant 0 : i32
      %dma_start3A_69 = arith.constant 0 : i32
      %dma_start3A_70 = tpu.memref_slice %arg6[%dma_start3A_68, %dma_start3A_69] : memref<80x128xf32, #tpu.memory_space<vmem>> -> memref<72x128xf32, #tpu.memory_space<vmem>>
      tpu.enqueue_dma source(%dma_start3A_70 : memref<72x128xf32, #tpu.memory_space<vmem>>) target(%dma_start3A_67 : memref<72x128xf32, #tpu.memory_space<vmem_shared>>) target_semaphore(%run_scoped3A : memref<!tpu.dma_semaphore, #tpu.memory_space<semaphore_mem>>)
      %dma_wait3A = arith.constant 0 : i32
      %dma_wait3A_71 = arith.constant 0 : i32
      %dma_wait3A_72 = tpu.memref_slice %arg6[%dma_wait3A, %dma_wait3A_71] : memref<80x128xf32, #tpu.memory_space<vmem>> -> memref<72x128xf32, #tpu.memory_space<vmem>>
      %dma_wait3A_73 = arith.constant 0 : i32
      %dma_wait3A_74 = tpu.memref_slice %arg7[%add3A_28, %dma_wait3A_73] : memref<10112x128xf32, #tpu.memory_space<vmem_shared>> -> memref<72x128xf32, #tpu.memory_space<vmem_shared>>
      %dma_wait3A_75 = arith.constant 0 : i32
      %dma_wait3A_76 = tpu.memref_slice %arg7[%add3A_28, %dma_wait3A_75] : memref<10112x128xf32, #tpu.memory_space<vmem_shared>> -> memref<72x128xf32, #tpu.memory_space<vmem_shared>>
      %dma_wait3A_77 = arith.constant 0 : i32
      %dma_wait3A_78 = arith.constant 0 : i32
      %dma_wait3A_79 = tpu.memref_slice %arg6[%dma_wait3A_77, %dma_wait3A_78] : memref<80x128xf32, #tpu.memory_space<vmem>> -> memref<72x128xf32, #tpu.memory_space<vmem>>
      tpu.wait_dma2 semaphore(%run_scoped3A : memref<!tpu.dma_semaphore, #tpu.memory_space<semaphore_mem>>) src(%dma_wait3A_79 : memref<72x128xf32, #tpu.memory_space<vmem>>) dst(%dma_wait3A_76 : memref<72x128xf32, #tpu.memory_space<vmem_shared>>)
      tpu.yield
    }) : () -> ()
    %eq3A = arith.constant 0 : i32
    %eq3A_29 = arith.cmpi eq, %arg1, %eq3A : i32
    %convert_element_type3A = arith.extui %eq3A_29 : i1 to i32
    %cond3A = arith.constant 0 : i32
    %cond3A_30 = arith.cmpi ne, %convert_element_type3A, %cond3A : i32
    scf.if %cond3A_30 {
      "tpu.region"() ({
        %run_scoped3A = tpu.sem_alloc : memref<!tpu.dma_semaphore, #tpu.memory_space<semaphore_mem>>
        %dma_start3A = arith.constant 0 : i32
        %dma_start3A_62 = arith.constant 0 : i32
        %dma_start3A_63 = tpu.memref_slice %arg6[%dma_start3A, %dma_start3A_62] : memref<80x128xf32, #tpu.memory_space<vmem>> -> memref<80x128xf32, #tpu.memory_space<vmem>>
        %dma_start3A_64 = arith.constant 10112 : i32
        %dma_start3A_65 = arith.constant 0 : i32
        %dma_start3A_66 = tpu.memref_slice %arg3[%arg0, %dma_start3A_64, %dma_start3A_65] : memref<2x10240x128xf32, #tpu.memory_space<hbm>> -> memref<1x80x128xf32, #tpu.memory_space<hbm>>
        %dma_start3A_67 = tpu.memref_squeeze %dma_start3A_66 : memref<1x80x128xf32, #tpu.memory_space<hbm>> -> memref<80x128xf32, #tpu.memory_space<hbm>>
        %dma_start3A_68 = arith.constant 10112 : i32
        %dma_start3A_69 = arith.constant 0 : i32
        %dma_start3A_70 = tpu.memref_slice %arg3[%arg0, %dma_start3A_68, %dma_start3A_69] : memref<2x10240x128xf32, #tpu.memory_space<hbm>> -> memref<1x80x128xf32, #tpu.memory_space<hbm>>
        %dma_start3A_71 = tpu.memref_squeeze %dma_start3A_70 : memref<1x80x128xf32, #tpu.memory_space<hbm>> -> memref<80x128xf32, #tpu.memory_space<hbm>>
        %dma_start3A_72 = arith.constant 0 : i32
        %dma_start3A_73 = arith.constant 0 : i32
        %dma_start3A_74 = tpu.memref_slice %arg6[%dma_start3A_72, %dma_start3A_73] : memref<80x128xf32, #tpu.memory_space<vmem>> -> memref<80x128xf32, #tpu.memory_space<vmem>>
        tpu.enqueue_dma source(%dma_start3A_74 : memref<80x128xf32, #tpu.memory_space<vmem>>) target(%dma_start3A_71 : memref<80x128xf32, #tpu.memory_space<hbm>>) target_semaphore(%run_scoped3A : memref<!tpu.dma_semaphore, #tpu.memory_space<semaphore_mem>>)
        %dma_wait3A = arith.constant 0 : i32
        %dma_wait3A_75 = arith.constant 0 : i32
        %dma_wait3A_76 = tpu.memref_slice %arg6[%dma_wait3A, %dma_wait3A_75] : memref<80x128xf32, #tpu.memory_space<vmem>> -> memref<80x128xf32, #tpu.memory_space<vmem>>
        %dma_wait3A_77 = arith.constant 10112 : i32
        %dma_wait3A_78 = arith.constant 0 : i32
        %dma_wait3A_79 = tpu.memref_slice %arg3[%arg0, %dma_wait3A_77, %dma_wait3A_78] : memref<2x10240x128xf32, #tpu.memory_space<hbm>> -> memref<1x80x128xf32, #tpu.memory_space<hbm>>
        %dma_wait3A_80 = tpu.memref_squeeze %dma_wait3A_79 : memref<1x80x128xf32, #tpu.memory_space<hbm>> -> memref<80x128xf32, #tpu.memory_space<hbm>>
        %dma_wait3A_81 = arith.constant 10112 : i32
        %dma_wait3A_82 = arith.constant 0 : i32
        %dma_wait3A_83 = tpu.memref_slice %arg3[%arg0, %dma_wait3A_81, %dma_wait3A_82] : memref<2x10240x128xf32, #tpu.memory_space<hbm>> -> memref<1x80x128xf32, #tpu.memory_space<hbm>>
        %dma_wait3A_84 = tpu.memref_squeeze %dma_wait3A_83 : memref<1x80x128xf32, #tpu.memory_space<hbm>> -> memref<80x128xf32, #tpu.memory_space<hbm>>
        %dma_wait3A_85 = arith.constant 0 : i32
        %dma_wait3A_86 = arith.constant 0 : i32
        %dma_wait3A_87 = tpu.memref_slice %arg6[%dma_wait3A_85, %dma_wait3A_86] : memref<80x128xf32, #tpu.memory_space<vmem>> -> memref<80x128xf32, #tpu.memory_space<vmem>>
        tpu.wait_dma2 semaphore(%run_scoped3A : memref<!tpu.dma_semaphore, #tpu.memory_space<semaphore_mem>>) src(%dma_wait3A_87 : memref<80x128xf32, #tpu.memory_space<vmem>>) dst(%dma_wait3A_84 : memref<80x128xf32, #tpu.memory_space<hbm>>)
        tpu.yield
      }) : () -> ()
      "tpu.region"() ({
        %run_scoped3A = tpu.sem_alloc : memref<!tpu.dma_semaphore, #tpu.memory_space<semaphore_mem>>
        %dma_start3A = arith.constant 0 : i32
        %dma_start3A_62 = arith.constant 0 : i32
        %dma_start3A_63 = tpu.memref_slice %arg6[%dma_start3A, %dma_start3A_62] : memref<80x128xf32, #tpu.memory_space<vmem>> -> memref<48x128xf32, #tpu.memory_space<vmem>>
        %dma_start3A_64 = arith.constant 10192 : i32
        %dma_start3A_65 = arith.constant 0 : i32
        %dma_start3A_66 = tpu.memref_slice %arg3[%arg0, %dma_start3A_64, %dma_start3A_65] : memref<2x10240x128xf32, #tpu.memory_space<hbm>> -> memref<1x48x128xf32, #tpu.memory_space<hbm>>
        %dma_start3A_67 = tpu.memref_squeeze %dma_start3A_66 : memref<1x48x128xf32, #tpu.memory_space<hbm>> -> memref<48x128xf32, #tpu.memory_space<hbm>>
        %dma_start3A_68 = arith.constant 10192 : i32
        %dma_start3A_69 = arith.constant 0 : i32
        %dma_start3A_70 = tpu.memref_slice %arg3[%arg0, %dma_start3A_68, %dma_start3A_69] : memref<2x10240x128xf32, #tpu.memory_space<hbm>> -> memref<1x48x128xf32, #tpu.memory_space<hbm>>
        %dma_start3A_71 = tpu.memref_squeeze %dma_start3A_70 : memref<1x48x128xf32, #tpu.memory_space<hbm>> -> memref<48x128xf32, #tpu.memory_space<hbm>>
        %dma_start3A_72 = arith.constant 0 : i32
        %dma_start3A_73 = arith.constant 0 : i32
        %dma_start3A_74 = tpu.memref_slice %arg6[%dma_start3A_72, %dma_start3A_73] : memref<80x128xf32, #tpu.memory_space<vmem>> -> memref<48x128xf32, #tpu.memory_space<vmem>>
        tpu.enqueue_dma source(%dma_start3A_74 : memref<48x128xf32, #tpu.memory_space<vmem>>) target(%dma_start3A_71 : memref<48x128xf32, #tpu.memory_space<hbm>>) target_semaphore(%run_scoped3A : memref<!tpu.dma_semaphore, #tpu.memory_space<semaphore_mem>>)
        %dma_wait3A = arith.constant 0 : i32
        %dma_wait3A_75 = arith.constant 0 : i32
        %dma_wait3A_76 = tpu.memref_slice %arg6[%dma_wait3A, %dma_wait3A_75] : memref<80x128xf32, #tpu.memory_space<vmem>> -> memref<48x128xf32, #tpu.memory_space<vmem>>
        %dma_wait3A_77 = arith.constant 10192 : i32
        %dma_wait3A_78 = arith.constant 0 : i32
        %dma_wait3A_79 = tpu.memref_slice %arg3[%arg0, %dma_wait3A_77, %dma_wait3A_78] : memref<2x10240x128xf32, #tpu.memory_space<hbm>> -> memref<1x48x128xf32, #tpu.memory_space<hbm>>
        %dma_wait3A_80 = tpu.memref_squeeze %dma_wait3A_79 : memref<1x48x128xf32, #tpu.memory_space<hbm>> -> memref<48x128xf32, #tpu.memory_space<hbm>>
        %dma_wait3A_81 = arith.constant 10192 : i32
        %dma_wait3A_82 = arith.constant 0 : i32
        %dma_wait3A_83 = tpu.memref_slice %arg3[%arg0, %dma_wait3A_81, %dma_wait3A_82] : memref<2x10240x128xf32, #tpu.memory_space<hbm>> -> memref<1x48x128xf32, #tpu.memory_space<hbm>>
        %dma_wait3A_84 = tpu.memref_squeeze %dma_wait3A_83 : memref<1x48x128xf32, #tpu.memory_space<hbm>> -> memref<48x128xf32, #tpu.memory_space<hbm>>
        %dma_wait3A_85 = arith.constant 0 : i32
        %dma_wait3A_86 = arith.constant 0 : i32
        %dma_wait3A_87 = tpu.memref_slice %arg6[%dma_wait3A_85, %dma_wait3A_86] : memref<80x128xf32, #tpu.memory_space<vmem>> -> memref<48x128xf32, #tpu.memory_space<vmem>>
        tpu.wait_dma2 semaphore(%run_scoped3A : memref<!tpu.dma_semaphore, #tpu.memory_space<semaphore_mem>>) src(%dma_wait3A_87 : memref<48x128xf32, #tpu.memory_space<vmem>>) dst(%dma_wait3A_84 : memref<48x128xf32, #tpu.memory_space<hbm>>)
        tpu.yield
      }) : () -> ()
    } else {
    }
    %scan3A_31 = arith.constant 0 : i32
    %scan3A_32 = arith.constant 0 : i32
    %scan3A_33 = arith.constant 80 : i32
    %scan3A_34 = arith.addi %scan3A_32, %scan3A_33 : i32
    %scan3A_35 = arith.constant 1 : i32
    scf.for %scan3A_62 = %scan3A_32 to %scan3A_34 step %scan3A_35  : i32 {
      %swap3A = arith.index_cast %scan3A_62 : i32 to index
      %swap3A_63 = arith.constant 0 : index
      %swap3A_64 = tpu.vector_load %arg6[%swap3A, %swap3A_63] {strides = array<i32>} : memref<80x128xf32, #tpu.memory_space<vmem>>, vector<1x16xf32>,
      %swap3A_65 = vector.shape_cast %swap3A_64 : vector<1x16xf32> to vector<16xf32>
      %swap3A_66 = vector.shape_cast %broadcast_in_dim3A_5 : vector<16xf32> to vector<1x16xf32>
      tpu.vector_store %arg6[%swap3A, %swap3A_63], %swap3A_66 {strides = array<i32>} : memref<80x128xf32, #tpu.memory_space<vmem>>, vector<1x16xf32>,
      %swap3A_67 = arith.index_cast %scan3A_62 : i32 to index
      %swap3A_68 = arith.constant 16 : index
      %swap3A_69 = tpu.vector_load %arg6[%swap3A_67, %swap3A_68] {strides = array<i32>} : memref<80x128xf32, #tpu.memory_space<vmem>>, vector<1x16xf32>,
      %swap3A_70 = vector.shape_cast %swap3A_69 : vector<1x16xf32> to vector<16xf32>
      %swap3A_71 = vector.shape_cast %broadcast_in_dim3A_5 : vector<16xf32> to vector<1x16xf32>
      tpu.vector_store %arg6[%swap3A_67, %swap3A_68], %swap3A_71 {strides = array<i32>} : memref<80x128xf32, #tpu.memory_space<vmem>>, vector<1x16xf32>,
      %swap3A_72 = arith.index_cast %scan3A_62 : i32 to index
      %swap3A_73 = arith.constant 32 : index
      %swap3A_74 = tpu.vector_load %arg6[%swap3A_72, %swap3A_73] {strides = array<i32>} : memref<80x128xf32, #tpu.memory_space<vmem>>, vector<1x16xf32>,
      %swap3A_75 = vector.shape_cast %swap3A_74 : vector<1x16xf32> to vector<16xf32>
      %swap3A_76 = vector.shape_cast %broadcast_in_dim3A_5 : vector<16xf32> to vector<1x16xf32>
      tpu.vector_store %arg6[%swap3A_72, %swap3A_73], %swap3A_76 {strides = array<i32>} : memref<80x128xf32, #tpu.memory_space<vmem>>, vector<1x16xf32>,
      %swap3A_77 = arith.index_cast %scan3A_62 : i32 to index
      %swap3A_78 = arith.constant 48 : index
      %swap3A_79 = tpu.vector_load %arg6[%swap3A_77, %swap3A_78] {strides = array<i32>} : memref<80x128xf32, #tpu.memory_space<vmem>>, vector<1x16xf32>,
      %swap3A_80 = vector.shape_cast %swap3A_79 : vector<1x16xf32> to vector<16xf32>
      %swap3A_81 = vector.shape_cast %broadcast_in_dim3A_5 : vector<16xf32> to vector<1x16xf32>
      tpu.vector_store %arg6[%swap3A_77, %swap3A_78], %swap3A_81 {strides = array<i32>} : memref<80x128xf32, #tpu.memory_space<vmem>>, vector<1x16xf32>,
      %swap3A_82 = arith.index_cast %scan3A_62 : i32 to index
      %swap3A_83 = arith.constant 64 : index
      %swap3A_84 = tpu.vector_load %arg6[%swap3A_82, %swap3A_83] {strides = array<i32>} : memref<80x128xf32, #tpu.memory_space<vmem>>, vector<1x16xf32>,
      %swap3A_85 = vector.shape_cast %swap3A_84 : vector<1x16xf32> to vector<16xf32>
      %swap3A_86 = vector.shape_cast %broadcast_in_dim3A_5 : vector<16xf32> to vector<1x16xf32>
      tpu.vector_store %arg6[%swap3A_82, %swap3A_83], %swap3A_86 {strides = array<i32>} : memref<80x128xf32, #tpu.memory_space<vmem>>, vector<1x16xf32>,
      %swap3A_87 = arith.index_cast %scan3A_62 : i32 to index
      %swap3A_88 = arith.constant 80 : index
      %swap3A_89 = tpu.vector_load %arg6[%swap3A_87, %swap3A_88] {strides = array<i32>} : memref<80x128xf32, #tpu.memory_space<vmem>>, vector<1x16xf32>,
      %swap3A_90 = vector.shape_cast %swap3A_89 : vector<1x16xf32> to vector<16xf32>
      %swap3A_91 = vector.shape_cast %broadcast_in_dim3A_5 : vector<16xf32> to vector<1x16xf32>
      tpu.vector_store %arg6[%swap3A_87, %swap3A_88], %swap3A_91 {strides = array<i32>} : memref<80x128xf32, #tpu.memory_space<vmem>>, vector<1x16xf32>,
      %swap3A_92 = arith.index_cast %scan3A_62 : i32 to index
      %swap3A_93 = arith.constant 96 : index
      %swap3A_94 = tpu.vector_load %arg6[%swap3A_92, %swap3A_93] {strides = array<i32>} : memref<80x128xf32, #tpu.memory_space<vmem>>, vector<1x16xf32>,
      %swap3A_95 = vector.shape_cast %swap3A_94 : vector<1x16xf32> to vector<16xf32>
      %swap3A_96 = vector.shape_cast %broadcast_in_dim3A_5 : vector<16xf32> to vector<1x16xf32>
      tpu.vector_store %arg6[%swap3A_92, %swap3A_93], %swap3A_96 {strides = array<i32>} : memref<80x128xf32, #tpu.memory_space<vmem>>, vector<1x16xf32>,
      %swap3A_97 = arith.index_cast %scan3A_62 : i32 to index
      %swap3A_98 = arith.constant 112 : index
      %swap3A_99 = tpu.vector_load %arg6[%swap3A_97, %swap3A_98] {strides = array<i32>} : memref<80x128xf32, #tpu.memory_space<vmem>>, vector<1x16xf32>,
      %swap3A_100 = vector.shape_cast %swap3A_99 : vector<1x16xf32> to vector<16xf32>
      %swap3A_101 = vector.shape_cast %broadcast_in_dim3A_5 : vector<16xf32> to vector<1x16xf32>
      tpu.vector_store %arg6[%swap3A_97, %swap3A_98], %swap3A_101 {strides = array<i32>} : memref<80x128xf32, #tpu.memory_space<vmem>>, vector<1x16xf32>,
    }
    %scan3A_36 = arith.constant 80 : i32
    %barrier3A = arith.constant 0 : index
    tpu.barrier barrier_id(%barrier3A)
    "tpu.region"() ({
      %run_scoped3A = tpu.sem_alloc : memref<!tpu.dma_semaphore, #tpu.memory_space<semaphore_mem>>
      %dma_start3A = arith.constant 0 : i32
      %dma_start3A_62 = arith.constant 0 : i32
      %dma_start3A_63 = tpu.memref_slice %arg2[%mul3A_2, %dma_start3A, %dma_start3A_62] : memref<4032x2x80xi32, #tpu.memory_space<hbm>> -> memref<1x2x80xi32, #tpu.memory_space<hbm>>
      %dma_start3A_64 = tpu.memref_squeeze %dma_start3A_63 : memref<1x2x80xi32, #tpu.memory_space<hbm>> -> memref<2x80xi32, #tpu.memory_space<hbm>>
      %dma_start3A_65 = arith.constant 0 : i32
      %dma_start3A_66 = arith.constant 0 : i32
      %dma_start3A_67 = tpu.memref_slice %arg2[%mul3A_2, %dma_start3A_65, %dma_start3A_66] : memref<4032x2x80xi32, #tpu.memory_space<hbm>> -> memref<1x2x80xi32, #tpu.memory_space<hbm>>
      %dma_start3A_68 = tpu.memref_squeeze %dma_start3A_67 : memref<1x2x80xi32, #tpu.memory_space<hbm>> -> memref<2x80xi32, #tpu.memory_space<hbm>>
      tpu.enqueue_dma source(%dma_start3A_68 : memref<2x80xi32, #tpu.memory_space<hbm>>) target(%arg4 : memref<2x80xi32, #tpu.memory_space<vmem>>) target_semaphore(%run_scoped3A : memref<!tpu.dma_semaphore, #tpu.memory_space<semaphore_mem>>)
      %dma_wait3A = arith.constant 0 : i32
      %dma_wait3A_69 = arith.constant 0 : i32
      %dma_wait3A_70 = tpu.memref_slice %arg2[%mul3A_2, %dma_wait3A, %dma_wait3A_69] : memref<4032x2x80xi32, #tpu.memory_space<hbm>> -> memref<1x2x80xi32, #tpu.memory_space<hbm>>
      %dma_wait3A_71 = tpu.memref_squeeze %dma_wait3A_70 : memref<1x2x80xi32, #tpu.memory_space<hbm>> -> memref<2x80xi32, #tpu.memory_space<hbm>>
      %dma_wait3A_72 = arith.constant 0 : i32
      %dma_wait3A_73 = arith.constant 0 : i32
      %dma_wait3A_74 = tpu.memref_slice %arg2[%mul3A_2, %dma_wait3A_72, %dma_wait3A_73] : memref<4032x2x80xi32, #tpu.memory_space<hbm>> -> memref<1x2x80xi32, #tpu.memory_space<hbm>>
      %dma_wait3A_75 = tpu.memref_squeeze %dma_wait3A_74 : memref<1x2x80xi32, #tpu.memory_space<hbm>> -> memref<2x80xi32, #tpu.memory_space<hbm>>
      tpu.wait_dma2 semaphore(%run_scoped3A : memref<!tpu.dma_semaphore, #tpu.memory_space<semaphore_mem>>) src(%dma_wait3A_75 : memref<2x80xi32, #tpu.memory_space<hbm>>) dst(%arg4 : memref<2x80xi32, #tpu.memory_space<vmem>>)
      tpu.yield
    }) : () -> ()
    %add3A_37 = arith.constant 1 : i32
    %add3A_38 = arith.addi %mul3A_2, %add3A_37 : i32
    "tpu.region"() ({
      %run_scoped3A = tpu.sem_alloc : memref<!tpu.dma_semaphore, #tpu.memory_space<semaphore_mem>>
      %dma_start3A = arith.constant 0 : i32
      %dma_start3A_62 = arith.constant 0 : i32
      %dma_start3A_63 = tpu.memref_slice %arg2[%add3A_38, %dma_start3A, %dma_start3A_62] : memref<4032x2x80xi32, #tpu.memory_space<hbm>> -> memref<1x2x80xi32, #tpu.memory_space<hbm>>
      %dma_start3A_64 = tpu.memref_squeeze %dma_start3A_63 : memref<1x2x80xi32, #tpu.memory_space<hbm>> -> memref<2x80xi32, #tpu.memory_space<hbm>>
      %dma_start3A_65 = arith.constant 0 : i32
      %dma_start3A_66 = arith.constant 0 : i32
      %dma_start3A_67 = tpu.memref_slice %arg2[%add3A_38, %dma_start3A_65, %dma_start3A_66] : memref<4032x2x80xi32, #tpu.memory_space<hbm>> -> memref<1x2x80xi32, #tpu.memory_space<hbm>>
      %dma_start3A_68 = tpu.memref_squeeze %dma_start3A_67 : memref<1x2x80xi32, #tpu.memory_space<hbm>> -> memref<2x80xi32, #tpu.memory_space<hbm>>
      tpu.enqueue_dma source(%dma_start3A_68 : memref<2x80xi32, #tpu.memory_space<hbm>>) target(%arg5 : memref<2x80xi32, #tpu.memory_space<vmem>>) target_semaphore(%run_scoped3A : memref<!tpu.dma_semaphore, #tpu.memory_space<semaphore_mem>>)
      %dma_wait3A = arith.constant 0 : i32
      %dma_wait3A_69 = arith.constant 0 : i32
      %dma_wait3A_70 = tpu.memref_slice %arg2[%add3A_38, %dma_wait3A, %dma_wait3A_69] : memref<4032x2x80xi32, #tpu.memory_space<hbm>> -> memref<1x2x80xi32, #tpu.memory_space<hbm>>
      %dma_wait3A_71 = tpu.memref_squeeze %dma_wait3A_70 : memref<1x2x80xi32, #tpu.memory_space<hbm>> -> memref<2x80xi32, #tpu.memory_space<hbm>>
      %dma_wait3A_72 = arith.constant 0 : i32
      %dma_wait3A_73 = arith.constant 0 : i32
      %dma_wait3A_74 = tpu.memref_slice %arg2[%add3A_38, %dma_wait3A_72, %dma_wait3A_73] : memref<4032x2x80xi32, #tpu.memory_space<hbm>> -> memref<1x2x80xi32, #tpu.memory_space<hbm>>
      %dma_wait3A_75 = tpu.memref_squeeze %dma_wait3A_74 : memref<1x2x80xi32, #tpu.memory_space<hbm>> -> memref<2x80xi32, #tpu.memory_space<hbm>>
      tpu.wait_dma2 semaphore(%run_scoped3A : memref<!tpu.dma_semaphore, #tpu.memory_space<semaphore_mem>>) src(%dma_wait3A_75 : memref<2x80xi32, #tpu.memory_space<hbm>>) dst(%arg5 : memref<2x80xi32, #tpu.memory_space<vmem>>)
      tpu.yield
    }) : () -> ()
    %scan3A_39 = arith.constant 0 : i32
    %scan3A_40 = arith.constant 0 : i32
    %scan3A_41 = arith.constant 63 : i32
    %scan3A_42 = arith.addi %scan3A_40, %scan3A_41 : i32
    %scan3A_43 = arith.constant 1 : i32
    scf.for %scan3A_62 = %scan3A_40 to %scan3A_42 step %scan3A_43  : i32 {
      %mul3A_63 = arith.constant 2 : i32
      %mul3A_64 = arith.muli %mul3A_63, %scan3A_62 : i32
      %add3A_65 = arith.addi %mul3A_2, %mul3A_64 : i32
      %add3A_66 = arith.constant 0 : i32
      %add3A_67 = arith.addi %add3A_65, %add3A_66 : i32
      %gt3A = arith.constant 0 : i32
      %gt3A_68 = arith.cmpi sgt, %scan3A_62, %gt3A : i32
      %convert_element_type3A_69 = arith.extui %gt3A_68 : i1 to i32
      %cond3A_70 = arith.constant 0 : i32
      %cond3A_71 = arith.cmpi ne, %convert_element_type3A_69, %cond3A_70 : i32
      scf.if %cond3A_71 {
        %dma_wait3A = arith.constant 0 : i32
        %dma_wait3A_92 = arith.constant 0 : i32
        %dma_wait3A_93 = tpu.memref_slice %arg2[%add3A_67, %dma_wait3A, %dma_wait3A_92] : memref<4032x2x80xi32, #tpu.memory_space<hbm>> -> memref<1x2x80xi32, #tpu.memory_space<hbm>>
        %dma_wait3A_94 = tpu.memref_squeeze %dma_wait3A_93 : memref<1x2x80xi32, #tpu.memory_space<hbm>> -> memref<2x80xi32, #tpu.memory_space<hbm>>
        %dma_wait3A_95 = arith.constant 0 : i32
        %dma_wait3A_96 = arith.constant 0 : i32
        %dma_wait3A_97 = tpu.memref_slice %arg2[%add3A_67, %dma_wait3A_95, %dma_wait3A_96] : memref<4032x2x80xi32, #tpu.memory_space<hbm>> -> memref<1x2x80xi32, #tpu.memory_space<hbm>>
        %dma_wait3A_98 = tpu.memref_squeeze %dma_wait3A_97 : memref<1x2x80xi32, #tpu.memory_space<hbm>> -> memref<2x80xi32, #tpu.memory_space<hbm>>
        tpu.wait_dma2 semaphore(%arg8 : memref<!tpu.dma_semaphore, #tpu.memory_space<semaphore_mem>>) src(%dma_wait3A_98 : memref<2x80xi32, #tpu.memory_space<hbm>>) dst(%arg4 : memref<2x80xi32, #tpu.memory_space<vmem>>)
      } else {
      }
      %lt3A = arith.constant 62 : i32
      %lt3A_72 = arith.cmpi slt, %scan3A_62, %lt3A : i32
      %convert_element_type3A_73 = arith.extui %lt3A_72 : i1 to i32
      %cond3A_74 = arith.constant 0 : i32
      %cond3A_75 = arith.cmpi ne, %convert_element_type3A_73, %cond3A_74 : i32
      scf.if %cond3A_75 {
        %add3A_92 = arith.constant 2 : i32
        %add3A_93 = arith.addi %add3A_67, %add3A_92 : i32
        %dma_start3A = arith.constant 0 : i32
        %dma_start3A_94 = arith.constant 0 : i32
        %dma_start3A_95 = tpu.memref_slice %arg2[%add3A_93, %dma_start3A, %dma_start3A_94] : memref<4032x2x80xi32, #tpu.memory_space<hbm>> -> memref<1x2x80xi32, #tpu.memory_space<hbm>>
        %dma_start3A_96 = tpu.memref_squeeze %dma_start3A_95 : memref<1x2x80xi32, #tpu.memory_space<hbm>> -> memref<2x80xi32, #tpu.memory_space<hbm>>
        %dma_start3A_97 = arith.constant 0 : i32
        %dma_start3A_98 = arith.constant 0 : i32
        %dma_start3A_99 = tpu.memref_slice %arg2[%add3A_93, %dma_start3A_97, %dma_start3A_98] : memref<4032x2x80xi32, #tpu.memory_space<hbm>> -> memref<1x2x80xi32, #tpu.memory_space<hbm>>
        %dma_start3A_100 = tpu.memref_squeeze %dma_start3A_99 : memref<1x2x80xi32, #tpu.memory_space<hbm>> -> memref<2x80xi32, #tpu.memory_space<hbm>>
        tpu.enqueue_dma source(%dma_start3A_100 : memref<2x80xi32, #tpu.memory_space<hbm>>) target(%arg4 : memref<2x80xi32, #tpu.memory_space<vmem>>) target_semaphore(%arg8 : memref<!tpu.dma_semaphore, #tpu.memory_space<semaphore_mem>>)
      } else {
      }
      %run_scoped3A = arith.constant 1 : i32
      "tpu.region"() ({
        %run_scoped3A_92 = tpu.sem_alloc : memref<!tpu.dma_semaphore, #tpu.memory_space<semaphore_mem>>
        %dma_start3A = arith.constant 0 : i32
        %dma_start3A_93 = tpu.memref_slice %arg4[%run_scoped3A, %dma_start3A] : memref<2x80xi32, #tpu.memory_space<vmem>> -> memref<1x80xi32, #tpu.memory_space<vmem>>
        %dma_start3A_94 = tpu.memref_squeeze %dma_start3A_93 : memref<1x80xi32, #tpu.memory_space<vmem>> -> memref<80xi32, #tpu.memory_space<vmem>>
        %dma_start3A_95 = arith.constant 0 : i32
        %dma_start3A_96 = arith.constant 0 : i32
        %dma_start3A_97 = tpu.memref_slice %arg7[%dma_start3A_95, %dma_start3A_96] : memref<10112x128xf32, #tpu.memory_space<vmem_shared>> -> memref<10112x128xf32, #tpu.memory_space<vmem_shared>>
        tpu.enqueue_indirect_dma source(%arg6 : memref<80x128xf32, #tpu.memory_space<vmem>>) target(%dma_start3A_97 : memref<10112x128xf32, #tpu.memory_space<vmem_shared>>) offsets(%dma_start3A_94 : memref<80xi32, #tpu.memory_space<vmem>>) semaphore(%run_scoped3A_92 : memref<!tpu.dma_semaphore, #tpu.memory_space<semaphore_mem>>) {add = true}
        %dma_wait3A = arith.constant 0 : i32
        %dma_wait3A_98 = tpu.memref_slice %arg4[%run_scoped3A, %dma_wait3A] : memref<2x80xi32, #tpu.memory_space<vmem>> -> memref<1x80xi32, #tpu.memory_space<vmem>>
        %dma_wait3A_99 = tpu.memref_squeeze %dma_wait3A_98 : memref<1x80xi32, #tpu.memory_space<vmem>> -> memref<80xi32, #tpu.memory_space<vmem>>
        %dma_wait3A_100 = arith.constant 0 : i32
        %dma_wait3A_101 = arith.constant 0 : i32
        %dma_wait3A_102 = tpu.memref_slice %arg7[%dma_wait3A_100, %dma_wait3A_101] : memref<10112x128xf32, #tpu.memory_space<vmem_shared>> -> memref<10112x128xf32, #tpu.memory_space<vmem_shared>>
        tpu.wait_indirect_dma semaphore(%run_scoped3A_92 : memref<!tpu.dma_semaphore, #tpu.memory_space<semaphore_mem>>) src(%arg6 : memref<80x128xf32, #tpu.memory_space<vmem>>) dst(%dma_wait3A_102 : memref<10112x128xf32, #tpu.memory_space<vmem_shared>>)
        tpu.yield
      }) : () -> ()
      %mul3A_76 = arith.constant 2 : i32
      %mul3A_77 = arith.muli %mul3A_76, %scan3A_62 : i32
      %add3A_78 = arith.addi %mul3A_2, %mul3A_77 : i32
      %add3A_79 = arith.constant 1 : i32
      %add3A_80 = arith.addi %add3A_78, %add3A_79 : i32
      %gt3A_81 = arith.constant 0 : i32
      %gt3A_82 = arith.cmpi sgt, %scan3A_62, %gt3A_81 : i32
      %convert_element_type3A_83 = arith.extui %gt3A_82 : i1 to i32
      %cond3A_84 = arith.constant 0 : i32
      %cond3A_85 = arith.cmpi ne, %convert_element_type3A_83, %cond3A_84 : i32
      scf.if %cond3A_85 {
        %dma_wait3A = arith.constant 0 : i32
        %dma_wait3A_92 = arith.constant 0 : i32
        %dma_wait3A_93 = tpu.memref_slice %arg2[%add3A_80, %dma_wait3A, %dma_wait3A_92] : memref<4032x2x80xi32, #tpu.memory_space<hbm>> -> memref<1x2x80xi32, #tpu.memory_space<hbm>>
        %dma_wait3A_94 = tpu.memref_squeeze %dma_wait3A_93 : memref<1x2x80xi32, #tpu.memory_space<hbm>> -> memref<2x80xi32, #tpu.memory_space<hbm>>
        %dma_wait3A_95 = arith.constant 0 : i32
        %dma_wait3A_96 = arith.constant 0 : i32
        %dma_wait3A_97 = tpu.memref_slice %arg2[%add3A_80, %dma_wait3A_95, %dma_wait3A_96] : memref<4032x2x80xi32, #tpu.memory_space<hbm>> -> memref<1x2x80xi32, #tpu.memory_space<hbm>>
        %dma_wait3A_98 = tpu.memref_squeeze %dma_wait3A_97 : memref<1x2x80xi32, #tpu.memory_space<hbm>> -> memref<2x80xi32, #tpu.memory_space<hbm>>
        tpu.wait_dma2 semaphore(%arg9 : memref<!tpu.dma_semaphore, #tpu.memory_space<semaphore_mem>>) src(%dma_wait3A_98 : memref<2x80xi32, #tpu.memory_space<hbm>>) dst(%arg5 : memref<2x80xi32, #tpu.memory_space<vmem>>)
      } else {
      }
      %lt3A_86 = arith.constant 62 : i32
      %lt3A_87 = arith.cmpi slt, %scan3A_62, %lt3A_86 : i32
      %convert_element_type3A_88 = arith.extui %lt3A_87 : i1 to i32
      %cond3A_89 = arith.constant 0 : i32
      %cond3A_90 = arith.cmpi ne, %convert_element_type3A_88, %cond3A_89 : i32
      scf.if %cond3A_90 {
        %add3A_92 = arith.constant 2 : i32
        %add3A_93 = arith.addi %add3A_80, %add3A_92 : i32
        %dma_start3A = arith.constant 0 : i32
        %dma_start3A_94 = arith.constant 0 : i32
        %dma_start3A_95 = tpu.memref_slice %arg2[%add3A_93, %dma_start3A, %dma_start3A_94] : memref<4032x2x80xi32, #tpu.memory_space<hbm>> -> memref<1x2x80xi32, #tpu.memory_space<hbm>>
        %dma_start3A_96 = tpu.memref_squeeze %dma_start3A_95 : memref<1x2x80xi32, #tpu.memory_space<hbm>> -> memref<2x80xi32, #tpu.memory_space<hbm>>
        %dma_start3A_97 = arith.constant 0 : i32
        %dma_start3A_98 = arith.constant 0 : i32
        %dma_start3A_99 = tpu.memref_slice %arg2[%add3A_93, %dma_start3A_97, %dma_start3A_98] : memref<4032x2x80xi32, #tpu.memory_space<hbm>> -> memref<1x2x80xi32, #tpu.memory_space<hbm>>
        %dma_start3A_100 = tpu.memref_squeeze %dma_start3A_99 : memref<1x2x80xi32, #tpu.memory_space<hbm>> -> memref<2x80xi32, #tpu.memory_space<hbm>>
        tpu.enqueue_dma source(%dma_start3A_100 : memref<2x80xi32, #tpu.memory_space<hbm>>) target(%arg5 : memref<2x80xi32, #tpu.memory_space<vmem>>) target_semaphore(%arg9 : memref<!tpu.dma_semaphore, #tpu.memory_space<semaphore_mem>>)
      } else {
      }
      %run_scoped3A_91 = arith.constant 1 : i32
      "tpu.region"() ({
        %run_scoped3A_92 = tpu.sem_alloc : memref<!tpu.dma_semaphore, #tpu.memory_space<semaphore_mem>>
        %dma_start3A = arith.constant 0 : i32
        %dma_start3A_93 = tpu.memref_slice %arg5[%run_scoped3A_91, %dma_start3A] : memref<2x80xi32, #tpu.memory_space<vmem>> -> memref<1x80xi32, #tpu.memory_space<vmem>>
        %dma_start3A_94 = tpu.memref_squeeze %dma_start3A_93 : memref<1x80xi32, #tpu.memory_space<vmem>> -> memref<80xi32, #tpu.memory_space<vmem>>
        %dma_start3A_95 = arith.constant 0 : i32
        %dma_start3A_96 = arith.constant 0 : i32
        %dma_start3A_97 = tpu.memref_slice %arg7[%dma_start3A_95, %dma_start3A_96] : memref<10112x128xf32, #tpu.memory_space<vmem_shared>> -> memref<10112x128xf32, #tpu.memory_space<vmem_shared>>
        tpu.enqueue_indirect_dma source(%arg6 : memref<80x128xf32, #tpu.memory_space<vmem>>) target(%dma_start3A_97 : memref<10112x128xf32, #tpu.memory_space<vmem_shared>>) offsets(%dma_start3A_94 : memref<80xi32, #tpu.memory_space<vmem>>) semaphore(%run_scoped3A_92 : memref<!tpu.dma_semaphore, #tpu.memory_space<semaphore_mem>>) {add = true}
        %dma_wait3A = arith.constant 0 : i32
        %dma_wait3A_98 = tpu.memref_slice %arg5[%run_scoped3A_91, %dma_wait3A] : memref<2x80xi32, #tpu.memory_space<vmem>> -> memref<1x80xi32, #tpu.memory_space<vmem>>
        %dma_wait3A_99 = tpu.memref_squeeze %dma_wait3A_98 : memref<1x80xi32, #tpu.memory_space<vmem>> -> memref<80xi32, #tpu.memory_space<vmem>>
        %dma_wait3A_100 = arith.constant 0 : i32
        %dma_wait3A_101 = arith.constant 0 : i32
        %dma_wait3A_102 = tpu.memref_slice %arg7[%dma_wait3A_100, %dma_wait3A_101] : memref<10112x128xf32, #tpu.memory_space<vmem_shared>> -> memref<10112x128xf32, #tpu.memory_space<vmem_shared>>
        tpu.wait_indirect_dma semaphore(%run_scoped3A_92 : memref<!tpu.dma_semaphore, #tpu.memory_space<semaphore_mem>>) src(%arg6 : memref<80x128xf32, #tpu.memory_space<vmem>>) dst(%dma_wait3A_102 : memref<10112x128xf32, #tpu.memory_space<vmem_shared>>)
        tpu.yield
      }) : () -> ()
    }
    %scan3A_44 = arith.constant 63 : i32
    %barrier3A_45 = arith.constant 0 : index
    tpu.barrier barrier_id(%barrier3A_45)
    %add3A_46 = arith.constant 0 : i32
    %add3A_47 = arith.addi %mul3A_12, %add3A_46 : i32
    "tpu.region"() ({
      %run_scoped3A = tpu.sem_alloc : memref<!tpu.dma_semaphore, #tpu.memory_space<semaphore_mem>>
      %dma_start3A = arith.constant 0 : i32
      %dma_start3A_62 = tpu.memref_slice %arg3[%arg0, %add3A_47, %dma_start3A] : memref<2x10240x128xf32, #tpu.memory_space<hbm>> -> memref<1x80x128xf32, #tpu.memory_space<hbm>>
      %dma_start3A_63 = tpu.memref_squeeze %dma_start3A_62 : memref<1x80x128xf32, #tpu.memory_space<hbm>> -> memref<80x128xf32, #tpu.memory_space<hbm>>
      %dma_start3A_64 = arith.constant 0 : i32
      %dma_start3A_65 = tpu.memref_slice %arg7[%add3A_47, %dma_start3A_64] : memref<10112x128xf32, #tpu.memory_space<vmem_shared>> -> memref<80x128xf32, #tpu.memory_space<vmem_shared>>
      tpu.enqueue_dma source(%dma_start3A_65 : memref<80x128xf32, #tpu.memory_space<vmem_shared>>) target(%dma_start3A_63 : memref<80x128xf32, #tpu.memory_space<hbm>>) target_semaphore(%run_scoped3A : memref<!tpu.dma_semaphore, #tpu.memory_space<semaphore_mem>>)
      %dma_wait3A = arith.constant 0 : i32
      %dma_wait3A_66 = tpu.memref_slice %arg3[%arg0, %add3A_47, %dma_wait3A] : memref<2x10240x128xf32, #tpu.memory_space<hbm>> -> memref<1x80x128xf32, #tpu.memory_space<hbm>>
      %dma_wait3A_67 = tpu.memref_squeeze %dma_wait3A_66 : memref<1x80x128xf32, #tpu.memory_space<hbm>> -> memref<80x128xf32, #tpu.memory_space<hbm>>
      %dma_wait3A_68 = arith.constant 0 : i32
      %dma_wait3A_69 = tpu.memref_slice %arg7[%add3A_47, %dma_wait3A_68] : memref<10112x128xf32, #tpu.memory_space<vmem_shared>> -> memref<80x128xf32, #tpu.memory_space<vmem_shared>>
      tpu.wait_dma2 semaphore(%run_scoped3A : memref<!tpu.dma_semaphore, #tpu.memory_space<semaphore_mem>>) src(%dma_wait3A_69 : memref<80x128xf32, #tpu.memory_space<vmem_shared>>) dst(%dma_wait3A_67 : memref<80x128xf32, #tpu.memory_space<hbm>>)
      tpu.yield
    }) : () -> ()
    %add3A_48 = arith.constant 80 : i32
    %add3A_49 = arith.addi %mul3A_12, %add3A_48 : i32
    "tpu.region"() ({
      %run_scoped3A = tpu.sem_alloc : memref<!tpu.dma_semaphore, #tpu.memory_space<semaphore_mem>>
      %dma_start3A = arith.constant 0 : i32
      %dma_start3A_62 = tpu.memref_slice %arg3[%arg0, %add3A_49, %dma_start3A] : memref<2x10240x128xf32, #tpu.memory_space<hbm>> -> memref<1x80x128xf32, #tpu.memory_space<hbm>>
      %dma_start3A_63 = tpu.memref_squeeze %dma_start3A_62 : memref<1x80x128xf32, #tpu.memory_space<hbm>> -> memref<80x128xf32, #tpu.memory_space<hbm>>
      %dma_start3A_64 = arith.constant 0 : i32
      %dma_start3A_65 = tpu.memref_slice %arg7[%add3A_49, %dma_start3A_64] : memref<10112x128xf32, #tpu.memory_space<vmem_shared>> -> memref<80x128xf32, #tpu.memory_space<vmem_shared>>
      tpu.enqueue_dma source(%dma_start3A_65 : memref<80x128xf32, #tpu.memory_space<vmem_shared>>) target(%dma_start3A_63 : memref<80x128xf32, #tpu.memory_space<hbm>>) target_semaphore(%run_scoped3A : memref<!tpu.dma_semaphore, #tpu.memory_space<semaphore_mem>>)
      %dma_wait3A = arith.constant 0 : i32
      %dma_wait3A_66 = tpu.memref_slice %arg3[%arg0, %add3A_49, %dma_wait3A] : memref<2x10240x128xf32, #tpu.memory_space<hbm>> -> memref<1x80x128xf32, #tpu.memory_space<hbm>>
      %dma_wait3A_67 = tpu.memref_squeeze %dma_wait3A_66 : memref<1x80x128xf32, #tpu.memory_space<hbm>> -> memref<80x128xf32, #tpu.memory_space<hbm>>
      %dma_wait3A_68 = arith.constant 0 : i32
      %dma_wait3A_69 = tpu.memref_slice %arg7[%add3A_49, %dma_wait3A_68] : memref<10112x128xf32, #tpu.memory_space<vmem_shared>> -> memref<80x128xf32, #tpu.memory_space<vmem_shared>>
      tpu.wait_dma2 semaphore(%run_scoped3A : memref<!tpu.dma_semaphore, #tpu.memory_space<semaphore_mem>>) src(%dma_wait3A_69 : memref<80x128xf32, #tpu.memory_space<vmem_shared>>) dst(%dma_wait3A_67 : memref<80x128xf32, #tpu.memory_space<hbm>>)
      tpu.yield
    }) : () -> ()
    %add3A_50 = arith.constant 160 : i32
    %add3A_51 = arith.addi %mul3A_12, %add3A_50 : i32
    "tpu.region"() ({
      %run_scoped3A = tpu.sem_alloc : memref<!tpu.dma_semaphore, #tpu.memory_space<semaphore_mem>>
      %dma_start3A = arith.constant 0 : i32
      %dma_start3A_62 = tpu.memref_slice %arg3[%arg0, %add3A_51, %dma_start3A] : memref<2x10240x128xf32, #tpu.memory_space<hbm>> -> memref<1x80x128xf32, #tpu.memory_space<hbm>>
      %dma_start3A_63 = tpu.memref_squeeze %dma_start3A_62 : memref<1x80x128xf32, #tpu.memory_space<hbm>> -> memref<80x128xf32, #tpu.memory_space<hbm>>
      %dma_start3A_64 = arith.constant 0 : i32
      %dma_start3A_65 = tpu.memref_slice %arg7[%add3A_51, %dma_start3A_64] : memref<10112x128xf32, #tpu.memory_space<vmem_shared>> -> memref<80x128xf32, #tpu.memory_space<vmem_shared>>
      tpu.enqueue_dma source(%dma_start3A_65 : memref<80x128xf32, #tpu.memory_space<vmem_shared>>) target(%dma_start3A_63 : memref<80x128xf32, #tpu.memory_space<hbm>>) target_semaphore(%run_scoped3A : memref<!tpu.dma_semaphore, #tpu.memory_space<semaphore_mem>>)
      %dma_wait3A = arith.constant 0 : i32
      %dma_wait3A_66 = tpu.memref_slice %arg3[%arg0, %add3A_51, %dma_wait3A] : memref<2x10240x128xf32, #tpu.memory_space<hbm>> -> memref<1x80x128xf32, #tpu.memory_space<hbm>>
      %dma_wait3A_67 = tpu.memref_squeeze %dma_wait3A_66 : memref<1x80x128xf32, #tpu.memory_space<hbm>> -> memref<80x128xf32, #tpu.memory_space<hbm>>
      %dma_wait3A_68 = arith.constant 0 : i32
      %dma_wait3A_69 = tpu.memref_slice %arg7[%add3A_51, %dma_wait3A_68] : memref<10112x128xf32, #tpu.memory_space<vmem_shared>> -> memref<80x128xf32, #tpu.memory_space<vmem_shared>>
      tpu.wait_dma2 semaphore(%run_scoped3A : memref<!tpu.dma_semaphore, #tpu.memory_space<semaphore_mem>>) src(%dma_wait3A_69 : memref<80x128xf32, #tpu.memory_space<vmem_shared>>) dst(%dma_wait3A_67 : memref<80x128xf32, #tpu.memory_space<hbm>>)
      tpu.yield
    }) : () -> ()
    %add3A_52 = arith.constant 240 : i32
    %add3A_53 = arith.addi %mul3A_12, %add3A_52 : i32
    "tpu.region"() ({
      %run_scoped3A = tpu.sem_alloc : memref<!tpu.dma_semaphore, #tpu.memory_space<semaphore_mem>>
      %dma_start3A = arith.constant 0 : i32
      %dma_start3A_62 = tpu.memref_slice %arg3[%arg0, %add3A_53, %dma_start3A] : memref<2x10240x128xf32, #tpu.memory_space<hbm>> -> memref<1x80x128xf32, #tpu.memory_space<hbm>>
      %dma_start3A_63 = tpu.memref_squeeze %dma_start3A_62 : memref<1x80x128xf32, #tpu.memory_space<hbm>> -> memref<80x128xf32, #tpu.memory_space<hbm>>
      %dma_start3A_64 = arith.constant 0 : i32
      %dma_start3A_65 = tpu.memref_slice %arg7[%add3A_53, %dma_start3A_64] : memref<10112x128xf32, #tpu.memory_space<vmem_shared>> -> memref<80x128xf32, #tpu.memory_space<vmem_shared>>
      tpu.enqueue_dma source(%dma_start3A_65 : memref<80x128xf32, #tpu.memory_space<vmem_shared>>) target(%dma_start3A_63 : memref<80x128xf32, #tpu.memory_space<hbm>>) target_semaphore(%run_scoped3A : memref<!tpu.dma_semaphore, #tpu.memory_space<semaphore_mem>>)
      %dma_wait3A = arith.constant 0 : i32
      %dma_wait3A_66 = tpu.memref_slice %arg3[%arg0, %add3A_53, %dma_wait3A] : memref<2x10240x128xf32, #tpu.memory_space<hbm>> -> memref<1x80x128xf32, #tpu.memory_space<hbm>>
      %dma_wait3A_67 = tpu.memref_squeeze %dma_wait3A_66 : memref<1x80x128xf32, #tpu.memory_space<hbm>> -> memref<80x128xf32, #tpu.memory_space<hbm>>
      %dma_wait3A_68 = arith.constant 0 : i32
      %dma_wait3A_69 = tpu.memref_slice %arg7[%add3A_53, %dma_wait3A_68] : memref<10112x128xf32, #tpu.memory_space<vmem_shared>> -> memref<80x128xf32, #tpu.memory_space<vmem_shared>>
      tpu.wait_dma2 semaphore(%run_scoped3A : memref<!tpu.dma_semaphore, #tpu.memory_space<semaphore_mem>>) src(%dma_wait3A_69 : memref<80x128xf32, #tpu.memory_space<vmem_shared>>) dst(%dma_wait3A_67 : memref<80x128xf32, #tpu.memory_space<hbm>>)
      tpu.yield
    }) : () -> ()
    %add3A_54 = arith.constant 320 : i32
    %add3A_55 = arith.addi %mul3A_12, %add3A_54 : i32
    "tpu.region"() ({
      %run_scoped3A = tpu.sem_alloc : memref<!tpu.dma_semaphore, #tpu.memory_space<semaphore_mem>>
      %dma_start3A = arith.constant 0 : i32
      %dma_start3A_62 = tpu.memref_slice %arg3[%arg0, %add3A_55, %dma_start3A] : memref<2x10240x128xf32, #tpu.memory_space<hbm>> -> memref<1x80x128xf32, #tpu.memory_space<hbm>>
      %dma_start3A_63 = tpu.memref_squeeze %dma_start3A_62 : memref<1x80x128xf32, #tpu.memory_space<hbm>> -> memref<80x128xf32, #tpu.memory_space<hbm>>
      %dma_start3A_64 = arith.constant 0 : i32
      %dma_start3A_65 = tpu.memref_slice %arg7[%add3A_55, %dma_start3A_64] : memref<10112x128xf32, #tpu.memory_space<vmem_shared>> -> memref<80x128xf32, #tpu.memory_space<vmem_shared>>
      tpu.enqueue_dma source(%dma_start3A_65 : memref<80x128xf32, #tpu.memory_space<vmem_shared>>) target(%dma_start3A_63 : memref<80x128xf32, #tpu.memory_space<hbm>>) target_semaphore(%run_scoped3A : memref<!tpu.dma_semaphore, #tpu.memory_space<semaphore_mem>>)
      %dma_wait3A = arith.constant 0 : i32
      %dma_wait3A_66 = tpu.memref_slice %arg3[%arg0, %add3A_55, %dma_wait3A] : memref<2x10240x128xf32, #tpu.memory_space<hbm>> -> memref<1x80x128xf32, #tpu.memory_space<hbm>>
      %dma_wait3A_67 = tpu.memref_squeeze %dma_wait3A_66 : memref<1x80x128xf32, #tpu.memory_space<hbm>> -> memref<80x128xf32, #tpu.memory_space<hbm>>
      %dma_wait3A_68 = arith.constant 0 : i32
      %dma_wait3A_69 = tpu.memref_slice %arg7[%add3A_55, %dma_wait3A_68] : memref<10112x128xf32, #tpu.memory_space<vmem_shared>> -> memref<80x128xf32, #tpu.memory_space<vmem_shared>>
      tpu.wait_dma2 semaphore(%run_scoped3A : memref<!tpu.dma_semaphore, #tpu.memory_space<semaphore_mem>>) src(%dma_wait3A_69 : memref<80x128xf32, #tpu.memory_space<vmem_shared>>) dst(%dma_wait3A_67 : memref<80x128xf32, #tpu.memory_space<hbm>>)
      tpu.yield
    }) : () -> ()
    %add3A_56 = arith.constant 400 : i32
    %add3A_57 = arith.addi %mul3A_12, %add3A_56 : i32
    "tpu.region"() ({
      %run_scoped3A = tpu.sem_alloc : memref<!tpu.dma_semaphore, #tpu.memory_space<semaphore_mem>>
      %dma_start3A = arith.constant 0 : i32
      %dma_start3A_62 = tpu.memref_slice %arg3[%arg0, %add3A_57, %dma_start3A] : memref<2x10240x128xf32, #tpu.memory_space<hbm>> -> memref<1x80x128xf32, #tpu.memory_space<hbm>>
      %dma_start3A_63 = tpu.memref_squeeze %dma_start3A_62 : memref<1x80x128xf32, #tpu.memory_space<hbm>> -> memref<80x128xf32, #tpu.memory_space<hbm>>
      %dma_start3A_64 = arith.constant 0 : i32
      %dma_start3A_65 = tpu.memref_slice %arg7[%add3A_57, %dma_start3A_64] : memref<10112x128xf32, #tpu.memory_space<vmem_shared>> -> memref<80x128xf32, #tpu.memory_space<vmem_shared>>
      tpu.enqueue_dma source(%dma_start3A_65 : memref<80x128xf32, #tpu.memory_space<vmem_shared>>) target(%dma_start3A_63 : memref<80x128xf32, #tpu.memory_space<hbm>>) target_semaphore(%run_scoped3A : memref<!tpu.dma_semaphore, #tpu.memory_space<semaphore_mem>>)
      %dma_wait3A = arith.constant 0 : i32
      %dma_wait3A_66 = tpu.memref_slice %arg3[%arg0, %add3A_57, %dma_wait3A] : memref<2x10240x128xf32, #tpu.memory_space<hbm>> -> memref<1x80x128xf32, #tpu.memory_space<hbm>>
      %dma_wait3A_67 = tpu.memref_squeeze %dma_wait3A_66 : memref<1x80x128xf32, #tpu.memory_space<hbm>> -> memref<80x128xf32, #tpu.memory_space<hbm>>
      %dma_wait3A_68 = arith.constant 0 : i32
      %dma_wait3A_69 = tpu.memref_slice %arg7[%add3A_57, %dma_wait3A_68] : memref<10112x128xf32, #tpu.memory_space<vmem_shared>> -> memref<80x128xf32, #tpu.memory_space<vmem_shared>>
      tpu.wait_dma2 semaphore(%run_scoped3A : memref<!tpu.dma_semaphore, #tpu.memory_space<semaphore_mem>>) src(%dma_wait3A_69 : memref<80x128xf32, #tpu.memory_space<vmem_shared>>) dst(%dma_wait3A_67 : memref<80x128xf32, #tpu.memory_space<hbm>>)
      tpu.yield
    }) : () -> ()
    %add3A_58 = arith.constant 480 : i32
    %add3A_59 = arith.addi %mul3A_12, %add3A_58 : i32
    "tpu.region"() ({
      %run_scoped3A = tpu.sem_alloc : memref<!tpu.dma_semaphore, #tpu.memory_space<semaphore_mem>>
      %dma_start3A = arith.constant 0 : i32
      %dma_start3A_62 = tpu.memref_slice %arg3[%arg0, %add3A_59, %dma_start3A] : memref<2x10240x128xf32, #tpu.memory_space<hbm>> -> memref<1x80x128xf32, #tpu.memory_space<hbm>>
      %dma_start3A_63 = tpu.memref_squeeze %dma_start3A_62 : memref<1x80x128xf32, #tpu.memory_space<hbm>> -> memref<80x128xf32, #tpu.memory_space<hbm>>
      %dma_start3A_64 = arith.constant 0 : i32
      %dma_start3A_65 = tpu.memref_slice %arg7[%add3A_59, %dma_start3A_64] : memref<10112x128xf32, #tpu.memory_space<vmem_shared>> -> memref<80x128xf32, #tpu.memory_space<vmem_shared>>
      tpu.enqueue_dma source(%dma_start3A_65 : memref<80x128xf32, #tpu.memory_space<vmem_shared>>) target(%dma_start3A_63 : memref<80x128xf32, #tpu.memory_space<hbm>>) target_semaphore(%run_scoped3A : memref<!tpu.dma_semaphore, #tpu.memory_space<semaphore_mem>>)
      %dma_wait3A = arith.constant 0 : i32
      %dma_wait3A_66 = tpu.memref_slice %arg3[%arg0, %add3A_59, %dma_wait3A] : memref<2x10240x128xf32, #tpu.memory_space<hbm>> -> memref<1x80x128xf32, #tpu.memory_space<hbm>>
      %dma_wait3A_67 = tpu.memref_squeeze %dma_wait3A_66 : memref<1x80x128xf32, #tpu.memory_space<hbm>> -> memref<80x128xf32, #tpu.memory_space<hbm>>
      %dma_wait3A_68 = arith.constant 0 : i32
      %dma_wait3A_69 = tpu.memref_slice %arg7[%add3A_59, %dma_wait3A_68] : memref<10112x128xf32, #tpu.memory_space<vmem_shared>> -> memref<80x128xf32, #tpu.memory_space<vmem_shared>>
      tpu.wait_dma2 semaphore(%run_scoped3A : memref<!tpu.dma_semaphore, #tpu.memory_space<semaphore_mem>>) src(%dma_wait3A_69 : memref<80x128xf32, #tpu.memory_space<vmem_shared>>) dst(%dma_wait3A_67 : memref<80x128xf32, #tpu.memory_space<hbm>>)
      tpu.yield
    }) : () -> ()
    %add3A_60 = arith.constant 560 : i32
    %add3A_61 = arith.addi %mul3A_12, %add3A_60 : i32
    "tpu.region"() ({
      %run_scoped3A = tpu.sem_alloc : memref<!tpu.dma_semaphore, #tpu.memory_space<semaphore_mem>>
      %dma_start3A = arith.constant 0 : i32
      %dma_start3A_62 = tpu.memref_slice %arg3[%arg0, %add3A_61, %dma_start3A] : memref<2x10240x128xf32, #tpu.memory_space<hbm>> -> memref<1x72x128xf32, #tpu.memory_space<hbm>>
      %dma_start3A_63 = tpu.memref_squeeze %dma_start3A_62 : memref<1x72x128xf32, #tpu.memory_space<hbm>> -> memref<72x128xf32, #tpu.memory_space<hbm>>
      %dma_start3A_64 = arith.constant 0 : i32
      %dma_start3A_65 = tpu.memref_slice %arg7[%add3A_61, %dma_start3A_64] : memref<10112x128xf32, #tpu.memory_space<vmem_shared>> -> memref<72x128xf32, #tpu.memory_space<vmem_shared>>
      tpu.enqueue_dma source(%dma_start3A_65 : memref<72x128xf32, #tpu.memory_space<vmem_shared>>) target(%dma_start3A_63 : memref<72x128xf32, #tpu.memory_space<hbm>>) target_semaphore(%run_scoped3A : memref<!tpu.dma_semaphore, #tpu.memory_space<semaphore_mem>>)
      %dma_wait3A = arith.constant 0 : i32
      %dma_wait3A_66 = tpu.memref_slice %arg3[%arg0, %add3A_61, %dma_wait3A] : memref<2x10240x128xf32, #tpu.memory_space<hbm>> -> memref<1x72x128xf32, #tpu.memory_space<hbm>>
      %dma_wait3A_67 = tpu.memref_squeeze %dma_wait3A_66 : memref<1x72x128xf32, #tpu.memory_space<hbm>> -> memref<72x128xf32, #tpu.memory_space<hbm>>
      %dma_wait3A_68 = arith.constant 0 : i32
      %dma_wait3A_69 = tpu.memref_slice %arg7[%add3A_61, %dma_wait3A_68] : memref<10112x128xf32, #tpu.memory_space<vmem_shared>> -> memref<72x128xf32, #tpu.memory_space<vmem_shared>>
      tpu.wait_dma2 semaphore(%run_scoped3A : memref<!tpu.dma_semaphore, #tpu.memory_space<semaphore_mem>>) src(%dma_wait3A_69 : memref<72x128xf32, #tpu.memory_space<vmem_shared>>) dst(%dma_wait3A_67 : memref<72x128xf32, #tpu.memory_space<hbm>>)
      tpu.yield
    }) : () -> ()
    return
  }
}

#map = affine_map<(d0, d1) -> (0, 0)>
#map1 = affine_map<(d0, d1) -> (0, 0, 0)>
module attributes {stable_mosaic.version = 14 : i64} {
  func.func @body(%arg0: i32, %arg1: i32, %arg2: memref<10240x128xf32, #tpu.memory_space<hbm>>, %arg3: memref<10240x128xf32, #tpu.memory_space<hbm>>, %arg4: memref<4032x2x80xi32, #tpu.memory_space<hbm>>, %arg5: memref<2x10240x128xf32, #tpu.memory_space<hbm>>, %arg6: memref<2x80xi32, #tpu.memory_space<vmem>>, %arg7: memref<2x80xi32, #tpu.memory_space<vmem>>, %arg8: memref<80x128xf32, #tpu.memory_space<vmem>>, %arg9: memref<80x128xf32, #tpu.memory_space<vmem>>, %arg10: memref<80x128xf32, #tpu.memory_space<vmem>>, %arg11: memref<80x128xf32, #tpu.memory_space<vmem>>, %arg12: memref<10112x128xf32, #tpu.memory_space<vmem_shared>>, %arg13: memref<!tpu.dma_semaphore, #tpu.memory_space<semaphore_mem>>, %arg14: memref<!tpu.dma_semaphore, #tpu.memory_space<semaphore_mem>>, %arg15: memref<!tpu.dma_semaphore, #tpu.memory_space<semaphore_mem>>, %arg16: memref<!tpu.dma_semaphore, #tpu.memory_space<semaphore_mem>>, %arg17: memref<!tpu.dma_semaphore, #tpu.memory_space<semaphore_mem>>, %arg18: memref<!tpu.dma_semaphore, #tpu.memory_space<semaphore_mem>>) attributes {dimension_semantics = [#tpu.dimension_semantics<core_parallel>, #tpu.dimension_semantics<subcore_parallel>], iteration_bounds = array<i64: 2, 16>, scalar_prefetch = 0 : i64, scratch_operands = 13 : i64, tpu.core_type = #tpu.core_type<sc_vector_subcore>, window_params = [{transform_indices = #map}, {transform_indices = #map}, {transform_indices = #map1}, {transform_indices = #map1}]} {
    %mul3A = arith.constant 2 : i32
    %mul3A_0 = arith.muli %arg1, %mul3A : i32
    %add3A = arith.addi %mul3A_0, %arg0 : i32
    %mul3A_1 = arith.constant 126 : i32
    %mul3A_2 = arith.muli %add3A, %mul3A_1 : i32
    %broadcast_in_dim3A = arith.constant 0.000000e+00 : f32
    %broadcast_in_dim3A_3 = vector.broadcast %broadcast_in_dim3A : f32 to vector<16xf32>
    %scan3A = arith.constant 0 : i32
    %scan3A_4 = arith.constant 0 : i32
    %scan3A_5 = arith.constant 80 : i32
    %scan3A_6 = arith.addi %scan3A_4, %scan3A_5 : i32
    %scan3A_7 = arith.constant 1 : i32
    scf.for %scan3A_83 = %scan3A_4 to %scan3A_6 step %scan3A_7  : i32 {
      %swap3A = arith.index_cast %scan3A_83 : i32 to index
      %swap3A_84 = arith.constant 0 : index
      %swap3A_85 = tpu.vector_load %arg8[%swap3A, %swap3A_84] {strides = array<i32>} : memref<80x128xf32, #tpu.memory_space<vmem>>, vector<1x16xf32>,
      %swap3A_86 = vector.shape_cast %swap3A_85 : vector<1x16xf32> to vector<16xf32>
      %swap3A_87 = vector.shape_cast %broadcast_in_dim3A_3 : vector<16xf32> to vector<1x16xf32>
      tpu.vector_store %arg8[%swap3A, %swap3A_84], %swap3A_87 {strides = array<i32>} : memref<80x128xf32, #tpu.memory_space<vmem>>, vector<1x16xf32>,
      %swap3A_88 = arith.index_cast %scan3A_83 : i32 to index
      %swap3A_89 = arith.constant 16 : index
      %swap3A_90 = tpu.vector_load %arg8[%swap3A_88, %swap3A_89] {strides = array<i32>} : memref<80x128xf32, #tpu.memory_space<vmem>>, vector<1x16xf32>,
      %swap3A_91 = vector.shape_cast %swap3A_90 : vector<1x16xf32> to vector<16xf32>
      %swap3A_92 = vector.shape_cast %broadcast_in_dim3A_3 : vector<16xf32> to vector<1x16xf32>
      tpu.vector_store %arg8[%swap3A_88, %swap3A_89], %swap3A_92 {strides = array<i32>} : memref<80x128xf32, #tpu.memory_space<vmem>>, vector<1x16xf32>,
      %swap3A_93 = arith.index_cast %scan3A_83 : i32 to index
      %swap3A_94 = arith.constant 32 : index
      %swap3A_95 = tpu.vector_load %arg8[%swap3A_93, %swap3A_94] {strides = array<i32>} : memref<80x128xf32, #tpu.memory_space<vmem>>, vector<1x16xf32>,
      %swap3A_96 = vector.shape_cast %swap3A_95 : vector<1x16xf32> to vector<16xf32>
      %swap3A_97 = vector.shape_cast %broadcast_in_dim3A_3 : vector<16xf32> to vector<1x16xf32>
      tpu.vector_store %arg8[%swap3A_93, %swap3A_94], %swap3A_97 {strides = array<i32>} : memref<80x128xf32, #tpu.memory_space<vmem>>, vector<1x16xf32>,
      %swap3A_98 = arith.index_cast %scan3A_83 : i32 to index
      %swap3A_99 = arith.constant 48 : index
      %swap3A_100 = tpu.vector_load %arg8[%swap3A_98, %swap3A_99] {strides = array<i32>} : memref<80x128xf32, #tpu.memory_space<vmem>>, vector<1x16xf32>,
      %swap3A_101 = vector.shape_cast %swap3A_100 : vector<1x16xf32> to vector<16xf32>
      %swap3A_102 = vector.shape_cast %broadcast_in_dim3A_3 : vector<16xf32> to vector<1x16xf32>
      tpu.vector_store %arg8[%swap3A_98, %swap3A_99], %swap3A_102 {strides = array<i32>} : memref<80x128xf32, #tpu.memory_space<vmem>>, vector<1x16xf32>,
      %swap3A_103 = arith.index_cast %scan3A_83 : i32 to index
      %swap3A_104 = arith.constant 64 : index
      %swap3A_105 = tpu.vector_load %arg8[%swap3A_103, %swap3A_104] {strides = array<i32>} : memref<80x128xf32, #tpu.memory_space<vmem>>, vector<1x16xf32>,
      %swap3A_106 = vector.shape_cast %swap3A_105 : vector<1x16xf32> to vector<16xf32>
      %swap3A_107 = vector.shape_cast %broadcast_in_dim3A_3 : vector<16xf32> to vector<1x16xf32>
      tpu.vector_store %arg8[%swap3A_103, %swap3A_104], %swap3A_107 {strides = array<i32>} : memref<80x128xf32, #tpu.memory_space<vmem>>, vector<1x16xf32>,
      %swap3A_108 = arith.index_cast %scan3A_83 : i32 to index
      %swap3A_109 = arith.constant 80 : index
      %swap3A_110 = tpu.vector_load %arg8[%swap3A_108, %swap3A_109] {strides = array<i32>} : memref<80x128xf32, #tpu.memory_space<vmem>>, vector<1x16xf32>,
      %swap3A_111 = vector.shape_cast %swap3A_110 : vector<1x16xf32> to vector<16xf32>
      %swap3A_112 = vector.shape_cast %broadcast_in_dim3A_3 : vector<16xf32> to vector<1x16xf32>
      tpu.vector_store %arg8[%swap3A_108, %swap3A_109], %swap3A_112 {strides = array<i32>} : memref<80x128xf32, #tpu.memory_space<vmem>>, vector<1x16xf32>,
      %swap3A_113 = arith.index_cast %scan3A_83 : i32 to index
      %swap3A_114 = arith.constant 96 : index
      %swap3A_115 = tpu.vector_load %arg8[%swap3A_113, %swap3A_114] {strides = array<i32>} : memref<80x128xf32, #tpu.memory_space<vmem>>, vector<1x16xf32>,
      %swap3A_116 = vector.shape_cast %swap3A_115 : vector<1x16xf32> to vector<16xf32>
      %swap3A_117 = vector.shape_cast %broadcast_in_dim3A_3 : vector<16xf32> to vector<1x16xf32>
      tpu.vector_store %arg8[%swap3A_113, %swap3A_114], %swap3A_117 {strides = array<i32>} : memref<80x128xf32, #tpu.memory_space<vmem>>, vector<1x16xf32>,
      %swap3A_118 = arith.index_cast %scan3A_83 : i32 to index
      %swap3A_119 = arith.constant 112 : index
      %swap3A_120 = tpu.vector_load %arg8[%swap3A_118, %swap3A_119] {strides = array<i32>} : memref<80x128xf32, #tpu.memory_space<vmem>>, vector<1x16xf32>,
      %swap3A_121 = vector.shape_cast %swap3A_120 : vector<1x16xf32> to vector<16xf32>
      %swap3A_122 = vector.shape_cast %broadcast_in_dim3A_3 : vector<16xf32> to vector<1x16xf32>
      tpu.vector_store %arg8[%swap3A_118, %swap3A_119], %swap3A_122 {strides = array<i32>} : memref<80x128xf32, #tpu.memory_space<vmem>>, vector<1x16xf32>,
    }
    %scan3A_8 = arith.constant 80 : i32
    %mul3A_9 = arith.constant 632 : i32
    %mul3A_10 = arith.muli %arg1, %mul3A_9 : i32
    %add3A_11 = arith.constant 0 : i32
    %add3A_12 = arith.addi %mul3A_10, %add3A_11 : i32
    "tpu.region"() ({
      %run_scoped3A = tpu.sem_alloc : memref<!tpu.dma_semaphore, #tpu.memory_space<semaphore_mem>>
      %dma_start3A_83 = arith.constant 0 : i32
      %dma_start3A_84 = tpu.memref_slice %arg12[%add3A_12, %dma_start3A_83] : memref<10112x128xf32, #tpu.memory_space<vmem_shared>> -> memref<80x128xf32, #tpu.memory_space<vmem_shared>>
      %dma_start3A_85 = arith.constant 0 : i32
      %dma_start3A_86 = tpu.memref_slice %arg12[%add3A_12, %dma_start3A_85] : memref<10112x128xf32, #tpu.memory_space<vmem_shared>> -> memref<80x128xf32, #tpu.memory_space<vmem_shared>>
      tpu.enqueue_dma source(%arg8 : memref<80x128xf32, #tpu.memory_space<vmem>>) target(%dma_start3A_86 : memref<80x128xf32, #tpu.memory_space<vmem_shared>>) target_semaphore(%run_scoped3A : memref<!tpu.dma_semaphore, #tpu.memory_space<semaphore_mem>>)
      %dma_wait3A = arith.constant 0 : i32
      %dma_wait3A_87 = tpu.memref_slice %arg12[%add3A_12, %dma_wait3A] : memref<10112x128xf32, #tpu.memory_space<vmem_shared>> -> memref<80x128xf32, #tpu.memory_space<vmem_shared>>
      %dma_wait3A_88 = arith.constant 0 : i32
      %dma_wait3A_89 = tpu.memref_slice %arg12[%add3A_12, %dma_wait3A_88] : memref<10112x128xf32, #tpu.memory_space<vmem_shared>> -> memref<80x128xf32, #tpu.memory_space<vmem_shared>>
      tpu.wait_dma2 semaphore(%run_scoped3A : memref<!tpu.dma_semaphore, #tpu.memory_space<semaphore_mem>>) src(%arg8 : memref<80x128xf32, #tpu.memory_space<vmem>>) dst(%dma_wait3A_89 : memref<80x128xf32, #tpu.memory_space<vmem_shared>>)
      tpu.yield
    }) : () -> ()
    %add3A_13 = arith.constant 80 : i32
    %add3A_14 = arith.addi %mul3A_10, %add3A_13 : i32
    "tpu.region"() ({
      %run_scoped3A = tpu.sem_alloc : memref<!tpu.dma_semaphore, #tpu.memory_space<semaphore_mem>>
      %dma_start3A_83 = arith.constant 0 : i32
      %dma_start3A_84 = tpu.memref_slice %arg12[%add3A_14, %dma_start3A_83] : memref<10112x128xf32, #tpu.memory_space<vmem_shared>> -> memref<80x128xf32, #tpu.memory_space<vmem_shared>>
      %dma_start3A_85 = arith.constant 0 : i32
      %dma_start3A_86 = tpu.memref_slice %arg12[%add3A_14, %dma_start3A_85] : memref<10112x128xf32, #tpu.memory_space<vmem_shared>> -> memref<80x128xf32, #tpu.memory_space<vmem_shared>>
      tpu.enqueue_dma source(%arg8 : memref<80x128xf32, #tpu.memory_space<vmem>>) target(%dma_start3A_86 : memref<80x128xf32, #tpu.memory_space<vmem_shared>>) target_semaphore(%run_scoped3A : memref<!tpu.dma_semaphore, #tpu.memory_space<semaphore_mem>>)
      %dma_wait3A = arith.constant 0 : i32
      %dma_wait3A_87 = tpu.memref_slice %arg12[%add3A_14, %dma_wait3A] : memref<10112x128xf32, #tpu.memory_space<vmem_shared>> -> memref<80x128xf32, #tpu.memory_space<vmem_shared>>
      %dma_wait3A_88 = arith.constant 0 : i32
      %dma_wait3A_89 = tpu.memref_slice %arg12[%add3A_14, %dma_wait3A_88] : memref<10112x128xf32, #tpu.memory_space<vmem_shared>> -> memref<80x128xf32, #tpu.memory_space<vmem_shared>>
      tpu.wait_dma2 semaphore(%run_scoped3A : memref<!tpu.dma_semaphore, #tpu.memory_space<semaphore_mem>>) src(%arg8 : memref<80x128xf32, #tpu.memory_space<vmem>>) dst(%dma_wait3A_89 : memref<80x128xf32, #tpu.memory_space<vmem_shared>>)
      tpu.yield
    }) : () -> ()
    %add3A_15 = arith.constant 160 : i32
    %add3A_16 = arith.addi %mul3A_10, %add3A_15 : i32
    "tpu.region"() ({
      %run_scoped3A = tpu.sem_alloc : memref<!tpu.dma_semaphore, #tpu.memory_space<semaphore_mem>>
      %dma_start3A_83 = arith.constant 0 : i32
      %dma_start3A_84 = tpu.memref_slice %arg12[%add3A_16, %dma_start3A_83] : memref<10112x128xf32, #tpu.memory_space<vmem_shared>> -> memref<80x128xf32, #tpu.memory_space<vmem_shared>>
      %dma_start3A_85 = arith.constant 0 : i32
      %dma_start3A_86 = tpu.memref_slice %arg12[%add3A_16, %dma_start3A_85] : memref<10112x128xf32, #tpu.memory_space<vmem_shared>> -> memref<80x128xf32, #tpu.memory_space<vmem_shared>>
      tpu.enqueue_dma source(%arg8 : memref<80x128xf32, #tpu.memory_space<vmem>>) target(%dma_start3A_86 : memref<80x128xf32, #tpu.memory_space<vmem_shared>>) target_semaphore(%run_scoped3A : memref<!tpu.dma_semaphore, #tpu.memory_space<semaphore_mem>>)
      %dma_wait3A = arith.constant 0 : i32
      %dma_wait3A_87 = tpu.memref_slice %arg12[%add3A_16, %dma_wait3A] : memref<10112x128xf32, #tpu.memory_space<vmem_shared>> -> memref<80x128xf32, #tpu.memory_space<vmem_shared>>
      %dma_wait3A_88 = arith.constant 0 : i32
      %dma_wait3A_89 = tpu.memref_slice %arg12[%add3A_16, %dma_wait3A_88] : memref<10112x128xf32, #tpu.memory_space<vmem_shared>> -> memref<80x128xf32, #tpu.memory_space<vmem_shared>>
      tpu.wait_dma2 semaphore(%run_scoped3A : memref<!tpu.dma_semaphore, #tpu.memory_space<semaphore_mem>>) src(%arg8 : memref<80x128xf32, #tpu.memory_space<vmem>>) dst(%dma_wait3A_89 : memref<80x128xf32, #tpu.memory_space<vmem_shared>>)
      tpu.yield
    }) : () -> ()
    %add3A_17 = arith.constant 240 : i32
    %add3A_18 = arith.addi %mul3A_10, %add3A_17 : i32
    "tpu.region"() ({
      %run_scoped3A = tpu.sem_alloc : memref<!tpu.dma_semaphore, #tpu.memory_space<semaphore_mem>>
      %dma_start3A_83 = arith.constant 0 : i32
      %dma_start3A_84 = tpu.memref_slice %arg12[%add3A_18, %dma_start3A_83] : memref<10112x128xf32, #tpu.memory_space<vmem_shared>> -> memref<80x128xf32, #tpu.memory_space<vmem_shared>>
      %dma_start3A_85 = arith.constant 0 : i32
      %dma_start3A_86 = tpu.memref_slice %arg12[%add3A_18, %dma_start3A_85] : memref<10112x128xf32, #tpu.memory_space<vmem_shared>> -> memref<80x128xf32, #tpu.memory_space<vmem_shared>>
      tpu.enqueue_dma source(%arg8 : memref<80x128xf32, #tpu.memory_space<vmem>>) target(%dma_start3A_86 : memref<80x128xf32, #tpu.memory_space<vmem_shared>>) target_semaphore(%run_scoped3A : memref<!tpu.dma_semaphore, #tpu.memory_space<semaphore_mem>>)
      %dma_wait3A = arith.constant 0 : i32
      %dma_wait3A_87 = tpu.memref_slice %arg12[%add3A_18, %dma_wait3A] : memref<10112x128xf32, #tpu.memory_space<vmem_shared>> -> memref<80x128xf32, #tpu.memory_space<vmem_shared>>
      %dma_wait3A_88 = arith.constant 0 : i32
      %dma_wait3A_89 = tpu.memref_slice %arg12[%add3A_18, %dma_wait3A_88] : memref<10112x128xf32, #tpu.memory_space<vmem_shared>> -> memref<80x128xf32, #tpu.memory_space<vmem_shared>>
      tpu.wait_dma2 semaphore(%run_scoped3A : memref<!tpu.dma_semaphore, #tpu.memory_space<semaphore_mem>>) src(%arg8 : memref<80x128xf32, #tpu.memory_space<vmem>>) dst(%dma_wait3A_89 : memref<80x128xf32, #tpu.memory_space<vmem_shared>>)
      tpu.yield
    }) : () -> ()
    %add3A_19 = arith.constant 320 : i32
    %add3A_20 = arith.addi %mul3A_10, %add3A_19 : i32
    "tpu.region"() ({
      %run_scoped3A = tpu.sem_alloc : memref<!tpu.dma_semaphore, #tpu.memory_space<semaphore_mem>>
      %dma_start3A_83 = arith.constant 0 : i32
      %dma_start3A_84 = tpu.memref_slice %arg12[%add3A_20, %dma_start3A_83] : memref<10112x128xf32, #tpu.memory_space<vmem_shared>> -> memref<80x128xf32, #tpu.memory_space<vmem_shared>>
      %dma_start3A_85 = arith.constant 0 : i32
      %dma_start3A_86 = tpu.memref_slice %arg12[%add3A_20, %dma_start3A_85] : memref<10112x128xf32, #tpu.memory_space<vmem_shared>> -> memref<80x128xf32, #tpu.memory_space<vmem_shared>>
      tpu.enqueue_dma source(%arg8 : memref<80x128xf32, #tpu.memory_space<vmem>>) target(%dma_start3A_86 : memref<80x128xf32, #tpu.memory_space<vmem_shared>>) target_semaphore(%run_scoped3A : memref<!tpu.dma_semaphore, #tpu.memory_space<semaphore_mem>>)
      %dma_wait3A = arith.constant 0 : i32
      %dma_wait3A_87 = tpu.memref_slice %arg12[%add3A_20, %dma_wait3A] : memref<10112x128xf32, #tpu.memory_space<vmem_shared>> -> memref<80x128xf32, #tpu.memory_space<vmem_shared>>
      %dma_wait3A_88 = arith.constant 0 : i32
      %dma_wait3A_89 = tpu.memref_slice %arg12[%add3A_20, %dma_wait3A_88] : memref<10112x128xf32, #tpu.memory_space<vmem_shared>> -> memref<80x128xf32, #tpu.memory_space<vmem_shared>>
      tpu.wait_dma2 semaphore(%run_scoped3A : memref<!tpu.dma_semaphore, #tpu.memory_space<semaphore_mem>>) src(%arg8 : memref<80x128xf32, #tpu.memory_space<vmem>>) dst(%dma_wait3A_89 : memref<80x128xf32, #tpu.memory_space<vmem_shared>>)
      tpu.yield
    }) : () -> ()
    %add3A_21 = arith.constant 400 : i32
    %add3A_22 = arith.addi %mul3A_10, %add3A_21 : i32
    "tpu.region"() ({
      %run_scoped3A = tpu.sem_alloc : memref<!tpu.dma_semaphore, #tpu.memory_space<semaphore_mem>>
      %dma_start3A_83 = arith.constant 0 : i32
      %dma_start3A_84 = tpu.memref_slice %arg12[%add3A_22, %dma_start3A_83] : memref<10112x128xf32, #tpu.memory_space<vmem_shared>> -> memref<80x128xf32, #tpu.memory_space<vmem_shared>>
      %dma_start3A_85 = arith.constant 0 : i32
      %dma_start3A_86 = tpu.memref_slice %arg12[%add3A_22, %dma_start3A_85] : memref<10112x128xf32, #tpu.memory_space<vmem_shared>> -> memref<80x128xf32, #tpu.memory_space<vmem_shared>>
      tpu.enqueue_dma source(%arg8 : memref<80x128xf32, #tpu.memory_space<vmem>>) target(%dma_start3A_86 : memref<80x128xf32, #tpu.memory_space<vmem_shared>>) target_semaphore(%run_scoped3A : memref<!tpu.dma_semaphore, #tpu.memory_space<semaphore_mem>>)
      %dma_wait3A = arith.constant 0 : i32
      %dma_wait3A_87 = tpu.memref_slice %arg12[%add3A_22, %dma_wait3A] : memref<10112x128xf32, #tpu.memory_space<vmem_shared>> -> memref<80x128xf32, #tpu.memory_space<vmem_shared>>
      %dma_wait3A_88 = arith.constant 0 : i32
      %dma_wait3A_89 = tpu.memref_slice %arg12[%add3A_22, %dma_wait3A_88] : memref<10112x128xf32, #tpu.memory_space<vmem_shared>> -> memref<80x128xf32, #tpu.memory_space<vmem_shared>>
      tpu.wait_dma2 semaphore(%run_scoped3A : memref<!tpu.dma_semaphore, #tpu.memory_space<semaphore_mem>>) src(%arg8 : memref<80x128xf32, #tpu.memory_space<vmem>>) dst(%dma_wait3A_89 : memref<80x128xf32, #tpu.memory_space<vmem_shared>>)
      tpu.yield
    }) : () -> ()
    %add3A_23 = arith.constant 480 : i32
    %add3A_24 = arith.addi %mul3A_10, %add3A_23 : i32
    "tpu.region"() ({
      %run_scoped3A = tpu.sem_alloc : memref<!tpu.dma_semaphore, #tpu.memory_space<semaphore_mem>>
      %dma_start3A_83 = arith.constant 0 : i32
      %dma_start3A_84 = tpu.memref_slice %arg12[%add3A_24, %dma_start3A_83] : memref<10112x128xf32, #tpu.memory_space<vmem_shared>> -> memref<80x128xf32, #tpu.memory_space<vmem_shared>>
      %dma_start3A_85 = arith.constant 0 : i32
      %dma_start3A_86 = tpu.memref_slice %arg12[%add3A_24, %dma_start3A_85] : memref<10112x128xf32, #tpu.memory_space<vmem_shared>> -> memref<80x128xf32, #tpu.memory_space<vmem_shared>>
      tpu.enqueue_dma source(%arg8 : memref<80x128xf32, #tpu.memory_space<vmem>>) target(%dma_start3A_86 : memref<80x128xf32, #tpu.memory_space<vmem_shared>>) target_semaphore(%run_scoped3A : memref<!tpu.dma_semaphore, #tpu.memory_space<semaphore_mem>>)
      %dma_wait3A = arith.constant 0 : i32
      %dma_wait3A_87 = tpu.memref_slice %arg12[%add3A_24, %dma_wait3A] : memref<10112x128xf32, #tpu.memory_space<vmem_shared>> -> memref<80x128xf32, #tpu.memory_space<vmem_shared>>
      %dma_wait3A_88 = arith.constant 0 : i32
      %dma_wait3A_89 = tpu.memref_slice %arg12[%add3A_24, %dma_wait3A_88] : memref<10112x128xf32, #tpu.memory_space<vmem_shared>> -> memref<80x128xf32, #tpu.memory_space<vmem_shared>>
      tpu.wait_dma2 semaphore(%run_scoped3A : memref<!tpu.dma_semaphore, #tpu.memory_space<semaphore_mem>>) src(%arg8 : memref<80x128xf32, #tpu.memory_space<vmem>>) dst(%dma_wait3A_89 : memref<80x128xf32, #tpu.memory_space<vmem_shared>>)
      tpu.yield
    }) : () -> ()
    %add3A_25 = arith.constant 560 : i32
    %add3A_26 = arith.addi %mul3A_10, %add3A_25 : i32
    "tpu.region"() ({
      %run_scoped3A = tpu.sem_alloc : memref<!tpu.dma_semaphore, #tpu.memory_space<semaphore_mem>>
      %dma_start3A_83 = arith.constant 0 : i32
      %dma_start3A_84 = arith.constant 0 : i32
      %dma_start3A_85 = tpu.memref_slice %arg8[%dma_start3A_83, %dma_start3A_84] : memref<80x128xf32, #tpu.memory_space<vmem>> -> memref<72x128xf32, #tpu.memory_space<vmem>>
      %dma_start3A_86 = arith.constant 0 : i32
      %dma_start3A_87 = tpu.memref_slice %arg12[%add3A_26, %dma_start3A_86] : memref<10112x128xf32, #tpu.memory_space<vmem_shared>> -> memref<72x128xf32, #tpu.memory_space<vmem_shared>>
      %dma_start3A_88 = arith.constant 0 : i32
      %dma_start3A_89 = tpu.memref_slice %arg12[%add3A_26, %dma_start3A_88] : memref<10112x128xf32, #tpu.memory_space<vmem_shared>> -> memref<72x128xf32, #tpu.memory_space<vmem_shared>>
      %dma_start3A_90 = arith.constant 0 : i32
      %dma_start3A_91 = arith.constant 0 : i32
      %dma_start3A_92 = tpu.memref_slice %arg8[%dma_start3A_90, %dma_start3A_91] : memref<80x128xf32, #tpu.memory_space<vmem>> -> memref<72x128xf32, #tpu.memory_space<vmem>>
      tpu.enqueue_dma source(%dma_start3A_92 : memref<72x128xf32, #tpu.memory_space<vmem>>) target(%dma_start3A_89 : memref<72x128xf32, #tpu.memory_space<vmem_shared>>) target_semaphore(%run_scoped3A : memref<!tpu.dma_semaphore, #tpu.memory_space<semaphore_mem>>)
      %dma_wait3A = arith.constant 0 : i32
      %dma_wait3A_93 = arith.constant 0 : i32
      %dma_wait3A_94 = tpu.memref_slice %arg8[%dma_wait3A, %dma_wait3A_93] : memref<80x128xf32, #tpu.memory_space<vmem>> -> memref<72x128xf32, #tpu.memory_space<vmem>>
      %dma_wait3A_95 = arith.constant 0 : i32
      %dma_wait3A_96 = tpu.memref_slice %arg12[%add3A_26, %dma_wait3A_95] : memref<10112x128xf32, #tpu.memory_space<vmem_shared>> -> memref<72x128xf32, #tpu.memory_space<vmem_shared>>
      %dma_wait3A_97 = arith.constant 0 : i32
      %dma_wait3A_98 = tpu.memref_slice %arg12[%add3A_26, %dma_wait3A_97] : memref<10112x128xf32, #tpu.memory_space<vmem_shared>> -> memref<72x128xf32, #tpu.memory_space<vmem_shared>>
      %dma_wait3A_99 = arith.constant 0 : i32
      %dma_wait3A_100 = arith.constant 0 : i32
      %dma_wait3A_101 = tpu.memref_slice %arg8[%dma_wait3A_99, %dma_wait3A_100] : memref<80x128xf32, #tpu.memory_space<vmem>> -> memref<72x128xf32, #tpu.memory_space<vmem>>
      tpu.wait_dma2 semaphore(%run_scoped3A : memref<!tpu.dma_semaphore, #tpu.memory_space<semaphore_mem>>) src(%dma_wait3A_101 : memref<72x128xf32, #tpu.memory_space<vmem>>) dst(%dma_wait3A_98 : memref<72x128xf32, #tpu.memory_space<vmem_shared>>)
      tpu.yield
    }) : () -> ()
    %eq3A = arith.constant 0 : i32
    %eq3A_27 = arith.cmpi eq, %arg1, %eq3A : i32
    %convert_element_type3A = arith.extui %eq3A_27 : i1 to i32
    %cond3A = arith.constant 0 : i32
    %cond3A_28 = arith.cmpi ne, %convert_element_type3A, %cond3A : i32
    scf.if %cond3A_28 {
      "tpu.region"() ({
        %run_scoped3A = tpu.sem_alloc : memref<!tpu.dma_semaphore, #tpu.memory_space<semaphore_mem>>
        %dma_start3A_83 = arith.constant 0 : i32
        %dma_start3A_84 = arith.constant 0 : i32
        %dma_start3A_85 = tpu.memref_slice %arg8[%dma_start3A_83, %dma_start3A_84] : memref<80x128xf32, #tpu.memory_space<vmem>> -> memref<80x128xf32, #tpu.memory_space<vmem>>
        %dma_start3A_86 = arith.constant 10112 : i32
        %dma_start3A_87 = arith.constant 0 : i32
        %dma_start3A_88 = tpu.memref_slice %arg5[%arg0, %dma_start3A_86, %dma_start3A_87] : memref<2x10240x128xf32, #tpu.memory_space<hbm>> -> memref<1x80x128xf32, #tpu.memory_space<hbm>>
        %dma_start3A_89 = tpu.memref_squeeze %dma_start3A_88 : memref<1x80x128xf32, #tpu.memory_space<hbm>> -> memref<80x128xf32, #tpu.memory_space<hbm>>
        %dma_start3A_90 = arith.constant 10112 : i32
        %dma_start3A_91 = arith.constant 0 : i32
        %dma_start3A_92 = tpu.memref_slice %arg5[%arg0, %dma_start3A_90, %dma_start3A_91] : memref<2x10240x128xf32, #tpu.memory_space<hbm>> -> memref<1x80x128xf32, #tpu.memory_space<hbm>>
        %dma_start3A_93 = tpu.memref_squeeze %dma_start3A_92 : memref<1x80x128xf32, #tpu.memory_space<hbm>> -> memref<80x128xf32, #tpu.memory_space<hbm>>
        %dma_start3A_94 = arith.constant 0 : i32
        %dma_start3A_95 = arith.constant 0 : i32
        %dma_start3A_96 = tpu.memref_slice %arg8[%dma_start3A_94, %dma_start3A_95] : memref<80x128xf32, #tpu.memory_space<vmem>> -> memref<80x128xf32, #tpu.memory_space<vmem>>
        tpu.enqueue_dma source(%dma_start3A_96 : memref<80x128xf32, #tpu.memory_space<vmem>>) target(%dma_start3A_93 : memref<80x128xf32, #tpu.memory_space<hbm>>) target_semaphore(%run_scoped3A : memref<!tpu.dma_semaphore, #tpu.memory_space<semaphore_mem>>)
        %dma_wait3A = arith.constant 0 : i32
        %dma_wait3A_97 = arith.constant 0 : i32
        %dma_wait3A_98 = tpu.memref_slice %arg8[%dma_wait3A, %dma_wait3A_97] : memref<80x128xf32, #tpu.memory_space<vmem>> -> memref<80x128xf32, #tpu.memory_space<vmem>>
        %dma_wait3A_99 = arith.constant 10112 : i32
        %dma_wait3A_100 = arith.constant 0 : i32
        %dma_wait3A_101 = tpu.memref_slice %arg5[%arg0, %dma_wait3A_99, %dma_wait3A_100] : memref<2x10240x128xf32, #tpu.memory_space<hbm>> -> memref<1x80x128xf32, #tpu.memory_space<hbm>>
        %dma_wait3A_102 = tpu.memref_squeeze %dma_wait3A_101 : memref<1x80x128xf32, #tpu.memory_space<hbm>> -> memref<80x128xf32, #tpu.memory_space<hbm>>
        %dma_wait3A_103 = arith.constant 10112 : i32
        %dma_wait3A_104 = arith.constant 0 : i32
        %dma_wait3A_105 = tpu.memref_slice %arg5[%arg0, %dma_wait3A_103, %dma_wait3A_104] : memref<2x10240x128xf32, #tpu.memory_space<hbm>> -> memref<1x80x128xf32, #tpu.memory_space<hbm>>
        %dma_wait3A_106 = tpu.memref_squeeze %dma_wait3A_105 : memref<1x80x128xf32, #tpu.memory_space<hbm>> -> memref<80x128xf32, #tpu.memory_space<hbm>>
        %dma_wait3A_107 = arith.constant 0 : i32
        %dma_wait3A_108 = arith.constant 0 : i32
        %dma_wait3A_109 = tpu.memref_slice %arg8[%dma_wait3A_107, %dma_wait3A_108] : memref<80x128xf32, #tpu.memory_space<vmem>> -> memref<80x128xf32, #tpu.memory_space<vmem>>
        tpu.wait_dma2 semaphore(%run_scoped3A : memref<!tpu.dma_semaphore, #tpu.memory_space<semaphore_mem>>) src(%dma_wait3A_109 : memref<80x128xf32, #tpu.memory_space<vmem>>) dst(%dma_wait3A_106 : memref<80x128xf32, #tpu.memory_space<hbm>>)
        tpu.yield
      }) : () -> ()
      "tpu.region"() ({
        %run_scoped3A = tpu.sem_alloc : memref<!tpu.dma_semaphore, #tpu.memory_space<semaphore_mem>>
        %dma_start3A_83 = arith.constant 0 : i32
        %dma_start3A_84 = arith.constant 0 : i32
        %dma_start3A_85 = tpu.memref_slice %arg8[%dma_start3A_83, %dma_start3A_84] : memref<80x128xf32, #tpu.memory_space<vmem>> -> memref<48x128xf32, #tpu.memory_space<vmem>>
        %dma_start3A_86 = arith.constant 10192 : i32
        %dma_start3A_87 = arith.constant 0 : i32
        %dma_start3A_88 = tpu.memref_slice %arg5[%arg0, %dma_start3A_86, %dma_start3A_87] : memref<2x10240x128xf32, #tpu.memory_space<hbm>> -> memref<1x48x128xf32, #tpu.memory_space<hbm>>
        %dma_start3A_89 = tpu.memref_squeeze %dma_start3A_88 : memref<1x48x128xf32, #tpu.memory_space<hbm>> -> memref<48x128xf32, #tpu.memory_space<hbm>>
        %dma_start3A_90 = arith.constant 10192 : i32
        %dma_start3A_91 = arith.constant 0 : i32
        %dma_start3A_92 = tpu.memref_slice %arg5[%arg0, %dma_start3A_90, %dma_start3A_91] : memref<2x10240x128xf32, #tpu.memory_space<hbm>> -> memref<1x48x128xf32, #tpu.memory_space<hbm>>
        %dma_start3A_93 = tpu.memref_squeeze %dma_start3A_92 : memref<1x48x128xf32, #tpu.memory_space<hbm>> -> memref<48x128xf32, #tpu.memory_space<hbm>>
        %dma_start3A_94 = arith.constant 0 : i32
        %dma_start3A_95 = arith.constant 0 : i32
        %dma_start3A_96 = tpu.memref_slice %arg8[%dma_start3A_94, %dma_start3A_95] : memref<80x128xf32, #tpu.memory_space<vmem>> -> memref<48x128xf32, #tpu.memory_space<vmem>>
        tpu.enqueue_dma source(%dma_start3A_96 : memref<48x128xf32, #tpu.memory_space<vmem>>) target(%dma_start3A_93 : memref<48x128xf32, #tpu.memory_space<hbm>>) target_semaphore(%run_scoped3A : memref<!tpu.dma_semaphore, #tpu.memory_space<semaphore_mem>>)
        %dma_wait3A = arith.constant 0 : i32
        %dma_wait3A_97 = arith.constant 0 : i32
        %dma_wait3A_98 = tpu.memref_slice %arg8[%dma_wait3A, %dma_wait3A_97] : memref<80x128xf32, #tpu.memory_space<vmem>> -> memref<48x128xf32, #tpu.memory_space<vmem>>
        %dma_wait3A_99 = arith.constant 10192 : i32
        %dma_wait3A_100 = arith.constant 0 : i32
        %dma_wait3A_101 = tpu.memref_slice %arg5[%arg0, %dma_wait3A_99, %dma_wait3A_100] : memref<2x10240x128xf32, #tpu.memory_space<hbm>> -> memref<1x48x128xf32, #tpu.memory_space<hbm>>
        %dma_wait3A_102 = tpu.memref_squeeze %dma_wait3A_101 : memref<1x48x128xf32, #tpu.memory_space<hbm>> -> memref<48x128xf32, #tpu.memory_space<hbm>>
        %dma_wait3A_103 = arith.constant 10192 : i32
        %dma_wait3A_104 = arith.constant 0 : i32
        %dma_wait3A_105 = tpu.memref_slice %arg5[%arg0, %dma_wait3A_103, %dma_wait3A_104] : memref<2x10240x128xf32, #tpu.memory_space<hbm>> -> memref<1x48x128xf32, #tpu.memory_space<hbm>>
        %dma_wait3A_106 = tpu.memref_squeeze %dma_wait3A_105 : memref<1x48x128xf32, #tpu.memory_space<hbm>> -> memref<48x128xf32, #tpu.memory_space<hbm>>
        %dma_wait3A_107 = arith.constant 0 : i32
        %dma_wait3A_108 = arith.constant 0 : i32
        %dma_wait3A_109 = tpu.memref_slice %arg8[%dma_wait3A_107, %dma_wait3A_108] : memref<80x128xf32, #tpu.memory_space<vmem>> -> memref<48x128xf32, #tpu.memory_space<vmem>>
        tpu.wait_dma2 semaphore(%run_scoped3A : memref<!tpu.dma_semaphore, #tpu.memory_space<semaphore_mem>>) src(%dma_wait3A_109 : memref<48x128xf32, #tpu.memory_space<vmem>>) dst(%dma_wait3A_106 : memref<48x128xf32, #tpu.memory_space<hbm>>)
        tpu.yield
      }) : () -> ()
    } else {
    }
    %barrier3A = arith.constant 0 : index
    tpu.barrier barrier_id(%barrier3A)
    "tpu.region"() ({
      %run_scoped3A = tpu.sem_alloc : memref<!tpu.dma_semaphore, #tpu.memory_space<semaphore_mem>>
      %dma_start3A_83 = arith.constant 0 : i32
      %dma_start3A_84 = arith.constant 0 : i32
      %dma_start3A_85 = tpu.memref_slice %arg4[%mul3A_2, %dma_start3A_83, %dma_start3A_84] : memref<4032x2x80xi32, #tpu.memory_space<hbm>> -> memref<1x2x80xi32, #tpu.memory_space<hbm>>
      %dma_start3A_86 = tpu.memref_squeeze %dma_start3A_85 : memref<1x2x80xi32, #tpu.memory_space<hbm>> -> memref<2x80xi32, #tpu.memory_space<hbm>>
      %dma_start3A_87 = arith.constant 0 : i32
      %dma_start3A_88 = arith.constant 0 : i32
      %dma_start3A_89 = tpu.memref_slice %arg4[%mul3A_2, %dma_start3A_87, %dma_start3A_88] : memref<4032x2x80xi32, #tpu.memory_space<hbm>> -> memref<1x2x80xi32, #tpu.memory_space<hbm>>
      %dma_start3A_90 = tpu.memref_squeeze %dma_start3A_89 : memref<1x2x80xi32, #tpu.memory_space<hbm>> -> memref<2x80xi32, #tpu.memory_space<hbm>>
      tpu.enqueue_dma source(%dma_start3A_90 : memref<2x80xi32, #tpu.memory_space<hbm>>) target(%arg6 : memref<2x80xi32, #tpu.memory_space<vmem>>) target_semaphore(%run_scoped3A : memref<!tpu.dma_semaphore, #tpu.memory_space<semaphore_mem>>)
      %dma_wait3A = arith.constant 0 : i32
      %dma_wait3A_91 = arith.constant 0 : i32
      %dma_wait3A_92 = tpu.memref_slice %arg4[%mul3A_2, %dma_wait3A, %dma_wait3A_91] : memref<4032x2x80xi32, #tpu.memory_space<hbm>> -> memref<1x2x80xi32, #tpu.memory_space<hbm>>
      %dma_wait3A_93 = tpu.memref_squeeze %dma_wait3A_92 : memref<1x2x80xi32, #tpu.memory_space<hbm>> -> memref<2x80xi32, #tpu.memory_space<hbm>>
      %dma_wait3A_94 = arith.constant 0 : i32
      %dma_wait3A_95 = arith.constant 0 : i32
      %dma_wait3A_96 = tpu.memref_slice %arg4[%mul3A_2, %dma_wait3A_94, %dma_wait3A_95] : memref<4032x2x80xi32, #tpu.memory_space<hbm>> -> memref<1x2x80xi32, #tpu.memory_space<hbm>>
      %dma_wait3A_97 = tpu.memref_squeeze %dma_wait3A_96 : memref<1x2x80xi32, #tpu.memory_space<hbm>> -> memref<2x80xi32, #tpu.memory_space<hbm>>
      tpu.wait_dma2 semaphore(%run_scoped3A : memref<!tpu.dma_semaphore, #tpu.memory_space<semaphore_mem>>) src(%dma_wait3A_97 : memref<2x80xi32, #tpu.memory_space<hbm>>) dst(%arg6 : memref<2x80xi32, #tpu.memory_space<vmem>>)
      tpu.yield
    }) : () -> ()
    %add3A_29 = arith.constant 1 : i32
    %add3A_30 = arith.addi %mul3A_2, %add3A_29 : i32
    "tpu.region"() ({
      %run_scoped3A = tpu.sem_alloc : memref<!tpu.dma_semaphore, #tpu.memory_space<semaphore_mem>>
      %dma_start3A_83 = arith.constant 0 : i32
      %dma_start3A_84 = arith.constant 0 : i32
      %dma_start3A_85 = tpu.memref_slice %arg4[%add3A_30, %dma_start3A_83, %dma_start3A_84] : memref<4032x2x80xi32, #tpu.memory_space<hbm>> -> memref<1x2x80xi32, #tpu.memory_space<hbm>>
      %dma_start3A_86 = tpu.memref_squeeze %dma_start3A_85 : memref<1x2x80xi32, #tpu.memory_space<hbm>> -> memref<2x80xi32, #tpu.memory_space<hbm>>
      %dma_start3A_87 = arith.constant 0 : i32
      %dma_start3A_88 = arith.constant 0 : i32
      %dma_start3A_89 = tpu.memref_slice %arg4[%add3A_30, %dma_start3A_87, %dma_start3A_88] : memref<4032x2x80xi32, #tpu.memory_space<hbm>> -> memref<1x2x80xi32, #tpu.memory_space<hbm>>
      %dma_start3A_90 = tpu.memref_squeeze %dma_start3A_89 : memref<1x2x80xi32, #tpu.memory_space<hbm>> -> memref<2x80xi32, #tpu.memory_space<hbm>>
      tpu.enqueue_dma source(%dma_start3A_90 : memref<2x80xi32, #tpu.memory_space<hbm>>) target(%arg7 : memref<2x80xi32, #tpu.memory_space<vmem>>) target_semaphore(%run_scoped3A : memref<!tpu.dma_semaphore, #tpu.memory_space<semaphore_mem>>)
      %dma_wait3A = arith.constant 0 : i32
      %dma_wait3A_91 = arith.constant 0 : i32
      %dma_wait3A_92 = tpu.memref_slice %arg4[%add3A_30, %dma_wait3A, %dma_wait3A_91] : memref<4032x2x80xi32, #tpu.memory_space<hbm>> -> memref<1x2x80xi32, #tpu.memory_space<hbm>>
      %dma_wait3A_93 = tpu.memref_squeeze %dma_wait3A_92 : memref<1x2x80xi32, #tpu.memory_space<hbm>> -> memref<2x80xi32, #tpu.memory_space<hbm>>
      %dma_wait3A_94 = arith.constant 0 : i32
      %dma_wait3A_95 = arith.constant 0 : i32
      %dma_wait3A_96 = tpu.memref_slice %arg4[%add3A_30, %dma_wait3A_94, %dma_wait3A_95] : memref<4032x2x80xi32, #tpu.memory_space<hbm>> -> memref<1x2x80xi32, #tpu.memory_space<hbm>>
      %dma_wait3A_97 = tpu.memref_squeeze %dma_wait3A_96 : memref<1x2x80xi32, #tpu.memory_space<hbm>> -> memref<2x80xi32, #tpu.memory_space<hbm>>
      tpu.wait_dma2 semaphore(%run_scoped3A : memref<!tpu.dma_semaphore, #tpu.memory_space<semaphore_mem>>) src(%dma_wait3A_97 : memref<2x80xi32, #tpu.memory_space<hbm>>) dst(%arg7 : memref<2x80xi32, #tpu.memory_space<vmem>>)
      tpu.yield
    }) : () -> ()
    %dma_start3A = arith.constant 1 : i32
    %dma_start3A_31 = arith.constant 0 : i32
    %dma_start3A_32 = tpu.memref_slice %arg6[%dma_start3A, %dma_start3A_31] : memref<2x80xi32, #tpu.memory_space<vmem>> -> memref<1x80xi32, #tpu.memory_space<vmem>>
    %dma_start3A_33 = tpu.memref_squeeze %dma_start3A_32 : memref<1x80xi32, #tpu.memory_space<vmem>> -> memref<80xi32, #tpu.memory_space<vmem>>
    %dma_start3A_34 = arith.constant 0 : i32
    %dma_start3A_35 = arith.constant 0 : i32
    %dma_start3A_36 = tpu.memref_slice %arg2[%dma_start3A_34, %dma_start3A_35] : memref<10240x128xf32, #tpu.memory_space<hbm>> -> memref<10240x128xf32, #tpu.memory_space<hbm>>
    tpu.enqueue_indirect_dma source(%dma_start3A_36 : memref<10240x128xf32, #tpu.memory_space<hbm>>) target(%arg8 : memref<80x128xf32, #tpu.memory_space<vmem>>) offsets(%dma_start3A_33 : memref<80xi32, #tpu.memory_space<vmem>>) semaphore(%arg13 : memref<!tpu.dma_semaphore, #tpu.memory_space<semaphore_mem>>)
    %dma_start3A_37 = arith.constant 0 : i32
    %dma_start3A_38 = arith.constant 0 : i32
    %dma_start3A_39 = tpu.memref_slice %arg6[%dma_start3A_37, %dma_start3A_38] : memref<2x80xi32, #tpu.memory_space<vmem>> -> memref<1x80xi32, #tpu.memory_space<vmem>>
    %dma_start3A_40 = tpu.memref_squeeze %dma_start3A_39 : memref<1x80xi32, #tpu.memory_space<vmem>> -> memref<80xi32, #tpu.memory_space<vmem>>
    %dma_start3A_41 = arith.constant 0 : i32
    %dma_start3A_42 = arith.constant 0 : i32
    %dma_start3A_43 = tpu.memref_slice %arg3[%dma_start3A_41, %dma_start3A_42] : memref<10240x128xf32, #tpu.memory_space<hbm>> -> memref<10240x128xf32, #tpu.memory_space<hbm>>
    tpu.enqueue_indirect_dma source(%dma_start3A_43 : memref<10240x128xf32, #tpu.memory_space<hbm>>) target(%arg10 : memref<80x128xf32, #tpu.memory_space<vmem>>) offsets(%dma_start3A_40 : memref<80xi32, #tpu.memory_space<vmem>>) semaphore(%arg15 : memref<!tpu.dma_semaphore, #tpu.memory_space<semaphore_mem>>)
    %add3A_44 = arith.constant 1 : i32
    %add3A_45 = arith.addi %mul3A_2, %add3A_44 : i32
    %dma_start3A_46 = arith.constant 1 : i32
    %dma_start3A_47 = arith.constant 0 : i32
    %dma_start3A_48 = tpu.memref_slice %arg7[%dma_start3A_46, %dma_start3A_47] : memref<2x80xi32, #tpu.memory_space<vmem>> -> memref<1x80xi32, #tpu.memory_space<vmem>>
    %dma_start3A_49 = tpu.memref_squeeze %dma_start3A_48 : memref<1x80xi32, #tpu.memory_space<vmem>> -> memref<80xi32, #tpu.memory_space<vmem>>
    %dma_start3A_50 = arith.constant 0 : i32
    %dma_start3A_51 = arith.constant 0 : i32
    %dma_start3A_52 = tpu.memref_slice %arg2[%dma_start3A_50, %dma_start3A_51] : memref<10240x128xf32, #tpu.memory_space<hbm>> -> memref<10240x128xf32, #tpu.memory_space<hbm>>
    tpu.enqueue_indirect_dma source(%dma_start3A_52 : memref<10240x128xf32, #tpu.memory_space<hbm>>) target(%arg9 : memref<80x128xf32, #tpu.memory_space<vmem>>) offsets(%dma_start3A_49 : memref<80xi32, #tpu.memory_space<vmem>>) semaphore(%arg14 : memref<!tpu.dma_semaphore, #tpu.memory_space<semaphore_mem>>)
    %dma_start3A_53 = arith.constant 0 : i32
    %dma_start3A_54 = arith.constant 0 : i32
    %dma_start3A_55 = tpu.memref_slice %arg7[%dma_start3A_53, %dma_start3A_54] : memref<2x80xi32, #tpu.memory_space<vmem>> -> memref<1x80xi32, #tpu.memory_space<vmem>>
    %dma_start3A_56 = tpu.memref_squeeze %dma_start3A_55 : memref<1x80xi32, #tpu.memory_space<vmem>> -> memref<80xi32, #tpu.memory_space<vmem>>
    %dma_start3A_57 = arith.constant 0 : i32
    %dma_start3A_58 = arith.constant 0 : i32
    %dma_start3A_59 = tpu.memref_slice %arg3[%dma_start3A_57, %dma_start3A_58] : memref<10240x128xf32, #tpu.memory_space<hbm>> -> memref<10240x128xf32, #tpu.memory_space<hbm>>
    tpu.enqueue_indirect_dma source(%dma_start3A_59 : memref<10240x128xf32, #tpu.memory_space<hbm>>) target(%arg11 : memref<80x128xf32, #tpu.memory_space<vmem>>) offsets(%dma_start3A_56 : memref<80xi32, #tpu.memory_space<vmem>>) semaphore(%arg16 : memref<!tpu.dma_semaphore, #tpu.memory_space<semaphore_mem>>)
    %scan3A_60 = arith.constant 0 : i32
    %scan3A_61 = arith.constant 0 : i32
    %scan3A_62 = arith.constant 63 : i32
    %scan3A_63 = arith.addi %scan3A_61, %scan3A_62 : i32
    %scan3A_64 = arith.constant 1 : i32
    scf.for %scan3A_83 = %scan3A_61 to %scan3A_63 step %scan3A_64  : i32 {
      %mul3A_84 = arith.constant 2 : i32
      %mul3A_85 = arith.muli %mul3A_84, %scan3A_83 : i32
      %add3A_86 = arith.addi %mul3A_2, %mul3A_85 : i32
      %add3A_87 = arith.constant 0 : i32
      %add3A_88 = arith.addi %add3A_86, %add3A_87 : i32
      %dma_wait3A = arith.constant 1 : i32
      %dma_wait3A_89 = arith.constant 0 : i32
      %dma_wait3A_90 = tpu.memref_slice %arg6[%dma_wait3A, %dma_wait3A_89] : memref<2x80xi32, #tpu.memory_space<vmem>> -> memref<1x80xi32, #tpu.memory_space<vmem>>
      %dma_wait3A_91 = tpu.memref_squeeze %dma_wait3A_90 : memref<1x80xi32, #tpu.memory_space<vmem>> -> memref<80xi32, #tpu.memory_space<vmem>>
      %dma_wait3A_92 = arith.constant 0 : i32
      %dma_wait3A_93 = arith.constant 0 : i32
      %dma_wait3A_94 = tpu.memref_slice %arg2[%dma_wait3A_92, %dma_wait3A_93] : memref<10240x128xf32, #tpu.memory_space<hbm>> -> memref<10240x128xf32, #tpu.memory_space<hbm>>
      tpu.wait_indirect_dma semaphore(%arg13 : memref<!tpu.dma_semaphore, #tpu.memory_space<semaphore_mem>>) src(%dma_wait3A_94 : memref<10240x128xf32, #tpu.memory_space<hbm>>) dst(%arg8 : memref<80x128xf32, #tpu.memory_space<vmem>>)
      %dma_wait3A_95 = arith.constant 0 : i32
      %dma_wait3A_96 = arith.constant 0 : i32
      %dma_wait3A_97 = tpu.memref_slice %arg6[%dma_wait3A_95, %dma_wait3A_96] : memref<2x80xi32, #tpu.memory_space<vmem>> -> memref<1x80xi32, #tpu.memory_space<vmem>>
      %dma_wait3A_98 = tpu.memref_squeeze %dma_wait3A_97 : memref<1x80xi32, #tpu.memory_space<vmem>> -> memref<80xi32, #tpu.memory_space<vmem>>
      %dma_wait3A_99 = arith.constant 0 : i32
      %dma_wait3A_100 = arith.constant 0 : i32
      %dma_wait3A_101 = tpu.memref_slice %arg3[%dma_wait3A_99, %dma_wait3A_100] : memref<10240x128xf32, #tpu.memory_space<hbm>> -> memref<10240x128xf32, #tpu.memory_space<hbm>>
      tpu.wait_indirect_dma semaphore(%arg15 : memref<!tpu.dma_semaphore, #tpu.memory_space<semaphore_mem>>) src(%dma_wait3A_101 : memref<10240x128xf32, #tpu.memory_space<hbm>>) dst(%arg10 : memref<80x128xf32, #tpu.memory_space<vmem>>)
      %lt3A = arith.constant 62 : i32
      %lt3A_102 = arith.cmpi slt, %scan3A_83, %lt3A : i32
      %convert_element_type3A_103 = arith.extui %lt3A_102 : i1 to i32
      %cond3A_104 = arith.constant 0 : i32
      %cond3A_105 = arith.cmpi ne, %convert_element_type3A_103, %cond3A_104 : i32
      scf.if %cond3A_105 {
        %add3A_153 = arith.constant 2 : i32
        %add3A_154 = arith.addi %add3A_88, %add3A_153 : i32
        %dma_start3A_155 = arith.constant 0 : i32
        %dma_start3A_156 = arith.constant 0 : i32
        %dma_start3A_157 = tpu.memref_slice %arg4[%add3A_154, %dma_start3A_155, %dma_start3A_156] : memref<4032x2x80xi32, #tpu.memory_space<hbm>> -> memref<1x2x80xi32, #tpu.memory_space<hbm>>
        %dma_start3A_158 = tpu.memref_squeeze %dma_start3A_157 : memref<1x2x80xi32, #tpu.memory_space<hbm>> -> memref<2x80xi32, #tpu.memory_space<hbm>>
        %dma_start3A_159 = arith.constant 0 : i32
        %dma_start3A_160 = arith.constant 0 : i32
        %dma_start3A_161 = tpu.memref_slice %arg4[%add3A_154, %dma_start3A_159, %dma_start3A_160] : memref<4032x2x80xi32, #tpu.memory_space<hbm>> -> memref<1x2x80xi32, #tpu.memory_space<hbm>>
        %dma_start3A_162 = tpu.memref_squeeze %dma_start3A_161 : memref<1x2x80xi32, #tpu.memory_space<hbm>> -> memref<2x80xi32, #tpu.memory_space<hbm>>
        tpu.enqueue_dma source(%dma_start3A_162 : memref<2x80xi32, #tpu.memory_space<hbm>>) target(%arg6 : memref<2x80xi32, #tpu.memory_space<vmem>>) target_semaphore(%arg17 : memref<!tpu.dma_semaphore, #tpu.memory_space<semaphore_mem>>)
      } else {
      }
      %scan3A_106 = arith.constant 0 : i32
      %scan3A_107 = arith.constant 0 : i32
      %scan3A_108 = arith.constant 80 : i32
      %scan3A_109 = arith.addi %scan3A_107, %scan3A_108 : i32
      %scan3A_110 = arith.constant 2 : i32
      scf.for %scan3A_153 = %scan3A_107 to %scan3A_109 step %scan3A_110  : i32 {
        %get3A = arith.index_cast %scan3A_153 : i32 to index
        %get3A_154 = arith.constant 0 : index
        %get3A_155 = tpu.vector_load %arg8[%get3A, %get3A_154] {strides = array<i32>} : memref<80x128xf32, #tpu.memory_space<vmem>>, vector<1x16xf32>,
        %get3A_156 = vector.shape_cast %get3A_155 : vector<1x16xf32> to vector<16xf32>
        %get3A_157 = arith.index_cast %scan3A_153 : i32 to index
        %get3A_158 = arith.constant 0 : index
        %get3A_159 = tpu.vector_load %arg10[%get3A_157, %get3A_158] {strides = array<i32>} : memref<80x128xf32, #tpu.memory_space<vmem>>, vector<1x16xf32>,
        %get3A_160 = vector.shape_cast %get3A_159 : vector<1x16xf32> to vector<16xf32>
        %add3A_161 = arith.addf %get3A_156, %get3A_160 : vector<16xf32>
        %max3A = arith.constant 0.000000e+00 : f32
        %max3A_162 = vector.broadcast %max3A : f32 to vector<16xf32>
        %max3A_163 = arith.maximumf %add3A_161, %max3A_162 : vector<16xf32>
        %swap3A = arith.index_cast %scan3A_153 : i32 to index
        %swap3A_164 = arith.constant 0 : index
        %swap3A_165 = tpu.vector_load %arg8[%swap3A, %swap3A_164] {strides = array<i32>} : memref<80x128xf32, #tpu.memory_space<vmem>>, vector<1x16xf32>,
        %swap3A_166 = vector.shape_cast %swap3A_165 : vector<1x16xf32> to vector<16xf32>
        %swap3A_167 = vector.shape_cast %max3A_163 : vector<16xf32> to vector<1x16xf32>
        tpu.vector_store %arg8[%swap3A, %swap3A_164], %swap3A_167 {strides = array<i32>} : memref<80x128xf32, #tpu.memory_space<vmem>>, vector<1x16xf32>,
        %get3A_168 = arith.index_cast %scan3A_153 : i32 to index
        %get3A_169 = arith.constant 16 : index
        %get3A_170 = tpu.vector_load %arg8[%get3A_168, %get3A_169] {strides = array<i32>} : memref<80x128xf32, #tpu.memory_space<vmem>>, vector<1x16xf32>,
        %get3A_171 = vector.shape_cast %get3A_170 : vector<1x16xf32> to vector<16xf32>
        %get3A_172 = arith.index_cast %scan3A_153 : i32 to index
        %get3A_173 = arith.constant 16 : index
        %get3A_174 = tpu.vector_load %arg10[%get3A_172, %get3A_173] {strides = array<i32>} : memref<80x128xf32, #tpu.memory_space<vmem>>, vector<1x16xf32>,
        %get3A_175 = vector.shape_cast %get3A_174 : vector<1x16xf32> to vector<16xf32>
        %add3A_176 = arith.addf %get3A_171, %get3A_175 : vector<16xf32>
        %max3A_177 = arith.constant 0.000000e+00 : f32
        %max3A_178 = vector.broadcast %max3A_177 : f32 to vector<16xf32>
        %max3A_179 = arith.maximumf %add3A_176, %max3A_178 : vector<16xf32>
        %swap3A_180 = arith.index_cast %scan3A_153 : i32 to index
        %swap3A_181 = arith.constant 16 : index
        %swap3A_182 = tpu.vector_load %arg8[%swap3A_180, %swap3A_181] {strides = array<i32>} : memref<80x128xf32, #tpu.memory_space<vmem>>, vector<1x16xf32>,
        %swap3A_183 = vector.shape_cast %swap3A_182 : vector<1x16xf32> to vector<16xf32>
        %swap3A_184 = vector.shape_cast %max3A_179 : vector<16xf32> to vector<1x16xf32>
        tpu.vector_store %arg8[%swap3A_180, %swap3A_181], %swap3A_184 {strides = array<i32>} : memref<80x128xf32, #tpu.memory_space<vmem>>, vector<1x16xf32>,
        %get3A_185 = arith.index_cast %scan3A_153 : i32 to index
        %get3A_186 = arith.constant 32 : index
        %get3A_187 = tpu.vector_load %arg8[%get3A_185, %get3A_186] {strides = array<i32>} : memref<80x128xf32, #tpu.memory_space<vmem>>, vector<1x16xf32>,
        %get3A_188 = vector.shape_cast %get3A_187 : vector<1x16xf32> to vector<16xf32>
        %get3A_189 = arith.index_cast %scan3A_153 : i32 to index
        %get3A_190 = arith.constant 32 : index
        %get3A_191 = tpu.vector_load %arg10[%get3A_189, %get3A_190] {strides = array<i32>} : memref<80x128xf32, #tpu.memory_space<vmem>>, vector<1x16xf32>,
        %get3A_192 = vector.shape_cast %get3A_191 : vector<1x16xf32> to vector<16xf32>
        %add3A_193 = arith.addf %get3A_188, %get3A_192 : vector<16xf32>
        %max3A_194 = arith.constant 0.000000e+00 : f32
        %max3A_195 = vector.broadcast %max3A_194 : f32 to vector<16xf32>
        %max3A_196 = arith.maximumf %add3A_193, %max3A_195 : vector<16xf32>
        %swap3A_197 = arith.index_cast %scan3A_153 : i32 to index
        %swap3A_198 = arith.constant 32 : index
        %swap3A_199 = tpu.vector_load %arg8[%swap3A_197, %swap3A_198] {strides = array<i32>} : memref<80x128xf32, #tpu.memory_space<vmem>>, vector<1x16xf32>,
        %swap3A_200 = vector.shape_cast %swap3A_199 : vector<1x16xf32> to vector<16xf32>
        %swap3A_201 = vector.shape_cast %max3A_196 : vector<16xf32> to vector<1x16xf32>
        tpu.vector_store %arg8[%swap3A_197, %swap3A_198], %swap3A_201 {strides = array<i32>} : memref<80x128xf32, #tpu.memory_space<vmem>>, vector<1x16xf32>,
        %get3A_202 = arith.index_cast %scan3A_153 : i32 to index
        %get3A_203 = arith.constant 48 : index
        %get3A_204 = tpu.vector_load %arg8[%get3A_202, %get3A_203] {strides = array<i32>} : memref<80x128xf32, #tpu.memory_space<vmem>>, vector<1x16xf32>,
        %get3A_205 = vector.shape_cast %get3A_204 : vector<1x16xf32> to vector<16xf32>
        %get3A_206 = arith.index_cast %scan3A_153 : i32 to index
        %get3A_207 = arith.constant 48 : index
        %get3A_208 = tpu.vector_load %arg10[%get3A_206, %get3A_207] {strides = array<i32>} : memref<80x128xf32, #tpu.memory_space<vmem>>, vector<1x16xf32>,
        %get3A_209 = vector.shape_cast %get3A_208 : vector<1x16xf32> to vector<16xf32>
        %add3A_210 = arith.addf %get3A_205, %get3A_209 : vector<16xf32>
        %max3A_211 = arith.constant 0.000000e+00 : f32
        %max3A_212 = vector.broadcast %max3A_211 : f32 to vector<16xf32>
        %max3A_213 = arith.maximumf %add3A_210, %max3A_212 : vector<16xf32>
        %swap3A_214 = arith.index_cast %scan3A_153 : i32 to index
        %swap3A_215 = arith.constant 48 : index
        %swap3A_216 = tpu.vector_load %arg8[%swap3A_214, %swap3A_215] {strides = array<i32>} : memref<80x128xf32, #tpu.memory_space<vmem>>, vector<1x16xf32>,
        %swap3A_217 = vector.shape_cast %swap3A_216 : vector<1x16xf32> to vector<16xf32>
        %swap3A_218 = vector.shape_cast %max3A_213 : vector<16xf32> to vector<1x16xf32>
        tpu.vector_store %arg8[%swap3A_214, %swap3A_215], %swap3A_218 {strides = array<i32>} : memref<80x128xf32, #tpu.memory_space<vmem>>, vector<1x16xf32>,
        %get3A_219 = arith.index_cast %scan3A_153 : i32 to index
        %get3A_220 = arith.constant 64 : index
        %get3A_221 = tpu.vector_load %arg8[%get3A_219, %get3A_220] {strides = array<i32>} : memref<80x128xf32, #tpu.memory_space<vmem>>, vector<1x16xf32>,
        %get3A_222 = vector.shape_cast %get3A_221 : vector<1x16xf32> to vector<16xf32>
        %get3A_223 = arith.index_cast %scan3A_153 : i32 to index
        %get3A_224 = arith.constant 64 : index
        %get3A_225 = tpu.vector_load %arg10[%get3A_223, %get3A_224] {strides = array<i32>} : memref<80x128xf32, #tpu.memory_space<vmem>>, vector<1x16xf32>,
        %get3A_226 = vector.shape_cast %get3A_225 : vector<1x16xf32> to vector<16xf32>
        %add3A_227 = arith.addf %get3A_222, %get3A_226 : vector<16xf32>
        %max3A_228 = arith.constant 0.000000e+00 : f32
        %max3A_229 = vector.broadcast %max3A_228 : f32 to vector<16xf32>
        %max3A_230 = arith.maximumf %add3A_227, %max3A_229 : vector<16xf32>
        %swap3A_231 = arith.index_cast %scan3A_153 : i32 to index
        %swap3A_232 = arith.constant 64 : index
        %swap3A_233 = tpu.vector_load %arg8[%swap3A_231, %swap3A_232] {strides = array<i32>} : memref<80x128xf32, #tpu.memory_space<vmem>>, vector<1x16xf32>,
        %swap3A_234 = vector.shape_cast %swap3A_233 : vector<1x16xf32> to vector<16xf32>
        %swap3A_235 = vector.shape_cast %max3A_230 : vector<16xf32> to vector<1x16xf32>
        tpu.vector_store %arg8[%swap3A_231, %swap3A_232], %swap3A_235 {strides = array<i32>} : memref<80x128xf32, #tpu.memory_space<vmem>>, vector<1x16xf32>,
        %get3A_236 = arith.index_cast %scan3A_153 : i32 to index
        %get3A_237 = arith.constant 80 : index
        %get3A_238 = tpu.vector_load %arg8[%get3A_236, %get3A_237] {strides = array<i32>} : memref<80x128xf32, #tpu.memory_space<vmem>>, vector<1x16xf32>,
        %get3A_239 = vector.shape_cast %get3A_238 : vector<1x16xf32> to vector<16xf32>
        %get3A_240 = arith.index_cast %scan3A_153 : i32 to index
        %get3A_241 = arith.constant 80 : index
        %get3A_242 = tpu.vector_load %arg10[%get3A_240, %get3A_241] {strides = array<i32>} : memref<80x128xf32, #tpu.memory_space<vmem>>, vector<1x16xf32>,
        %get3A_243 = vector.shape_cast %get3A_242 : vector<1x16xf32> to vector<16xf32>
        %add3A_244 = arith.addf %get3A_239, %get3A_243 : vector<16xf32>
        %max3A_245 = arith.constant 0.000000e+00 : f32
        %max3A_246 = vector.broadcast %max3A_245 : f32 to vector<16xf32>
        %max3A_247 = arith.maximumf %add3A_244, %max3A_246 : vector<16xf32>
        %swap3A_248 = arith.index_cast %scan3A_153 : i32 to index
        %swap3A_249 = arith.constant 80 : index
        %swap3A_250 = tpu.vector_load %arg8[%swap3A_248, %swap3A_249] {strides = array<i32>} : memref<80x128xf32, #tpu.memory_space<vmem>>, vector<1x16xf32>,
        %swap3A_251 = vector.shape_cast %swap3A_250 : vector<1x16xf32> to vector<16xf32>
        %swap3A_252 = vector.shape_cast %max3A_247 : vector<16xf32> to vector<1x16xf32>
        tpu.vector_store %arg8[%swap3A_248, %swap3A_249], %swap3A_252 {strides = array<i32>} : memref<80x128xf32, #tpu.memory_space<vmem>>, vector<1x16xf32>,
        %get3A_253 = arith.index_cast %scan3A_153 : i32 to index
        %get3A_254 = arith.constant 96 : index
        %get3A_255 = tpu.vector_load %arg8[%get3A_253, %get3A_254] {strides = array<i32>} : memref<80x128xf32, #tpu.memory_space<vmem>>, vector<1x16xf32>,
        %get3A_256 = vector.shape_cast %get3A_255 : vector<1x16xf32> to vector<16xf32>
        %get3A_257 = arith.index_cast %scan3A_153 : i32 to index
        %get3A_258 = arith.constant 96 : index
        %get3A_259 = tpu.vector_load %arg10[%get3A_257, %get3A_258] {strides = array<i32>} : memref<80x128xf32, #tpu.memory_space<vmem>>, vector<1x16xf32>,
        %get3A_260 = vector.shape_cast %get3A_259 : vector<1x16xf32> to vector<16xf32>
        %add3A_261 = arith.addf %get3A_256, %get3A_260 : vector<16xf32>
        %max3A_262 = arith.constant 0.000000e+00 : f32
        %max3A_263 = vector.broadcast %max3A_262 : f32 to vector<16xf32>
        %max3A_264 = arith.maximumf %add3A_261, %max3A_263 : vector<16xf32>
        %swap3A_265 = arith.index_cast %scan3A_153 : i32 to index
        %swap3A_266 = arith.constant 96 : index
        %swap3A_267 = tpu.vector_load %arg8[%swap3A_265, %swap3A_266] {strides = array<i32>} : memref<80x128xf32, #tpu.memory_space<vmem>>, vector<1x16xf32>,
        %swap3A_268 = vector.shape_cast %swap3A_267 : vector<1x16xf32> to vector<16xf32>
        %swap3A_269 = vector.shape_cast %max3A_264 : vector<16xf32> to vector<1x16xf32>
        tpu.vector_store %arg8[%swap3A_265, %swap3A_266], %swap3A_269 {strides = array<i32>} : memref<80x128xf32, #tpu.memory_space<vmem>>, vector<1x16xf32>,
        %get3A_270 = arith.index_cast %scan3A_153 : i32 to index
        %get3A_271 = arith.constant 112 : index
        %get3A_272 = tpu.vector_load %arg8[%get3A_270, %get3A_271] {strides = array<i32>} : memref<80x128xf32, #tpu.memory_space<vmem>>, vector<1x16xf32>,
        %get3A_273 = vector.shape_cast %get3A_272 : vector<1x16xf32> to vector<16xf32>
        %get3A_274 = arith.index_cast %scan3A_153 : i32 to index
        %get3A_275 = arith.constant 112 : index
        %get3A_276 = tpu.vector_load %arg10[%get3A_274, %get3A_275] {strides = array<i32>} : memref<80x128xf32, #tpu.memory_space<vmem>>, vector<1x16xf32>,
        %get3A_277 = vector.shape_cast %get3A_276 : vector<1x16xf32> to vector<16xf32>
        %add3A_278 = arith.addf %get3A_273, %get3A_277 : vector<16xf32>
        %max3A_279 = arith.constant 0.000000e+00 : f32
        %max3A_280 = vector.broadcast %max3A_279 : f32 to vector<16xf32>
        %max3A_281 = arith.maximumf %add3A_278, %max3A_280 : vector<16xf32>
        %swap3A_282 = arith.index_cast %scan3A_153 : i32 to index
        %swap3A_283 = arith.constant 112 : index
        %swap3A_284 = tpu.vector_load %arg8[%swap3A_282, %swap3A_283] {strides = array<i32>} : memref<80x128xf32, #tpu.memory_space<vmem>>, vector<1x16xf32>,
        %swap3A_285 = vector.shape_cast %swap3A_284 : vector<1x16xf32> to vector<16xf32>
        %swap3A_286 = vector.shape_cast %max3A_281 : vector<16xf32> to vector<1x16xf32>
        tpu.vector_store %arg8[%swap3A_282, %swap3A_283], %swap3A_286 {strides = array<i32>} : memref<80x128xf32, #tpu.memory_space<vmem>>, vector<1x16xf32>,
        %scan3A_287 = arith.constant 1 : i32
        %scan3A_288 = arith.addi %scan3A_153, %scan3A_287 : i32
        %get3A_289 = arith.index_cast %scan3A_288 : i32 to index
        %get3A_290 = arith.constant 0 : index
        %get3A_291 = tpu.vector_load %arg8[%get3A_289, %get3A_290] {strides = array<i32>} : memref<80x128xf32, #tpu.memory_space<vmem>>, vector<1x16xf32>,
        %get3A_292 = vector.shape_cast %get3A_291 : vector<1x16xf32> to vector<16xf32>
        %get3A_293 = arith.index_cast %scan3A_288 : i32 to index
        %get3A_294 = arith.constant 0 : index
        %get3A_295 = tpu.vector_load %arg10[%get3A_293, %get3A_294] {strides = array<i32>} : memref<80x128xf32, #tpu.memory_space<vmem>>, vector<1x16xf32>,
        %get3A_296 = vector.shape_cast %get3A_295 : vector<1x16xf32> to vector<16xf32>
        %add3A_297 = arith.addf %get3A_292, %get3A_296 : vector<16xf32>
        %max3A_298 = arith.constant 0.000000e+00 : f32
        %max3A_299 = vector.broadcast %max3A_298 : f32 to vector<16xf32>
        %max3A_300 = arith.maximumf %add3A_297, %max3A_299 : vector<16xf32>
        %swap3A_301 = arith.index_cast %scan3A_288 : i32 to index
        %swap3A_302 = arith.constant 0 : index
        %swap3A_303 = tpu.vector_load %arg8[%swap3A_301, %swap3A_302] {strides = array<i32>} : memref<80x128xf32, #tpu.memory_space<vmem>>, vector<1x16xf32>,
        %swap3A_304 = vector.shape_cast %swap3A_303 : vector<1x16xf32> to vector<16xf32>
        %swap3A_305 = vector.shape_cast %max3A_300 : vector<16xf32> to vector<1x16xf32>
        tpu.vector_store %arg8[%swap3A_301, %swap3A_302], %swap3A_305 {strides = array<i32>} : memref<80x128xf32, #tpu.memory_space<vmem>>, vector<1x16xf32>,
        %get3A_306 = arith.index_cast %scan3A_288 : i32 to index
        %get3A_307 = arith.constant 16 : index
        %get3A_308 = tpu.vector_load %arg8[%get3A_306, %get3A_307] {strides = array<i32>} : memref<80x128xf32, #tpu.memory_space<vmem>>, vector<1x16xf32>,
        %get3A_309 = vector.shape_cast %get3A_308 : vector<1x16xf32> to vector<16xf32>
        %get3A_310 = arith.index_cast %scan3A_288 : i32 to index
        %get3A_311 = arith.constant 16 : index
        %get3A_312 = tpu.vector_load %arg10[%get3A_310, %get3A_311] {strides = array<i32>} : memref<80x128xf32, #tpu.memory_space<vmem>>, vector<1x16xf32>,
        %get3A_313 = vector.shape_cast %get3A_312 : vector<1x16xf32> to vector<16xf32>
        %add3A_314 = arith.addf %get3A_309, %get3A_313 : vector<16xf32>
        %max3A_315 = arith.constant 0.000000e+00 : f32
        %max3A_316 = vector.broadcast %max3A_315 : f32 to vector<16xf32>
        %max3A_317 = arith.maximumf %add3A_314, %max3A_316 : vector<16xf32>
        %swap3A_318 = arith.index_cast %scan3A_288 : i32 to index
        %swap3A_319 = arith.constant 16 : index
        %swap3A_320 = tpu.vector_load %arg8[%swap3A_318, %swap3A_319] {strides = array<i32>} : memref<80x128xf32, #tpu.memory_space<vmem>>, vector<1x16xf32>,
        %swap3A_321 = vector.shape_cast %swap3A_320 : vector<1x16xf32> to vector<16xf32>
        %swap3A_322 = vector.shape_cast %max3A_317 : vector<16xf32> to vector<1x16xf32>
        tpu.vector_store %arg8[%swap3A_318, %swap3A_319], %swap3A_322 {strides = array<i32>} : memref<80x128xf32, #tpu.memory_space<vmem>>, vector<1x16xf32>,
        %get3A_323 = arith.index_cast %scan3A_288 : i32 to index
        %get3A_324 = arith.constant 32 : index
        %get3A_325 = tpu.vector_load %arg8[%get3A_323, %get3A_324] {strides = array<i32>} : memref<80x128xf32, #tpu.memory_space<vmem>>, vector<1x16xf32>,
        %get3A_326 = vector.shape_cast %get3A_325 : vector<1x16xf32> to vector<16xf32>
        %get3A_327 = arith.index_cast %scan3A_288 : i32 to index
        %get3A_328 = arith.constant 32 : index
        %get3A_329 = tpu.vector_load %arg10[%get3A_327, %get3A_328] {strides = array<i32>} : memref<80x128xf32, #tpu.memory_space<vmem>>, vector<1x16xf32>,
        %get3A_330 = vector.shape_cast %get3A_329 : vector<1x16xf32> to vector<16xf32>
        %add3A_331 = arith.addf %get3A_326, %get3A_330 : vector<16xf32>
        %max3A_332 = arith.constant 0.000000e+00 : f32
        %max3A_333 = vector.broadcast %max3A_332 : f32 to vector<16xf32>
        %max3A_334 = arith.maximumf %add3A_331, %max3A_333 : vector<16xf32>
        %swap3A_335 = arith.index_cast %scan3A_288 : i32 to index
        %swap3A_336 = arith.constant 32 : index
        %swap3A_337 = tpu.vector_load %arg8[%swap3A_335, %swap3A_336] {strides = array<i32>} : memref<80x128xf32, #tpu.memory_space<vmem>>, vector<1x16xf32>,
        %swap3A_338 = vector.shape_cast %swap3A_337 : vector<1x16xf32> to vector<16xf32>
        %swap3A_339 = vector.shape_cast %max3A_334 : vector<16xf32> to vector<1x16xf32>
        tpu.vector_store %arg8[%swap3A_335, %swap3A_336], %swap3A_339 {strides = array<i32>} : memref<80x128xf32, #tpu.memory_space<vmem>>, vector<1x16xf32>,
        %get3A_340 = arith.index_cast %scan3A_288 : i32 to index
        %get3A_341 = arith.constant 48 : index
        %get3A_342 = tpu.vector_load %arg8[%get3A_340, %get3A_341] {strides = array<i32>} : memref<80x128xf32, #tpu.memory_space<vmem>>, vector<1x16xf32>,
        %get3A_343 = vector.shape_cast %get3A_342 : vector<1x16xf32> to vector<16xf32>
        %get3A_344 = arith.index_cast %scan3A_288 : i32 to index
        %get3A_345 = arith.constant 48 : index
        %get3A_346 = tpu.vector_load %arg10[%get3A_344, %get3A_345] {strides = array<i32>} : memref<80x128xf32, #tpu.memory_space<vmem>>, vector<1x16xf32>,
        %get3A_347 = vector.shape_cast %get3A_346 : vector<1x16xf32> to vector<16xf32>
        %add3A_348 = arith.addf %get3A_343, %get3A_347 : vector<16xf32>
        %max3A_349 = arith.constant 0.000000e+00 : f32
        %max3A_350 = vector.broadcast %max3A_349 : f32 to vector<16xf32>
        %max3A_351 = arith.maximumf %add3A_348, %max3A_350 : vector<16xf32>
        %swap3A_352 = arith.index_cast %scan3A_288 : i32 to index
        %swap3A_353 = arith.constant 48 : index
        %swap3A_354 = tpu.vector_load %arg8[%swap3A_352, %swap3A_353] {strides = array<i32>} : memref<80x128xf32, #tpu.memory_space<vmem>>, vector<1x16xf32>,
        %swap3A_355 = vector.shape_cast %swap3A_354 : vector<1x16xf32> to vector<16xf32>
        %swap3A_356 = vector.shape_cast %max3A_351 : vector<16xf32> to vector<1x16xf32>
        tpu.vector_store %arg8[%swap3A_352, %swap3A_353], %swap3A_356 {strides = array<i32>} : memref<80x128xf32, #tpu.memory_space<vmem>>, vector<1x16xf32>,
        %get3A_357 = arith.index_cast %scan3A_288 : i32 to index
        %get3A_358 = arith.constant 64 : index
        %get3A_359 = tpu.vector_load %arg8[%get3A_357, %get3A_358] {strides = array<i32>} : memref<80x128xf32, #tpu.memory_space<vmem>>, vector<1x16xf32>,
        %get3A_360 = vector.shape_cast %get3A_359 : vector<1x16xf32> to vector<16xf32>
        %get3A_361 = arith.index_cast %scan3A_288 : i32 to index
        %get3A_362 = arith.constant 64 : index
        %get3A_363 = tpu.vector_load %arg10[%get3A_361, %get3A_362] {strides = array<i32>} : memref<80x128xf32, #tpu.memory_space<vmem>>, vector<1x16xf32>,
        %get3A_364 = vector.shape_cast %get3A_363 : vector<1x16xf32> to vector<16xf32>
        %add3A_365 = arith.addf %get3A_360, %get3A_364 : vector<16xf32>
        %max3A_366 = arith.constant 0.000000e+00 : f32
        %max3A_367 = vector.broadcast %max3A_366 : f32 to vector<16xf32>
        %max3A_368 = arith.maximumf %add3A_365, %max3A_367 : vector<16xf32>
        %swap3A_369 = arith.index_cast %scan3A_288 : i32 to index
        %swap3A_370 = arith.constant 64 : index
        %swap3A_371 = tpu.vector_load %arg8[%swap3A_369, %swap3A_370] {strides = array<i32>} : memref<80x128xf32, #tpu.memory_space<vmem>>, vector<1x16xf32>,
        %swap3A_372 = vector.shape_cast %swap3A_371 : vector<1x16xf32> to vector<16xf32>
        %swap3A_373 = vector.shape_cast %max3A_368 : vector<16xf32> to vector<1x16xf32>
        tpu.vector_store %arg8[%swap3A_369, %swap3A_370], %swap3A_373 {strides = array<i32>} : memref<80x128xf32, #tpu.memory_space<vmem>>, vector<1x16xf32>,
        %get3A_374 = arith.index_cast %scan3A_288 : i32 to index
        %get3A_375 = arith.constant 80 : index
        %get3A_376 = tpu.vector_load %arg8[%get3A_374, %get3A_375] {strides = array<i32>} : memref<80x128xf32, #tpu.memory_space<vmem>>, vector<1x16xf32>,
        %get3A_377 = vector.shape_cast %get3A_376 : vector<1x16xf32> to vector<16xf32>
        %get3A_378 = arith.index_cast %scan3A_288 : i32 to index
        %get3A_379 = arith.constant 80 : index
        %get3A_380 = tpu.vector_load %arg10[%get3A_378, %get3A_379] {strides = array<i32>} : memref<80x128xf32, #tpu.memory_space<vmem>>, vector<1x16xf32>,
        %get3A_381 = vector.shape_cast %get3A_380 : vector<1x16xf32> to vector<16xf32>
        %add3A_382 = arith.addf %get3A_377, %get3A_381 : vector<16xf32>
        %max3A_383 = arith.constant 0.000000e+00 : f32
        %max3A_384 = vector.broadcast %max3A_383 : f32 to vector<16xf32>
        %max3A_385 = arith.maximumf %add3A_382, %max3A_384 : vector<16xf32>
        %swap3A_386 = arith.index_cast %scan3A_288 : i32 to index
        %swap3A_387 = arith.constant 80 : index
        %swap3A_388 = tpu.vector_load %arg8[%swap3A_386, %swap3A_387] {strides = array<i32>} : memref<80x128xf32, #tpu.memory_space<vmem>>, vector<1x16xf32>,
        %swap3A_389 = vector.shape_cast %swap3A_388 : vector<1x16xf32> to vector<16xf32>
        %swap3A_390 = vector.shape_cast %max3A_385 : vector<16xf32> to vector<1x16xf32>
        tpu.vector_store %arg8[%swap3A_386, %swap3A_387], %swap3A_390 {strides = array<i32>} : memref<80x128xf32, #tpu.memory_space<vmem>>, vector<1x16xf32>,
        %get3A_391 = arith.index_cast %scan3A_288 : i32 to index
        %get3A_392 = arith.constant 96 : index
        %get3A_393 = tpu.vector_load %arg8[%get3A_391, %get3A_392] {strides = array<i32>} : memref<80x128xf32, #tpu.memory_space<vmem>>, vector<1x16xf32>,
        %get3A_394 = vector.shape_cast %get3A_393 : vector<1x16xf32> to vector<16xf32>
        %get3A_395 = arith.index_cast %scan3A_288 : i32 to index
        %get3A_396 = arith.constant 96 : index
        %get3A_397 = tpu.vector_load %arg10[%get3A_395, %get3A_396] {strides = array<i32>} : memref<80x128xf32, #tpu.memory_space<vmem>>, vector<1x16xf32>,
        %get3A_398 = vector.shape_cast %get3A_397 : vector<1x16xf32> to vector<16xf32>
        %add3A_399 = arith.addf %get3A_394, %get3A_398 : vector<16xf32>
        %max3A_400 = arith.constant 0.000000e+00 : f32
        %max3A_401 = vector.broadcast %max3A_400 : f32 to vector<16xf32>
        %max3A_402 = arith.maximumf %add3A_399, %max3A_401 : vector<16xf32>
        %swap3A_403 = arith.index_cast %scan3A_288 : i32 to index
        %swap3A_404 = arith.constant 96 : index
        %swap3A_405 = tpu.vector_load %arg8[%swap3A_403, %swap3A_404] {strides = array<i32>} : memref<80x128xf32, #tpu.memory_space<vmem>>, vector<1x16xf32>,
        %swap3A_406 = vector.shape_cast %swap3A_405 : vector<1x16xf32> to vector<16xf32>
        %swap3A_407 = vector.shape_cast %max3A_402 : vector<16xf32> to vector<1x16xf32>
        tpu.vector_store %arg8[%swap3A_403, %swap3A_404], %swap3A_407 {strides = array<i32>} : memref<80x128xf32, #tpu.memory_space<vmem>>, vector<1x16xf32>,
        %get3A_408 = arith.index_cast %scan3A_288 : i32 to index
        %get3A_409 = arith.constant 112 : index
        %get3A_410 = tpu.vector_load %arg8[%get3A_408, %get3A_409] {strides = array<i32>} : memref<80x128xf32, #tpu.memory_space<vmem>>, vector<1x16xf32>,
        %get3A_411 = vector.shape_cast %get3A_410 : vector<1x16xf32> to vector<16xf32>
        %get3A_412 = arith.index_cast %scan3A_288 : i32 to index
        %get3A_413 = arith.constant 112 : index
        %get3A_414 = tpu.vector_load %arg10[%get3A_412, %get3A_413] {strides = array<i32>} : memref<80x128xf32, #tpu.memory_space<vmem>>, vector<1x16xf32>,
        %get3A_415 = vector.shape_cast %get3A_414 : vector<1x16xf32> to vector<16xf32>
        %add3A_416 = arith.addf %get3A_411, %get3A_415 : vector<16xf32>
        %max3A_417 = arith.constant 0.000000e+00 : f32
        %max3A_418 = vector.broadcast %max3A_417 : f32 to vector<16xf32>
        %max3A_419 = arith.maximumf %add3A_416, %max3A_418 : vector<16xf32>
        %swap3A_420 = arith.index_cast %scan3A_288 : i32 to index
        %swap3A_421 = arith.constant 112 : index
        %swap3A_422 = tpu.vector_load %arg8[%swap3A_420, %swap3A_421] {strides = array<i32>} : memref<80x128xf32, #tpu.memory_space<vmem>>, vector<1x16xf32>,
        %swap3A_423 = vector.shape_cast %swap3A_422 : vector<1x16xf32> to vector<16xf32>
        %swap3A_424 = vector.shape_cast %max3A_419 : vector<16xf32> to vector<1x16xf32>
        tpu.vector_store %arg8[%swap3A_420, %swap3A_421], %swap3A_424 {strides = array<i32>} : memref<80x128xf32, #tpu.memory_space<vmem>>, vector<1x16xf32>,
      }
      %scan3A_111 = arith.constant 80 : i32
      %run_scoped3A = arith.constant 1 : i32
      "tpu.region"() ({
        %run_scoped3A_153 = tpu.sem_alloc : memref<!tpu.dma_semaphore, #tpu.memory_space<semaphore_mem>>
        %dma_start3A_154 = arith.constant 0 : i32
        %dma_start3A_155 = tpu.memref_slice %arg6[%run_scoped3A, %dma_start3A_154] : memref<2x80xi32, #tpu.memory_space<vmem>> -> memref<1x80xi32, #tpu.memory_space<vmem>>
        %dma_start3A_156 = tpu.memref_squeeze %dma_start3A_155 : memref<1x80xi32, #tpu.memory_space<vmem>> -> memref<80xi32, #tpu.memory_space<vmem>>
        %dma_start3A_157 = arith.constant 0 : i32
        %dma_start3A_158 = arith.constant 0 : i32
        %dma_start3A_159 = tpu.memref_slice %arg12[%dma_start3A_157, %dma_start3A_158] : memref<10112x128xf32, #tpu.memory_space<vmem_shared>> -> memref<10112x128xf32, #tpu.memory_space<vmem_shared>>
        tpu.enqueue_indirect_dma source(%arg8 : memref<80x128xf32, #tpu.memory_space<vmem>>) target(%dma_start3A_159 : memref<10112x128xf32, #tpu.memory_space<vmem_shared>>) offsets(%dma_start3A_156 : memref<80xi32, #tpu.memory_space<vmem>>) semaphore(%run_scoped3A_153 : memref<!tpu.dma_semaphore, #tpu.memory_space<semaphore_mem>>) {add = true}
        %dma_wait3A_160 = arith.constant 0 : i32
        %dma_wait3A_161 = tpu.memref_slice %arg6[%run_scoped3A, %dma_wait3A_160] : memref<2x80xi32, #tpu.memory_space<vmem>> -> memref<1x80xi32, #tpu.memory_space<vmem>>
        %dma_wait3A_162 = tpu.memref_squeeze %dma_wait3A_161 : memref<1x80xi32, #tpu.memory_space<vmem>> -> memref<80xi32, #tpu.memory_space<vmem>>
        %dma_wait3A_163 = arith.constant 0 : i32
        %dma_wait3A_164 = arith.constant 0 : i32
        %dma_wait3A_165 = tpu.memref_slice %arg12[%dma_wait3A_163, %dma_wait3A_164] : memref<10112x128xf32, #tpu.memory_space<vmem_shared>> -> memref<10112x128xf32, #tpu.memory_space<vmem_shared>>
        tpu.wait_indirect_dma semaphore(%run_scoped3A_153 : memref<!tpu.dma_semaphore, #tpu.memory_space<semaphore_mem>>) src(%arg8 : memref<80x128xf32, #tpu.memory_space<vmem>>) dst(%dma_wait3A_165 : memref<10112x128xf32, #tpu.memory_space<vmem_shared>>)
        tpu.yield
      }) : () -> ()
      %lt3A_112 = arith.constant 62 : i32
      %lt3A_113 = arith.cmpi slt, %scan3A_83, %lt3A_112 : i32
      %convert_element_type3A_114 = arith.extui %lt3A_113 : i1 to i32
      %cond3A_115 = arith.constant 0 : i32
      %cond3A_116 = arith.cmpi ne, %convert_element_type3A_114, %cond3A_115 : i32
      scf.if %cond3A_116 {
        %add3A_153 = arith.constant 2 : i32
        %add3A_154 = arith.addi %add3A_88, %add3A_153 : i32
        %dma_wait3A_155 = arith.constant 0 : i32
        %dma_wait3A_156 = arith.constant 0 : i32
        %dma_wait3A_157 = tpu.memref_slice %arg4[%add3A_154, %dma_wait3A_155, %dma_wait3A_156] : memref<4032x2x80xi32, #tpu.memory_space<hbm>> -> memref<1x2x80xi32, #tpu.memory_space<hbm>>
        %dma_wait3A_158 = tpu.memref_squeeze %dma_wait3A_157 : memref<1x2x80xi32, #tpu.memory_space<hbm>> -> memref<2x80xi32, #tpu.memory_space<hbm>>
        %dma_wait3A_159 = arith.constant 0 : i32
        %dma_wait3A_160 = arith.constant 0 : i32
        %dma_wait3A_161 = tpu.memref_slice %arg4[%add3A_154, %dma_wait3A_159, %dma_wait3A_160] : memref<4032x2x80xi32, #tpu.memory_space<hbm>> -> memref<1x2x80xi32, #tpu.memory_space<hbm>>
        %dma_wait3A_162 = tpu.memref_squeeze %dma_wait3A_161 : memref<1x2x80xi32, #tpu.memory_space<hbm>> -> memref<2x80xi32, #tpu.memory_space<hbm>>
        tpu.wait_dma2 semaphore(%arg17 : memref<!tpu.dma_semaphore, #tpu.memory_space<semaphore_mem>>) src(%dma_wait3A_162 : memref<2x80xi32, #tpu.memory_space<hbm>>) dst(%arg6 : memref<2x80xi32, #tpu.memory_space<vmem>>)
        %add3A_163 = arith.constant 2 : i32
        %add3A_164 = arith.addi %add3A_88, %add3A_163 : i32
        %dma_start3A_165 = arith.constant 1 : i32
        %dma_start3A_166 = arith.constant 0 : i32
        %dma_start3A_167 = tpu.memref_slice %arg6[%dma_start3A_165, %dma_start3A_166] : memref<2x80xi32, #tpu.memory_space<vmem>> -> memref<1x80xi32, #tpu.memory_space<vmem>>
        %dma_start3A_168 = tpu.memref_squeeze %dma_start3A_167 : memref<1x80xi32, #tpu.memory_space<vmem>> -> memref<80xi32, #tpu.memory_space<vmem>>
        %dma_start3A_169 = arith.constant 0 : i32
        %dma_start3A_170 = arith.constant 0 : i32
        %dma_start3A_171 = tpu.memref_slice %arg2[%dma_start3A_169, %dma_start3A_170] : memref<10240x128xf32, #tpu.memory_space<hbm>> -> memref<10240x128xf32, #tpu.memory_space<hbm>>
        tpu.enqueue_indirect_dma source(%dma_start3A_171 : memref<10240x128xf32, #tpu.memory_space<hbm>>) target(%arg8 : memref<80x128xf32, #tpu.memory_space<vmem>>) offsets(%dma_start3A_168 : memref<80xi32, #tpu.memory_space<vmem>>) semaphore(%arg13 : memref<!tpu.dma_semaphore, #tpu.memory_space<semaphore_mem>>)
        %dma_start3A_172 = arith.constant 0 : i32
        %dma_start3A_173 = arith.constant 0 : i32
        %dma_start3A_174 = tpu.memref_slice %arg6[%dma_start3A_172, %dma_start3A_173] : memref<2x80xi32, #tpu.memory_space<vmem>> -> memref<1x80xi32, #tpu.memory_space<vmem>>
        %dma_start3A_175 = tpu.memref_squeeze %dma_start3A_174 : memref<1x80xi32, #tpu.memory_space<vmem>> -> memref<80xi32, #tpu.memory_space<vmem>>
        %dma_start3A_176 = arith.constant 0 : i32
        %dma_start3A_177 = arith.constant 0 : i32
        %dma_start3A_178 = tpu.memref_slice %arg3[%dma_start3A_176, %dma_start3A_177] : memref<10240x128xf32, #tpu.memory_space<hbm>> -> memref<10240x128xf32, #tpu.memory_space<hbm>>
        tpu.enqueue_indirect_dma source(%dma_start3A_178 : memref<10240x128xf32, #tpu.memory_space<hbm>>) target(%arg10 : memref<80x128xf32, #tpu.memory_space<vmem>>) offsets(%dma_start3A_175 : memref<80xi32, #tpu.memory_space<vmem>>) semaphore(%arg15 : memref<!tpu.dma_semaphore, #tpu.memory_space<semaphore_mem>>)
      } else {
      }
      %mul3A_117 = arith.constant 2 : i32
      %mul3A_118 = arith.muli %mul3A_117, %scan3A_83 : i32
      %add3A_119 = arith.addi %mul3A_2, %mul3A_118 : i32
      %add3A_120 = arith.constant 1 : i32
      %add3A_121 = arith.addi %add3A_119, %add3A_120 : i32
      %dma_wait3A_122 = arith.constant 1 : i32
      %dma_wait3A_123 = arith.constant 0 : i32
      %dma_wait3A_124 = tpu.memref_slice %arg7[%dma_wait3A_122, %dma_wait3A_123] : memref<2x80xi32, #tpu.memory_space<vmem>> -> memref<1x80xi32, #tpu.memory_space<vmem>>
      %dma_wait3A_125 = tpu.memref_squeeze %dma_wait3A_124 : memref<1x80xi32, #tpu.memory_space<vmem>> -> memref<80xi32, #tpu.memory_space<vmem>>
      %dma_wait3A_126 = arith.constant 0 : i32
      %dma_wait3A_127 = arith.constant 0 : i32
      %dma_wait3A_128 = tpu.memref_slice %arg2[%dma_wait3A_126, %dma_wait3A_127] : memref<10240x128xf32, #tpu.memory_space<hbm>> -> memref<10240x128xf32, #tpu.memory_space<hbm>>
      tpu.wait_indirect_dma semaphore(%arg14 : memref<!tpu.dma_semaphore, #tpu.memory_space<semaphore_mem>>) src(%dma_wait3A_128 : memref<10240x128xf32, #tpu.memory_space<hbm>>) dst(%arg9 : memref<80x128xf32, #tpu.memory_space<vmem>>)
      %dma_wait3A_129 = arith.constant 0 : i32
      %dma_wait3A_130 = arith.constant 0 : i32
      %dma_wait3A_131 = tpu.memref_slice %arg7[%dma_wait3A_129, %dma_wait3A_130] : memref<2x80xi32, #tpu.memory_space<vmem>> -> memref<1x80xi32, #tpu.memory_space<vmem>>
      %dma_wait3A_132 = tpu.memref_squeeze %dma_wait3A_131 : memref<1x80xi32, #tpu.memory_space<vmem>> -> memref<80xi32, #tpu.memory_space<vmem>>
      %dma_wait3A_133 = arith.constant 0 : i32
      %dma_wait3A_134 = arith.constant 0 : i32
      %dma_wait3A_135 = tpu.memref_slice %arg3[%dma_wait3A_133, %dma_wait3A_134] : memref<10240x128xf32, #tpu.memory_space<hbm>> -> memref<10240x128xf32, #tpu.memory_space<hbm>>
      tpu.wait_indirect_dma semaphore(%arg16 : memref<!tpu.dma_semaphore, #tpu.memory_space<semaphore_mem>>) src(%dma_wait3A_135 : memref<10240x128xf32, #tpu.memory_space<hbm>>) dst(%arg11 : memref<80x128xf32, #tpu.memory_space<vmem>>)
      %lt3A_136 = arith.constant 62 : i32
      %lt3A_137 = arith.cmpi slt, %scan3A_83, %lt3A_136 : i32
      %convert_element_type3A_138 = arith.extui %lt3A_137 : i1 to i32
      %cond3A_139 = arith.constant 0 : i32
      %cond3A_140 = arith.cmpi ne, %convert_element_type3A_138, %cond3A_139 : i32
      scf.if %cond3A_140 {
        %add3A_153 = arith.constant 2 : i32
        %add3A_154 = arith.addi %add3A_121, %add3A_153 : i32
        %dma_start3A_155 = arith.constant 0 : i32
        %dma_start3A_156 = arith.constant 0 : i32
        %dma_start3A_157 = tpu.memref_slice %arg4[%add3A_154, %dma_start3A_155, %dma_start3A_156] : memref<4032x2x80xi32, #tpu.memory_space<hbm>> -> memref<1x2x80xi32, #tpu.memory_space<hbm>>
        %dma_start3A_158 = tpu.memref_squeeze %dma_start3A_157 : memref<1x2x80xi32, #tpu.memory_space<hbm>> -> memref<2x80xi32, #tpu.memory_space<hbm>>
        %dma_start3A_159 = arith.constant 0 : i32
        %dma_start3A_160 = arith.constant 0 : i32
        %dma_start3A_161 = tpu.memref_slice %arg4[%add3A_154, %dma_start3A_159, %dma_start3A_160] : memref<4032x2x80xi32, #tpu.memory_space<hbm>> -> memref<1x2x80xi32, #tpu.memory_space<hbm>>
        %dma_start3A_162 = tpu.memref_squeeze %dma_start3A_161 : memref<1x2x80xi32, #tpu.memory_space<hbm>> -> memref<2x80xi32, #tpu.memory_space<hbm>>
        tpu.enqueue_dma source(%dma_start3A_162 : memref<2x80xi32, #tpu.memory_space<hbm>>) target(%arg7 : memref<2x80xi32, #tpu.memory_space<vmem>>) target_semaphore(%arg18 : memref<!tpu.dma_semaphore, #tpu.memory_space<semaphore_mem>>)
      } else {
      }
      %scan3A_141 = arith.constant 0 : i32
      %scan3A_142 = arith.constant 0 : i32
      %scan3A_143 = arith.constant 80 : i32
      %scan3A_144 = arith.addi %scan3A_142, %scan3A_143 : i32
      %scan3A_145 = arith.constant 2 : i32
      scf.for %scan3A_153 = %scan3A_142 to %scan3A_144 step %scan3A_145  : i32 {
        %get3A = arith.index_cast %scan3A_153 : i32 to index
        %get3A_154 = arith.constant 0 : index
        %get3A_155 = tpu.vector_load %arg9[%get3A, %get3A_154] {strides = array<i32>} : memref<80x128xf32, #tpu.memory_space<vmem>>, vector<1x16xf32>,
        %get3A_156 = vector.shape_cast %get3A_155 : vector<1x16xf32> to vector<16xf32>
        %get3A_157 = arith.index_cast %scan3A_153 : i32 to index
        %get3A_158 = arith.constant 0 : index
        %get3A_159 = tpu.vector_load %arg11[%get3A_157, %get3A_158] {strides = array<i32>} : memref<80x128xf32, #tpu.memory_space<vmem>>, vector<1x16xf32>,
        %get3A_160 = vector.shape_cast %get3A_159 : vector<1x16xf32> to vector<16xf32>
        %add3A_161 = arith.addf %get3A_156, %get3A_160 : vector<16xf32>
        %max3A = arith.constant 0.000000e+00 : f32
        %max3A_162 = vector.broadcast %max3A : f32 to vector<16xf32>
        %max3A_163 = arith.maximumf %add3A_161, %max3A_162 : vector<16xf32>
        %swap3A = arith.index_cast %scan3A_153 : i32 to index
        %swap3A_164 = arith.constant 0 : index
        %swap3A_165 = tpu.vector_load %arg9[%swap3A, %swap3A_164] {strides = array<i32>} : memref<80x128xf32, #tpu.memory_space<vmem>>, vector<1x16xf32>,
        %swap3A_166 = vector.shape_cast %swap3A_165 : vector<1x16xf32> to vector<16xf32>
        %swap3A_167 = vector.shape_cast %max3A_163 : vector<16xf32> to vector<1x16xf32>
        tpu.vector_store %arg9[%swap3A, %swap3A_164], %swap3A_167 {strides = array<i32>} : memref<80x128xf32, #tpu.memory_space<vmem>>, vector<1x16xf32>,
        %get3A_168 = arith.index_cast %scan3A_153 : i32 to index
        %get3A_169 = arith.constant 16 : index
        %get3A_170 = tpu.vector_load %arg9[%get3A_168, %get3A_169] {strides = array<i32>} : memref<80x128xf32, #tpu.memory_space<vmem>>, vector<1x16xf32>,
        %get3A_171 = vector.shape_cast %get3A_170 : vector<1x16xf32> to vector<16xf32>
        %get3A_172 = arith.index_cast %scan3A_153 : i32 to index
        %get3A_173 = arith.constant 16 : index
        %get3A_174 = tpu.vector_load %arg11[%get3A_172, %get3A_173] {strides = array<i32>} : memref<80x128xf32, #tpu.memory_space<vmem>>, vector<1x16xf32>,
        %get3A_175 = vector.shape_cast %get3A_174 : vector<1x16xf32> to vector<16xf32>
        %add3A_176 = arith.addf %get3A_171, %get3A_175 : vector<16xf32>
        %max3A_177 = arith.constant 0.000000e+00 : f32
        %max3A_178 = vector.broadcast %max3A_177 : f32 to vector<16xf32>
        %max3A_179 = arith.maximumf %add3A_176, %max3A_178 : vector<16xf32>
        %swap3A_180 = arith.index_cast %scan3A_153 : i32 to index
        %swap3A_181 = arith.constant 16 : index
        %swap3A_182 = tpu.vector_load %arg9[%swap3A_180, %swap3A_181] {strides = array<i32>} : memref<80x128xf32, #tpu.memory_space<vmem>>, vector<1x16xf32>,
        %swap3A_183 = vector.shape_cast %swap3A_182 : vector<1x16xf32> to vector<16xf32>
        %swap3A_184 = vector.shape_cast %max3A_179 : vector<16xf32> to vector<1x16xf32>
        tpu.vector_store %arg9[%swap3A_180, %swap3A_181], %swap3A_184 {strides = array<i32>} : memref<80x128xf32, #tpu.memory_space<vmem>>, vector<1x16xf32>,
        %get3A_185 = arith.index_cast %scan3A_153 : i32 to index
        %get3A_186 = arith.constant 32 : index
        %get3A_187 = tpu.vector_load %arg9[%get3A_185, %get3A_186] {strides = array<i32>} : memref<80x128xf32, #tpu.memory_space<vmem>>, vector<1x16xf32>,
        %get3A_188 = vector.shape_cast %get3A_187 : vector<1x16xf32> to vector<16xf32>
        %get3A_189 = arith.index_cast %scan3A_153 : i32 to index
        %get3A_190 = arith.constant 32 : index
        %get3A_191 = tpu.vector_load %arg11[%get3A_189, %get3A_190] {strides = array<i32>} : memref<80x128xf32, #tpu.memory_space<vmem>>, vector<1x16xf32>,
        %get3A_192 = vector.shape_cast %get3A_191 : vector<1x16xf32> to vector<16xf32>
        %add3A_193 = arith.addf %get3A_188, %get3A_192 : vector<16xf32>
        %max3A_194 = arith.constant 0.000000e+00 : f32
        %max3A_195 = vector.broadcast %max3A_194 : f32 to vector<16xf32>
        %max3A_196 = arith.maximumf %add3A_193, %max3A_195 : vector<16xf32>
        %swap3A_197 = arith.index_cast %scan3A_153 : i32 to index
        %swap3A_198 = arith.constant 32 : index
        %swap3A_199 = tpu.vector_load %arg9[%swap3A_197, %swap3A_198] {strides = array<i32>} : memref<80x128xf32, #tpu.memory_space<vmem>>, vector<1x16xf32>,
        %swap3A_200 = vector.shape_cast %swap3A_199 : vector<1x16xf32> to vector<16xf32>
        %swap3A_201 = vector.shape_cast %max3A_196 : vector<16xf32> to vector<1x16xf32>
        tpu.vector_store %arg9[%swap3A_197, %swap3A_198], %swap3A_201 {strides = array<i32>} : memref<80x128xf32, #tpu.memory_space<vmem>>, vector<1x16xf32>,
        %get3A_202 = arith.index_cast %scan3A_153 : i32 to index
        %get3A_203 = arith.constant 48 : index
        %get3A_204 = tpu.vector_load %arg9[%get3A_202, %get3A_203] {strides = array<i32>} : memref<80x128xf32, #tpu.memory_space<vmem>>, vector<1x16xf32>,
        %get3A_205 = vector.shape_cast %get3A_204 : vector<1x16xf32> to vector<16xf32>
        %get3A_206 = arith.index_cast %scan3A_153 : i32 to index
        %get3A_207 = arith.constant 48 : index
        %get3A_208 = tpu.vector_load %arg11[%get3A_206, %get3A_207] {strides = array<i32>} : memref<80x128xf32, #tpu.memory_space<vmem>>, vector<1x16xf32>,
        %get3A_209 = vector.shape_cast %get3A_208 : vector<1x16xf32> to vector<16xf32>
        %add3A_210 = arith.addf %get3A_205, %get3A_209 : vector<16xf32>
        %max3A_211 = arith.constant 0.000000e+00 : f32
        %max3A_212 = vector.broadcast %max3A_211 : f32 to vector<16xf32>
        %max3A_213 = arith.maximumf %add3A_210, %max3A_212 : vector<16xf32>
        %swap3A_214 = arith.index_cast %scan3A_153 : i32 to index
        %swap3A_215 = arith.constant 48 : index
        %swap3A_216 = tpu.vector_load %arg9[%swap3A_214, %swap3A_215] {strides = array<i32>} : memref<80x128xf32, #tpu.memory_space<vmem>>, vector<1x16xf32>,
        %swap3A_217 = vector.shape_cast %swap3A_216 : vector<1x16xf32> to vector<16xf32>
        %swap3A_218 = vector.shape_cast %max3A_213 : vector<16xf32> to vector<1x16xf32>
        tpu.vector_store %arg9[%swap3A_214, %swap3A_215], %swap3A_218 {strides = array<i32>} : memref<80x128xf32, #tpu.memory_space<vmem>>, vector<1x16xf32>,
        %get3A_219 = arith.index_cast %scan3A_153 : i32 to index
        %get3A_220 = arith.constant 64 : index
        %get3A_221 = tpu.vector_load %arg9[%get3A_219, %get3A_220] {strides = array<i32>} : memref<80x128xf32, #tpu.memory_space<vmem>>, vector<1x16xf32>,
        %get3A_222 = vector.shape_cast %get3A_221 : vector<1x16xf32> to vector<16xf32>
        %get3A_223 = arith.index_cast %scan3A_153 : i32 to index
        %get3A_224 = arith.constant 64 : index
        %get3A_225 = tpu.vector_load %arg11[%get3A_223, %get3A_224] {strides = array<i32>} : memref<80x128xf32, #tpu.memory_space<vmem>>, vector<1x16xf32>,
        %get3A_226 = vector.shape_cast %get3A_225 : vector<1x16xf32> to vector<16xf32>
        %add3A_227 = arith.addf %get3A_222, %get3A_226 : vector<16xf32>
        %max3A_228 = arith.constant 0.000000e+00 : f32
        %max3A_229 = vector.broadcast %max3A_228 : f32 to vector<16xf32>
        %max3A_230 = arith.maximumf %add3A_227, %max3A_229 : vector<16xf32>
        %swap3A_231 = arith.index_cast %scan3A_153 : i32 to index
        %swap3A_232 = arith.constant 64 : index
        %swap3A_233 = tpu.vector_load %arg9[%swap3A_231, %swap3A_232] {strides = array<i32>} : memref<80x128xf32, #tpu.memory_space<vmem>>, vector<1x16xf32>,
        %swap3A_234 = vector.shape_cast %swap3A_233 : vector<1x16xf32> to vector<16xf32>
        %swap3A_235 = vector.shape_cast %max3A_230 : vector<16xf32> to vector<1x16xf32>
        tpu.vector_store %arg9[%swap3A_231, %swap3A_232], %swap3A_235 {strides = array<i32>} : memref<80x128xf32, #tpu.memory_space<vmem>>, vector<1x16xf32>,
        %get3A_236 = arith.index_cast %scan3A_153 : i32 to index
        %get3A_237 = arith.constant 80 : index
        %get3A_238 = tpu.vector_load %arg9[%get3A_236, %get3A_237] {strides = array<i32>} : memref<80x128xf32, #tpu.memory_space<vmem>>, vector<1x16xf32>,
        %get3A_239 = vector.shape_cast %get3A_238 : vector<1x16xf32> to vector<16xf32>
        %get3A_240 = arith.index_cast %scan3A_153 : i32 to index
        %get3A_241 = arith.constant 80 : index
        %get3A_242 = tpu.vector_load %arg11[%get3A_240, %get3A_241] {strides = array<i32>} : memref<80x128xf32, #tpu.memory_space<vmem>>, vector<1x16xf32>,
        %get3A_243 = vector.shape_cast %get3A_242 : vector<1x16xf32> to vector<16xf32>
        %add3A_244 = arith.addf %get3A_239, %get3A_243 : vector<16xf32>
        %max3A_245 = arith.constant 0.000000e+00 : f32
        %max3A_246 = vector.broadcast %max3A_245 : f32 to vector<16xf32>
        %max3A_247 = arith.maximumf %add3A_244, %max3A_246 : vector<16xf32>
        %swap3A_248 = arith.index_cast %scan3A_153 : i32 to index
        %swap3A_249 = arith.constant 80 : index
        %swap3A_250 = tpu.vector_load %arg9[%swap3A_248, %swap3A_249] {strides = array<i32>} : memref<80x128xf32, #tpu.memory_space<vmem>>, vector<1x16xf32>,
        %swap3A_251 = vector.shape_cast %swap3A_250 : vector<1x16xf32> to vector<16xf32>
        %swap3A_252 = vector.shape_cast %max3A_247 : vector<16xf32> to vector<1x16xf32>
        tpu.vector_store %arg9[%swap3A_248, %swap3A_249], %swap3A_252 {strides = array<i32>} : memref<80x128xf32, #tpu.memory_space<vmem>>, vector<1x16xf32>,
        %get3A_253 = arith.index_cast %scan3A_153 : i32 to index
        %get3A_254 = arith.constant 96 : index
        %get3A_255 = tpu.vector_load %arg9[%get3A_253, %get3A_254] {strides = array<i32>} : memref<80x128xf32, #tpu.memory_space<vmem>>, vector<1x16xf32>,
        %get3A_256 = vector.shape_cast %get3A_255 : vector<1x16xf32> to vector<16xf32>
        %get3A_257 = arith.index_cast %scan3A_153 : i32 to index
        %get3A_258 = arith.constant 96 : index
        %get3A_259 = tpu.vector_load %arg11[%get3A_257, %get3A_258] {strides = array<i32>} : memref<80x128xf32, #tpu.memory_space<vmem>>, vector<1x16xf32>,
        %get3A_260 = vector.shape_cast %get3A_259 : vector<1x16xf32> to vector<16xf32>
        %add3A_261 = arith.addf %get3A_256, %get3A_260 : vector<16xf32>
        %max3A_262 = arith.constant 0.000000e+00 : f32
        %max3A_263 = vector.broadcast %max3A_262 : f32 to vector<16xf32>
        %max3A_264 = arith.maximumf %add3A_261, %max3A_263 : vector<16xf32>
        %swap3A_265 = arith.index_cast %scan3A_153 : i32 to index
        %swap3A_266 = arith.constant 96 : index
        %swap3A_267 = tpu.vector_load %arg9[%swap3A_265, %swap3A_266] {strides = array<i32>} : memref<80x128xf32, #tpu.memory_space<vmem>>, vector<1x16xf32>,
        %swap3A_268 = vector.shape_cast %swap3A_267 : vector<1x16xf32> to vector<16xf32>
        %swap3A_269 = vector.shape_cast %max3A_264 : vector<16xf32> to vector<1x16xf32>
        tpu.vector_store %arg9[%swap3A_265, %swap3A_266], %swap3A_269 {strides = array<i32>} : memref<80x128xf32, #tpu.memory_space<vmem>>, vector<1x16xf32>,
        %get3A_270 = arith.index_cast %scan3A_153 : i32 to index
        %get3A_271 = arith.constant 112 : index
        %get3A_272 = tpu.vector_load %arg9[%get3A_270, %get3A_271] {strides = array<i32>} : memref<80x128xf32, #tpu.memory_space<vmem>>, vector<1x16xf32>,
        %get3A_273 = vector.shape_cast %get3A_272 : vector<1x16xf32> to vector<16xf32>
        %get3A_274 = arith.index_cast %scan3A_153 : i32 to index
        %get3A_275 = arith.constant 112 : index
        %get3A_276 = tpu.vector_load %arg11[%get3A_274, %get3A_275] {strides = array<i32>} : memref<80x128xf32, #tpu.memory_space<vmem>>, vector<1x16xf32>,
        %get3A_277 = vector.shape_cast %get3A_276 : vector<1x16xf32> to vector<16xf32>
        %add3A_278 = arith.addf %get3A_273, %get3A_277 : vector<16xf32>
        %max3A_279 = arith.constant 0.000000e+00 : f32
        %max3A_280 = vector.broadcast %max3A_279 : f32 to vector<16xf32>
        %max3A_281 = arith.maximumf %add3A_278, %max3A_280 : vector<16xf32>
        %swap3A_282 = arith.index_cast %scan3A_153 : i32 to index
        %swap3A_283 = arith.constant 112 : index
        %swap3A_284 = tpu.vector_load %arg9[%swap3A_282, %swap3A_283] {strides = array<i32>} : memref<80x128xf32, #tpu.memory_space<vmem>>, vector<1x16xf32>,
        %swap3A_285 = vector.shape_cast %swap3A_284 : vector<1x16xf32> to vector<16xf32>
        %swap3A_286 = vector.shape_cast %max3A_281 : vector<16xf32> to vector<1x16xf32>
        tpu.vector_store %arg9[%swap3A_282, %swap3A_283], %swap3A_286 {strides = array<i32>} : memref<80x128xf32, #tpu.memory_space<vmem>>, vector<1x16xf32>,
        %scan3A_287 = arith.constant 1 : i32
        %scan3A_288 = arith.addi %scan3A_153, %scan3A_287 : i32
        %get3A_289 = arith.index_cast %scan3A_288 : i32 to index
        %get3A_290 = arith.constant 0 : index
        %get3A_291 = tpu.vector_load %arg9[%get3A_289, %get3A_290] {strides = array<i32>} : memref<80x128xf32, #tpu.memory_space<vmem>>, vector<1x16xf32>,
        %get3A_292 = vector.shape_cast %get3A_291 : vector<1x16xf32> to vector<16xf32>
        %get3A_293 = arith.index_cast %scan3A_288 : i32 to index
        %get3A_294 = arith.constant 0 : index
        %get3A_295 = tpu.vector_load %arg11[%get3A_293, %get3A_294] {strides = array<i32>} : memref<80x128xf32, #tpu.memory_space<vmem>>, vector<1x16xf32>,
        %get3A_296 = vector.shape_cast %get3A_295 : vector<1x16xf32> to vector<16xf32>
        %add3A_297 = arith.addf %get3A_292, %get3A_296 : vector<16xf32>
        %max3A_298 = arith.constant 0.000000e+00 : f32
        %max3A_299 = vector.broadcast %max3A_298 : f32 to vector<16xf32>
        %max3A_300 = arith.maximumf %add3A_297, %max3A_299 : vector<16xf32>
        %swap3A_301 = arith.index_cast %scan3A_288 : i32 to index
        %swap3A_302 = arith.constant 0 : index
        %swap3A_303 = tpu.vector_load %arg9[%swap3A_301, %swap3A_302] {strides = array<i32>} : memref<80x128xf32, #tpu.memory_space<vmem>>, vector<1x16xf32>,
        %swap3A_304 = vector.shape_cast %swap3A_303 : vector<1x16xf32> to vector<16xf32>
        %swap3A_305 = vector.shape_cast %max3A_300 : vector<16xf32> to vector<1x16xf32>
        tpu.vector_store %arg9[%swap3A_301, %swap3A_302], %swap3A_305 {strides = array<i32>} : memref<80x128xf32, #tpu.memory_space<vmem>>, vector<1x16xf32>,
        %get3A_306 = arith.index_cast %scan3A_288 : i32 to index
        %get3A_307 = arith.constant 16 : index
        %get3A_308 = tpu.vector_load %arg9[%get3A_306, %get3A_307] {strides = array<i32>} : memref<80x128xf32, #tpu.memory_space<vmem>>, vector<1x16xf32>,
        %get3A_309 = vector.shape_cast %get3A_308 : vector<1x16xf32> to vector<16xf32>
        %get3A_310 = arith.index_cast %scan3A_288 : i32 to index
        %get3A_311 = arith.constant 16 : index
        %get3A_312 = tpu.vector_load %arg11[%get3A_310, %get3A_311] {strides = array<i32>} : memref<80x128xf32, #tpu.memory_space<vmem>>, vector<1x16xf32>,
        %get3A_313 = vector.shape_cast %get3A_312 : vector<1x16xf32> to vector<16xf32>
        %add3A_314 = arith.addf %get3A_309, %get3A_313 : vector<16xf32>
        %max3A_315 = arith.constant 0.000000e+00 : f32
        %max3A_316 = vector.broadcast %max3A_315 : f32 to vector<16xf32>
        %max3A_317 = arith.maximumf %add3A_314, %max3A_316 : vector<16xf32>
        %swap3A_318 = arith.index_cast %scan3A_288 : i32 to index
        %swap3A_319 = arith.constant 16 : index
        %swap3A_320 = tpu.vector_load %arg9[%swap3A_318, %swap3A_319] {strides = array<i32>} : memref<80x128xf32, #tpu.memory_space<vmem>>, vector<1x16xf32>,
        %swap3A_321 = vector.shape_cast %swap3A_320 : vector<1x16xf32> to vector<16xf32>
        %swap3A_322 = vector.shape_cast %max3A_317 : vector<16xf32> to vector<1x16xf32>
        tpu.vector_store %arg9[%swap3A_318, %swap3A_319], %swap3A_322 {strides = array<i32>} : memref<80x128xf32, #tpu.memory_space<vmem>>, vector<1x16xf32>,
        %get3A_323 = arith.index_cast %scan3A_288 : i32 to index
        %get3A_324 = arith.constant 32 : index
        %get3A_325 = tpu.vector_load %arg9[%get3A_323, %get3A_324] {strides = array<i32>} : memref<80x128xf32, #tpu.memory_space<vmem>>, vector<1x16xf32>,
        %get3A_326 = vector.shape_cast %get3A_325 : vector<1x16xf32> to vector<16xf32>
        %get3A_327 = arith.index_cast %scan3A_288 : i32 to index
        %get3A_328 = arith.constant 32 : index
        %get3A_329 = tpu.vector_load %arg11[%get3A_327, %get3A_328] {strides = array<i32>} : memref<80x128xf32, #tpu.memory_space<vmem>>, vector<1x16xf32>,
        %get3A_330 = vector.shape_cast %get3A_329 : vector<1x16xf32> to vector<16xf32>
        %add3A_331 = arith.addf %get3A_326, %get3A_330 : vector<16xf32>
        %max3A_332 = arith.constant 0.000000e+00 : f32
        %max3A_333 = vector.broadcast %max3A_332 : f32 to vector<16xf32>
        %max3A_334 = arith.maximumf %add3A_331, %max3A_333 : vector<16xf32>
        %swap3A_335 = arith.index_cast %scan3A_288 : i32 to index
        %swap3A_336 = arith.constant 32 : index
        %swap3A_337 = tpu.vector_load %arg9[%swap3A_335, %swap3A_336] {strides = array<i32>} : memref<80x128xf32, #tpu.memory_space<vmem>>, vector<1x16xf32>,
        %swap3A_338 = vector.shape_cast %swap3A_337 : vector<1x16xf32> to vector<16xf32>
        %swap3A_339 = vector.shape_cast %max3A_334 : vector<16xf32> to vector<1x16xf32>
        tpu.vector_store %arg9[%swap3A_335, %swap3A_336], %swap3A_339 {strides = array<i32>} : memref<80x128xf32, #tpu.memory_space<vmem>>, vector<1x16xf32>,
        %get3A_340 = arith.index_cast %scan3A_288 : i32 to index
        %get3A_341 = arith.constant 48 : index
        %get3A_342 = tpu.vector_load %arg9[%get3A_340, %get3A_341] {strides = array<i32>} : memref<80x128xf32, #tpu.memory_space<vmem>>, vector<1x16xf32>,
        %get3A_343 = vector.shape_cast %get3A_342 : vector<1x16xf32> to vector<16xf32>
        %get3A_344 = arith.index_cast %scan3A_288 : i32 to index
        %get3A_345 = arith.constant 48 : index
        %get3A_346 = tpu.vector_load %arg11[%get3A_344, %get3A_345] {strides = array<i32>} : memref<80x128xf32, #tpu.memory_space<vmem>>, vector<1x16xf32>,
        %get3A_347 = vector.shape_cast %get3A_346 : vector<1x16xf32> to vector<16xf32>
        %add3A_348 = arith.addf %get3A_343, %get3A_347 : vector<16xf32>
        %max3A_349 = arith.constant 0.000000e+00 : f32
        %max3A_350 = vector.broadcast %max3A_349 : f32 to vector<16xf32>
        %max3A_351 = arith.maximumf %add3A_348, %max3A_350 : vector<16xf32>
        %swap3A_352 = arith.index_cast %scan3A_288 : i32 to index
        %swap3A_353 = arith.constant 48 : index
        %swap3A_354 = tpu.vector_load %arg9[%swap3A_352, %swap3A_353] {strides = array<i32>} : memref<80x128xf32, #tpu.memory_space<vmem>>, vector<1x16xf32>,
        %swap3A_355 = vector.shape_cast %swap3A_354 : vector<1x16xf32> to vector<16xf32>
        %swap3A_356 = vector.shape_cast %max3A_351 : vector<16xf32> to vector<1x16xf32>
        tpu.vector_store %arg9[%swap3A_352, %swap3A_353], %swap3A_356 {strides = array<i32>} : memref<80x128xf32, #tpu.memory_space<vmem>>, vector<1x16xf32>,
        %get3A_357 = arith.index_cast %scan3A_288 : i32 to index
        %get3A_358 = arith.constant 64 : index
        %get3A_359 = tpu.vector_load %arg9[%get3A_357, %get3A_358] {strides = array<i32>} : memref<80x128xf32, #tpu.memory_space<vmem>>, vector<1x16xf32>,
        %get3A_360 = vector.shape_cast %get3A_359 : vector<1x16xf32> to vector<16xf32>
        %get3A_361 = arith.index_cast %scan3A_288 : i32 to index
        %get3A_362 = arith.constant 64 : index
        %get3A_363 = tpu.vector_load %arg11[%get3A_361, %get3A_362] {strides = array<i32>} : memref<80x128xf32, #tpu.memory_space<vmem>>, vector<1x16xf32>,
        %get3A_364 = vector.shape_cast %get3A_363 : vector<1x16xf32> to vector<16xf32>
        %add3A_365 = arith.addf %get3A_360, %get3A_364 : vector<16xf32>
        %max3A_366 = arith.constant 0.000000e+00 : f32
        %max3A_367 = vector.broadcast %max3A_366 : f32 to vector<16xf32>
        %max3A_368 = arith.maximumf %add3A_365, %max3A_367 : vector<16xf32>
        %swap3A_369 = arith.index_cast %scan3A_288 : i32 to index
        %swap3A_370 = arith.constant 64 : index
        %swap3A_371 = tpu.vector_load %arg9[%swap3A_369, %swap3A_370] {strides = array<i32>} : memref<80x128xf32, #tpu.memory_space<vmem>>, vector<1x16xf32>,
        %swap3A_372 = vector.shape_cast %swap3A_371 : vector<1x16xf32> to vector<16xf32>
        %swap3A_373 = vector.shape_cast %max3A_368 : vector<16xf32> to vector<1x16xf32>
        tpu.vector_store %arg9[%swap3A_369, %swap3A_370], %swap3A_373 {strides = array<i32>} : memref<80x128xf32, #tpu.memory_space<vmem>>, vector<1x16xf32>,
        %get3A_374 = arith.index_cast %scan3A_288 : i32 to index
        %get3A_375 = arith.constant 80 : index
        %get3A_376 = tpu.vector_load %arg9[%get3A_374, %get3A_375] {strides = array<i32>} : memref<80x128xf32, #tpu.memory_space<vmem>>, vector<1x16xf32>,
        %get3A_377 = vector.shape_cast %get3A_376 : vector<1x16xf32> to vector<16xf32>
        %get3A_378 = arith.index_cast %scan3A_288 : i32 to index
        %get3A_379 = arith.constant 80 : index
        %get3A_380 = tpu.vector_load %arg11[%get3A_378, %get3A_379] {strides = array<i32>} : memref<80x128xf32, #tpu.memory_space<vmem>>, vector<1x16xf32>,
        %get3A_381 = vector.shape_cast %get3A_380 : vector<1x16xf32> to vector<16xf32>
        %add3A_382 = arith.addf %get3A_377, %get3A_381 : vector<16xf32>
        %max3A_383 = arith.constant 0.000000e+00 : f32
        %max3A_384 = vector.broadcast %max3A_383 : f32 to vector<16xf32>
        %max3A_385 = arith.maximumf %add3A_382, %max3A_384 : vector<16xf32>
        %swap3A_386 = arith.index_cast %scan3A_288 : i32 to index
        %swap3A_387 = arith.constant 80 : index
        %swap3A_388 = tpu.vector_load %arg9[%swap3A_386, %swap3A_387] {strides = array<i32>} : memref<80x128xf32, #tpu.memory_space<vmem>>, vector<1x16xf32>,
        %swap3A_389 = vector.shape_cast %swap3A_388 : vector<1x16xf32> to vector<16xf32>
        %swap3A_390 = vector.shape_cast %max3A_385 : vector<16xf32> to vector<1x16xf32>
        tpu.vector_store %arg9[%swap3A_386, %swap3A_387], %swap3A_390 {strides = array<i32>} : memref<80x128xf32, #tpu.memory_space<vmem>>, vector<1x16xf32>,
        %get3A_391 = arith.index_cast %scan3A_288 : i32 to index
        %get3A_392 = arith.constant 96 : index
        %get3A_393 = tpu.vector_load %arg9[%get3A_391, %get3A_392] {strides = array<i32>} : memref<80x128xf32, #tpu.memory_space<vmem>>, vector<1x16xf32>,
        %get3A_394 = vector.shape_cast %get3A_393 : vector<1x16xf32> to vector<16xf32>
        %get3A_395 = arith.index_cast %scan3A_288 : i32 to index
        %get3A_396 = arith.constant 96 : index
        %get3A_397 = tpu.vector_load %arg11[%get3A_395, %get3A_396] {strides = array<i32>} : memref<80x128xf32, #tpu.memory_space<vmem>>, vector<1x16xf32>,
        %get3A_398 = vector.shape_cast %get3A_397 : vector<1x16xf32> to vector<16xf32>
        %add3A_399 = arith.addf %get3A_394, %get3A_398 : vector<16xf32>
        %max3A_400 = arith.constant 0.000000e+00 : f32
        %max3A_401 = vector.broadcast %max3A_400 : f32 to vector<16xf32>
        %max3A_402 = arith.maximumf %add3A_399, %max3A_401 : vector<16xf32>
        %swap3A_403 = arith.index_cast %scan3A_288 : i32 to index
        %swap3A_404 = arith.constant 96 : index
        %swap3A_405 = tpu.vector_load %arg9[%swap3A_403, %swap3A_404] {strides = array<i32>} : memref<80x128xf32, #tpu.memory_space<vmem>>, vector<1x16xf32>,
        %swap3A_406 = vector.shape_cast %swap3A_405 : vector<1x16xf32> to vector<16xf32>
        %swap3A_407 = vector.shape_cast %max3A_402 : vector<16xf32> to vector<1x16xf32>
        tpu.vector_store %arg9[%swap3A_403, %swap3A_404], %swap3A_407 {strides = array<i32>} : memref<80x128xf32, #tpu.memory_space<vmem>>, vector<1x16xf32>,
        %get3A_408 = arith.index_cast %scan3A_288 : i32 to index
        %get3A_409 = arith.constant 112 : index
        %get3A_410 = tpu.vector_load %arg9[%get3A_408, %get3A_409] {strides = array<i32>} : memref<80x128xf32, #tpu.memory_space<vmem>>, vector<1x16xf32>,
        %get3A_411 = vector.shape_cast %get3A_410 : vector<1x16xf32> to vector<16xf32>
        %get3A_412 = arith.index_cast %scan3A_288 : i32 to index
        %get3A_413 = arith.constant 112 : index
        %get3A_414 = tpu.vector_load %arg11[%get3A_412, %get3A_413] {strides = array<i32>} : memref<80x128xf32, #tpu.memory_space<vmem>>, vector<1x16xf32>,
        %get3A_415 = vector.shape_cast %get3A_414 : vector<1x16xf32> to vector<16xf32>
        %add3A_416 = arith.addf %get3A_411, %get3A_415 : vector<16xf32>
        %max3A_417 = arith.constant 0.000000e+00 : f32
        %max3A_418 = vector.broadcast %max3A_417 : f32 to vector<16xf32>
        %max3A_419 = arith.maximumf %add3A_416, %max3A_418 : vector<16xf32>
        %swap3A_420 = arith.index_cast %scan3A_288 : i32 to index
        %swap3A_421 = arith.constant 112 : index
        %swap3A_422 = tpu.vector_load %arg9[%swap3A_420, %swap3A_421] {strides = array<i32>} : memref<80x128xf32, #tpu.memory_space<vmem>>, vector<1x16xf32>,
        %swap3A_423 = vector.shape_cast %swap3A_422 : vector<1x16xf32> to vector<16xf32>
        %swap3A_424 = vector.shape_cast %max3A_419 : vector<16xf32> to vector<1x16xf32>
        tpu.vector_store %arg9[%swap3A_420, %swap3A_421], %swap3A_424 {strides = array<i32>} : memref<80x128xf32, #tpu.memory_space<vmem>>, vector<1x16xf32>,
      }
      %scan3A_146 = arith.constant 80 : i32
      %run_scoped3A_147 = arith.constant 1 : i32
      "tpu.region"() ({
        %run_scoped3A_153 = tpu.sem_alloc : memref<!tpu.dma_semaphore, #tpu.memory_space<semaphore_mem>>
        %dma_start3A_154 = arith.constant 0 : i32
        %dma_start3A_155 = tpu.memref_slice %arg7[%run_scoped3A_147, %dma_start3A_154] : memref<2x80xi32, #tpu.memory_space<vmem>> -> memref<1x80xi32, #tpu.memory_space<vmem>>
        %dma_start3A_156 = tpu.memref_squeeze %dma_start3A_155 : memref<1x80xi32, #tpu.memory_space<vmem>> -> memref<80xi32, #tpu.memory_space<vmem>>
        %dma_start3A_157 = arith.constant 0 : i32
        %dma_start3A_158 = arith.constant 0 : i32
        %dma_start3A_159 = tpu.memref_slice %arg12[%dma_start3A_157, %dma_start3A_158] : memref<10112x128xf32, #tpu.memory_space<vmem_shared>> -> memref<10112x128xf32, #tpu.memory_space<vmem_shared>>
        tpu.enqueue_indirect_dma source(%arg9 : memref<80x128xf32, #tpu.memory_space<vmem>>) target(%dma_start3A_159 : memref<10112x128xf32, #tpu.memory_space<vmem_shared>>) offsets(%dma_start3A_156 : memref<80xi32, #tpu.memory_space<vmem>>) semaphore(%run_scoped3A_153 : memref<!tpu.dma_semaphore, #tpu.memory_space<semaphore_mem>>) {add = true}
        %dma_wait3A_160 = arith.constant 0 : i32
        %dma_wait3A_161 = tpu.memref_slice %arg7[%run_scoped3A_147, %dma_wait3A_160] : memref<2x80xi32, #tpu.memory_space<vmem>> -> memref<1x80xi32, #tpu.memory_space<vmem>>
        %dma_wait3A_162 = tpu.memref_squeeze %dma_wait3A_161 : memref<1x80xi32, #tpu.memory_space<vmem>> -> memref<80xi32, #tpu.memory_space<vmem>>
        %dma_wait3A_163 = arith.constant 0 : i32
        %dma_wait3A_164 = arith.constant 0 : i32
        %dma_wait3A_165 = tpu.memref_slice %arg12[%dma_wait3A_163, %dma_wait3A_164] : memref<10112x128xf32, #tpu.memory_space<vmem_shared>> -> memref<10112x128xf32, #tpu.memory_space<vmem_shared>>
        tpu.wait_indirect_dma semaphore(%run_scoped3A_153 : memref<!tpu.dma_semaphore, #tpu.memory_space<semaphore_mem>>) src(%arg9 : memref<80x128xf32, #tpu.memory_space<vmem>>) dst(%dma_wait3A_165 : memref<10112x128xf32, #tpu.memory_space<vmem_shared>>)
        tpu.yield
      }) : () -> ()
      %lt3A_148 = arith.constant 62 : i32
      %lt3A_149 = arith.cmpi slt, %scan3A_83, %lt3A_148 : i32
      %convert_element_type3A_150 = arith.extui %lt3A_149 : i1 to i32
      %cond3A_151 = arith.constant 0 : i32
      %cond3A_152 = arith.cmpi ne, %convert_element_type3A_150, %cond3A_151 : i32
      scf.if %cond3A_152 {
        %add3A_153 = arith.constant 2 : i32
        %add3A_154 = arith.addi %add3A_121, %add3A_153 : i32
        %dma_wait3A_155 = arith.constant 0 : i32
        %dma_wait3A_156 = arith.constant 0 : i32
        %dma_wait3A_157 = tpu.memref_slice %arg4[%add3A_154, %dma_wait3A_155, %dma_wait3A_156] : memref<4032x2x80xi32, #tpu.memory_space<hbm>> -> memref<1x2x80xi32, #tpu.memory_space<hbm>>
        %dma_wait3A_158 = tpu.memref_squeeze %dma_wait3A_157 : memref<1x2x80xi32, #tpu.memory_space<hbm>> -> memref<2x80xi32, #tpu.memory_space<hbm>>
        %dma_wait3A_159 = arith.constant 0 : i32
        %dma_wait3A_160 = arith.constant 0 : i32
        %dma_wait3A_161 = tpu.memref_slice %arg4[%add3A_154, %dma_wait3A_159, %dma_wait3A_160] : memref<4032x2x80xi32, #tpu.memory_space<hbm>> -> memref<1x2x80xi32, #tpu.memory_space<hbm>>
        %dma_wait3A_162 = tpu.memref_squeeze %dma_wait3A_161 : memref<1x2x80xi32, #tpu.memory_space<hbm>> -> memref<2x80xi32, #tpu.memory_space<hbm>>
        tpu.wait_dma2 semaphore(%arg18 : memref<!tpu.dma_semaphore, #tpu.memory_space<semaphore_mem>>) src(%dma_wait3A_162 : memref<2x80xi32, #tpu.memory_space<hbm>>) dst(%arg7 : memref<2x80xi32, #tpu.memory_space<vmem>>)
        %add3A_163 = arith.constant 2 : i32
        %add3A_164 = arith.addi %add3A_121, %add3A_163 : i32
        %dma_start3A_165 = arith.constant 1 : i32
        %dma_start3A_166 = arith.constant 0 : i32
        %dma_start3A_167 = tpu.memref_slice %arg7[%dma_start3A_165, %dma_start3A_166] : memref<2x80xi32, #tpu.memory_space<vmem>> -> memref<1x80xi32, #tpu.memory_space<vmem>>
        %dma_start3A_168 = tpu.memref_squeeze %dma_start3A_167 : memref<1x80xi32, #tpu.memory_space<vmem>> -> memref<80xi32, #tpu.memory_space<vmem>>
        %dma_start3A_169 = arith.constant 0 : i32
        %dma_start3A_170 = arith.constant 0 : i32
        %dma_start3A_171 = tpu.memref_slice %arg2[%dma_start3A_169, %dma_start3A_170] : memref<10240x128xf32, #tpu.memory_space<hbm>> -> memref<10240x128xf32, #tpu.memory_space<hbm>>
        tpu.enqueue_indirect_dma source(%dma_start3A_171 : memref<10240x128xf32, #tpu.memory_space<hbm>>) target(%arg9 : memref<80x128xf32, #tpu.memory_space<vmem>>) offsets(%dma_start3A_168 : memref<80xi32, #tpu.memory_space<vmem>>) semaphore(%arg14 : memref<!tpu.dma_semaphore, #tpu.memory_space<semaphore_mem>>)
        %dma_start3A_172 = arith.constant 0 : i32
        %dma_start3A_173 = arith.constant 0 : i32
        %dma_start3A_174 = tpu.memref_slice %arg7[%dma_start3A_172, %dma_start3A_173] : memref<2x80xi32, #tpu.memory_space<vmem>> -> memref<1x80xi32, #tpu.memory_space<vmem>>
        %dma_start3A_175 = tpu.memref_squeeze %dma_start3A_174 : memref<1x80xi32, #tpu.memory_space<vmem>> -> memref<80xi32, #tpu.memory_space<vmem>>
        %dma_start3A_176 = arith.constant 0 : i32
        %dma_start3A_177 = arith.constant 0 : i32
        %dma_start3A_178 = tpu.memref_slice %arg3[%dma_start3A_176, %dma_start3A_177] : memref<10240x128xf32, #tpu.memory_space<hbm>> -> memref<10240x128xf32, #tpu.memory_space<hbm>>
        tpu.enqueue_indirect_dma source(%dma_start3A_178 : memref<10240x128xf32, #tpu.memory_space<hbm>>) target(%arg11 : memref<80x128xf32, #tpu.memory_space<vmem>>) offsets(%dma_start3A_175 : memref<80xi32, #tpu.memory_space<vmem>>) semaphore(%arg16 : memref<!tpu.dma_semaphore, #tpu.memory_space<semaphore_mem>>)
      } else {
      }
    }
    %scan3A_65 = arith.constant 63 : i32
    %barrier3A_66 = arith.constant 0 : index
    tpu.barrier barrier_id(%barrier3A_66)
    %add3A_67 = arith.constant 0 : i32
    %add3A_68 = arith.addi %mul3A_10, %add3A_67 : i32
    "tpu.region"() ({
      %run_scoped3A = tpu.sem_alloc : memref<!tpu.dma_semaphore, #tpu.memory_space<semaphore_mem>>
      %dma_start3A_83 = arith.constant 0 : i32
      %dma_start3A_84 = tpu.memref_slice %arg5[%arg0, %add3A_68, %dma_start3A_83] : memref<2x10240x128xf32, #tpu.memory_space<hbm>> -> memref<1x80x128xf32, #tpu.memory_space<hbm>>
      %dma_start3A_85 = tpu.memref_squeeze %dma_start3A_84 : memref<1x80x128xf32, #tpu.memory_space<hbm>> -> memref<80x128xf32, #tpu.memory_space<hbm>>
      %dma_start3A_86 = arith.constant 0 : i32
      %dma_start3A_87 = tpu.memref_slice %arg12[%add3A_68, %dma_start3A_86] : memref<10112x128xf32, #tpu.memory_space<vmem_shared>> -> memref<80x128xf32, #tpu.memory_space<vmem_shared>>
      tpu.enqueue_dma source(%dma_start3A_87 : memref<80x128xf32, #tpu.memory_space<vmem_shared>>) target(%dma_start3A_85 : memref<80x128xf32, #tpu.memory_space<hbm>>) target_semaphore(%run_scoped3A : memref<!tpu.dma_semaphore, #tpu.memory_space<semaphore_mem>>)
      %dma_wait3A = arith.constant 0 : i32
      %dma_wait3A_88 = tpu.memref_slice %arg5[%arg0, %add3A_68, %dma_wait3A] : memref<2x10240x128xf32, #tpu.memory_space<hbm>> -> memref<1x80x128xf32, #tpu.memory_space<hbm>>
      %dma_wait3A_89 = tpu.memref_squeeze %dma_wait3A_88 : memref<1x80x128xf32, #tpu.memory_space<hbm>> -> memref<80x128xf32, #tpu.memory_space<hbm>>
      %dma_wait3A_90 = arith.constant 0 : i32
      %dma_wait3A_91 = tpu.memref_slice %arg12[%add3A_68, %dma_wait3A_90] : memref<10112x128xf32, #tpu.memory_space<vmem_shared>> -> memref<80x128xf32, #tpu.memory_space<vmem_shared>>
      tpu.wait_dma2 semaphore(%run_scoped3A : memref<!tpu.dma_semaphore, #tpu.memory_space<semaphore_mem>>) src(%dma_wait3A_91 : memref<80x128xf32, #tpu.memory_space<vmem_shared>>) dst(%dma_wait3A_89 : memref<80x128xf32, #tpu.memory_space<hbm>>)
      tpu.yield
    }) : () -> ()
    %add3A_69 = arith.constant 80 : i32
    %add3A_70 = arith.addi %mul3A_10, %add3A_69 : i32
    "tpu.region"() ({
      %run_scoped3A = tpu.sem_alloc : memref<!tpu.dma_semaphore, #tpu.memory_space<semaphore_mem>>
      %dma_start3A_83 = arith.constant 0 : i32
      %dma_start3A_84 = tpu.memref_slice %arg5[%arg0, %add3A_70, %dma_start3A_83] : memref<2x10240x128xf32, #tpu.memory_space<hbm>> -> memref<1x80x128xf32, #tpu.memory_space<hbm>>
      %dma_start3A_85 = tpu.memref_squeeze %dma_start3A_84 : memref<1x80x128xf32, #tpu.memory_space<hbm>> -> memref<80x128xf32, #tpu.memory_space<hbm>>
      %dma_start3A_86 = arith.constant 0 : i32
      %dma_start3A_87 = tpu.memref_slice %arg12[%add3A_70, %dma_start3A_86] : memref<10112x128xf32, #tpu.memory_space<vmem_shared>> -> memref<80x128xf32, #tpu.memory_space<vmem_shared>>
      tpu.enqueue_dma source(%dma_start3A_87 : memref<80x128xf32, #tpu.memory_space<vmem_shared>>) target(%dma_start3A_85 : memref<80x128xf32, #tpu.memory_space<hbm>>) target_semaphore(%run_scoped3A : memref<!tpu.dma_semaphore, #tpu.memory_space<semaphore_mem>>)
      %dma_wait3A = arith.constant 0 : i32
      %dma_wait3A_88 = tpu.memref_slice %arg5[%arg0, %add3A_70, %dma_wait3A] : memref<2x10240x128xf32, #tpu.memory_space<hbm>> -> memref<1x80x128xf32, #tpu.memory_space<hbm>>
      %dma_wait3A_89 = tpu.memref_squeeze %dma_wait3A_88 : memref<1x80x128xf32, #tpu.memory_space<hbm>> -> memref<80x128xf32, #tpu.memory_space<hbm>>
      %dma_wait3A_90 = arith.constant 0 : i32
      %dma_wait3A_91 = tpu.memref_slice %arg12[%add3A_70, %dma_wait3A_90] : memref<10112x128xf32, #tpu.memory_space<vmem_shared>> -> memref<80x128xf32, #tpu.memory_space<vmem_shared>>
      tpu.wait_dma2 semaphore(%run_scoped3A : memref<!tpu.dma_semaphore, #tpu.memory_space<semaphore_mem>>) src(%dma_wait3A_91 : memref<80x128xf32, #tpu.memory_space<vmem_shared>>) dst(%dma_wait3A_89 : memref<80x128xf32, #tpu.memory_space<hbm>>)
      tpu.yield
    }) : () -> ()
    %add3A_71 = arith.constant 160 : i32
    %add3A_72 = arith.addi %mul3A_10, %add3A_71 : i32
    "tpu.region"() ({
      %run_scoped3A = tpu.sem_alloc : memref<!tpu.dma_semaphore, #tpu.memory_space<semaphore_mem>>
      %dma_start3A_83 = arith.constant 0 : i32
      %dma_start3A_84 = tpu.memref_slice %arg5[%arg0, %add3A_72, %dma_start3A_83] : memref<2x10240x128xf32, #tpu.memory_space<hbm>> -> memref<1x80x128xf32, #tpu.memory_space<hbm>>
      %dma_start3A_85 = tpu.memref_squeeze %dma_start3A_84 : memref<1x80x128xf32, #tpu.memory_space<hbm>> -> memref<80x128xf32, #tpu.memory_space<hbm>>
      %dma_start3A_86 = arith.constant 0 : i32
      %dma_start3A_87 = tpu.memref_slice %arg12[%add3A_72, %dma_start3A_86] : memref<10112x128xf32, #tpu.memory_space<vmem_shared>> -> memref<80x128xf32, #tpu.memory_space<vmem_shared>>
      tpu.enqueue_dma source(%dma_start3A_87 : memref<80x128xf32, #tpu.memory_space<vmem_shared>>) target(%dma_start3A_85 : memref<80x128xf32, #tpu.memory_space<hbm>>) target_semaphore(%run_scoped3A : memref<!tpu.dma_semaphore, #tpu.memory_space<semaphore_mem>>)
      %dma_wait3A = arith.constant 0 : i32
      %dma_wait3A_88 = tpu.memref_slice %arg5[%arg0, %add3A_72, %dma_wait3A] : memref<2x10240x128xf32, #tpu.memory_space<hbm>> -> memref<1x80x128xf32, #tpu.memory_space<hbm>>
      %dma_wait3A_89 = tpu.memref_squeeze %dma_wait3A_88 : memref<1x80x128xf32, #tpu.memory_space<hbm>> -> memref<80x128xf32, #tpu.memory_space<hbm>>
      %dma_wait3A_90 = arith.constant 0 : i32
      %dma_wait3A_91 = tpu.memref_slice %arg12[%add3A_72, %dma_wait3A_90] : memref<10112x128xf32, #tpu.memory_space<vmem_shared>> -> memref<80x128xf32, #tpu.memory_space<vmem_shared>>
      tpu.wait_dma2 semaphore(%run_scoped3A : memref<!tpu.dma_semaphore, #tpu.memory_space<semaphore_mem>>) src(%dma_wait3A_91 : memref<80x128xf32, #tpu.memory_space<vmem_shared>>) dst(%dma_wait3A_89 : memref<80x128xf32, #tpu.memory_space<hbm>>)
      tpu.yield
    }) : () -> ()
    %add3A_73 = arith.constant 240 : i32
    %add3A_74 = arith.addi %mul3A_10, %add3A_73 : i32
    "tpu.region"() ({
      %run_scoped3A = tpu.sem_alloc : memref<!tpu.dma_semaphore, #tpu.memory_space<semaphore_mem>>
      %dma_start3A_83 = arith.constant 0 : i32
      %dma_start3A_84 = tpu.memref_slice %arg5[%arg0, %add3A_74, %dma_start3A_83] : memref<2x10240x128xf32, #tpu.memory_space<hbm>> -> memref<1x80x128xf32, #tpu.memory_space<hbm>>
      %dma_start3A_85 = tpu.memref_squeeze %dma_start3A_84 : memref<1x80x128xf32, #tpu.memory_space<hbm>> -> memref<80x128xf32, #tpu.memory_space<hbm>>
      %dma_start3A_86 = arith.constant 0 : i32
      %dma_start3A_87 = tpu.memref_slice %arg12[%add3A_74, %dma_start3A_86] : memref<10112x128xf32, #tpu.memory_space<vmem_shared>> -> memref<80x128xf32, #tpu.memory_space<vmem_shared>>
      tpu.enqueue_dma source(%dma_start3A_87 : memref<80x128xf32, #tpu.memory_space<vmem_shared>>) target(%dma_start3A_85 : memref<80x128xf32, #tpu.memory_space<hbm>>) target_semaphore(%run_scoped3A : memref<!tpu.dma_semaphore, #tpu.memory_space<semaphore_mem>>)
      %dma_wait3A = arith.constant 0 : i32
      %dma_wait3A_88 = tpu.memref_slice %arg5[%arg0, %add3A_74, %dma_wait3A] : memref<2x10240x128xf32, #tpu.memory_space<hbm>> -> memref<1x80x128xf32, #tpu.memory_space<hbm>>
      %dma_wait3A_89 = tpu.memref_squeeze %dma_wait3A_88 : memref<1x80x128xf32, #tpu.memory_space<hbm>> -> memref<80x128xf32, #tpu.memory_space<hbm>>
      %dma_wait3A_90 = arith.constant 0 : i32
      %dma_wait3A_91 = tpu.memref_slice %arg12[%add3A_74, %dma_wait3A_90] : memref<10112x128xf32, #tpu.memory_space<vmem_shared>> -> memref<80x128xf32, #tpu.memory_space<vmem_shared>>
      tpu.wait_dma2 semaphore(%run_scoped3A : memref<!tpu.dma_semaphore, #tpu.memory_space<semaphore_mem>>) src(%dma_wait3A_91 : memref<80x128xf32, #tpu.memory_space<vmem_shared>>) dst(%dma_wait3A_89 : memref<80x128xf32, #tpu.memory_space<hbm>>)
      tpu.yield
    }) : () -> ()
    %add3A_75 = arith.constant 320 : i32
    %add3A_76 = arith.addi %mul3A_10, %add3A_75 : i32
    "tpu.region"() ({
      %run_scoped3A = tpu.sem_alloc : memref<!tpu.dma_semaphore, #tpu.memory_space<semaphore_mem>>
      %dma_start3A_83 = arith.constant 0 : i32
      %dma_start3A_84 = tpu.memref_slice %arg5[%arg0, %add3A_76, %dma_start3A_83] : memref<2x10240x128xf32, #tpu.memory_space<hbm>> -> memref<1x80x128xf32, #tpu.memory_space<hbm>>
      %dma_start3A_85 = tpu.memref_squeeze %dma_start3A_84 : memref<1x80x128xf32, #tpu.memory_space<hbm>> -> memref<80x128xf32, #tpu.memory_space<hbm>>
      %dma_start3A_86 = arith.constant 0 : i32
      %dma_start3A_87 = tpu.memref_slice %arg12[%add3A_76, %dma_start3A_86] : memref<10112x128xf32, #tpu.memory_space<vmem_shared>> -> memref<80x128xf32, #tpu.memory_space<vmem_shared>>
      tpu.enqueue_dma source(%dma_start3A_87 : memref<80x128xf32, #tpu.memory_space<vmem_shared>>) target(%dma_start3A_85 : memref<80x128xf32, #tpu.memory_space<hbm>>) target_semaphore(%run_scoped3A : memref<!tpu.dma_semaphore, #tpu.memory_space<semaphore_mem>>)
      %dma_wait3A = arith.constant 0 : i32
      %dma_wait3A_88 = tpu.memref_slice %arg5[%arg0, %add3A_76, %dma_wait3A] : memref<2x10240x128xf32, #tpu.memory_space<hbm>> -> memref<1x80x128xf32, #tpu.memory_space<hbm>>
      %dma_wait3A_89 = tpu.memref_squeeze %dma_wait3A_88 : memref<1x80x128xf32, #tpu.memory_space<hbm>> -> memref<80x128xf32, #tpu.memory_space<hbm>>
      %dma_wait3A_90 = arith.constant 0 : i32
      %dma_wait3A_91 = tpu.memref_slice %arg12[%add3A_76, %dma_wait3A_90] : memref<10112x128xf32, #tpu.memory_space<vmem_shared>> -> memref<80x128xf32, #tpu.memory_space<vmem_shared>>
      tpu.wait_dma2 semaphore(%run_scoped3A : memref<!tpu.dma_semaphore, #tpu.memory_space<semaphore_mem>>) src(%dma_wait3A_91 : memref<80x128xf32, #tpu.memory_space<vmem_shared>>) dst(%dma_wait3A_89 : memref<80x128xf32, #tpu.memory_space<hbm>>)
      tpu.yield
    }) : () -> ()
    %add3A_77 = arith.constant 400 : i32
    %add3A_78 = arith.addi %mul3A_10, %add3A_77 : i32
    "tpu.region"() ({
      %run_scoped3A = tpu.sem_alloc : memref<!tpu.dma_semaphore, #tpu.memory_space<semaphore_mem>>
      %dma_start3A_83 = arith.constant 0 : i32
      %dma_start3A_84 = tpu.memref_slice %arg5[%arg0, %add3A_78, %dma_start3A_83] : memref<2x10240x128xf32, #tpu.memory_space<hbm>> -> memref<1x80x128xf32, #tpu.memory_space<hbm>>
      %dma_start3A_85 = tpu.memref_squeeze %dma_start3A_84 : memref<1x80x128xf32, #tpu.memory_space<hbm>> -> memref<80x128xf32, #tpu.memory_space<hbm>>
      %dma_start3A_86 = arith.constant 0 : i32
      %dma_start3A_87 = tpu.memref_slice %arg12[%add3A_78, %dma_start3A_86] : memref<10112x128xf32, #tpu.memory_space<vmem_shared>> -> memref<80x128xf32, #tpu.memory_space<vmem_shared>>
      tpu.enqueue_dma source(%dma_start3A_87 : memref<80x128xf32, #tpu.memory_space<vmem_shared>>) target(%dma_start3A_85 : memref<80x128xf32, #tpu.memory_space<hbm>>) target_semaphore(%run_scoped3A : memref<!tpu.dma_semaphore, #tpu.memory_space<semaphore_mem>>)
      %dma_wait3A = arith.constant 0 : i32
      %dma_wait3A_88 = tpu.memref_slice %arg5[%arg0, %add3A_78, %dma_wait3A] : memref<2x10240x128xf32, #tpu.memory_space<hbm>> -> memref<1x80x128xf32, #tpu.memory_space<hbm>>
      %dma_wait3A_89 = tpu.memref_squeeze %dma_wait3A_88 : memref<1x80x128xf32, #tpu.memory_space<hbm>> -> memref<80x128xf32, #tpu.memory_space<hbm>>
      %dma_wait3A_90 = arith.constant 0 : i32
      %dma_wait3A_91 = tpu.memref_slice %arg12[%add3A_78, %dma_wait3A_90] : memref<10112x128xf32, #tpu.memory_space<vmem_shared>> -> memref<80x128xf32, #tpu.memory_space<vmem_shared>>
      tpu.wait_dma2 semaphore(%run_scoped3A : memref<!tpu.dma_semaphore, #tpu.memory_space<semaphore_mem>>) src(%dma_wait3A_91 : memref<80x128xf32, #tpu.memory_space<vmem_shared>>) dst(%dma_wait3A_89 : memref<80x128xf32, #tpu.memory_space<hbm>>)
      tpu.yield
    }) : () -> ()
    %add3A_79 = arith.constant 480 : i32
    %add3A_80 = arith.addi %mul3A_10, %add3A_79 : i32
    "tpu.region"() ({
      %run_scoped3A = tpu.sem_alloc : memref<!tpu.dma_semaphore, #tpu.memory_space<semaphore_mem>>
      %dma_start3A_83 = arith.constant 0 : i32
      %dma_start3A_84 = tpu.memref_slice %arg5[%arg0, %add3A_80, %dma_start3A_83] : memref<2x10240x128xf32, #tpu.memory_space<hbm>> -> memref<1x80x128xf32, #tpu.memory_space<hbm>>
      %dma_start3A_85 = tpu.memref_squeeze %dma_start3A_84 : memref<1x80x128xf32, #tpu.memory_space<hbm>> -> memref<80x128xf32, #tpu.memory_space<hbm>>
      %dma_start3A_86 = arith.constant 0 : i32
      %dma_start3A_87 = tpu.memref_slice %arg12[%add3A_80, %dma_start3A_86] : memref<10112x128xf32, #tpu.memory_space<vmem_shared>> -> memref<80x128xf32, #tpu.memory_space<vmem_shared>>
      tpu.enqueue_dma source(%dma_start3A_87 : memref<80x128xf32, #tpu.memory_space<vmem_shared>>) target(%dma_start3A_85 : memref<80x128xf32, #tpu.memory_space<hbm>>) target_semaphore(%run_scoped3A : memref<!tpu.dma_semaphore, #tpu.memory_space<semaphore_mem>>)
      %dma_wait3A = arith.constant 0 : i32
      %dma_wait3A_88 = tpu.memref_slice %arg5[%arg0, %add3A_80, %dma_wait3A] : memref<2x10240x128xf32, #tpu.memory_space<hbm>> -> memref<1x80x128xf32, #tpu.memory_space<hbm>>
      %dma_wait3A_89 = tpu.memref_squeeze %dma_wait3A_88 : memref<1x80x128xf32, #tpu.memory_space<hbm>> -> memref<80x128xf32, #tpu.memory_space<hbm>>
      %dma_wait3A_90 = arith.constant 0 : i32
      %dma_wait3A_91 = tpu.memref_slice %arg12[%add3A_80, %dma_wait3A_90] : memref<10112x128xf32, #tpu.memory_space<vmem_shared>> -> memref<80x128xf32, #tpu.memory_space<vmem_shared>>
      tpu.wait_dma2 semaphore(%run_scoped3A : memref<!tpu.dma_semaphore, #tpu.memory_space<semaphore_mem>>) src(%dma_wait3A_91 : memref<80x128xf32, #tpu.memory_space<vmem_shared>>) dst(%dma_wait3A_89 : memref<80x128xf32, #tpu.memory_space<hbm>>)
      tpu.yield
    }) : () -> ()
    %add3A_81 = arith.constant 560 : i32
    %add3A_82 = arith.addi %mul3A_10, %add3A_81 : i32
    "tpu.region"() ({
      %run_scoped3A = tpu.sem_alloc : memref<!tpu.dma_semaphore, #tpu.memory_space<semaphore_mem>>
      %dma_start3A_83 = arith.constant 0 : i32
      %dma_start3A_84 = tpu.memref_slice %arg5[%arg0, %add3A_82, %dma_start3A_83] : memref<2x10240x128xf32, #tpu.memory_space<hbm>> -> memref<1x72x128xf32, #tpu.memory_space<hbm>>
      %dma_start3A_85 = tpu.memref_squeeze %dma_start3A_84 : memref<1x72x128xf32, #tpu.memory_space<hbm>> -> memref<72x128xf32, #tpu.memory_space<hbm>>
      %dma_start3A_86 = arith.constant 0 : i32
      %dma_start3A_87 = tpu.memref_slice %arg12[%add3A_82, %dma_start3A_86] : memref<10112x128xf32, #tpu.memory_space<vmem_shared>> -> memref<72x128xf32, #tpu.memory_space<vmem_shared>>
      tpu.enqueue_dma source(%dma_start3A_87 : memref<72x128xf32, #tpu.memory_space<vmem_shared>>) target(%dma_start3A_85 : memref<72x128xf32, #tpu.memory_space<hbm>>) target_semaphore(%run_scoped3A : memref<!tpu.dma_semaphore, #tpu.memory_space<semaphore_mem>>)
      %dma_wait3A = arith.constant 0 : i32
      %dma_wait3A_88 = tpu.memref_slice %arg5[%arg0, %add3A_82, %dma_wait3A] : memref<2x10240x128xf32, #tpu.memory_space<hbm>> -> memref<1x72x128xf32, #tpu.memory_space<hbm>>
      %dma_wait3A_89 = tpu.memref_squeeze %dma_wait3A_88 : memref<1x72x128xf32, #tpu.memory_space<hbm>> -> memref<72x128xf32, #tpu.memory_space<hbm>>
      %dma_wait3A_90 = arith.constant 0 : i32
      %dma_wait3A_91 = tpu.memref_slice %arg12[%add3A_82, %dma_wait3A_90] : memref<10112x128xf32, #tpu.memory_space<vmem_shared>> -> memref<72x128xf32, #tpu.memory_space<vmem_shared>>
      tpu.wait_dma2 semaphore(%run_scoped3A : memref<!tpu.dma_semaphore, #tpu.memory_space<semaphore_mem>>) src(%dma_wait3A_91 : memref<72x128xf32, #tpu.memory_space<vmem_shared>>) dst(%dma_wait3A_89 : memref<72x128xf32, #tpu.memory_space<hbm>>)
      tpu.yield
    }) : () -> ()
    return
  }
}

#map = affine_map<(d0, d1) -> (0, 0)>
#map1 = affine_map<(d0, d1) -> (0, 0, 0)>
module attributes {stable_mosaic.version = 14 : i64} {
  func.func @body(%arg0: i32, %arg1: i32, %arg2: memref<10240x128xf32, #tpu.memory_space<hbm>>, %arg3: memref<10240x128xf32, #tpu.memory_space<hbm>>, %arg4: memref<4032x2x80xi32, #tpu.memory_space<hbm>>, %arg5: memref<2x10240x128xf32, #tpu.memory_space<hbm>>, %arg6: memref<2x80xi32, #tpu.memory_space<vmem>>, %arg7: memref<2x80xi32, #tpu.memory_space<vmem>>, %arg8: memref<80x128xf32, #tpu.memory_space<vmem>>, %arg9: memref<80x128xf32, #tpu.memory_space<vmem>>, %arg10: memref<80x128xf32, #tpu.memory_space<vmem>>, %arg11: memref<80x128xf32, #tpu.memory_space<vmem>>, %arg12: memref<10112x128xf32, #tpu.memory_space<vmem_shared>>, %arg13: memref<!tpu.dma_semaphore, #tpu.memory_space<semaphore_mem>>, %arg14: memref<!tpu.dma_semaphore, #tpu.memory_space<semaphore_mem>>, %arg15: memref<!tpu.dma_semaphore, #tpu.memory_space<semaphore_mem>>, %arg16: memref<!tpu.dma_semaphore, #tpu.memory_space<semaphore_mem>>, %arg17: memref<!tpu.dma_semaphore, #tpu.memory_space<semaphore_mem>>, %arg18: memref<!tpu.dma_semaphore, #tpu.memory_space<semaphore_mem>>) attributes {dimension_semantics = [#tpu.dimension_semantics<core_parallel>, #tpu.dimension_semantics<subcore_parallel>], iteration_bounds = array<i64: 2, 16>, scalar_prefetch = 0 : i64, scratch_operands = 13 : i64, tpu.core_type = #tpu.core_type<sc_vector_subcore>, window_params = [{transform_indices = #map}, {transform_indices = #map}, {transform_indices = #map1}, {transform_indices = #map1}]} {
    %mul3A = arith.constant 2 : i32
    %mul3A_0 = arith.muli %arg1, %mul3A : i32
    %add3A = arith.addi %mul3A_0, %arg0 : i32
    %mul3A_1 = arith.constant 126 : i32
    %mul3A_2 = arith.muli %add3A, %mul3A_1 : i32
    %broadcast_in_dim3A = arith.constant 0.000000e+00 : f32
    %broadcast_in_dim3A_3 = vector.broadcast %broadcast_in_dim3A : f32 to vector<16xf32>
    %scan3A = arith.constant 0 : i32
    %scan3A_4 = arith.constant 0 : i32
    %scan3A_5 = arith.constant 80 : i32
    %scan3A_6 = arith.addi %scan3A_4, %scan3A_5 : i32
    %scan3A_7 = arith.constant 1 : i32
    scf.for %scan3A_83 = %scan3A_4 to %scan3A_6 step %scan3A_7  : i32 {
      %swap3A = arith.index_cast %scan3A_83 : i32 to index
      %swap3A_84 = arith.constant 0 : index
      %swap3A_85 = tpu.vector_load %arg8[%swap3A, %swap3A_84] {strides = array<i32>} : memref<80x128xf32, #tpu.memory_space<vmem>>, vector<1x16xf32>,
      %swap3A_86 = vector.shape_cast %swap3A_85 : vector<1x16xf32> to vector<16xf32>
      %swap3A_87 = vector.shape_cast %broadcast_in_dim3A_3 : vector<16xf32> to vector<1x16xf32>
      tpu.vector_store %arg8[%swap3A, %swap3A_84], %swap3A_87 {strides = array<i32>} : memref<80x128xf32, #tpu.memory_space<vmem>>, vector<1x16xf32>,
      %swap3A_88 = arith.index_cast %scan3A_83 : i32 to index
      %swap3A_89 = arith.constant 16 : index
      %swap3A_90 = tpu.vector_load %arg8[%swap3A_88, %swap3A_89] {strides = array<i32>} : memref<80x128xf32, #tpu.memory_space<vmem>>, vector<1x16xf32>,
      %swap3A_91 = vector.shape_cast %swap3A_90 : vector<1x16xf32> to vector<16xf32>
      %swap3A_92 = vector.shape_cast %broadcast_in_dim3A_3 : vector<16xf32> to vector<1x16xf32>
      tpu.vector_store %arg8[%swap3A_88, %swap3A_89], %swap3A_92 {strides = array<i32>} : memref<80x128xf32, #tpu.memory_space<vmem>>, vector<1x16xf32>,
      %swap3A_93 = arith.index_cast %scan3A_83 : i32 to index
      %swap3A_94 = arith.constant 32 : index
      %swap3A_95 = tpu.vector_load %arg8[%swap3A_93, %swap3A_94] {strides = array<i32>} : memref<80x128xf32, #tpu.memory_space<vmem>>, vector<1x16xf32>,
      %swap3A_96 = vector.shape_cast %swap3A_95 : vector<1x16xf32> to vector<16xf32>
      %swap3A_97 = vector.shape_cast %broadcast_in_dim3A_3 : vector<16xf32> to vector<1x16xf32>
      tpu.vector_store %arg8[%swap3A_93, %swap3A_94], %swap3A_97 {strides = array<i32>} : memref<80x128xf32, #tpu.memory_space<vmem>>, vector<1x16xf32>,
      %swap3A_98 = arith.index_cast %scan3A_83 : i32 to index
      %swap3A_99 = arith.constant 48 : index
      %swap3A_100 = tpu.vector_load %arg8[%swap3A_98, %swap3A_99] {strides = array<i32>} : memref<80x128xf32, #tpu.memory_space<vmem>>, vector<1x16xf32>,
      %swap3A_101 = vector.shape_cast %swap3A_100 : vector<1x16xf32> to vector<16xf32>
      %swap3A_102 = vector.shape_cast %broadcast_in_dim3A_3 : vector<16xf32> to vector<1x16xf32>
      tpu.vector_store %arg8[%swap3A_98, %swap3A_99], %swap3A_102 {strides = array<i32>} : memref<80x128xf32, #tpu.memory_space<vmem>>, vector<1x16xf32>,
      %swap3A_103 = arith.index_cast %scan3A_83 : i32 to index
      %swap3A_104 = arith.constant 64 : index
      %swap3A_105 = tpu.vector_load %arg8[%swap3A_103, %swap3A_104] {strides = array<i32>} : memref<80x128xf32, #tpu.memory_space<vmem>>, vector<1x16xf32>,
      %swap3A_106 = vector.shape_cast %swap3A_105 : vector<1x16xf32> to vector<16xf32>
      %swap3A_107 = vector.shape_cast %broadcast_in_dim3A_3 : vector<16xf32> to vector<1x16xf32>
      tpu.vector_store %arg8[%swap3A_103, %swap3A_104], %swap3A_107 {strides = array<i32>} : memref<80x128xf32, #tpu.memory_space<vmem>>, vector<1x16xf32>,
      %swap3A_108 = arith.index_cast %scan3A_83 : i32 to index
      %swap3A_109 = arith.constant 80 : index
      %swap3A_110 = tpu.vector_load %arg8[%swap3A_108, %swap3A_109] {strides = array<i32>} : memref<80x128xf32, #tpu.memory_space<vmem>>, vector<1x16xf32>,
      %swap3A_111 = vector.shape_cast %swap3A_110 : vector<1x16xf32> to vector<16xf32>
      %swap3A_112 = vector.shape_cast %broadcast_in_dim3A_3 : vector<16xf32> to vector<1x16xf32>
      tpu.vector_store %arg8[%swap3A_108, %swap3A_109], %swap3A_112 {strides = array<i32>} : memref<80x128xf32, #tpu.memory_space<vmem>>, vector<1x16xf32>,
      %swap3A_113 = arith.index_cast %scan3A_83 : i32 to index
      %swap3A_114 = arith.constant 96 : index
      %swap3A_115 = tpu.vector_load %arg8[%swap3A_113, %swap3A_114] {strides = array<i32>} : memref<80x128xf32, #tpu.memory_space<vmem>>, vector<1x16xf32>,
      %swap3A_116 = vector.shape_cast %swap3A_115 : vector<1x16xf32> to vector<16xf32>
      %swap3A_117 = vector.shape_cast %broadcast_in_dim3A_3 : vector<16xf32> to vector<1x16xf32>
      tpu.vector_store %arg8[%swap3A_113, %swap3A_114], %swap3A_117 {strides = array<i32>} : memref<80x128xf32, #tpu.memory_space<vmem>>, vector<1x16xf32>,
      %swap3A_118 = arith.index_cast %scan3A_83 : i32 to index
      %swap3A_119 = arith.constant 112 : index
      %swap3A_120 = tpu.vector_load %arg8[%swap3A_118, %swap3A_119] {strides = array<i32>} : memref<80x128xf32, #tpu.memory_space<vmem>>, vector<1x16xf32>,
      %swap3A_121 = vector.shape_cast %swap3A_120 : vector<1x16xf32> to vector<16xf32>
      %swap3A_122 = vector.shape_cast %broadcast_in_dim3A_3 : vector<16xf32> to vector<1x16xf32>
      tpu.vector_store %arg8[%swap3A_118, %swap3A_119], %swap3A_122 {strides = array<i32>} : memref<80x128xf32, #tpu.memory_space<vmem>>, vector<1x16xf32>,
    }
    %scan3A_8 = arith.constant 80 : i32
    %mul3A_9 = arith.constant 632 : i32
    %mul3A_10 = arith.muli %arg1, %mul3A_9 : i32
    %add3A_11 = arith.constant 0 : i32
    %add3A_12 = arith.addi %mul3A_10, %add3A_11 : i32
    "tpu.region"() ({
      %run_scoped3A = tpu.sem_alloc : memref<!tpu.dma_semaphore, #tpu.memory_space<semaphore_mem>>
      %dma_start3A_83 = arith.constant 0 : i32
      %dma_start3A_84 = tpu.memref_slice %arg12[%add3A_12, %dma_start3A_83] : memref<10112x128xf32, #tpu.memory_space<vmem_shared>> -> memref<80x128xf32, #tpu.memory_space<vmem_shared>>
      %dma_start3A_85 = arith.constant 0 : i32
      %dma_start3A_86 = tpu.memref_slice %arg12[%add3A_12, %dma_start3A_85] : memref<10112x128xf32, #tpu.memory_space<vmem_shared>> -> memref<80x128xf32, #tpu.memory_space<vmem_shared>>
      tpu.enqueue_dma source(%arg8 : memref<80x128xf32, #tpu.memory_space<vmem>>) target(%dma_start3A_86 : memref<80x128xf32, #tpu.memory_space<vmem_shared>>) target_semaphore(%run_scoped3A : memref<!tpu.dma_semaphore, #tpu.memory_space<semaphore_mem>>)
      %dma_wait3A = arith.constant 0 : i32
      %dma_wait3A_87 = tpu.memref_slice %arg12[%add3A_12, %dma_wait3A] : memref<10112x128xf32, #tpu.memory_space<vmem_shared>> -> memref<80x128xf32, #tpu.memory_space<vmem_shared>>
      %dma_wait3A_88 = arith.constant 0 : i32
      %dma_wait3A_89 = tpu.memref_slice %arg12[%add3A_12, %dma_wait3A_88] : memref<10112x128xf32, #tpu.memory_space<vmem_shared>> -> memref<80x128xf32, #tpu.memory_space<vmem_shared>>
      tpu.wait_dma2 semaphore(%run_scoped3A : memref<!tpu.dma_semaphore, #tpu.memory_space<semaphore_mem>>) src(%arg8 : memref<80x128xf32, #tpu.memory_space<vmem>>) dst(%dma_wait3A_89 : memref<80x128xf32, #tpu.memory_space<vmem_shared>>)
      tpu.yield
    }) : () -> ()
    %add3A_13 = arith.constant 80 : i32
    %add3A_14 = arith.addi %mul3A_10, %add3A_13 : i32
    "tpu.region"() ({
      %run_scoped3A = tpu.sem_alloc : memref<!tpu.dma_semaphore, #tpu.memory_space<semaphore_mem>>
      %dma_start3A_83 = arith.constant 0 : i32
      %dma_start3A_84 = tpu.memref_slice %arg12[%add3A_14, %dma_start3A_83] : memref<10112x128xf32, #tpu.memory_space<vmem_shared>> -> memref<80x128xf32, #tpu.memory_space<vmem_shared>>
      %dma_start3A_85 = arith.constant 0 : i32
      %dma_start3A_86 = tpu.memref_slice %arg12[%add3A_14, %dma_start3A_85] : memref<10112x128xf32, #tpu.memory_space<vmem_shared>> -> memref<80x128xf32, #tpu.memory_space<vmem_shared>>
      tpu.enqueue_dma source(%arg8 : memref<80x128xf32, #tpu.memory_space<vmem>>) target(%dma_start3A_86 : memref<80x128xf32, #tpu.memory_space<vmem_shared>>) target_semaphore(%run_scoped3A : memref<!tpu.dma_semaphore, #tpu.memory_space<semaphore_mem>>)
      %dma_wait3A = arith.constant 0 : i32
      %dma_wait3A_87 = tpu.memref_slice %arg12[%add3A_14, %dma_wait3A] : memref<10112x128xf32, #tpu.memory_space<vmem_shared>> -> memref<80x128xf32, #tpu.memory_space<vmem_shared>>
      %dma_wait3A_88 = arith.constant 0 : i32
      %dma_wait3A_89 = tpu.memref_slice %arg12[%add3A_14, %dma_wait3A_88] : memref<10112x128xf32, #tpu.memory_space<vmem_shared>> -> memref<80x128xf32, #tpu.memory_space<vmem_shared>>
      tpu.wait_dma2 semaphore(%run_scoped3A : memref<!tpu.dma_semaphore, #tpu.memory_space<semaphore_mem>>) src(%arg8 : memref<80x128xf32, #tpu.memory_space<vmem>>) dst(%dma_wait3A_89 : memref<80x128xf32, #tpu.memory_space<vmem_shared>>)
      tpu.yield
    }) : () -> ()
    %add3A_15 = arith.constant 160 : i32
    %add3A_16 = arith.addi %mul3A_10, %add3A_15 : i32
    "tpu.region"() ({
      %run_scoped3A = tpu.sem_alloc : memref<!tpu.dma_semaphore, #tpu.memory_space<semaphore_mem>>
      %dma_start3A_83 = arith.constant 0 : i32
      %dma_start3A_84 = tpu.memref_slice %arg12[%add3A_16, %dma_start3A_83] : memref<10112x128xf32, #tpu.memory_space<vmem_shared>> -> memref<80x128xf32, #tpu.memory_space<vmem_shared>>
      %dma_start3A_85 = arith.constant 0 : i32
      %dma_start3A_86 = tpu.memref_slice %arg12[%add3A_16, %dma_start3A_85] : memref<10112x128xf32, #tpu.memory_space<vmem_shared>> -> memref<80x128xf32, #tpu.memory_space<vmem_shared>>
      tpu.enqueue_dma source(%arg8 : memref<80x128xf32, #tpu.memory_space<vmem>>) target(%dma_start3A_86 : memref<80x128xf32, #tpu.memory_space<vmem_shared>>) target_semaphore(%run_scoped3A : memref<!tpu.dma_semaphore, #tpu.memory_space<semaphore_mem>>)
      %dma_wait3A = arith.constant 0 : i32
      %dma_wait3A_87 = tpu.memref_slice %arg12[%add3A_16, %dma_wait3A] : memref<10112x128xf32, #tpu.memory_space<vmem_shared>> -> memref<80x128xf32, #tpu.memory_space<vmem_shared>>
      %dma_wait3A_88 = arith.constant 0 : i32
      %dma_wait3A_89 = tpu.memref_slice %arg12[%add3A_16, %dma_wait3A_88] : memref<10112x128xf32, #tpu.memory_space<vmem_shared>> -> memref<80x128xf32, #tpu.memory_space<vmem_shared>>
      tpu.wait_dma2 semaphore(%run_scoped3A : memref<!tpu.dma_semaphore, #tpu.memory_space<semaphore_mem>>) src(%arg8 : memref<80x128xf32, #tpu.memory_space<vmem>>) dst(%dma_wait3A_89 : memref<80x128xf32, #tpu.memory_space<vmem_shared>>)
      tpu.yield
    }) : () -> ()
    %add3A_17 = arith.constant 240 : i32
    %add3A_18 = arith.addi %mul3A_10, %add3A_17 : i32
    "tpu.region"() ({
      %run_scoped3A = tpu.sem_alloc : memref<!tpu.dma_semaphore, #tpu.memory_space<semaphore_mem>>
      %dma_start3A_83 = arith.constant 0 : i32
      %dma_start3A_84 = tpu.memref_slice %arg12[%add3A_18, %dma_start3A_83] : memref<10112x128xf32, #tpu.memory_space<vmem_shared>> -> memref<80x128xf32, #tpu.memory_space<vmem_shared>>
      %dma_start3A_85 = arith.constant 0 : i32
      %dma_start3A_86 = tpu.memref_slice %arg12[%add3A_18, %dma_start3A_85] : memref<10112x128xf32, #tpu.memory_space<vmem_shared>> -> memref<80x128xf32, #tpu.memory_space<vmem_shared>>
      tpu.enqueue_dma source(%arg8 : memref<80x128xf32, #tpu.memory_space<vmem>>) target(%dma_start3A_86 : memref<80x128xf32, #tpu.memory_space<vmem_shared>>) target_semaphore(%run_scoped3A : memref<!tpu.dma_semaphore, #tpu.memory_space<semaphore_mem>>)
      %dma_wait3A = arith.constant 0 : i32
      %dma_wait3A_87 = tpu.memref_slice %arg12[%add3A_18, %dma_wait3A] : memref<10112x128xf32, #tpu.memory_space<vmem_shared>> -> memref<80x128xf32, #tpu.memory_space<vmem_shared>>
      %dma_wait3A_88 = arith.constant 0 : i32
      %dma_wait3A_89 = tpu.memref_slice %arg12[%add3A_18, %dma_wait3A_88] : memref<10112x128xf32, #tpu.memory_space<vmem_shared>> -> memref<80x128xf32, #tpu.memory_space<vmem_shared>>
      tpu.wait_dma2 semaphore(%run_scoped3A : memref<!tpu.dma_semaphore, #tpu.memory_space<semaphore_mem>>) src(%arg8 : memref<80x128xf32, #tpu.memory_space<vmem>>) dst(%dma_wait3A_89 : memref<80x128xf32, #tpu.memory_space<vmem_shared>>)
      tpu.yield
    }) : () -> ()
    %add3A_19 = arith.constant 320 : i32
    %add3A_20 = arith.addi %mul3A_10, %add3A_19 : i32
    "tpu.region"() ({
      %run_scoped3A = tpu.sem_alloc : memref<!tpu.dma_semaphore, #tpu.memory_space<semaphore_mem>>
      %dma_start3A_83 = arith.constant 0 : i32
      %dma_start3A_84 = tpu.memref_slice %arg12[%add3A_20, %dma_start3A_83] : memref<10112x128xf32, #tpu.memory_space<vmem_shared>> -> memref<80x128xf32, #tpu.memory_space<vmem_shared>>
      %dma_start3A_85 = arith.constant 0 : i32
      %dma_start3A_86 = tpu.memref_slice %arg12[%add3A_20, %dma_start3A_85] : memref<10112x128xf32, #tpu.memory_space<vmem_shared>> -> memref<80x128xf32, #tpu.memory_space<vmem_shared>>
      tpu.enqueue_dma source(%arg8 : memref<80x128xf32, #tpu.memory_space<vmem>>) target(%dma_start3A_86 : memref<80x128xf32, #tpu.memory_space<vmem_shared>>) target_semaphore(%run_scoped3A : memref<!tpu.dma_semaphore, #tpu.memory_space<semaphore_mem>>)
      %dma_wait3A = arith.constant 0 : i32
      %dma_wait3A_87 = tpu.memref_slice %arg12[%add3A_20, %dma_wait3A] : memref<10112x128xf32, #tpu.memory_space<vmem_shared>> -> memref<80x128xf32, #tpu.memory_space<vmem_shared>>
      %dma_wait3A_88 = arith.constant 0 : i32
      %dma_wait3A_89 = tpu.memref_slice %arg12[%add3A_20, %dma_wait3A_88] : memref<10112x128xf32, #tpu.memory_space<vmem_shared>> -> memref<80x128xf32, #tpu.memory_space<vmem_shared>>
      tpu.wait_dma2 semaphore(%run_scoped3A : memref<!tpu.dma_semaphore, #tpu.memory_space<semaphore_mem>>) src(%arg8 : memref<80x128xf32, #tpu.memory_space<vmem>>) dst(%dma_wait3A_89 : memref<80x128xf32, #tpu.memory_space<vmem_shared>>)
      tpu.yield
    }) : () -> ()
    %add3A_21 = arith.constant 400 : i32
    %add3A_22 = arith.addi %mul3A_10, %add3A_21 : i32
    "tpu.region"() ({
      %run_scoped3A = tpu.sem_alloc : memref<!tpu.dma_semaphore, #tpu.memory_space<semaphore_mem>>
      %dma_start3A_83 = arith.constant 0 : i32
      %dma_start3A_84 = tpu.memref_slice %arg12[%add3A_22, %dma_start3A_83] : memref<10112x128xf32, #tpu.memory_space<vmem_shared>> -> memref<80x128xf32, #tpu.memory_space<vmem_shared>>
      %dma_start3A_85 = arith.constant 0 : i32
      %dma_start3A_86 = tpu.memref_slice %arg12[%add3A_22, %dma_start3A_85] : memref<10112x128xf32, #tpu.memory_space<vmem_shared>> -> memref<80x128xf32, #tpu.memory_space<vmem_shared>>
      tpu.enqueue_dma source(%arg8 : memref<80x128xf32, #tpu.memory_space<vmem>>) target(%dma_start3A_86 : memref<80x128xf32, #tpu.memory_space<vmem_shared>>) target_semaphore(%run_scoped3A : memref<!tpu.dma_semaphore, #tpu.memory_space<semaphore_mem>>)
      %dma_wait3A = arith.constant 0 : i32
      %dma_wait3A_87 = tpu.memref_slice %arg12[%add3A_22, %dma_wait3A] : memref<10112x128xf32, #tpu.memory_space<vmem_shared>> -> memref<80x128xf32, #tpu.memory_space<vmem_shared>>
      %dma_wait3A_88 = arith.constant 0 : i32
      %dma_wait3A_89 = tpu.memref_slice %arg12[%add3A_22, %dma_wait3A_88] : memref<10112x128xf32, #tpu.memory_space<vmem_shared>> -> memref<80x128xf32, #tpu.memory_space<vmem_shared>>
      tpu.wait_dma2 semaphore(%run_scoped3A : memref<!tpu.dma_semaphore, #tpu.memory_space<semaphore_mem>>) src(%arg8 : memref<80x128xf32, #tpu.memory_space<vmem>>) dst(%dma_wait3A_89 : memref<80x128xf32, #tpu.memory_space<vmem_shared>>)
      tpu.yield
    }) : () -> ()
    %add3A_23 = arith.constant 480 : i32
    %add3A_24 = arith.addi %mul3A_10, %add3A_23 : i32
    "tpu.region"() ({
      %run_scoped3A = tpu.sem_alloc : memref<!tpu.dma_semaphore, #tpu.memory_space<semaphore_mem>>
      %dma_start3A_83 = arith.constant 0 : i32
      %dma_start3A_84 = tpu.memref_slice %arg12[%add3A_24, %dma_start3A_83] : memref<10112x128xf32, #tpu.memory_space<vmem_shared>> -> memref<80x128xf32, #tpu.memory_space<vmem_shared>>
      %dma_start3A_85 = arith.constant 0 : i32
      %dma_start3A_86 = tpu.memref_slice %arg12[%add3A_24, %dma_start3A_85] : memref<10112x128xf32, #tpu.memory_space<vmem_shared>> -> memref<80x128xf32, #tpu.memory_space<vmem_shared>>
      tpu.enqueue_dma source(%arg8 : memref<80x128xf32, #tpu.memory_space<vmem>>) target(%dma_start3A_86 : memref<80x128xf32, #tpu.memory_space<vmem_shared>>) target_semaphore(%run_scoped3A : memref<!tpu.dma_semaphore, #tpu.memory_space<semaphore_mem>>)
      %dma_wait3A = arith.constant 0 : i32
      %dma_wait3A_87 = tpu.memref_slice %arg12[%add3A_24, %dma_wait3A] : memref<10112x128xf32, #tpu.memory_space<vmem_shared>> -> memref<80x128xf32, #tpu.memory_space<vmem_shared>>
      %dma_wait3A_88 = arith.constant 0 : i32
      %dma_wait3A_89 = tpu.memref_slice %arg12[%add3A_24, %dma_wait3A_88] : memref<10112x128xf32, #tpu.memory_space<vmem_shared>> -> memref<80x128xf32, #tpu.memory_space<vmem_shared>>
      tpu.wait_dma2 semaphore(%run_scoped3A : memref<!tpu.dma_semaphore, #tpu.memory_space<semaphore_mem>>) src(%arg8 : memref<80x128xf32, #tpu.memory_space<vmem>>) dst(%dma_wait3A_89 : memref<80x128xf32, #tpu.memory_space<vmem_shared>>)
      tpu.yield
    }) : () -> ()
    %add3A_25 = arith.constant 560 : i32
    %add3A_26 = arith.addi %mul3A_10, %add3A_25 : i32
    "tpu.region"() ({
      %run_scoped3A = tpu.sem_alloc : memref<!tpu.dma_semaphore, #tpu.memory_space<semaphore_mem>>
      %dma_start3A_83 = arith.constant 0 : i32
      %dma_start3A_84 = arith.constant 0 : i32
      %dma_start3A_85 = tpu.memref_slice %arg8[%dma_start3A_83, %dma_start3A_84] : memref<80x128xf32, #tpu.memory_space<vmem>> -> memref<72x128xf32, #tpu.memory_space<vmem>>
      %dma_start3A_86 = arith.constant 0 : i32
      %dma_start3A_87 = tpu.memref_slice %arg12[%add3A_26, %dma_start3A_86] : memref<10112x128xf32, #tpu.memory_space<vmem_shared>> -> memref<72x128xf32, #tpu.memory_space<vmem_shared>>
      %dma_start3A_88 = arith.constant 0 : i32
      %dma_start3A_89 = tpu.memref_slice %arg12[%add3A_26, %dma_start3A_88] : memref<10112x128xf32, #tpu.memory_space<vmem_shared>> -> memref<72x128xf32, #tpu.memory_space<vmem_shared>>
      %dma_start3A_90 = arith.constant 0 : i32
      %dma_start3A_91 = arith.constant 0 : i32
      %dma_start3A_92 = tpu.memref_slice %arg8[%dma_start3A_90, %dma_start3A_91] : memref<80x128xf32, #tpu.memory_space<vmem>> -> memref<72x128xf32, #tpu.memory_space<vmem>>
      tpu.enqueue_dma source(%dma_start3A_92 : memref<72x128xf32, #tpu.memory_space<vmem>>) target(%dma_start3A_89 : memref<72x128xf32, #tpu.memory_space<vmem_shared>>) target_semaphore(%run_scoped3A : memref<!tpu.dma_semaphore, #tpu.memory_space<semaphore_mem>>)
      %dma_wait3A = arith.constant 0 : i32
      %dma_wait3A_93 = arith.constant 0 : i32
      %dma_wait3A_94 = tpu.memref_slice %arg8[%dma_wait3A, %dma_wait3A_93] : memref<80x128xf32, #tpu.memory_space<vmem>> -> memref<72x128xf32, #tpu.memory_space<vmem>>
      %dma_wait3A_95 = arith.constant 0 : i32
      %dma_wait3A_96 = tpu.memref_slice %arg12[%add3A_26, %dma_wait3A_95] : memref<10112x128xf32, #tpu.memory_space<vmem_shared>> -> memref<72x128xf32, #tpu.memory_space<vmem_shared>>
      %dma_wait3A_97 = arith.constant 0 : i32
      %dma_wait3A_98 = tpu.memref_slice %arg12[%add3A_26, %dma_wait3A_97] : memref<10112x128xf32, #tpu.memory_space<vmem_shared>> -> memref<72x128xf32, #tpu.memory_space<vmem_shared>>
      %dma_wait3A_99 = arith.constant 0 : i32
      %dma_wait3A_100 = arith.constant 0 : i32
      %dma_wait3A_101 = tpu.memref_slice %arg8[%dma_wait3A_99, %dma_wait3A_100] : memref<80x128xf32, #tpu.memory_space<vmem>> -> memref<72x128xf32, #tpu.memory_space<vmem>>
      tpu.wait_dma2 semaphore(%run_scoped3A : memref<!tpu.dma_semaphore, #tpu.memory_space<semaphore_mem>>) src(%dma_wait3A_101 : memref<72x128xf32, #tpu.memory_space<vmem>>) dst(%dma_wait3A_98 : memref<72x128xf32, #tpu.memory_space<vmem_shared>>)
      tpu.yield
    }) : () -> ()
    %eq3A = arith.constant 0 : i32
    %eq3A_27 = arith.cmpi eq, %arg1, %eq3A : i32
    %convert_element_type3A = arith.extui %eq3A_27 : i1 to i32
    %cond3A = arith.constant 0 : i32
    %cond3A_28 = arith.cmpi ne, %convert_element_type3A, %cond3A : i32
    scf.if %cond3A_28 {
      "tpu.region"() ({
        %run_scoped3A = tpu.sem_alloc : memref<!tpu.dma_semaphore, #tpu.memory_space<semaphore_mem>>
        %dma_start3A_83 = arith.constant 0 : i32
        %dma_start3A_84 = arith.constant 0 : i32
        %dma_start3A_85 = tpu.memref_slice %arg8[%dma_start3A_83, %dma_start3A_84] : memref<80x128xf32, #tpu.memory_space<vmem>> -> memref<80x128xf32, #tpu.memory_space<vmem>>
        %dma_start3A_86 = arith.constant 10112 : i32
        %dma_start3A_87 = arith.constant 0 : i32
        %dma_start3A_88 = tpu.memref_slice %arg5[%arg0, %dma_start3A_86, %dma_start3A_87] : memref<2x10240x128xf32, #tpu.memory_space<hbm>> -> memref<1x80x128xf32, #tpu.memory_space<hbm>>
        %dma_start3A_89 = tpu.memref_squeeze %dma_start3A_88 : memref<1x80x128xf32, #tpu.memory_space<hbm>> -> memref<80x128xf32, #tpu.memory_space<hbm>>
        %dma_start3A_90 = arith.constant 10112 : i32
        %dma_start3A_91 = arith.constant 0 : i32
        %dma_start3A_92 = tpu.memref_slice %arg5[%arg0, %dma_start3A_90, %dma_start3A_91] : memref<2x10240x128xf32, #tpu.memory_space<hbm>> -> memref<1x80x128xf32, #tpu.memory_space<hbm>>
        %dma_start3A_93 = tpu.memref_squeeze %dma_start3A_92 : memref<1x80x128xf32, #tpu.memory_space<hbm>> -> memref<80x128xf32, #tpu.memory_space<hbm>>
        %dma_start3A_94 = arith.constant 0 : i32
        %dma_start3A_95 = arith.constant 0 : i32
        %dma_start3A_96 = tpu.memref_slice %arg8[%dma_start3A_94, %dma_start3A_95] : memref<80x128xf32, #tpu.memory_space<vmem>> -> memref<80x128xf32, #tpu.memory_space<vmem>>
        tpu.enqueue_dma source(%dma_start3A_96 : memref<80x128xf32, #tpu.memory_space<vmem>>) target(%dma_start3A_93 : memref<80x128xf32, #tpu.memory_space<hbm>>) target_semaphore(%run_scoped3A : memref<!tpu.dma_semaphore, #tpu.memory_space<semaphore_mem>>)
        %dma_wait3A = arith.constant 0 : i32
        %dma_wait3A_97 = arith.constant 0 : i32
        %dma_wait3A_98 = tpu.memref_slice %arg8[%dma_wait3A, %dma_wait3A_97] : memref<80x128xf32, #tpu.memory_space<vmem>> -> memref<80x128xf32, #tpu.memory_space<vmem>>
        %dma_wait3A_99 = arith.constant 10112 : i32
        %dma_wait3A_100 = arith.constant 0 : i32
        %dma_wait3A_101 = tpu.memref_slice %arg5[%arg0, %dma_wait3A_99, %dma_wait3A_100] : memref<2x10240x128xf32, #tpu.memory_space<hbm>> -> memref<1x80x128xf32, #tpu.memory_space<hbm>>
        %dma_wait3A_102 = tpu.memref_squeeze %dma_wait3A_101 : memref<1x80x128xf32, #tpu.memory_space<hbm>> -> memref<80x128xf32, #tpu.memory_space<hbm>>
        %dma_wait3A_103 = arith.constant 10112 : i32
        %dma_wait3A_104 = arith.constant 0 : i32
        %dma_wait3A_105 = tpu.memref_slice %arg5[%arg0, %dma_wait3A_103, %dma_wait3A_104] : memref<2x10240x128xf32, #tpu.memory_space<hbm>> -> memref<1x80x128xf32, #tpu.memory_space<hbm>>
        %dma_wait3A_106 = tpu.memref_squeeze %dma_wait3A_105 : memref<1x80x128xf32, #tpu.memory_space<hbm>> -> memref<80x128xf32, #tpu.memory_space<hbm>>
        %dma_wait3A_107 = arith.constant 0 : i32
        %dma_wait3A_108 = arith.constant 0 : i32
        %dma_wait3A_109 = tpu.memref_slice %arg8[%dma_wait3A_107, %dma_wait3A_108] : memref<80x128xf32, #tpu.memory_space<vmem>> -> memref<80x128xf32, #tpu.memory_space<vmem>>
        tpu.wait_dma2 semaphore(%run_scoped3A : memref<!tpu.dma_semaphore, #tpu.memory_space<semaphore_mem>>) src(%dma_wait3A_109 : memref<80x128xf32, #tpu.memory_space<vmem>>) dst(%dma_wait3A_106 : memref<80x128xf32, #tpu.memory_space<hbm>>)
        tpu.yield
      }) : () -> ()
      "tpu.region"() ({
        %run_scoped3A = tpu.sem_alloc : memref<!tpu.dma_semaphore, #tpu.memory_space<semaphore_mem>>
        %dma_start3A_83 = arith.constant 0 : i32
        %dma_start3A_84 = arith.constant 0 : i32
        %dma_start3A_85 = tpu.memref_slice %arg8[%dma_start3A_83, %dma_start3A_84] : memref<80x128xf32, #tpu.memory_space<vmem>> -> memref<48x128xf32, #tpu.memory_space<vmem>>
        %dma_start3A_86 = arith.constant 10192 : i32
        %dma_start3A_87 = arith.constant 0 : i32
        %dma_start3A_88 = tpu.memref_slice %arg5[%arg0, %dma_start3A_86, %dma_start3A_87] : memref<2x10240x128xf32, #tpu.memory_space<hbm>> -> memref<1x48x128xf32, #tpu.memory_space<hbm>>
        %dma_start3A_89 = tpu.memref_squeeze %dma_start3A_88 : memref<1x48x128xf32, #tpu.memory_space<hbm>> -> memref<48x128xf32, #tpu.memory_space<hbm>>
        %dma_start3A_90 = arith.constant 10192 : i32
        %dma_start3A_91 = arith.constant 0 : i32
        %dma_start3A_92 = tpu.memref_slice %arg5[%arg0, %dma_start3A_90, %dma_start3A_91] : memref<2x10240x128xf32, #tpu.memory_space<hbm>> -> memref<1x48x128xf32, #tpu.memory_space<hbm>>
        %dma_start3A_93 = tpu.memref_squeeze %dma_start3A_92 : memref<1x48x128xf32, #tpu.memory_space<hbm>> -> memref<48x128xf32, #tpu.memory_space<hbm>>
        %dma_start3A_94 = arith.constant 0 : i32
        %dma_start3A_95 = arith.constant 0 : i32
        %dma_start3A_96 = tpu.memref_slice %arg8[%dma_start3A_94, %dma_start3A_95] : memref<80x128xf32, #tpu.memory_space<vmem>> -> memref<48x128xf32, #tpu.memory_space<vmem>>
        tpu.enqueue_dma source(%dma_start3A_96 : memref<48x128xf32, #tpu.memory_space<vmem>>) target(%dma_start3A_93 : memref<48x128xf32, #tpu.memory_space<hbm>>) target_semaphore(%run_scoped3A : memref<!tpu.dma_semaphore, #tpu.memory_space<semaphore_mem>>)
        %dma_wait3A = arith.constant 0 : i32
        %dma_wait3A_97 = arith.constant 0 : i32
        %dma_wait3A_98 = tpu.memref_slice %arg8[%dma_wait3A, %dma_wait3A_97] : memref<80x128xf32, #tpu.memory_space<vmem>> -> memref<48x128xf32, #tpu.memory_space<vmem>>
        %dma_wait3A_99 = arith.constant 10192 : i32
        %dma_wait3A_100 = arith.constant 0 : i32
        %dma_wait3A_101 = tpu.memref_slice %arg5[%arg0, %dma_wait3A_99, %dma_wait3A_100] : memref<2x10240x128xf32, #tpu.memory_space<hbm>> -> memref<1x48x128xf32, #tpu.memory_space<hbm>>
        %dma_wait3A_102 = tpu.memref_squeeze %dma_wait3A_101 : memref<1x48x128xf32, #tpu.memory_space<hbm>> -> memref<48x128xf32, #tpu.memory_space<hbm>>
        %dma_wait3A_103 = arith.constant 10192 : i32
        %dma_wait3A_104 = arith.constant 0 : i32
        %dma_wait3A_105 = tpu.memref_slice %arg5[%arg0, %dma_wait3A_103, %dma_wait3A_104] : memref<2x10240x128xf32, #tpu.memory_space<hbm>> -> memref<1x48x128xf32, #tpu.memory_space<hbm>>
        %dma_wait3A_106 = tpu.memref_squeeze %dma_wait3A_105 : memref<1x48x128xf32, #tpu.memory_space<hbm>> -> memref<48x128xf32, #tpu.memory_space<hbm>>
        %dma_wait3A_107 = arith.constant 0 : i32
        %dma_wait3A_108 = arith.constant 0 : i32
        %dma_wait3A_109 = tpu.memref_slice %arg8[%dma_wait3A_107, %dma_wait3A_108] : memref<80x128xf32, #tpu.memory_space<vmem>> -> memref<48x128xf32, #tpu.memory_space<vmem>>
        tpu.wait_dma2 semaphore(%run_scoped3A : memref<!tpu.dma_semaphore, #tpu.memory_space<semaphore_mem>>) src(%dma_wait3A_109 : memref<48x128xf32, #tpu.memory_space<vmem>>) dst(%dma_wait3A_106 : memref<48x128xf32, #tpu.memory_space<hbm>>)
        tpu.yield
      }) : () -> ()
    } else {
    }
    %barrier3A = arith.constant 0 : index
    tpu.barrier barrier_id(%barrier3A)
    "tpu.region"() ({
      %run_scoped3A = tpu.sem_alloc : memref<!tpu.dma_semaphore, #tpu.memory_space<semaphore_mem>>
      %dma_start3A_83 = arith.constant 0 : i32
      %dma_start3A_84 = arith.constant 0 : i32
      %dma_start3A_85 = tpu.memref_slice %arg4[%mul3A_2, %dma_start3A_83, %dma_start3A_84] : memref<4032x2x80xi32, #tpu.memory_space<hbm>> -> memref<1x2x80xi32, #tpu.memory_space<hbm>>
      %dma_start3A_86 = tpu.memref_squeeze %dma_start3A_85 : memref<1x2x80xi32, #tpu.memory_space<hbm>> -> memref<2x80xi32, #tpu.memory_space<hbm>>
      %dma_start3A_87 = arith.constant 0 : i32
      %dma_start3A_88 = arith.constant 0 : i32
      %dma_start3A_89 = tpu.memref_slice %arg4[%mul3A_2, %dma_start3A_87, %dma_start3A_88] : memref<4032x2x80xi32, #tpu.memory_space<hbm>> -> memref<1x2x80xi32, #tpu.memory_space<hbm>>
      %dma_start3A_90 = tpu.memref_squeeze %dma_start3A_89 : memref<1x2x80xi32, #tpu.memory_space<hbm>> -> memref<2x80xi32, #tpu.memory_space<hbm>>
      tpu.enqueue_dma source(%dma_start3A_90 : memref<2x80xi32, #tpu.memory_space<hbm>>) target(%arg6 : memref<2x80xi32, #tpu.memory_space<vmem>>) target_semaphore(%run_scoped3A : memref<!tpu.dma_semaphore, #tpu.memory_space<semaphore_mem>>)
      %dma_wait3A = arith.constant 0 : i32
      %dma_wait3A_91 = arith.constant 0 : i32
      %dma_wait3A_92 = tpu.memref_slice %arg4[%mul3A_2, %dma_wait3A, %dma_wait3A_91] : memref<4032x2x80xi32, #tpu.memory_space<hbm>> -> memref<1x2x80xi32, #tpu.memory_space<hbm>>
      %dma_wait3A_93 = tpu.memref_squeeze %dma_wait3A_92 : memref<1x2x80xi32, #tpu.memory_space<hbm>> -> memref<2x80xi32, #tpu.memory_space<hbm>>
      %dma_wait3A_94 = arith.constant 0 : i32
      %dma_wait3A_95 = arith.constant 0 : i32
      %dma_wait3A_96 = tpu.memref_slice %arg4[%mul3A_2, %dma_wait3A_94, %dma_wait3A_95] : memref<4032x2x80xi32, #tpu.memory_space<hbm>> -> memref<1x2x80xi32, #tpu.memory_space<hbm>>
      %dma_wait3A_97 = tpu.memref_squeeze %dma_wait3A_96 : memref<1x2x80xi32, #tpu.memory_space<hbm>> -> memref<2x80xi32, #tpu.memory_space<hbm>>
      tpu.wait_dma2 semaphore(%run_scoped3A : memref<!tpu.dma_semaphore, #tpu.memory_space<semaphore_mem>>) src(%dma_wait3A_97 : memref<2x80xi32, #tpu.memory_space<hbm>>) dst(%arg6 : memref<2x80xi32, #tpu.memory_space<vmem>>)
      tpu.yield
    }) : () -> ()
    %add3A_29 = arith.constant 1 : i32
    %add3A_30 = arith.addi %mul3A_2, %add3A_29 : i32
    "tpu.region"() ({
      %run_scoped3A = tpu.sem_alloc : memref<!tpu.dma_semaphore, #tpu.memory_space<semaphore_mem>>
      %dma_start3A_83 = arith.constant 0 : i32
      %dma_start3A_84 = arith.constant 0 : i32
      %dma_start3A_85 = tpu.memref_slice %arg4[%add3A_30, %dma_start3A_83, %dma_start3A_84] : memref<4032x2x80xi32, #tpu.memory_space<hbm>> -> memref<1x2x80xi32, #tpu.memory_space<hbm>>
      %dma_start3A_86 = tpu.memref_squeeze %dma_start3A_85 : memref<1x2x80xi32, #tpu.memory_space<hbm>> -> memref<2x80xi32, #tpu.memory_space<hbm>>
      %dma_start3A_87 = arith.constant 0 : i32
      %dma_start3A_88 = arith.constant 0 : i32
      %dma_start3A_89 = tpu.memref_slice %arg4[%add3A_30, %dma_start3A_87, %dma_start3A_88] : memref<4032x2x80xi32, #tpu.memory_space<hbm>> -> memref<1x2x80xi32, #tpu.memory_space<hbm>>
      %dma_start3A_90 = tpu.memref_squeeze %dma_start3A_89 : memref<1x2x80xi32, #tpu.memory_space<hbm>> -> memref<2x80xi32, #tpu.memory_space<hbm>>
      tpu.enqueue_dma source(%dma_start3A_90 : memref<2x80xi32, #tpu.memory_space<hbm>>) target(%arg7 : memref<2x80xi32, #tpu.memory_space<vmem>>) target_semaphore(%run_scoped3A : memref<!tpu.dma_semaphore, #tpu.memory_space<semaphore_mem>>)
      %dma_wait3A = arith.constant 0 : i32
      %dma_wait3A_91 = arith.constant 0 : i32
      %dma_wait3A_92 = tpu.memref_slice %arg4[%add3A_30, %dma_wait3A, %dma_wait3A_91] : memref<4032x2x80xi32, #tpu.memory_space<hbm>> -> memref<1x2x80xi32, #tpu.memory_space<hbm>>
      %dma_wait3A_93 = tpu.memref_squeeze %dma_wait3A_92 : memref<1x2x80xi32, #tpu.memory_space<hbm>> -> memref<2x80xi32, #tpu.memory_space<hbm>>
      %dma_wait3A_94 = arith.constant 0 : i32
      %dma_wait3A_95 = arith.constant 0 : i32
      %dma_wait3A_96 = tpu.memref_slice %arg4[%add3A_30, %dma_wait3A_94, %dma_wait3A_95] : memref<4032x2x80xi32, #tpu.memory_space<hbm>> -> memref<1x2x80xi32, #tpu.memory_space<hbm>>
      %dma_wait3A_97 = tpu.memref_squeeze %dma_wait3A_96 : memref<1x2x80xi32, #tpu.memory_space<hbm>> -> memref<2x80xi32, #tpu.memory_space<hbm>>
      tpu.wait_dma2 semaphore(%run_scoped3A : memref<!tpu.dma_semaphore, #tpu.memory_space<semaphore_mem>>) src(%dma_wait3A_97 : memref<2x80xi32, #tpu.memory_space<hbm>>) dst(%arg7 : memref<2x80xi32, #tpu.memory_space<vmem>>)
      tpu.yield
    }) : () -> ()
    %dma_start3A = arith.constant 1 : i32
    %dma_start3A_31 = arith.constant 0 : i32
    %dma_start3A_32 = tpu.memref_slice %arg6[%dma_start3A, %dma_start3A_31] : memref<2x80xi32, #tpu.memory_space<vmem>> -> memref<1x80xi32, #tpu.memory_space<vmem>>
    %dma_start3A_33 = tpu.memref_squeeze %dma_start3A_32 : memref<1x80xi32, #tpu.memory_space<vmem>> -> memref<80xi32, #tpu.memory_space<vmem>>
    %dma_start3A_34 = arith.constant 0 : i32
    %dma_start3A_35 = arith.constant 0 : i32
    %dma_start3A_36 = tpu.memref_slice %arg2[%dma_start3A_34, %dma_start3A_35] : memref<10240x128xf32, #tpu.memory_space<hbm>> -> memref<10240x128xf32, #tpu.memory_space<hbm>>
    tpu.enqueue_indirect_dma source(%dma_start3A_36 : memref<10240x128xf32, #tpu.memory_space<hbm>>) target(%arg8 : memref<80x128xf32, #tpu.memory_space<vmem>>) offsets(%dma_start3A_33 : memref<80xi32, #tpu.memory_space<vmem>>) semaphore(%arg13 : memref<!tpu.dma_semaphore, #tpu.memory_space<semaphore_mem>>)
    %dma_start3A_37 = arith.constant 0 : i32
    %dma_start3A_38 = arith.constant 0 : i32
    %dma_start3A_39 = tpu.memref_slice %arg6[%dma_start3A_37, %dma_start3A_38] : memref<2x80xi32, #tpu.memory_space<vmem>> -> memref<1x80xi32, #tpu.memory_space<vmem>>
    %dma_start3A_40 = tpu.memref_squeeze %dma_start3A_39 : memref<1x80xi32, #tpu.memory_space<vmem>> -> memref<80xi32, #tpu.memory_space<vmem>>
    %dma_start3A_41 = arith.constant 0 : i32
    %dma_start3A_42 = arith.constant 0 : i32
    %dma_start3A_43 = tpu.memref_slice %arg3[%dma_start3A_41, %dma_start3A_42] : memref<10240x128xf32, #tpu.memory_space<hbm>> -> memref<10240x128xf32, #tpu.memory_space<hbm>>
    tpu.enqueue_indirect_dma source(%dma_start3A_43 : memref<10240x128xf32, #tpu.memory_space<hbm>>) target(%arg10 : memref<80x128xf32, #tpu.memory_space<vmem>>) offsets(%dma_start3A_40 : memref<80xi32, #tpu.memory_space<vmem>>) semaphore(%arg15 : memref<!tpu.dma_semaphore, #tpu.memory_space<semaphore_mem>>)
    %add3A_44 = arith.constant 1 : i32
    %add3A_45 = arith.addi %mul3A_2, %add3A_44 : i32
    %dma_start3A_46 = arith.constant 1 : i32
    %dma_start3A_47 = arith.constant 0 : i32
    %dma_start3A_48 = tpu.memref_slice %arg7[%dma_start3A_46, %dma_start3A_47] : memref<2x80xi32, #tpu.memory_space<vmem>> -> memref<1x80xi32, #tpu.memory_space<vmem>>
    %dma_start3A_49 = tpu.memref_squeeze %dma_start3A_48 : memref<1x80xi32, #tpu.memory_space<vmem>> -> memref<80xi32, #tpu.memory_space<vmem>>
    %dma_start3A_50 = arith.constant 0 : i32
    %dma_start3A_51 = arith.constant 0 : i32
    %dma_start3A_52 = tpu.memref_slice %arg2[%dma_start3A_50, %dma_start3A_51] : memref<10240x128xf32, #tpu.memory_space<hbm>> -> memref<10240x128xf32, #tpu.memory_space<hbm>>
    tpu.enqueue_indirect_dma source(%dma_start3A_52 : memref<10240x128xf32, #tpu.memory_space<hbm>>) target(%arg9 : memref<80x128xf32, #tpu.memory_space<vmem>>) offsets(%dma_start3A_49 : memref<80xi32, #tpu.memory_space<vmem>>) semaphore(%arg14 : memref<!tpu.dma_semaphore, #tpu.memory_space<semaphore_mem>>)
    %dma_start3A_53 = arith.constant 0 : i32
    %dma_start3A_54 = arith.constant 0 : i32
    %dma_start3A_55 = tpu.memref_slice %arg7[%dma_start3A_53, %dma_start3A_54] : memref<2x80xi32, #tpu.memory_space<vmem>> -> memref<1x80xi32, #tpu.memory_space<vmem>>
    %dma_start3A_56 = tpu.memref_squeeze %dma_start3A_55 : memref<1x80xi32, #tpu.memory_space<vmem>> -> memref<80xi32, #tpu.memory_space<vmem>>
    %dma_start3A_57 = arith.constant 0 : i32
    %dma_start3A_58 = arith.constant 0 : i32
    %dma_start3A_59 = tpu.memref_slice %arg3[%dma_start3A_57, %dma_start3A_58] : memref<10240x128xf32, #tpu.memory_space<hbm>> -> memref<10240x128xf32, #tpu.memory_space<hbm>>
    tpu.enqueue_indirect_dma source(%dma_start3A_59 : memref<10240x128xf32, #tpu.memory_space<hbm>>) target(%arg11 : memref<80x128xf32, #tpu.memory_space<vmem>>) offsets(%dma_start3A_56 : memref<80xi32, #tpu.memory_space<vmem>>) semaphore(%arg16 : memref<!tpu.dma_semaphore, #tpu.memory_space<semaphore_mem>>)
    %scan3A_60 = arith.constant 0 : i32
    %scan3A_61 = arith.constant 0 : i32
    %scan3A_62 = arith.constant 63 : i32
    %scan3A_63 = arith.addi %scan3A_61, %scan3A_62 : i32
    %scan3A_64 = arith.constant 1 : i32
    scf.for %scan3A_83 = %scan3A_61 to %scan3A_63 step %scan3A_64  : i32 {
      %mul3A_84 = arith.constant 2 : i32
      %mul3A_85 = arith.muli %mul3A_84, %scan3A_83 : i32
      %add3A_86 = arith.addi %mul3A_2, %mul3A_85 : i32
      %add3A_87 = arith.constant 0 : i32
      %add3A_88 = arith.addi %add3A_86, %add3A_87 : i32
      %dma_wait3A = arith.constant 1 : i32
      %dma_wait3A_89 = arith.constant 0 : i32
      %dma_wait3A_90 = tpu.memref_slice %arg6[%dma_wait3A, %dma_wait3A_89] : memref<2x80xi32, #tpu.memory_space<vmem>> -> memref<1x80xi32, #tpu.memory_space<vmem>>
      %dma_wait3A_91 = tpu.memref_squeeze %dma_wait3A_90 : memref<1x80xi32, #tpu.memory_space<vmem>> -> memref<80xi32, #tpu.memory_space<vmem>>
      %dma_wait3A_92 = arith.constant 0 : i32
      %dma_wait3A_93 = arith.constant 0 : i32
      %dma_wait3A_94 = tpu.memref_slice %arg2[%dma_wait3A_92, %dma_wait3A_93] : memref<10240x128xf32, #tpu.memory_space<hbm>> -> memref<10240x128xf32, #tpu.memory_space<hbm>>
      tpu.wait_indirect_dma semaphore(%arg13 : memref<!tpu.dma_semaphore, #tpu.memory_space<semaphore_mem>>) src(%dma_wait3A_94 : memref<10240x128xf32, #tpu.memory_space<hbm>>) dst(%arg8 : memref<80x128xf32, #tpu.memory_space<vmem>>)
      %dma_wait3A_95 = arith.constant 0 : i32
      %dma_wait3A_96 = arith.constant 0 : i32
      %dma_wait3A_97 = tpu.memref_slice %arg6[%dma_wait3A_95, %dma_wait3A_96] : memref<2x80xi32, #tpu.memory_space<vmem>> -> memref<1x80xi32, #tpu.memory_space<vmem>>
      %dma_wait3A_98 = tpu.memref_squeeze %dma_wait3A_97 : memref<1x80xi32, #tpu.memory_space<vmem>> -> memref<80xi32, #tpu.memory_space<vmem>>
      %dma_wait3A_99 = arith.constant 0 : i32
      %dma_wait3A_100 = arith.constant 0 : i32
      %dma_wait3A_101 = tpu.memref_slice %arg3[%dma_wait3A_99, %dma_wait3A_100] : memref<10240x128xf32, #tpu.memory_space<hbm>> -> memref<10240x128xf32, #tpu.memory_space<hbm>>
      tpu.wait_indirect_dma semaphore(%arg15 : memref<!tpu.dma_semaphore, #tpu.memory_space<semaphore_mem>>) src(%dma_wait3A_101 : memref<10240x128xf32, #tpu.memory_space<hbm>>) dst(%arg10 : memref<80x128xf32, #tpu.memory_space<vmem>>)
      %lt3A = arith.constant 62 : i32
      %lt3A_102 = arith.cmpi slt, %scan3A_83, %lt3A : i32
      %convert_element_type3A_103 = arith.extui %lt3A_102 : i1 to i32
      %cond3A_104 = arith.constant 0 : i32
      %cond3A_105 = arith.cmpi ne, %convert_element_type3A_103, %cond3A_104 : i32
      scf.if %cond3A_105 {
        %add3A_153 = arith.constant 2 : i32
        %add3A_154 = arith.addi %add3A_88, %add3A_153 : i32
        %dma_start3A_155 = arith.constant 0 : i32
        %dma_start3A_156 = arith.constant 0 : i32
        %dma_start3A_157 = tpu.memref_slice %arg4[%add3A_154, %dma_start3A_155, %dma_start3A_156] : memref<4032x2x80xi32, #tpu.memory_space<hbm>> -> memref<1x2x80xi32, #tpu.memory_space<hbm>>
        %dma_start3A_158 = tpu.memref_squeeze %dma_start3A_157 : memref<1x2x80xi32, #tpu.memory_space<hbm>> -> memref<2x80xi32, #tpu.memory_space<hbm>>
        %dma_start3A_159 = arith.constant 0 : i32
        %dma_start3A_160 = arith.constant 0 : i32
        %dma_start3A_161 = tpu.memref_slice %arg4[%add3A_154, %dma_start3A_159, %dma_start3A_160] : memref<4032x2x80xi32, #tpu.memory_space<hbm>> -> memref<1x2x80xi32, #tpu.memory_space<hbm>>
        %dma_start3A_162 = tpu.memref_squeeze %dma_start3A_161 : memref<1x2x80xi32, #tpu.memory_space<hbm>> -> memref<2x80xi32, #tpu.memory_space<hbm>>
        tpu.enqueue_dma source(%dma_start3A_162 : memref<2x80xi32, #tpu.memory_space<hbm>>) target(%arg6 : memref<2x80xi32, #tpu.memory_space<vmem>>) target_semaphore(%arg17 : memref<!tpu.dma_semaphore, #tpu.memory_space<semaphore_mem>>)
      } else {
      }
      %scan3A_106 = arith.constant 0 : i32
      %scan3A_107 = arith.constant 0 : i32
      %scan3A_108 = arith.constant 80 : i32
      %scan3A_109 = arith.addi %scan3A_107, %scan3A_108 : i32
      %scan3A_110 = arith.constant 2 : i32
      scf.for %scan3A_153 = %scan3A_107 to %scan3A_109 step %scan3A_110  : i32 {
        %get3A = arith.index_cast %scan3A_153 : i32 to index
        %get3A_154 = arith.constant 0 : index
        %get3A_155 = tpu.vector_load %arg8[%get3A, %get3A_154] {strides = array<i32>} : memref<80x128xf32, #tpu.memory_space<vmem>>, vector<1x16xf32>,
        %get3A_156 = vector.shape_cast %get3A_155 : vector<1x16xf32> to vector<16xf32>
        %get3A_157 = arith.index_cast %scan3A_153 : i32 to index
        %get3A_158 = arith.constant 64 : index
        %get3A_159 = tpu.vector_load %arg10[%get3A_157, %get3A_158] {strides = array<i32>} : memref<80x128xf32, #tpu.memory_space<vmem>>, vector<1x16xf32>,
        %get3A_160 = vector.shape_cast %get3A_159 : vector<1x16xf32> to vector<16xf32>
        %add3A_161 = arith.addf %get3A_156, %get3A_160 : vector<16xf32>
        %max3A = arith.constant 0.000000e+00 : f32
        %max3A_162 = vector.broadcast %max3A : f32 to vector<16xf32>
        %max3A_163 = arith.maximumf %add3A_161, %max3A_162 : vector<16xf32>
        %swap3A = arith.index_cast %scan3A_153 : i32 to index
        %swap3A_164 = arith.constant 0 : index
        %swap3A_165 = tpu.vector_load %arg8[%swap3A, %swap3A_164] {strides = array<i32>} : memref<80x128xf32, #tpu.memory_space<vmem>>, vector<1x16xf32>,
        %swap3A_166 = vector.shape_cast %swap3A_165 : vector<1x16xf32> to vector<16xf32>
        %swap3A_167 = vector.shape_cast %max3A_163 : vector<16xf32> to vector<1x16xf32>
        tpu.vector_store %arg8[%swap3A, %swap3A_164], %swap3A_167 {strides = array<i32>} : memref<80x128xf32, #tpu.memory_space<vmem>>, vector<1x16xf32>,
        %get3A_168 = arith.index_cast %scan3A_153 : i32 to index
        %get3A_169 = arith.constant 16 : index
        %get3A_170 = tpu.vector_load %arg8[%get3A_168, %get3A_169] {strides = array<i32>} : memref<80x128xf32, #tpu.memory_space<vmem>>, vector<1x16xf32>,
        %get3A_171 = vector.shape_cast %get3A_170 : vector<1x16xf32> to vector<16xf32>
        %get3A_172 = arith.index_cast %scan3A_153 : i32 to index
        %get3A_173 = arith.constant 80 : index
        %get3A_174 = tpu.vector_load %arg10[%get3A_172, %get3A_173] {strides = array<i32>} : memref<80x128xf32, #tpu.memory_space<vmem>>, vector<1x16xf32>,
        %get3A_175 = vector.shape_cast %get3A_174 : vector<1x16xf32> to vector<16xf32>
        %add3A_176 = arith.addf %get3A_171, %get3A_175 : vector<16xf32>
        %max3A_177 = arith.constant 0.000000e+00 : f32
        %max3A_178 = vector.broadcast %max3A_177 : f32 to vector<16xf32>
        %max3A_179 = arith.maximumf %add3A_176, %max3A_178 : vector<16xf32>
        %swap3A_180 = arith.index_cast %scan3A_153 : i32 to index
        %swap3A_181 = arith.constant 16 : index
        %swap3A_182 = tpu.vector_load %arg8[%swap3A_180, %swap3A_181] {strides = array<i32>} : memref<80x128xf32, #tpu.memory_space<vmem>>, vector<1x16xf32>,
        %swap3A_183 = vector.shape_cast %swap3A_182 : vector<1x16xf32> to vector<16xf32>
        %swap3A_184 = vector.shape_cast %max3A_179 : vector<16xf32> to vector<1x16xf32>
        tpu.vector_store %arg8[%swap3A_180, %swap3A_181], %swap3A_184 {strides = array<i32>} : memref<80x128xf32, #tpu.memory_space<vmem>>, vector<1x16xf32>,
        %get3A_185 = arith.index_cast %scan3A_153 : i32 to index
        %get3A_186 = arith.constant 32 : index
        %get3A_187 = tpu.vector_load %arg8[%get3A_185, %get3A_186] {strides = array<i32>} : memref<80x128xf32, #tpu.memory_space<vmem>>, vector<1x16xf32>,
        %get3A_188 = vector.shape_cast %get3A_187 : vector<1x16xf32> to vector<16xf32>
        %get3A_189 = arith.index_cast %scan3A_153 : i32 to index
        %get3A_190 = arith.constant 96 : index
        %get3A_191 = tpu.vector_load %arg10[%get3A_189, %get3A_190] {strides = array<i32>} : memref<80x128xf32, #tpu.memory_space<vmem>>, vector<1x16xf32>,
        %get3A_192 = vector.shape_cast %get3A_191 : vector<1x16xf32> to vector<16xf32>
        %add3A_193 = arith.addf %get3A_188, %get3A_192 : vector<16xf32>
        %max3A_194 = arith.constant 0.000000e+00 : f32
        %max3A_195 = vector.broadcast %max3A_194 : f32 to vector<16xf32>
        %max3A_196 = arith.maximumf %add3A_193, %max3A_195 : vector<16xf32>
        %swap3A_197 = arith.index_cast %scan3A_153 : i32 to index
        %swap3A_198 = arith.constant 32 : index
        %swap3A_199 = tpu.vector_load %arg8[%swap3A_197, %swap3A_198] {strides = array<i32>} : memref<80x128xf32, #tpu.memory_space<vmem>>, vector<1x16xf32>,
        %swap3A_200 = vector.shape_cast %swap3A_199 : vector<1x16xf32> to vector<16xf32>
        %swap3A_201 = vector.shape_cast %max3A_196 : vector<16xf32> to vector<1x16xf32>
        tpu.vector_store %arg8[%swap3A_197, %swap3A_198], %swap3A_201 {strides = array<i32>} : memref<80x128xf32, #tpu.memory_space<vmem>>, vector<1x16xf32>,
        %get3A_202 = arith.index_cast %scan3A_153 : i32 to index
        %get3A_203 = arith.constant 48 : index
        %get3A_204 = tpu.vector_load %arg8[%get3A_202, %get3A_203] {strides = array<i32>} : memref<80x128xf32, #tpu.memory_space<vmem>>, vector<1x16xf32>,
        %get3A_205 = vector.shape_cast %get3A_204 : vector<1x16xf32> to vector<16xf32>
        %get3A_206 = arith.index_cast %scan3A_153 : i32 to index
        %get3A_207 = arith.constant 112 : index
        %get3A_208 = tpu.vector_load %arg10[%get3A_206, %get3A_207] {strides = array<i32>} : memref<80x128xf32, #tpu.memory_space<vmem>>, vector<1x16xf32>,
        %get3A_209 = vector.shape_cast %get3A_208 : vector<1x16xf32> to vector<16xf32>
        %add3A_210 = arith.addf %get3A_205, %get3A_209 : vector<16xf32>
        %max3A_211 = arith.constant 0.000000e+00 : f32
        %max3A_212 = vector.broadcast %max3A_211 : f32 to vector<16xf32>
        %max3A_213 = arith.maximumf %add3A_210, %max3A_212 : vector<16xf32>
        %swap3A_214 = arith.index_cast %scan3A_153 : i32 to index
        %swap3A_215 = arith.constant 48 : index
        %swap3A_216 = tpu.vector_load %arg8[%swap3A_214, %swap3A_215] {strides = array<i32>} : memref<80x128xf32, #tpu.memory_space<vmem>>, vector<1x16xf32>,
        %swap3A_217 = vector.shape_cast %swap3A_216 : vector<1x16xf32> to vector<16xf32>
        %swap3A_218 = vector.shape_cast %max3A_213 : vector<16xf32> to vector<1x16xf32>
        tpu.vector_store %arg8[%swap3A_214, %swap3A_215], %swap3A_218 {strides = array<i32>} : memref<80x128xf32, #tpu.memory_space<vmem>>, vector<1x16xf32>,
        %scan3A_219 = arith.constant 1 : i32
        %scan3A_220 = arith.addi %scan3A_153, %scan3A_219 : i32
        %get3A_221 = arith.index_cast %scan3A_220 : i32 to index
        %get3A_222 = arith.constant 0 : index
        %get3A_223 = tpu.vector_load %arg8[%get3A_221, %get3A_222] {strides = array<i32>} : memref<80x128xf32, #tpu.memory_space<vmem>>, vector<1x16xf32>,
        %get3A_224 = vector.shape_cast %get3A_223 : vector<1x16xf32> to vector<16xf32>
        %get3A_225 = arith.index_cast %scan3A_220 : i32 to index
        %get3A_226 = arith.constant 64 : index
        %get3A_227 = tpu.vector_load %arg10[%get3A_225, %get3A_226] {strides = array<i32>} : memref<80x128xf32, #tpu.memory_space<vmem>>, vector<1x16xf32>,
        %get3A_228 = vector.shape_cast %get3A_227 : vector<1x16xf32> to vector<16xf32>
        %add3A_229 = arith.addf %get3A_224, %get3A_228 : vector<16xf32>
        %max3A_230 = arith.constant 0.000000e+00 : f32
        %max3A_231 = vector.broadcast %max3A_230 : f32 to vector<16xf32>
        %max3A_232 = arith.maximumf %add3A_229, %max3A_231 : vector<16xf32>
        %swap3A_233 = arith.index_cast %scan3A_220 : i32 to index
        %swap3A_234 = arith.constant 0 : index
        %swap3A_235 = tpu.vector_load %arg8[%swap3A_233, %swap3A_234] {strides = array<i32>} : memref<80x128xf32, #tpu.memory_space<vmem>>, vector<1x16xf32>,
        %swap3A_236 = vector.shape_cast %swap3A_235 : vector<1x16xf32> to vector<16xf32>
        %swap3A_237 = vector.shape_cast %max3A_232 : vector<16xf32> to vector<1x16xf32>
        tpu.vector_store %arg8[%swap3A_233, %swap3A_234], %swap3A_237 {strides = array<i32>} : memref<80x128xf32, #tpu.memory_space<vmem>>, vector<1x16xf32>,
        %get3A_238 = arith.index_cast %scan3A_220 : i32 to index
        %get3A_239 = arith.constant 16 : index
        %get3A_240 = tpu.vector_load %arg8[%get3A_238, %get3A_239] {strides = array<i32>} : memref<80x128xf32, #tpu.memory_space<vmem>>, vector<1x16xf32>,
        %get3A_241 = vector.shape_cast %get3A_240 : vector<1x16xf32> to vector<16xf32>
        %get3A_242 = arith.index_cast %scan3A_220 : i32 to index
        %get3A_243 = arith.constant 80 : index
        %get3A_244 = tpu.vector_load %arg10[%get3A_242, %get3A_243] {strides = array<i32>} : memref<80x128xf32, #tpu.memory_space<vmem>>, vector<1x16xf32>,
        %get3A_245 = vector.shape_cast %get3A_244 : vector<1x16xf32> to vector<16xf32>
        %add3A_246 = arith.addf %get3A_241, %get3A_245 : vector<16xf32>
        %max3A_247 = arith.constant 0.000000e+00 : f32
        %max3A_248 = vector.broadcast %max3A_247 : f32 to vector<16xf32>
        %max3A_249 = arith.maximumf %add3A_246, %max3A_248 : vector<16xf32>
        %swap3A_250 = arith.index_cast %scan3A_220 : i32 to index
        %swap3A_251 = arith.constant 16 : index
        %swap3A_252 = tpu.vector_load %arg8[%swap3A_250, %swap3A_251] {strides = array<i32>} : memref<80x128xf32, #tpu.memory_space<vmem>>, vector<1x16xf32>,
        %swap3A_253 = vector.shape_cast %swap3A_252 : vector<1x16xf32> to vector<16xf32>
        %swap3A_254 = vector.shape_cast %max3A_249 : vector<16xf32> to vector<1x16xf32>
        tpu.vector_store %arg8[%swap3A_250, %swap3A_251], %swap3A_254 {strides = array<i32>} : memref<80x128xf32, #tpu.memory_space<vmem>>, vector<1x16xf32>,
        %get3A_255 = arith.index_cast %scan3A_220 : i32 to index
        %get3A_256 = arith.constant 32 : index
        %get3A_257 = tpu.vector_load %arg8[%get3A_255, %get3A_256] {strides = array<i32>} : memref<80x128xf32, #tpu.memory_space<vmem>>, vector<1x16xf32>,
        %get3A_258 = vector.shape_cast %get3A_257 : vector<1x16xf32> to vector<16xf32>
        %get3A_259 = arith.index_cast %scan3A_220 : i32 to index
        %get3A_260 = arith.constant 96 : index
        %get3A_261 = tpu.vector_load %arg10[%get3A_259, %get3A_260] {strides = array<i32>} : memref<80x128xf32, #tpu.memory_space<vmem>>, vector<1x16xf32>,
        %get3A_262 = vector.shape_cast %get3A_261 : vector<1x16xf32> to vector<16xf32>
        %add3A_263 = arith.addf %get3A_258, %get3A_262 : vector<16xf32>
        %max3A_264 = arith.constant 0.000000e+00 : f32
        %max3A_265 = vector.broadcast %max3A_264 : f32 to vector<16xf32>
        %max3A_266 = arith.maximumf %add3A_263, %max3A_265 : vector<16xf32>
        %swap3A_267 = arith.index_cast %scan3A_220 : i32 to index
        %swap3A_268 = arith.constant 32 : index
        %swap3A_269 = tpu.vector_load %arg8[%swap3A_267, %swap3A_268] {strides = array<i32>} : memref<80x128xf32, #tpu.memory_space<vmem>>, vector<1x16xf32>,
        %swap3A_270 = vector.shape_cast %swap3A_269 : vector<1x16xf32> to vector<16xf32>
        %swap3A_271 = vector.shape_cast %max3A_266 : vector<16xf32> to vector<1x16xf32>
        tpu.vector_store %arg8[%swap3A_267, %swap3A_268], %swap3A_271 {strides = array<i32>} : memref<80x128xf32, #tpu.memory_space<vmem>>, vector<1x16xf32>,
        %get3A_272 = arith.index_cast %scan3A_220 : i32 to index
        %get3A_273 = arith.constant 48 : index
        %get3A_274 = tpu.vector_load %arg8[%get3A_272, %get3A_273] {strides = array<i32>} : memref<80x128xf32, #tpu.memory_space<vmem>>, vector<1x16xf32>,
        %get3A_275 = vector.shape_cast %get3A_274 : vector<1x16xf32> to vector<16xf32>
        %get3A_276 = arith.index_cast %scan3A_220 : i32 to index
        %get3A_277 = arith.constant 112 : index
        %get3A_278 = tpu.vector_load %arg10[%get3A_276, %get3A_277] {strides = array<i32>} : memref<80x128xf32, #tpu.memory_space<vmem>>, vector<1x16xf32>,
        %get3A_279 = vector.shape_cast %get3A_278 : vector<1x16xf32> to vector<16xf32>
        %add3A_280 = arith.addf %get3A_275, %get3A_279 : vector<16xf32>
        %max3A_281 = arith.constant 0.000000e+00 : f32
        %max3A_282 = vector.broadcast %max3A_281 : f32 to vector<16xf32>
        %max3A_283 = arith.maximumf %add3A_280, %max3A_282 : vector<16xf32>
        %swap3A_284 = arith.index_cast %scan3A_220 : i32 to index
        %swap3A_285 = arith.constant 48 : index
        %swap3A_286 = tpu.vector_load %arg8[%swap3A_284, %swap3A_285] {strides = array<i32>} : memref<80x128xf32, #tpu.memory_space<vmem>>, vector<1x16xf32>,
        %swap3A_287 = vector.shape_cast %swap3A_286 : vector<1x16xf32> to vector<16xf32>
        %swap3A_288 = vector.shape_cast %max3A_283 : vector<16xf32> to vector<1x16xf32>
        tpu.vector_store %arg8[%swap3A_284, %swap3A_285], %swap3A_288 {strides = array<i32>} : memref<80x128xf32, #tpu.memory_space<vmem>>, vector<1x16xf32>,
      }
      %scan3A_111 = arith.constant 80 : i32
      %run_scoped3A = arith.constant 1 : i32
      "tpu.region"() ({
        %run_scoped3A_153 = tpu.sem_alloc : memref<!tpu.dma_semaphore, #tpu.memory_space<semaphore_mem>>
        %dma_start3A_154 = arith.constant 0 : i32
        %dma_start3A_155 = tpu.memref_slice %arg6[%run_scoped3A, %dma_start3A_154] : memref<2x80xi32, #tpu.memory_space<vmem>> -> memref<1x80xi32, #tpu.memory_space<vmem>>
        %dma_start3A_156 = tpu.memref_squeeze %dma_start3A_155 : memref<1x80xi32, #tpu.memory_space<vmem>> -> memref<80xi32, #tpu.memory_space<vmem>>
        %dma_start3A_157 = arith.constant 0 : i32
        %dma_start3A_158 = arith.constant 0 : i32
        %dma_start3A_159 = tpu.memref_slice %arg12[%dma_start3A_157, %dma_start3A_158] : memref<10112x128xf32, #tpu.memory_space<vmem_shared>> -> memref<10112x128xf32, #tpu.memory_space<vmem_shared>>
        tpu.enqueue_indirect_dma source(%arg8 : memref<80x128xf32, #tpu.memory_space<vmem>>) target(%dma_start3A_159 : memref<10112x128xf32, #tpu.memory_space<vmem_shared>>) offsets(%dma_start3A_156 : memref<80xi32, #tpu.memory_space<vmem>>) semaphore(%run_scoped3A_153 : memref<!tpu.dma_semaphore, #tpu.memory_space<semaphore_mem>>) {add = true}
        %dma_wait3A_160 = arith.constant 0 : i32
        %dma_wait3A_161 = tpu.memref_slice %arg6[%run_scoped3A, %dma_wait3A_160] : memref<2x80xi32, #tpu.memory_space<vmem>> -> memref<1x80xi32, #tpu.memory_space<vmem>>
        %dma_wait3A_162 = tpu.memref_squeeze %dma_wait3A_161 : memref<1x80xi32, #tpu.memory_space<vmem>> -> memref<80xi32, #tpu.memory_space<vmem>>
        %dma_wait3A_163 = arith.constant 0 : i32
        %dma_wait3A_164 = arith.constant 0 : i32
        %dma_wait3A_165 = tpu.memref_slice %arg12[%dma_wait3A_163, %dma_wait3A_164] : memref<10112x128xf32, #tpu.memory_space<vmem_shared>> -> memref<10112x128xf32, #tpu.memory_space<vmem_shared>>
        tpu.wait_indirect_dma semaphore(%run_scoped3A_153 : memref<!tpu.dma_semaphore, #tpu.memory_space<semaphore_mem>>) src(%arg8 : memref<80x128xf32, #tpu.memory_space<vmem>>) dst(%dma_wait3A_165 : memref<10112x128xf32, #tpu.memory_space<vmem_shared>>)
        tpu.yield
      }) : () -> ()
      %lt3A_112 = arith.constant 62 : i32
      %lt3A_113 = arith.cmpi slt, %scan3A_83, %lt3A_112 : i32
      %convert_element_type3A_114 = arith.extui %lt3A_113 : i1 to i32
      %cond3A_115 = arith.constant 0 : i32
      %cond3A_116 = arith.cmpi ne, %convert_element_type3A_114, %cond3A_115 : i32
      scf.if %cond3A_116 {
        %add3A_153 = arith.constant 2 : i32
        %add3A_154 = arith.addi %add3A_88, %add3A_153 : i32
        %dma_wait3A_155 = arith.constant 0 : i32
        %dma_wait3A_156 = arith.constant 0 : i32
        %dma_wait3A_157 = tpu.memref_slice %arg4[%add3A_154, %dma_wait3A_155, %dma_wait3A_156] : memref<4032x2x80xi32, #tpu.memory_space<hbm>> -> memref<1x2x80xi32, #tpu.memory_space<hbm>>
        %dma_wait3A_158 = tpu.memref_squeeze %dma_wait3A_157 : memref<1x2x80xi32, #tpu.memory_space<hbm>> -> memref<2x80xi32, #tpu.memory_space<hbm>>
        %dma_wait3A_159 = arith.constant 0 : i32
        %dma_wait3A_160 = arith.constant 0 : i32
        %dma_wait3A_161 = tpu.memref_slice %arg4[%add3A_154, %dma_wait3A_159, %dma_wait3A_160] : memref<4032x2x80xi32, #tpu.memory_space<hbm>> -> memref<1x2x80xi32, #tpu.memory_space<hbm>>
        %dma_wait3A_162 = tpu.memref_squeeze %dma_wait3A_161 : memref<1x2x80xi32, #tpu.memory_space<hbm>> -> memref<2x80xi32, #tpu.memory_space<hbm>>
        tpu.wait_dma2 semaphore(%arg17 : memref<!tpu.dma_semaphore, #tpu.memory_space<semaphore_mem>>) src(%dma_wait3A_162 : memref<2x80xi32, #tpu.memory_space<hbm>>) dst(%arg6 : memref<2x80xi32, #tpu.memory_space<vmem>>)
        %add3A_163 = arith.constant 2 : i32
        %add3A_164 = arith.addi %add3A_88, %add3A_163 : i32
        %dma_start3A_165 = arith.constant 1 : i32
        %dma_start3A_166 = arith.constant 0 : i32
        %dma_start3A_167 = tpu.memref_slice %arg6[%dma_start3A_165, %dma_start3A_166] : memref<2x80xi32, #tpu.memory_space<vmem>> -> memref<1x80xi32, #tpu.memory_space<vmem>>
        %dma_start3A_168 = tpu.memref_squeeze %dma_start3A_167 : memref<1x80xi32, #tpu.memory_space<vmem>> -> memref<80xi32, #tpu.memory_space<vmem>>
        %dma_start3A_169 = arith.constant 0 : i32
        %dma_start3A_170 = arith.constant 0 : i32
        %dma_start3A_171 = tpu.memref_slice %arg2[%dma_start3A_169, %dma_start3A_170] : memref<10240x128xf32, #tpu.memory_space<hbm>> -> memref<10240x128xf32, #tpu.memory_space<hbm>>
        tpu.enqueue_indirect_dma source(%dma_start3A_171 : memref<10240x128xf32, #tpu.memory_space<hbm>>) target(%arg8 : memref<80x128xf32, #tpu.memory_space<vmem>>) offsets(%dma_start3A_168 : memref<80xi32, #tpu.memory_space<vmem>>) semaphore(%arg13 : memref<!tpu.dma_semaphore, #tpu.memory_space<semaphore_mem>>)
        %dma_start3A_172 = arith.constant 0 : i32
        %dma_start3A_173 = arith.constant 0 : i32
        %dma_start3A_174 = tpu.memref_slice %arg6[%dma_start3A_172, %dma_start3A_173] : memref<2x80xi32, #tpu.memory_space<vmem>> -> memref<1x80xi32, #tpu.memory_space<vmem>>
        %dma_start3A_175 = tpu.memref_squeeze %dma_start3A_174 : memref<1x80xi32, #tpu.memory_space<vmem>> -> memref<80xi32, #tpu.memory_space<vmem>>
        %dma_start3A_176 = arith.constant 0 : i32
        %dma_start3A_177 = arith.constant 0 : i32
        %dma_start3A_178 = tpu.memref_slice %arg3[%dma_start3A_176, %dma_start3A_177] : memref<10240x128xf32, #tpu.memory_space<hbm>> -> memref<10240x128xf32, #tpu.memory_space<hbm>>
        tpu.enqueue_indirect_dma source(%dma_start3A_178 : memref<10240x128xf32, #tpu.memory_space<hbm>>) target(%arg10 : memref<80x128xf32, #tpu.memory_space<vmem>>) offsets(%dma_start3A_175 : memref<80xi32, #tpu.memory_space<vmem>>) semaphore(%arg15 : memref<!tpu.dma_semaphore, #tpu.memory_space<semaphore_mem>>)
      } else {
      }
      %mul3A_117 = arith.constant 2 : i32
      %mul3A_118 = arith.muli %mul3A_117, %scan3A_83 : i32
      %add3A_119 = arith.addi %mul3A_2, %mul3A_118 : i32
      %add3A_120 = arith.constant 1 : i32
      %add3A_121 = arith.addi %add3A_119, %add3A_120 : i32
      %dma_wait3A_122 = arith.constant 1 : i32
      %dma_wait3A_123 = arith.constant 0 : i32
      %dma_wait3A_124 = tpu.memref_slice %arg7[%dma_wait3A_122, %dma_wait3A_123] : memref<2x80xi32, #tpu.memory_space<vmem>> -> memref<1x80xi32, #tpu.memory_space<vmem>>
      %dma_wait3A_125 = tpu.memref_squeeze %dma_wait3A_124 : memref<1x80xi32, #tpu.memory_space<vmem>> -> memref<80xi32, #tpu.memory_space<vmem>>
      %dma_wait3A_126 = arith.constant 0 : i32
      %dma_wait3A_127 = arith.constant 0 : i32
      %dma_wait3A_128 = tpu.memref_slice %arg2[%dma_wait3A_126, %dma_wait3A_127] : memref<10240x128xf32, #tpu.memory_space<hbm>> -> memref<10240x128xf32, #tpu.memory_space<hbm>>
      tpu.wait_indirect_dma semaphore(%arg14 : memref<!tpu.dma_semaphore, #tpu.memory_space<semaphore_mem>>) src(%dma_wait3A_128 : memref<10240x128xf32, #tpu.memory_space<hbm>>) dst(%arg9 : memref<80x128xf32, #tpu.memory_space<vmem>>)
      %dma_wait3A_129 = arith.constant 0 : i32
      %dma_wait3A_130 = arith.constant 0 : i32
      %dma_wait3A_131 = tpu.memref_slice %arg7[%dma_wait3A_129, %dma_wait3A_130] : memref<2x80xi32, #tpu.memory_space<vmem>> -> memref<1x80xi32, #tpu.memory_space<vmem>>
      %dma_wait3A_132 = tpu.memref_squeeze %dma_wait3A_131 : memref<1x80xi32, #tpu.memory_space<vmem>> -> memref<80xi32, #tpu.memory_space<vmem>>
      %dma_wait3A_133 = arith.constant 0 : i32
      %dma_wait3A_134 = arith.constant 0 : i32
      %dma_wait3A_135 = tpu.memref_slice %arg3[%dma_wait3A_133, %dma_wait3A_134] : memref<10240x128xf32, #tpu.memory_space<hbm>> -> memref<10240x128xf32, #tpu.memory_space<hbm>>
      tpu.wait_indirect_dma semaphore(%arg16 : memref<!tpu.dma_semaphore, #tpu.memory_space<semaphore_mem>>) src(%dma_wait3A_135 : memref<10240x128xf32, #tpu.memory_space<hbm>>) dst(%arg11 : memref<80x128xf32, #tpu.memory_space<vmem>>)
      %lt3A_136 = arith.constant 62 : i32
      %lt3A_137 = arith.cmpi slt, %scan3A_83, %lt3A_136 : i32
      %convert_element_type3A_138 = arith.extui %lt3A_137 : i1 to i32
      %cond3A_139 = arith.constant 0 : i32
      %cond3A_140 = arith.cmpi ne, %convert_element_type3A_138, %cond3A_139 : i32
      scf.if %cond3A_140 {
        %add3A_153 = arith.constant 2 : i32
        %add3A_154 = arith.addi %add3A_121, %add3A_153 : i32
        %dma_start3A_155 = arith.constant 0 : i32
        %dma_start3A_156 = arith.constant 0 : i32
        %dma_start3A_157 = tpu.memref_slice %arg4[%add3A_154, %dma_start3A_155, %dma_start3A_156] : memref<4032x2x80xi32, #tpu.memory_space<hbm>> -> memref<1x2x80xi32, #tpu.memory_space<hbm>>
        %dma_start3A_158 = tpu.memref_squeeze %dma_start3A_157 : memref<1x2x80xi32, #tpu.memory_space<hbm>> -> memref<2x80xi32, #tpu.memory_space<hbm>>
        %dma_start3A_159 = arith.constant 0 : i32
        %dma_start3A_160 = arith.constant 0 : i32
        %dma_start3A_161 = tpu.memref_slice %arg4[%add3A_154, %dma_start3A_159, %dma_start3A_160] : memref<4032x2x80xi32, #tpu.memory_space<hbm>> -> memref<1x2x80xi32, #tpu.memory_space<hbm>>
        %dma_start3A_162 = tpu.memref_squeeze %dma_start3A_161 : memref<1x2x80xi32, #tpu.memory_space<hbm>> -> memref<2x80xi32, #tpu.memory_space<hbm>>
        tpu.enqueue_dma source(%dma_start3A_162 : memref<2x80xi32, #tpu.memory_space<hbm>>) target(%arg7 : memref<2x80xi32, #tpu.memory_space<vmem>>) target_semaphore(%arg18 : memref<!tpu.dma_semaphore, #tpu.memory_space<semaphore_mem>>)
      } else {
      }
      %scan3A_141 = arith.constant 0 : i32
      %scan3A_142 = arith.constant 0 : i32
      %scan3A_143 = arith.constant 80 : i32
      %scan3A_144 = arith.addi %scan3A_142, %scan3A_143 : i32
      %scan3A_145 = arith.constant 2 : i32
      scf.for %scan3A_153 = %scan3A_142 to %scan3A_144 step %scan3A_145  : i32 {
        %get3A = arith.index_cast %scan3A_153 : i32 to index
        %get3A_154 = arith.constant 0 : index
        %get3A_155 = tpu.vector_load %arg9[%get3A, %get3A_154] {strides = array<i32>} : memref<80x128xf32, #tpu.memory_space<vmem>>, vector<1x16xf32>,
        %get3A_156 = vector.shape_cast %get3A_155 : vector<1x16xf32> to vector<16xf32>
        %get3A_157 = arith.index_cast %scan3A_153 : i32 to index
        %get3A_158 = arith.constant 64 : index
        %get3A_159 = tpu.vector_load %arg11[%get3A_157, %get3A_158] {strides = array<i32>} : memref<80x128xf32, #tpu.memory_space<vmem>>, vector<1x16xf32>,
        %get3A_160 = vector.shape_cast %get3A_159 : vector<1x16xf32> to vector<16xf32>
        %add3A_161 = arith.addf %get3A_156, %get3A_160 : vector<16xf32>
        %max3A = arith.constant 0.000000e+00 : f32
        %max3A_162 = vector.broadcast %max3A : f32 to vector<16xf32>
        %max3A_163 = arith.maximumf %add3A_161, %max3A_162 : vector<16xf32>
        %swap3A = arith.index_cast %scan3A_153 : i32 to index
        %swap3A_164 = arith.constant 0 : index
        %swap3A_165 = tpu.vector_load %arg9[%swap3A, %swap3A_164] {strides = array<i32>} : memref<80x128xf32, #tpu.memory_space<vmem>>, vector<1x16xf32>,
        %swap3A_166 = vector.shape_cast %swap3A_165 : vector<1x16xf32> to vector<16xf32>
        %swap3A_167 = vector.shape_cast %max3A_163 : vector<16xf32> to vector<1x16xf32>
        tpu.vector_store %arg9[%swap3A, %swap3A_164], %swap3A_167 {strides = array<i32>} : memref<80x128xf32, #tpu.memory_space<vmem>>, vector<1x16xf32>,
        %get3A_168 = arith.index_cast %scan3A_153 : i32 to index
        %get3A_169 = arith.constant 16 : index
        %get3A_170 = tpu.vector_load %arg9[%get3A_168, %get3A_169] {strides = array<i32>} : memref<80x128xf32, #tpu.memory_space<vmem>>, vector<1x16xf32>,
        %get3A_171 = vector.shape_cast %get3A_170 : vector<1x16xf32> to vector<16xf32>
        %get3A_172 = arith.index_cast %scan3A_153 : i32 to index
        %get3A_173 = arith.constant 80 : index
        %get3A_174 = tpu.vector_load %arg11[%get3A_172, %get3A_173] {strides = array<i32>} : memref<80x128xf32, #tpu.memory_space<vmem>>, vector<1x16xf32>,
        %get3A_175 = vector.shape_cast %get3A_174 : vector<1x16xf32> to vector<16xf32>
        %add3A_176 = arith.addf %get3A_171, %get3A_175 : vector<16xf32>
        %max3A_177 = arith.constant 0.000000e+00 : f32
        %max3A_178 = vector.broadcast %max3A_177 : f32 to vector<16xf32>
        %max3A_179 = arith.maximumf %add3A_176, %max3A_178 : vector<16xf32>
        %swap3A_180 = arith.index_cast %scan3A_153 : i32 to index
        %swap3A_181 = arith.constant 16 : index
        %swap3A_182 = tpu.vector_load %arg9[%swap3A_180, %swap3A_181] {strides = array<i32>} : memref<80x128xf32, #tpu.memory_space<vmem>>, vector<1x16xf32>,
        %swap3A_183 = vector.shape_cast %swap3A_182 : vector<1x16xf32> to vector<16xf32>
        %swap3A_184 = vector.shape_cast %max3A_179 : vector<16xf32> to vector<1x16xf32>
        tpu.vector_store %arg9[%swap3A_180, %swap3A_181], %swap3A_184 {strides = array<i32>} : memref<80x128xf32, #tpu.memory_space<vmem>>, vector<1x16xf32>,
        %get3A_185 = arith.index_cast %scan3A_153 : i32 to index
        %get3A_186 = arith.constant 32 : index
        %get3A_187 = tpu.vector_load %arg9[%get3A_185, %get3A_186] {strides = array<i32>} : memref<80x128xf32, #tpu.memory_space<vmem>>, vector<1x16xf32>,
        %get3A_188 = vector.shape_cast %get3A_187 : vector<1x16xf32> to vector<16xf32>
        %get3A_189 = arith.index_cast %scan3A_153 : i32 to index
        %get3A_190 = arith.constant 96 : index
        %get3A_191 = tpu.vector_load %arg11[%get3A_189, %get3A_190] {strides = array<i32>} : memref<80x128xf32, #tpu.memory_space<vmem>>, vector<1x16xf32>,
        %get3A_192 = vector.shape_cast %get3A_191 : vector<1x16xf32> to vector<16xf32>
        %add3A_193 = arith.addf %get3A_188, %get3A_192 : vector<16xf32>
        %max3A_194 = arith.constant 0.000000e+00 : f32
        %max3A_195 = vector.broadcast %max3A_194 : f32 to vector<16xf32>
        %max3A_196 = arith.maximumf %add3A_193, %max3A_195 : vector<16xf32>
        %swap3A_197 = arith.index_cast %scan3A_153 : i32 to index
        %swap3A_198 = arith.constant 32 : index
        %swap3A_199 = tpu.vector_load %arg9[%swap3A_197, %swap3A_198] {strides = array<i32>} : memref<80x128xf32, #tpu.memory_space<vmem>>, vector<1x16xf32>,
        %swap3A_200 = vector.shape_cast %swap3A_199 : vector<1x16xf32> to vector<16xf32>
        %swap3A_201 = vector.shape_cast %max3A_196 : vector<16xf32> to vector<1x16xf32>
        tpu.vector_store %arg9[%swap3A_197, %swap3A_198], %swap3A_201 {strides = array<i32>} : memref<80x128xf32, #tpu.memory_space<vmem>>, vector<1x16xf32>,
        %get3A_202 = arith.index_cast %scan3A_153 : i32 to index
        %get3A_203 = arith.constant 48 : index
        %get3A_204 = tpu.vector_load %arg9[%get3A_202, %get3A_203] {strides = array<i32>} : memref<80x128xf32, #tpu.memory_space<vmem>>, vector<1x16xf32>,
        %get3A_205 = vector.shape_cast %get3A_204 : vector<1x16xf32> to vector<16xf32>
        %get3A_206 = arith.index_cast %scan3A_153 : i32 to index
        %get3A_207 = arith.constant 112 : index
        %get3A_208 = tpu.vector_load %arg11[%get3A_206, %get3A_207] {strides = array<i32>} : memref<80x128xf32, #tpu.memory_space<vmem>>, vector<1x16xf32>,
        %get3A_209 = vector.shape_cast %get3A_208 : vector<1x16xf32> to vector<16xf32>
        %add3A_210 = arith.addf %get3A_205, %get3A_209 : vector<16xf32>
        %max3A_211 = arith.constant 0.000000e+00 : f32
        %max3A_212 = vector.broadcast %max3A_211 : f32 to vector<16xf32>
        %max3A_213 = arith.maximumf %add3A_210, %max3A_212 : vector<16xf32>
        %swap3A_214 = arith.index_cast %scan3A_153 : i32 to index
        %swap3A_215 = arith.constant 48 : index
        %swap3A_216 = tpu.vector_load %arg9[%swap3A_214, %swap3A_215] {strides = array<i32>} : memref<80x128xf32, #tpu.memory_space<vmem>>, vector<1x16xf32>,
        %swap3A_217 = vector.shape_cast %swap3A_216 : vector<1x16xf32> to vector<16xf32>
        %swap3A_218 = vector.shape_cast %max3A_213 : vector<16xf32> to vector<1x16xf32>
        tpu.vector_store %arg9[%swap3A_214, %swap3A_215], %swap3A_218 {strides = array<i32>} : memref<80x128xf32, #tpu.memory_space<vmem>>, vector<1x16xf32>,
        %scan3A_219 = arith.constant 1 : i32
        %scan3A_220 = arith.addi %scan3A_153, %scan3A_219 : i32
        %get3A_221 = arith.index_cast %scan3A_220 : i32 to index
        %get3A_222 = arith.constant 0 : index
        %get3A_223 = tpu.vector_load %arg9[%get3A_221, %get3A_222] {strides = array<i32>} : memref<80x128xf32, #tpu.memory_space<vmem>>, vector<1x16xf32>,
        %get3A_224 = vector.shape_cast %get3A_223 : vector<1x16xf32> to vector<16xf32>
        %get3A_225 = arith.index_cast %scan3A_220 : i32 to index
        %get3A_226 = arith.constant 64 : index
        %get3A_227 = tpu.vector_load %arg11[%get3A_225, %get3A_226] {strides = array<i32>} : memref<80x128xf32, #tpu.memory_space<vmem>>, vector<1x16xf32>,
        %get3A_228 = vector.shape_cast %get3A_227 : vector<1x16xf32> to vector<16xf32>
        %add3A_229 = arith.addf %get3A_224, %get3A_228 : vector<16xf32>
        %max3A_230 = arith.constant 0.000000e+00 : f32
        %max3A_231 = vector.broadcast %max3A_230 : f32 to vector<16xf32>
        %max3A_232 = arith.maximumf %add3A_229, %max3A_231 : vector<16xf32>
        %swap3A_233 = arith.index_cast %scan3A_220 : i32 to index
        %swap3A_234 = arith.constant 0 : index
        %swap3A_235 = tpu.vector_load %arg9[%swap3A_233, %swap3A_234] {strides = array<i32>} : memref<80x128xf32, #tpu.memory_space<vmem>>, vector<1x16xf32>,
        %swap3A_236 = vector.shape_cast %swap3A_235 : vector<1x16xf32> to vector<16xf32>
        %swap3A_237 = vector.shape_cast %max3A_232 : vector<16xf32> to vector<1x16xf32>
        tpu.vector_store %arg9[%swap3A_233, %swap3A_234], %swap3A_237 {strides = array<i32>} : memref<80x128xf32, #tpu.memory_space<vmem>>, vector<1x16xf32>,
        %get3A_238 = arith.index_cast %scan3A_220 : i32 to index
        %get3A_239 = arith.constant 16 : index
        %get3A_240 = tpu.vector_load %arg9[%get3A_238, %get3A_239] {strides = array<i32>} : memref<80x128xf32, #tpu.memory_space<vmem>>, vector<1x16xf32>,
        %get3A_241 = vector.shape_cast %get3A_240 : vector<1x16xf32> to vector<16xf32>
        %get3A_242 = arith.index_cast %scan3A_220 : i32 to index
        %get3A_243 = arith.constant 80 : index
        %get3A_244 = tpu.vector_load %arg11[%get3A_242, %get3A_243] {strides = array<i32>} : memref<80x128xf32, #tpu.memory_space<vmem>>, vector<1x16xf32>,
        %get3A_245 = vector.shape_cast %get3A_244 : vector<1x16xf32> to vector<16xf32>
        %add3A_246 = arith.addf %get3A_241, %get3A_245 : vector<16xf32>
        %max3A_247 = arith.constant 0.000000e+00 : f32
        %max3A_248 = vector.broadcast %max3A_247 : f32 to vector<16xf32>
        %max3A_249 = arith.maximumf %add3A_246, %max3A_248 : vector<16xf32>
        %swap3A_250 = arith.index_cast %scan3A_220 : i32 to index
        %swap3A_251 = arith.constant 16 : index
        %swap3A_252 = tpu.vector_load %arg9[%swap3A_250, %swap3A_251] {strides = array<i32>} : memref<80x128xf32, #tpu.memory_space<vmem>>, vector<1x16xf32>,
        %swap3A_253 = vector.shape_cast %swap3A_252 : vector<1x16xf32> to vector<16xf32>
        %swap3A_254 = vector.shape_cast %max3A_249 : vector<16xf32> to vector<1x16xf32>
        tpu.vector_store %arg9[%swap3A_250, %swap3A_251], %swap3A_254 {strides = array<i32>} : memref<80x128xf32, #tpu.memory_space<vmem>>, vector<1x16xf32>,
        %get3A_255 = arith.index_cast %scan3A_220 : i32 to index
        %get3A_256 = arith.constant 32 : index
        %get3A_257 = tpu.vector_load %arg9[%get3A_255, %get3A_256] {strides = array<i32>} : memref<80x128xf32, #tpu.memory_space<vmem>>, vector<1x16xf32>,
        %get3A_258 = vector.shape_cast %get3A_257 : vector<1x16xf32> to vector<16xf32>
        %get3A_259 = arith.index_cast %scan3A_220 : i32 to index
        %get3A_260 = arith.constant 96 : index
        %get3A_261 = tpu.vector_load %arg11[%get3A_259, %get3A_260] {strides = array<i32>} : memref<80x128xf32, #tpu.memory_space<vmem>>, vector<1x16xf32>,
        %get3A_262 = vector.shape_cast %get3A_261 : vector<1x16xf32> to vector<16xf32>
        %add3A_263 = arith.addf %get3A_258, %get3A_262 : vector<16xf32>
        %max3A_264 = arith.constant 0.000000e+00 : f32
        %max3A_265 = vector.broadcast %max3A_264 : f32 to vector<16xf32>
        %max3A_266 = arith.maximumf %add3A_263, %max3A_265 : vector<16xf32>
        %swap3A_267 = arith.index_cast %scan3A_220 : i32 to index
        %swap3A_268 = arith.constant 32 : index
        %swap3A_269 = tpu.vector_load %arg9[%swap3A_267, %swap3A_268] {strides = array<i32>} : memref<80x128xf32, #tpu.memory_space<vmem>>, vector<1x16xf32>,
        %swap3A_270 = vector.shape_cast %swap3A_269 : vector<1x16xf32> to vector<16xf32>
        %swap3A_271 = vector.shape_cast %max3A_266 : vector<16xf32> to vector<1x16xf32>
        tpu.vector_store %arg9[%swap3A_267, %swap3A_268], %swap3A_271 {strides = array<i32>} : memref<80x128xf32, #tpu.memory_space<vmem>>, vector<1x16xf32>,
        %get3A_272 = arith.index_cast %scan3A_220 : i32 to index
        %get3A_273 = arith.constant 48 : index
        %get3A_274 = tpu.vector_load %arg9[%get3A_272, %get3A_273] {strides = array<i32>} : memref<80x128xf32, #tpu.memory_space<vmem>>, vector<1x16xf32>,
        %get3A_275 = vector.shape_cast %get3A_274 : vector<1x16xf32> to vector<16xf32>
        %get3A_276 = arith.index_cast %scan3A_220 : i32 to index
        %get3A_277 = arith.constant 112 : index
        %get3A_278 = tpu.vector_load %arg11[%get3A_276, %get3A_277] {strides = array<i32>} : memref<80x128xf32, #tpu.memory_space<vmem>>, vector<1x16xf32>,
        %get3A_279 = vector.shape_cast %get3A_278 : vector<1x16xf32> to vector<16xf32>
        %add3A_280 = arith.addf %get3A_275, %get3A_279 : vector<16xf32>
        %max3A_281 = arith.constant 0.000000e+00 : f32
        %max3A_282 = vector.broadcast %max3A_281 : f32 to vector<16xf32>
        %max3A_283 = arith.maximumf %add3A_280, %max3A_282 : vector<16xf32>
        %swap3A_284 = arith.index_cast %scan3A_220 : i32 to index
        %swap3A_285 = arith.constant 48 : index
        %swap3A_286 = tpu.vector_load %arg9[%swap3A_284, %swap3A_285] {strides = array<i32>} : memref<80x128xf32, #tpu.memory_space<vmem>>, vector<1x16xf32>,
        %swap3A_287 = vector.shape_cast %swap3A_286 : vector<1x16xf32> to vector<16xf32>
        %swap3A_288 = vector.shape_cast %max3A_283 : vector<16xf32> to vector<1x16xf32>
        tpu.vector_store %arg9[%swap3A_284, %swap3A_285], %swap3A_288 {strides = array<i32>} : memref<80x128xf32, #tpu.memory_space<vmem>>, vector<1x16xf32>,
      }
      %scan3A_146 = arith.constant 80 : i32
      %run_scoped3A_147 = arith.constant 1 : i32
      "tpu.region"() ({
        %run_scoped3A_153 = tpu.sem_alloc : memref<!tpu.dma_semaphore, #tpu.memory_space<semaphore_mem>>
        %dma_start3A_154 = arith.constant 0 : i32
        %dma_start3A_155 = tpu.memref_slice %arg7[%run_scoped3A_147, %dma_start3A_154] : memref<2x80xi32, #tpu.memory_space<vmem>> -> memref<1x80xi32, #tpu.memory_space<vmem>>
        %dma_start3A_156 = tpu.memref_squeeze %dma_start3A_155 : memref<1x80xi32, #tpu.memory_space<vmem>> -> memref<80xi32, #tpu.memory_space<vmem>>
        %dma_start3A_157 = arith.constant 0 : i32
        %dma_start3A_158 = arith.constant 0 : i32
        %dma_start3A_159 = tpu.memref_slice %arg12[%dma_start3A_157, %dma_start3A_158] : memref<10112x128xf32, #tpu.memory_space<vmem_shared>> -> memref<10112x128xf32, #tpu.memory_space<vmem_shared>>
        tpu.enqueue_indirect_dma source(%arg9 : memref<80x128xf32, #tpu.memory_space<vmem>>) target(%dma_start3A_159 : memref<10112x128xf32, #tpu.memory_space<vmem_shared>>) offsets(%dma_start3A_156 : memref<80xi32, #tpu.memory_space<vmem>>) semaphore(%run_scoped3A_153 : memref<!tpu.dma_semaphore, #tpu.memory_space<semaphore_mem>>) {add = true}
        %dma_wait3A_160 = arith.constant 0 : i32
        %dma_wait3A_161 = tpu.memref_slice %arg7[%run_scoped3A_147, %dma_wait3A_160] : memref<2x80xi32, #tpu.memory_space<vmem>> -> memref<1x80xi32, #tpu.memory_space<vmem>>
        %dma_wait3A_162 = tpu.memref_squeeze %dma_wait3A_161 : memref<1x80xi32, #tpu.memory_space<vmem>> -> memref<80xi32, #tpu.memory_space<vmem>>
        %dma_wait3A_163 = arith.constant 0 : i32
        %dma_wait3A_164 = arith.constant 0 : i32
        %dma_wait3A_165 = tpu.memref_slice %arg12[%dma_wait3A_163, %dma_wait3A_164] : memref<10112x128xf32, #tpu.memory_space<vmem_shared>> -> memref<10112x128xf32, #tpu.memory_space<vmem_shared>>
        tpu.wait_indirect_dma semaphore(%run_scoped3A_153 : memref<!tpu.dma_semaphore, #tpu.memory_space<semaphore_mem>>) src(%arg9 : memref<80x128xf32, #tpu.memory_space<vmem>>) dst(%dma_wait3A_165 : memref<10112x128xf32, #tpu.memory_space<vmem_shared>>)
        tpu.yield
      }) : () -> ()
      %lt3A_148 = arith.constant 62 : i32
      %lt3A_149 = arith.cmpi slt, %scan3A_83, %lt3A_148 : i32
      %convert_element_type3A_150 = arith.extui %lt3A_149 : i1 to i32
      %cond3A_151 = arith.constant 0 : i32
      %cond3A_152 = arith.cmpi ne, %convert_element_type3A_150, %cond3A_151 : i32
      scf.if %cond3A_152 {
        %add3A_153 = arith.constant 2 : i32
        %add3A_154 = arith.addi %add3A_121, %add3A_153 : i32
        %dma_wait3A_155 = arith.constant 0 : i32
        %dma_wait3A_156 = arith.constant 0 : i32
        %dma_wait3A_157 = tpu.memref_slice %arg4[%add3A_154, %dma_wait3A_155, %dma_wait3A_156] : memref<4032x2x80xi32, #tpu.memory_space<hbm>> -> memref<1x2x80xi32, #tpu.memory_space<hbm>>
        %dma_wait3A_158 = tpu.memref_squeeze %dma_wait3A_157 : memref<1x2x80xi32, #tpu.memory_space<hbm>> -> memref<2x80xi32, #tpu.memory_space<hbm>>
        %dma_wait3A_159 = arith.constant 0 : i32
        %dma_wait3A_160 = arith.constant 0 : i32
        %dma_wait3A_161 = tpu.memref_slice %arg4[%add3A_154, %dma_wait3A_159, %dma_wait3A_160] : memref<4032x2x80xi32, #tpu.memory_space<hbm>> -> memref<1x2x80xi32, #tpu.memory_space<hbm>>
        %dma_wait3A_162 = tpu.memref_squeeze %dma_wait3A_161 : memref<1x2x80xi32, #tpu.memory_space<hbm>> -> memref<2x80xi32, #tpu.memory_space<hbm>>
        tpu.wait_dma2 semaphore(%arg18 : memref<!tpu.dma_semaphore, #tpu.memory_space<semaphore_mem>>) src(%dma_wait3A_162 : memref<2x80xi32, #tpu.memory_space<hbm>>) dst(%arg7 : memref<2x80xi32, #tpu.memory_space<vmem>>)
        %add3A_163 = arith.constant 2 : i32
        %add3A_164 = arith.addi %add3A_121, %add3A_163 : i32
        %dma_start3A_165 = arith.constant 1 : i32
        %dma_start3A_166 = arith.constant 0 : i32
        %dma_start3A_167 = tpu.memref_slice %arg7[%dma_start3A_165, %dma_start3A_166] : memref<2x80xi32, #tpu.memory_space<vmem>> -> memref<1x80xi32, #tpu.memory_space<vmem>>
        %dma_start3A_168 = tpu.memref_squeeze %dma_start3A_167 : memref<1x80xi32, #tpu.memory_space<vmem>> -> memref<80xi32, #tpu.memory_space<vmem>>
        %dma_start3A_169 = arith.constant 0 : i32
        %dma_start3A_170 = arith.constant 0 : i32
        %dma_start3A_171 = tpu.memref_slice %arg2[%dma_start3A_169, %dma_start3A_170] : memref<10240x128xf32, #tpu.memory_space<hbm>> -> memref<10240x128xf32, #tpu.memory_space<hbm>>
        tpu.enqueue_indirect_dma source(%dma_start3A_171 : memref<10240x128xf32, #tpu.memory_space<hbm>>) target(%arg9 : memref<80x128xf32, #tpu.memory_space<vmem>>) offsets(%dma_start3A_168 : memref<80xi32, #tpu.memory_space<vmem>>) semaphore(%arg14 : memref<!tpu.dma_semaphore, #tpu.memory_space<semaphore_mem>>)
        %dma_start3A_172 = arith.constant 0 : i32
        %dma_start3A_173 = arith.constant 0 : i32
        %dma_start3A_174 = tpu.memref_slice %arg7[%dma_start3A_172, %dma_start3A_173] : memref<2x80xi32, #tpu.memory_space<vmem>> -> memref<1x80xi32, #tpu.memory_space<vmem>>
        %dma_start3A_175 = tpu.memref_squeeze %dma_start3A_174 : memref<1x80xi32, #tpu.memory_space<vmem>> -> memref<80xi32, #tpu.memory_space<vmem>>
        %dma_start3A_176 = arith.constant 0 : i32
        %dma_start3A_177 = arith.constant 0 : i32
        %dma_start3A_178 = tpu.memref_slice %arg3[%dma_start3A_176, %dma_start3A_177] : memref<10240x128xf32, #tpu.memory_space<hbm>> -> memref<10240x128xf32, #tpu.memory_space<hbm>>
        tpu.enqueue_indirect_dma source(%dma_start3A_178 : memref<10240x128xf32, #tpu.memory_space<hbm>>) target(%arg11 : memref<80x128xf32, #tpu.memory_space<vmem>>) offsets(%dma_start3A_175 : memref<80xi32, #tpu.memory_space<vmem>>) semaphore(%arg16 : memref<!tpu.dma_semaphore, #tpu.memory_space<semaphore_mem>>)
      } else {
      }
    }
    %scan3A_65 = arith.constant 63 : i32
    %barrier3A_66 = arith.constant 0 : index
    tpu.barrier barrier_id(%barrier3A_66)
    %add3A_67 = arith.constant 0 : i32
    %add3A_68 = arith.addi %mul3A_10, %add3A_67 : i32
    "tpu.region"() ({
      %run_scoped3A = tpu.sem_alloc : memref<!tpu.dma_semaphore, #tpu.memory_space<semaphore_mem>>
      %dma_start3A_83 = arith.constant 0 : i32
      %dma_start3A_84 = tpu.memref_slice %arg5[%arg0, %add3A_68, %dma_start3A_83] : memref<2x10240x128xf32, #tpu.memory_space<hbm>> -> memref<1x80x128xf32, #tpu.memory_space<hbm>>
      %dma_start3A_85 = tpu.memref_squeeze %dma_start3A_84 : memref<1x80x128xf32, #tpu.memory_space<hbm>> -> memref<80x128xf32, #tpu.memory_space<hbm>>
      %dma_start3A_86 = arith.constant 0 : i32
      %dma_start3A_87 = tpu.memref_slice %arg12[%add3A_68, %dma_start3A_86] : memref<10112x128xf32, #tpu.memory_space<vmem_shared>> -> memref<80x128xf32, #tpu.memory_space<vmem_shared>>
      tpu.enqueue_dma source(%dma_start3A_87 : memref<80x128xf32, #tpu.memory_space<vmem_shared>>) target(%dma_start3A_85 : memref<80x128xf32, #tpu.memory_space<hbm>>) target_semaphore(%run_scoped3A : memref<!tpu.dma_semaphore, #tpu.memory_space<semaphore_mem>>)
      %dma_wait3A = arith.constant 0 : i32
      %dma_wait3A_88 = tpu.memref_slice %arg5[%arg0, %add3A_68, %dma_wait3A] : memref<2x10240x128xf32, #tpu.memory_space<hbm>> -> memref<1x80x128xf32, #tpu.memory_space<hbm>>
      %dma_wait3A_89 = tpu.memref_squeeze %dma_wait3A_88 : memref<1x80x128xf32, #tpu.memory_space<hbm>> -> memref<80x128xf32, #tpu.memory_space<hbm>>
      %dma_wait3A_90 = arith.constant 0 : i32
      %dma_wait3A_91 = tpu.memref_slice %arg12[%add3A_68, %dma_wait3A_90] : memref<10112x128xf32, #tpu.memory_space<vmem_shared>> -> memref<80x128xf32, #tpu.memory_space<vmem_shared>>
      tpu.wait_dma2 semaphore(%run_scoped3A : memref<!tpu.dma_semaphore, #tpu.memory_space<semaphore_mem>>) src(%dma_wait3A_91 : memref<80x128xf32, #tpu.memory_space<vmem_shared>>) dst(%dma_wait3A_89 : memref<80x128xf32, #tpu.memory_space<hbm>>)
      tpu.yield
    }) : () -> ()
    %add3A_69 = arith.constant 80 : i32
    %add3A_70 = arith.addi %mul3A_10, %add3A_69 : i32
    "tpu.region"() ({
      %run_scoped3A = tpu.sem_alloc : memref<!tpu.dma_semaphore, #tpu.memory_space<semaphore_mem>>
      %dma_start3A_83 = arith.constant 0 : i32
      %dma_start3A_84 = tpu.memref_slice %arg5[%arg0, %add3A_70, %dma_start3A_83] : memref<2x10240x128xf32, #tpu.memory_space<hbm>> -> memref<1x80x128xf32, #tpu.memory_space<hbm>>
      %dma_start3A_85 = tpu.memref_squeeze %dma_start3A_84 : memref<1x80x128xf32, #tpu.memory_space<hbm>> -> memref<80x128xf32, #tpu.memory_space<hbm>>
      %dma_start3A_86 = arith.constant 0 : i32
      %dma_start3A_87 = tpu.memref_slice %arg12[%add3A_70, %dma_start3A_86] : memref<10112x128xf32, #tpu.memory_space<vmem_shared>> -> memref<80x128xf32, #tpu.memory_space<vmem_shared>>
      tpu.enqueue_dma source(%dma_start3A_87 : memref<80x128xf32, #tpu.memory_space<vmem_shared>>) target(%dma_start3A_85 : memref<80x128xf32, #tpu.memory_space<hbm>>) target_semaphore(%run_scoped3A : memref<!tpu.dma_semaphore, #tpu.memory_space<semaphore_mem>>)
      %dma_wait3A = arith.constant 0 : i32
      %dma_wait3A_88 = tpu.memref_slice %arg5[%arg0, %add3A_70, %dma_wait3A] : memref<2x10240x128xf32, #tpu.memory_space<hbm>> -> memref<1x80x128xf32, #tpu.memory_space<hbm>>
      %dma_wait3A_89 = tpu.memref_squeeze %dma_wait3A_88 : memref<1x80x128xf32, #tpu.memory_space<hbm>> -> memref<80x128xf32, #tpu.memory_space<hbm>>
      %dma_wait3A_90 = arith.constant 0 : i32
      %dma_wait3A_91 = tpu.memref_slice %arg12[%add3A_70, %dma_wait3A_90] : memref<10112x128xf32, #tpu.memory_space<vmem_shared>> -> memref<80x128xf32, #tpu.memory_space<vmem_shared>>
      tpu.wait_dma2 semaphore(%run_scoped3A : memref<!tpu.dma_semaphore, #tpu.memory_space<semaphore_mem>>) src(%dma_wait3A_91 : memref<80x128xf32, #tpu.memory_space<vmem_shared>>) dst(%dma_wait3A_89 : memref<80x128xf32, #tpu.memory_space<hbm>>)
      tpu.yield
    }) : () -> ()
    %add3A_71 = arith.constant 160 : i32
    %add3A_72 = arith.addi %mul3A_10, %add3A_71 : i32
    "tpu.region"() ({
      %run_scoped3A = tpu.sem_alloc : memref<!tpu.dma_semaphore, #tpu.memory_space<semaphore_mem>>
      %dma_start3A_83 = arith.constant 0 : i32
      %dma_start3A_84 = tpu.memref_slice %arg5[%arg0, %add3A_72, %dma_start3A_83] : memref<2x10240x128xf32, #tpu.memory_space<hbm>> -> memref<1x80x128xf32, #tpu.memory_space<hbm>>
      %dma_start3A_85 = tpu.memref_squeeze %dma_start3A_84 : memref<1x80x128xf32, #tpu.memory_space<hbm>> -> memref<80x128xf32, #tpu.memory_space<hbm>>
      %dma_start3A_86 = arith.constant 0 : i32
      %dma_start3A_87 = tpu.memref_slice %arg12[%add3A_72, %dma_start3A_86] : memref<10112x128xf32, #tpu.memory_space<vmem_shared>> -> memref<80x128xf32, #tpu.memory_space<vmem_shared>>
      tpu.enqueue_dma source(%dma_start3A_87 : memref<80x128xf32, #tpu.memory_space<vmem_shared>>) target(%dma_start3A_85 : memref<80x128xf32, #tpu.memory_space<hbm>>) target_semaphore(%run_scoped3A : memref<!tpu.dma_semaphore, #tpu.memory_space<semaphore_mem>>)
      %dma_wait3A = arith.constant 0 : i32
      %dma_wait3A_88 = tpu.memref_slice %arg5[%arg0, %add3A_72, %dma_wait3A] : memref<2x10240x128xf32, #tpu.memory_space<hbm>> -> memref<1x80x128xf32, #tpu.memory_space<hbm>>
      %dma_wait3A_89 = tpu.memref_squeeze %dma_wait3A_88 : memref<1x80x128xf32, #tpu.memory_space<hbm>> -> memref<80x128xf32, #tpu.memory_space<hbm>>
      %dma_wait3A_90 = arith.constant 0 : i32
      %dma_wait3A_91 = tpu.memref_slice %arg12[%add3A_72, %dma_wait3A_90] : memref<10112x128xf32, #tpu.memory_space<vmem_shared>> -> memref<80x128xf32, #tpu.memory_space<vmem_shared>>
      tpu.wait_dma2 semaphore(%run_scoped3A : memref<!tpu.dma_semaphore, #tpu.memory_space<semaphore_mem>>) src(%dma_wait3A_91 : memref<80x128xf32, #tpu.memory_space<vmem_shared>>) dst(%dma_wait3A_89 : memref<80x128xf32, #tpu.memory_space<hbm>>)
      tpu.yield
    }) : () -> ()
    %add3A_73 = arith.constant 240 : i32
    %add3A_74 = arith.addi %mul3A_10, %add3A_73 : i32
    "tpu.region"() ({
      %run_scoped3A = tpu.sem_alloc : memref<!tpu.dma_semaphore, #tpu.memory_space<semaphore_mem>>
      %dma_start3A_83 = arith.constant 0 : i32
      %dma_start3A_84 = tpu.memref_slice %arg5[%arg0, %add3A_74, %dma_start3A_83] : memref<2x10240x128xf32, #tpu.memory_space<hbm>> -> memref<1x80x128xf32, #tpu.memory_space<hbm>>
      %dma_start3A_85 = tpu.memref_squeeze %dma_start3A_84 : memref<1x80x128xf32, #tpu.memory_space<hbm>> -> memref<80x128xf32, #tpu.memory_space<hbm>>
      %dma_start3A_86 = arith.constant 0 : i32
      %dma_start3A_87 = tpu.memref_slice %arg12[%add3A_74, %dma_start3A_86] : memref<10112x128xf32, #tpu.memory_space<vmem_shared>> -> memref<80x128xf32, #tpu.memory_space<vmem_shared>>
      tpu.enqueue_dma source(%dma_start3A_87 : memref<80x128xf32, #tpu.memory_space<vmem_shared>>) target(%dma_start3A_85 : memref<80x128xf32, #tpu.memory_space<hbm>>) target_semaphore(%run_scoped3A : memref<!tpu.dma_semaphore, #tpu.memory_space<semaphore_mem>>)
      %dma_wait3A = arith.constant 0 : i32
      %dma_wait3A_88 = tpu.memref_slice %arg5[%arg0, %add3A_74, %dma_wait3A] : memref<2x10240x128xf32, #tpu.memory_space<hbm>> -> memref<1x80x128xf32, #tpu.memory_space<hbm>>
      %dma_wait3A_89 = tpu.memref_squeeze %dma_wait3A_88 : memref<1x80x128xf32, #tpu.memory_space<hbm>> -> memref<80x128xf32, #tpu.memory_space<hbm>>
      %dma_wait3A_90 = arith.constant 0 : i32
      %dma_wait3A_91 = tpu.memref_slice %arg12[%add3A_74, %dma_wait3A_90] : memref<10112x128xf32, #tpu.memory_space<vmem_shared>> -> memref<80x128xf32, #tpu.memory_space<vmem_shared>>
      tpu.wait_dma2 semaphore(%run_scoped3A : memref<!tpu.dma_semaphore, #tpu.memory_space<semaphore_mem>>) src(%dma_wait3A_91 : memref<80x128xf32, #tpu.memory_space<vmem_shared>>) dst(%dma_wait3A_89 : memref<80x128xf32, #tpu.memory_space<hbm>>)
      tpu.yield
    }) : () -> ()
    %add3A_75 = arith.constant 320 : i32
    %add3A_76 = arith.addi %mul3A_10, %add3A_75 : i32
    "tpu.region"() ({
      %run_scoped3A = tpu.sem_alloc : memref<!tpu.dma_semaphore, #tpu.memory_space<semaphore_mem>>
      %dma_start3A_83 = arith.constant 0 : i32
      %dma_start3A_84 = tpu.memref_slice %arg5[%arg0, %add3A_76, %dma_start3A_83] : memref<2x10240x128xf32, #tpu.memory_space<hbm>> -> memref<1x80x128xf32, #tpu.memory_space<hbm>>
      %dma_start3A_85 = tpu.memref_squeeze %dma_start3A_84 : memref<1x80x128xf32, #tpu.memory_space<hbm>> -> memref<80x128xf32, #tpu.memory_space<hbm>>
      %dma_start3A_86 = arith.constant 0 : i32
      %dma_start3A_87 = tpu.memref_slice %arg12[%add3A_76, %dma_start3A_86] : memref<10112x128xf32, #tpu.memory_space<vmem_shared>> -> memref<80x128xf32, #tpu.memory_space<vmem_shared>>
      tpu.enqueue_dma source(%dma_start3A_87 : memref<80x128xf32, #tpu.memory_space<vmem_shared>>) target(%dma_start3A_85 : memref<80x128xf32, #tpu.memory_space<hbm>>) target_semaphore(%run_scoped3A : memref<!tpu.dma_semaphore, #tpu.memory_space<semaphore_mem>>)
      %dma_wait3A = arith.constant 0 : i32
      %dma_wait3A_88 = tpu.memref_slice %arg5[%arg0, %add3A_76, %dma_wait3A] : memref<2x10240x128xf32, #tpu.memory_space<hbm>> -> memref<1x80x128xf32, #tpu.memory_space<hbm>>
      %dma_wait3A_89 = tpu.memref_squeeze %dma_wait3A_88 : memref<1x80x128xf32, #tpu.memory_space<hbm>> -> memref<80x128xf32, #tpu.memory_space<hbm>>
      %dma_wait3A_90 = arith.constant 0 : i32
      %dma_wait3A_91 = tpu.memref_slice %arg12[%add3A_76, %dma_wait3A_90] : memref<10112x128xf32, #tpu.memory_space<vmem_shared>> -> memref<80x128xf32, #tpu.memory_space<vmem_shared>>
      tpu.wait_dma2 semaphore(%run_scoped3A : memref<!tpu.dma_semaphore, #tpu.memory_space<semaphore_mem>>) src(%dma_wait3A_91 : memref<80x128xf32, #tpu.memory_space<vmem_shared>>) dst(%dma_wait3A_89 : memref<80x128xf32, #tpu.memory_space<hbm>>)
      tpu.yield
    }) : () -> ()
    %add3A_77 = arith.constant 400 : i32
    %add3A_78 = arith.addi %mul3A_10, %add3A_77 : i32
    "tpu.region"() ({
      %run_scoped3A = tpu.sem_alloc : memref<!tpu.dma_semaphore, #tpu.memory_space<semaphore_mem>>
      %dma_start3A_83 = arith.constant 0 : i32
      %dma_start3A_84 = tpu.memref_slice %arg5[%arg0, %add3A_78, %dma_start3A_83] : memref<2x10240x128xf32, #tpu.memory_space<hbm>> -> memref<1x80x128xf32, #tpu.memory_space<hbm>>
      %dma_start3A_85 = tpu.memref_squeeze %dma_start3A_84 : memref<1x80x128xf32, #tpu.memory_space<hbm>> -> memref<80x128xf32, #tpu.memory_space<hbm>>
      %dma_start3A_86 = arith.constant 0 : i32
      %dma_start3A_87 = tpu.memref_slice %arg12[%add3A_78, %dma_start3A_86] : memref<10112x128xf32, #tpu.memory_space<vmem_shared>> -> memref<80x128xf32, #tpu.memory_space<vmem_shared>>
      tpu.enqueue_dma source(%dma_start3A_87 : memref<80x128xf32, #tpu.memory_space<vmem_shared>>) target(%dma_start3A_85 : memref<80x128xf32, #tpu.memory_space<hbm>>) target_semaphore(%run_scoped3A : memref<!tpu.dma_semaphore, #tpu.memory_space<semaphore_mem>>)
      %dma_wait3A = arith.constant 0 : i32
      %dma_wait3A_88 = tpu.memref_slice %arg5[%arg0, %add3A_78, %dma_wait3A] : memref<2x10240x128xf32, #tpu.memory_space<hbm>> -> memref<1x80x128xf32, #tpu.memory_space<hbm>>
      %dma_wait3A_89 = tpu.memref_squeeze %dma_wait3A_88 : memref<1x80x128xf32, #tpu.memory_space<hbm>> -> memref<80x128xf32, #tpu.memory_space<hbm>>
      %dma_wait3A_90 = arith.constant 0 : i32
      %dma_wait3A_91 = tpu.memref_slice %arg12[%add3A_78, %dma_wait3A_90] : memref<10112x128xf32, #tpu.memory_space<vmem_shared>> -> memref<80x128xf32, #tpu.memory_space<vmem_shared>>
      tpu.wait_dma2 semaphore(%run_scoped3A : memref<!tpu.dma_semaphore, #tpu.memory_space<semaphore_mem>>) src(%dma_wait3A_91 : memref<80x128xf32, #tpu.memory_space<vmem_shared>>) dst(%dma_wait3A_89 : memref<80x128xf32, #tpu.memory_space<hbm>>)
      tpu.yield
    }) : () -> ()
    %add3A_79 = arith.constant 480 : i32
    %add3A_80 = arith.addi %mul3A_10, %add3A_79 : i32
    "tpu.region"() ({
      %run_scoped3A = tpu.sem_alloc : memref<!tpu.dma_semaphore, #tpu.memory_space<semaphore_mem>>
      %dma_start3A_83 = arith.constant 0 : i32
      %dma_start3A_84 = tpu.memref_slice %arg5[%arg0, %add3A_80, %dma_start3A_83] : memref<2x10240x128xf32, #tpu.memory_space<hbm>> -> memref<1x80x128xf32, #tpu.memory_space<hbm>>
      %dma_start3A_85 = tpu.memref_squeeze %dma_start3A_84 : memref<1x80x128xf32, #tpu.memory_space<hbm>> -> memref<80x128xf32, #tpu.memory_space<hbm>>
      %dma_start3A_86 = arith.constant 0 : i32
      %dma_start3A_87 = tpu.memref_slice %arg12[%add3A_80, %dma_start3A_86] : memref<10112x128xf32, #tpu.memory_space<vmem_shared>> -> memref<80x128xf32, #tpu.memory_space<vmem_shared>>
      tpu.enqueue_dma source(%dma_start3A_87 : memref<80x128xf32, #tpu.memory_space<vmem_shared>>) target(%dma_start3A_85 : memref<80x128xf32, #tpu.memory_space<hbm>>) target_semaphore(%run_scoped3A : memref<!tpu.dma_semaphore, #tpu.memory_space<semaphore_mem>>)
      %dma_wait3A = arith.constant 0 : i32
      %dma_wait3A_88 = tpu.memref_slice %arg5[%arg0, %add3A_80, %dma_wait3A] : memref<2x10240x128xf32, #tpu.memory_space<hbm>> -> memref<1x80x128xf32, #tpu.memory_space<hbm>>
      %dma_wait3A_89 = tpu.memref_squeeze %dma_wait3A_88 : memref<1x80x128xf32, #tpu.memory_space<hbm>> -> memref<80x128xf32, #tpu.memory_space<hbm>>
      %dma_wait3A_90 = arith.constant 0 : i32
      %dma_wait3A_91 = tpu.memref_slice %arg12[%add3A_80, %dma_wait3A_90] : memref<10112x128xf32, #tpu.memory_space<vmem_shared>> -> memref<80x128xf32, #tpu.memory_space<vmem_shared>>
      tpu.wait_dma2 semaphore(%run_scoped3A : memref<!tpu.dma_semaphore, #tpu.memory_space<semaphore_mem>>) src(%dma_wait3A_91 : memref<80x128xf32, #tpu.memory_space<vmem_shared>>) dst(%dma_wait3A_89 : memref<80x128xf32, #tpu.memory_space<hbm>>)
      tpu.yield
    }) : () -> ()
    %add3A_81 = arith.constant 560 : i32
    %add3A_82 = arith.addi %mul3A_10, %add3A_81 : i32
    "tpu.region"() ({
      %run_scoped3A = tpu.sem_alloc : memref<!tpu.dma_semaphore, #tpu.memory_space<semaphore_mem>>
      %dma_start3A_83 = arith.constant 0 : i32
      %dma_start3A_84 = tpu.memref_slice %arg5[%arg0, %add3A_82, %dma_start3A_83] : memref<2x10240x128xf32, #tpu.memory_space<hbm>> -> memref<1x72x128xf32, #tpu.memory_space<hbm>>
      %dma_start3A_85 = tpu.memref_squeeze %dma_start3A_84 : memref<1x72x128xf32, #tpu.memory_space<hbm>> -> memref<72x128xf32, #tpu.memory_space<hbm>>
      %dma_start3A_86 = arith.constant 0 : i32
      %dma_start3A_87 = tpu.memref_slice %arg12[%add3A_82, %dma_start3A_86] : memref<10112x128xf32, #tpu.memory_space<vmem_shared>> -> memref<72x128xf32, #tpu.memory_space<vmem_shared>>
      tpu.enqueue_dma source(%dma_start3A_87 : memref<72x128xf32, #tpu.memory_space<vmem_shared>>) target(%dma_start3A_85 : memref<72x128xf32, #tpu.memory_space<hbm>>) target_semaphore(%run_scoped3A : memref<!tpu.dma_semaphore, #tpu.memory_space<semaphore_mem>>)
      %dma_wait3A = arith.constant 0 : i32
      %dma_wait3A_88 = tpu.memref_slice %arg5[%arg0, %add3A_82, %dma_wait3A] : memref<2x10240x128xf32, #tpu.memory_space<hbm>> -> memref<1x72x128xf32, #tpu.memory_space<hbm>>
      %dma_wait3A_89 = tpu.memref_squeeze %dma_wait3A_88 : memref<1x72x128xf32, #tpu.memory_space<hbm>> -> memref<72x128xf32, #tpu.memory_space<hbm>>
      %dma_wait3A_90 = arith.constant 0 : i32
      %dma_wait3A_91 = tpu.memref_slice %arg12[%add3A_82, %dma_wait3A_90] : memref<10112x128xf32, #tpu.memory_space<vmem_shared>> -> memref<72x128xf32, #tpu.memory_space<vmem_shared>>
      tpu.wait_dma2 semaphore(%run_scoped3A : memref<!tpu.dma_semaphore, #tpu.memory_space<semaphore_mem>>) src(%dma_wait3A_91 : memref<72x128xf32, #tpu.memory_space<vmem_shared>>) dst(%dma_wait3A_89 : memref<72x128xf32, #tpu.memory_space<hbm>>)
      tpu.yield
    }) : () -> ()
    return
  }
}

module attributes {stable_mosaic.version = 14 : i64} {
  func.func @_tc1_body(%arg0: i32, %arg1: memref<512x128xf32, #tpu.memory_space<vmem>>, %arg2: memref<128x128xf32, #tpu.memory_space<vmem>>, %arg3: memref<128x128xf32, #tpu.memory_space<vmem>>, %arg4: memref<1x128xf32, #tpu.memory_space<vmem>>, %arg5: memref<512x128xf32, #tpu.memory_space<vmem>>, %arg6: memref<512x128xf32, #tpu.memory_space<vmem>>) attributes {dimension_semantics = [#tpu.dimension_semantics<arbitrary>], iteration_bounds = array<i64: 20>, scalar_prefetch = 0 : i64, scratch_operands = 0 : i64, tpu.core_type = #tpu.core_type<tc>, window_params = [{transform_indices = @transform_0, window_bounds = array<i64: 512, 128>}, {pipeline_mode = #tpu.pipeline_mode<synchronous>, transform_indices = @transform_1, window_bounds = array<i64: 128, 128>}, {pipeline_mode = #tpu.pipeline_mode<synchronous>, transform_indices = @transform_2, window_bounds = array<i64: 128, 128>}, {pipeline_mode = #tpu.pipeline_mode<synchronous>, transform_indices = @transform_3, window_bounds = array<i64: 1, 128>}, {transform_indices = @transform_4, window_bounds = array<i64: 512, 128>}, {transform_indices = @transform_5, window_bounds = array<i64: 512, 128>}]} {
    %get3A = arith.constant 0 : index
    %get3A_0 = arith.constant 0 : index
    %get3A_1 = vector.load %arg1[%get3A, %get3A_0] : memref<512x128xf32, #tpu.memory_space<vmem>>, vector<512x128xf32>
    %get3A_2 = arith.constant 0 : index
    %get3A_3 = arith.constant 0 : index
    %get3A_4 = vector.load %arg2[%get3A_2, %get3A_3] : memref<128x128xf32, #tpu.memory_space<vmem>>, vector<128x128xf32>
    %dot_general3A = arith.constant dense<0.000000e+00> : vector<512x128xf32>
    %dot_general3A_5 = tpu.matmul %get3A_1, %get3A_4, %dot_general3A {dimension_numbers = #tpu.dot_dimension_numbers<[1], [1], [0], [0], [0, 0, 1, 0], [], []>, precision = #tpu.contract_precision<fp32>, transpose_lhs_hint = false} : vector<512x128xf32>, vector<128x128xf32>, vector<512x128xf32> -> vector<512x128xf32>
    %get3A_6 = arith.constant 0 : index
    %get3A_7 = arith.constant 0 : index
    %get3A_8 = vector.load %arg4[%get3A_6, %get3A_7] : memref<1x128xf32, #tpu.memory_space<vmem>>, vector<1x128xf32>
    %add3A = vector.broadcast %get3A_8 : vector<1x128xf32> to vector<512x128xf32>
    %add3A_9 = arith.addf %dot_general3A_5, %add3A : vector<512x128xf32>
    %swap3A = arith.constant 0 : index
    %swap3A_10 = arith.constant 0 : index
    %swap3A_11 = vector.load %arg5[%swap3A, %swap3A_10] : memref<512x128xf32, #tpu.memory_space<vmem>>, vector<512x128xf32>
    tpu.vector_store %arg5[%swap3A, %swap3A_10], %add3A_9 {strides = array<i32>} : memref<512x128xf32, #tpu.memory_space<vmem>>, vector<512x128xf32>,
    %get3A_12 = arith.constant 0 : index
    %get3A_13 = arith.constant 0 : index
    %get3A_14 = vector.load %arg3[%get3A_12, %get3A_13] : memref<128x128xf32, #tpu.memory_space<vmem>>, vector<128x128xf32>
    %dot_general3A_15 = arith.constant dense<0.000000e+00> : vector<512x128xf32>
    %dot_general3A_16 = tpu.matmul %get3A_1, %get3A_14, %dot_general3A_15 {dimension_numbers = #tpu.dot_dimension_numbers<[1], [1], [0], [0], [0, 0, 1, 0], [], []>, precision = #tpu.contract_precision<fp32>, transpose_lhs_hint = false} : vector<512x128xf32>, vector<128x128xf32>, vector<512x128xf32> -> vector<512x128xf32>
    %swap3A_17 = arith.constant 0 : index
    %swap3A_18 = arith.constant 0 : index
    %swap3A_19 = vector.load %arg6[%swap3A_17, %swap3A_18] : memref<512x128xf32, #tpu.memory_space<vmem>>, vector<512x128xf32>
    tpu.vector_store %arg6[%swap3A_17, %swap3A_18], %dot_general3A_16 {strides = array<i32>} : memref<512x128xf32, #tpu.memory_space<vmem>>, vector<512x128xf32>,
    return
  }
  func.func @transform_0(%arg0: i32) -> (i32, i32) {
    %c0_i32 = arith.constant 0 : i32
    %c0_i32_0 = arith.constant 0 : i32
    return %arg0, %c0_i32 : i32, i32
  }
  func.func @transform_1(%arg0: i32) -> (i32, i32) {
    %c0_i32 = arith.constant 0 : i32
    %c0_i32_0 = arith.constant 0 : i32
    %c0_i32_1 = arith.constant 0 : i32
    return %c0_i32, %c0_i32_0 : i32, i32
  }
  func.func @transform_2(%arg0: i32) -> (i32, i32) {
    %c0_i32 = arith.constant 0 : i32
    %c0_i32_0 = arith.constant 0 : i32
    %c0_i32_1 = arith.constant 0 : i32
    return %c0_i32, %c0_i32_0 : i32, i32
  }
  func.func @transform_3(%arg0: i32) -> (i32, i32) {
    %c0_i32 = arith.constant 0 : i32
    %c0_i32_0 = arith.constant 0 : i32
    %c0_i32_1 = arith.constant 0 : i32
    return %c0_i32, %c0_i32_0 : i32, i32
  }
  func.func @transform_4(%arg0: i32) -> (i32, i32) {
    %c0_i32 = arith.constant 0 : i32
    %c0_i32_0 = arith.constant 0 : i32
    return %arg0, %c0_i32 : i32, i32
  }
  func.func @transform_5(%arg0: i32) -> (i32, i32) {
    %c0_i32 = arith.constant 0 : i32
    %c0_i32_0 = arith.constant 0 : i32
    return %arg0, %c0_i32 : i32, i32
  }
}

module attributes {stable_mosaic.version = 14 : i64} {
  func.func @_tc2_body(%arg0: i32, %arg1: memref<2x512x128xf32, #tpu.memory_space<vmem>>, %arg2: memref<2x512x128xf32, #tpu.memory_space<vmem>>, %arg3: memref<128x128xf32, #tpu.memory_space<vmem>>, %arg4: memref<1x128xf32, #tpu.memory_space<vmem>>, %arg5: memref<64x128xf32, #tpu.memory_space<vmem>>, %arg6: memref<64x128xf32, #tpu.memory_space<vmem>>, %arg7: memref<1x64xf32, #tpu.memory_space<vmem>>, %arg8: memref<512x128xf32, #tpu.memory_space<vmem>>) attributes {dimension_semantics = [#tpu.dimension_semantics<arbitrary>], iteration_bounds = array<i64: 20>, scalar_prefetch = 0 : i64, scratch_operands = 0 : i64, tpu.core_type = #tpu.core_type<tc>, window_params = [{transform_indices = @transform_0, window_bounds = array<i64: 2, 512, 128>}, {transform_indices = @transform_1, window_bounds = array<i64: 2, 512, 128>}, {pipeline_mode = #tpu.pipeline_mode<synchronous>, transform_indices = @transform_2, window_bounds = array<i64: 128, 128>}, {pipeline_mode = #tpu.pipeline_mode<synchronous>, transform_indices = @transform_3, window_bounds = array<i64: 1, 128>}, {pipeline_mode = #tpu.pipeline_mode<synchronous>, transform_indices = @transform_4, window_bounds = array<i64: 64, 128>}, {pipeline_mode = #tpu.pipeline_mode<synchronous>, transform_indices = @transform_5, window_bounds = array<i64: 64, 128>}, {pipeline_mode = #tpu.pipeline_mode<synchronous>, transform_indices = @transform_6, window_bounds = array<i64: 1, 64>}, {transform_indices = @transform_7, window_bounds = array<i64: 512, 128>}]} {
    %get3A = arith.constant 0 : index
    %get3A_0 = arith.constant 0 : index
    %get3A_1 = arith.constant 0 : index
    %get3A_2 = vector.load %arg1[%get3A, %get3A_0, %get3A_1] : memref<2x512x128xf32, #tpu.memory_space<vmem>>, vector<1x512x128xf32>
    %get3A_3 = vector.shape_cast %get3A_2 : vector<1x512x128xf32> to vector<512x128xf32>
    %get3A_4 = arith.constant 1 : index
    %get3A_5 = arith.constant 0 : index
    %get3A_6 = arith.constant 0 : index
    %get3A_7 = vector.load %arg1[%get3A_4, %get3A_5, %get3A_6] : memref<2x512x128xf32, #tpu.memory_space<vmem>>, vector<1x512x128xf32>
    %get3A_8 = vector.shape_cast %get3A_7 : vector<1x512x128xf32> to vector<512x128xf32>
    %add3A = arith.addf %get3A_3, %get3A_8 : vector<512x128xf32>
    %get3A_9 = arith.constant 0 : index
    %get3A_10 = arith.constant 0 : index
    %get3A_11 = arith.constant 0 : index
    %get3A_12 = vector.load %arg2[%get3A_9, %get3A_10, %get3A_11] : memref<2x512x128xf32, #tpu.memory_space<vmem>>, vector<1x512x1xf32>
    %get3A_13 = vector.shape_cast %get3A_12 : vector<1x512x1xf32> to vector<512x1xf32>
    %get3A_14 = arith.constant 1 : index
    %get3A_15 = arith.constant 0 : index
    %get3A_16 = arith.constant 0 : index
    %get3A_17 = vector.load %arg2[%get3A_14, %get3A_15, %get3A_16] : memref<2x512x128xf32, #tpu.memory_space<vmem>>, vector<1x512x1xf32>
    %get3A_18 = vector.shape_cast %get3A_17 : vector<1x512x1xf32> to vector<512x1xf32>
    %add3A_19 = arith.addf %get3A_13, %get3A_18 : vector<512x1xf32>
    %gt3A = arith.constant 0.000000e+00 : f32
    %gt3A_20 = vector.broadcast %gt3A : f32 to vector<512x1xf32>
    %gt3A_21 = arith.cmpf ogt, %add3A_19, %gt3A_20 : vector<512x1xf32>
    %convert_element_type3A = arith.extui %gt3A_21 : vector<512x1xi1> to vector<512x1xi32>
    %convert_element_type3A_22 = arith.sitofp %convert_element_type3A : vector<512x1xi32> to vector<512x1xf32>
    %max3A = arith.constant 1.000000e+00 : f32
    %max3A_23 = vector.broadcast %max3A : f32 to vector<512x1xf32>
    %max3A_24 = arith.maximumf %add3A_19, %max3A_23 : vector<512x1xf32>
    %div3A = arith.constant 1.000000e+00 : f32
    %div3A_25 = vector.broadcast %div3A : f32 to vector<512x1xf32>
    %div3A_26 = arith.divf %div3A_25, %max3A_24 : vector<512x1xf32>
    %mul3A = vector.broadcast %div3A_26 : vector<512x1xf32> to vector<512x128xf32>
    %mul3A_27 = arith.mulf %add3A, %mul3A : vector<512x128xf32>
    %get3A_28 = arith.constant 0 : index
    %get3A_29 = arith.constant 0 : index
    %get3A_30 = vector.load %arg3[%get3A_28, %get3A_29] : memref<128x128xf32, #tpu.memory_space<vmem>>, vector<128x128xf32>
    %dot_general3A = arith.constant dense<0.000000e+00> : vector<512x128xf32>
    %dot_general3A_31 = tpu.matmul %mul3A_27, %get3A_30, %dot_general3A {dimension_numbers = #tpu.dot_dimension_numbers<[1], [1], [0], [0], [0, 0, 1, 0], [], []>, precision = #tpu.contract_precision<fp32>, transpose_lhs_hint = false} : vector<512x128xf32>, vector<128x128xf32>, vector<512x128xf32> -> vector<512x128xf32>
    %get3A_32 = arith.constant 0 : index
    %get3A_33 = arith.constant 0 : index
    %get3A_34 = vector.load %arg4[%get3A_32, %get3A_33] : memref<1x128xf32, #tpu.memory_space<vmem>>, vector<1x128xf32>
    %mul3A_35 = vector.broadcast %get3A_34 : vector<1x128xf32> to vector<512x128xf32>
    %mul3A_36 = vector.broadcast %convert_element_type3A_22 : vector<512x1xf32> to vector<512x128xf32>
    %mul3A_37 = arith.mulf %mul3A_35, %mul3A_36 : vector<512x128xf32>
    %add3A_38 = arith.addf %dot_general3A_31, %mul3A_37 : vector<512x128xf32>
    %max3A_39 = arith.constant 0.000000e+00 : f32
    %max3A_40 = vector.broadcast %max3A_39 : f32 to vector<512x128xf32>
    %max3A_41 = arith.maximumf %add3A_38, %max3A_40 : vector<512x128xf32>
    %get3A_42 = arith.constant 0 : index
    %get3A_43 = arith.constant 0 : index
    %get3A_44 = vector.load %arg5[%get3A_42, %get3A_43] : memref<64x128xf32, #tpu.memory_space<vmem>>, vector<64x128xf32>
    %dot_general3A_45 = arith.constant dense<0.000000e+00> : vector<512x64xf32>
    %dot_general3A_46 = tpu.matmul %max3A_41, %get3A_44, %dot_general3A_45 {dimension_numbers = #tpu.dot_dimension_numbers<[1], [1], [0], [0], [0, 0, 1, 0], [], []>, precision = #tpu.contract_precision<fp32>, transpose_lhs_hint = false} : vector<512x128xf32>, vector<64x128xf32>, vector<512x64xf32> -> vector<512x64xf32>
    %get3A_47 = arith.constant 0 : index
    %get3A_48 = arith.constant 0 : index
    %get3A_49 = vector.load %arg7[%get3A_47, %get3A_48] : memref<1x64xf32, #tpu.memory_space<vmem>>, vector<1x64xf32>
    %add3A_50 = vector.broadcast %get3A_49 : vector<1x64xf32> to vector<512x64xf32>
    %add3A_51 = arith.addf %dot_general3A_46, %add3A_50 : vector<512x64xf32>
    %get3A_52 = arith.constant 0 : index
    %get3A_53 = arith.constant 0 : index
    %get3A_54 = vector.load %arg6[%get3A_52, %get3A_53] : memref<64x128xf32, #tpu.memory_space<vmem>>, vector<64x128xf32>
    %dot_general3A_55 = arith.constant dense<0.000000e+00> : vector<512x64xf32>
    %dot_general3A_56 = tpu.matmul %max3A_41, %get3A_54, %dot_general3A_55 {dimension_numbers = #tpu.dot_dimension_numbers<[1], [1], [0], [0], [0, 0, 1, 0], [], []>, precision = #tpu.contract_precision<fp32>, transpose_lhs_hint = false} : vector<512x128xf32>, vector<64x128xf32>, vector<512x64xf32> -> vector<512x64xf32>
    %concatenate3A = tpu.concatenate %add3A_51, %dot_general3A_56 in 1 : vector<512x64xf32>, vector<512x64xf32> -> vector<512x128xf32>
    %swap3A = arith.constant 0 : index
    %swap3A_57 = arith.constant 0 : index
    %swap3A_58 = vector.load %arg8[%swap3A, %swap3A_57] : memref<512x128xf32, #tpu.memory_space<vmem>>, vector<512x128xf32>
    tpu.vector_store %arg8[%swap3A, %swap3A_57], %concatenate3A {strides = array<i32>} : memref<512x128xf32, #tpu.memory_space<vmem>>, vector<512x128xf32>,
    return
  }
  func.func @transform_0(%arg0: i32) -> (i32, i32, i32) {
    %c0_i32 = arith.constant 0 : i32
    %c0_i32_0 = arith.constant 0 : i32
    %c0_i32_1 = arith.constant 0 : i32
    return %c0_i32, %arg0, %c0_i32_0 : i32, i32, i32
  }
  func.func @transform_1(%arg0: i32) -> (i32, i32, i32) {
    %c0_i32 = arith.constant 0 : i32
    %c0_i32_0 = arith.constant 0 : i32
    %c0_i32_1 = arith.constant 0 : i32
    return %c0_i32, %arg0, %c0_i32_0 : i32, i32, i32
  }
  func.func @transform_2(%arg0: i32) -> (i32, i32) {
    %c0_i32 = arith.constant 0 : i32
    %c0_i32_0 = arith.constant 0 : i32
    %c0_i32_1 = arith.constant 0 : i32
    return %c0_i32, %c0_i32_0 : i32, i32
  }
  func.func @transform_3(%arg0: i32) -> (i32, i32) {
    %c0_i32 = arith.constant 0 : i32
    %c0_i32_0 = arith.constant 0 : i32
    %c0_i32_1 = arith.constant 0 : i32
    return %c0_i32, %c0_i32_0 : i32, i32
  }
  func.func @transform_4(%arg0: i32) -> (i32, i32) {
    %c0_i32 = arith.constant 0 : i32
    %c0_i32_0 = arith.constant 0 : i32
    %c0_i32_1 = arith.constant 0 : i32
    return %c0_i32, %c0_i32_0 : i32, i32
  }
  func.func @transform_5(%arg0: i32) -> (i32, i32) {
    %c0_i32 = arith.constant 0 : i32
    %c0_i32_0 = arith.constant 0 : i32
    %c0_i32_1 = arith.constant 0 : i32
    return %c0_i32, %c0_i32_0 : i32, i32
  }
  func.func @transform_6(%arg0: i32) -> (i32, i32) {
    %c0_i32 = arith.constant 0 : i32
    %c0_i32_0 = arith.constant 0 : i32
    %c0_i32_1 = arith.constant 0 : i32
    return %c0_i32, %c0_i32_0 : i32, i32
  }
  func.func @transform_7(%arg0: i32) -> (i32, i32) {
    %c0_i32 = arith.constant 0 : i32
    %c0_i32_0 = arith.constant 0 : i32
    return %arg0, %c0_i32 : i32, i32
  }
}

module attributes {stable_mosaic.version = 14 : i64} {
  func.func @body(%arg0: i32, %arg1: memref<2x512x128xf32, #tpu.memory_space<vmem>>, %arg2: memref<2x512x128xf32, #tpu.memory_space<vmem>>, %arg3: memref<1x1x512xi32, #tpu.memory_space<vmem>>, %arg4: memref<128x96xf32, #tpu.memory_space<vmem>>, %arg5: memref<128x32xf32, #tpu.memory_space<vmem>>, %arg6: memref<64x64xf32, #tpu.memory_space<vmem>>, %arg7: memref<1x64xf32, #tpu.memory_space<vmem>>, %arg8: memref<256x192xf32, #tpu.memory_space<vmem>>, %arg9: memref<1x256xf32, #tpu.memory_space<vmem>>, %arg10: memref<256x256xf32, #tpu.memory_space<vmem>>, %arg11: memref<1x256xf32, #tpu.memory_space<vmem>>, %arg12: memref<128x256xf32, #tpu.memory_space<vmem>>, %arg13: memref<1x1xf32, #tpu.memory_space<vmem>>, %arg14: memref<256x192xf32, #tpu.memory_space<vmem>>, %arg15: memref<1x256xf32, #tpu.memory_space<vmem>>, %arg16: memref<256x256xf32, #tpu.memory_space<vmem>>, %arg17: memref<1x256xf32, #tpu.memory_space<vmem>>, %arg18: memref<128x256xf32, #tpu.memory_space<vmem>>, %arg19: memref<1x1xf32, #tpu.memory_space<vmem>>, %arg20: memref<100x1xf32, #tpu.memory_space<vmem>>, %arg21: memref<100x1xf32, #tpu.memory_space<vmem>>, %arg22: memref<128x128xf32, #tpu.memory_space<vmem>>) attributes {dimension_semantics = [#tpu.dimension_semantics<arbitrary>], iteration_bounds = array<i64: 20>, scalar_prefetch = 0 : i64, scratch_operands = 1 : i64, tpu.core_type = #tpu.core_type<tc>, window_params = [{transform_indices = @transform_0, window_bounds = array<i64: 2, 512, 128>}, {transform_indices = @transform_1, window_bounds = array<i64: 2, 512, 128>}, {transform_indices = @transform_2, window_bounds = array<i64: 1, 1, 512>}, {pipeline_mode = #tpu.pipeline_mode<synchronous>, transform_indices = @transform_3, window_bounds = array<i64: 128, 96>}, {pipeline_mode = #tpu.pipeline_mode<synchronous>, transform_indices = @transform_4, window_bounds = array<i64: 128, 32>}, {pipeline_mode = #tpu.pipeline_mode<synchronous>, transform_indices = @transform_5, window_bounds = array<i64: 64, 64>}, {pipeline_mode = #tpu.pipeline_mode<synchronous>, transform_indices = @transform_6, window_bounds = array<i64: 1, 64>}, {pipeline_mode = #tpu.pipeline_mode<synchronous>, transform_indices = @transform_7, window_bounds = array<i64: 256, 192>}, {pipeline_mode = #tpu.pipeline_mode<synchronous>, transform_indices = @transform_8, window_bounds = array<i64: 1, 256>}, {pipeline_mode = #tpu.pipeline_mode<synchronous>, transform_indices = @transform_9, window_bounds = array<i64: 256, 256>}, {pipeline_mode = #tpu.pipeline_mode<synchronous>, transform_indices = @transform_10, window_bounds = array<i64: 1, 256>}, {pipeline_mode = #tpu.pipeline_mode<synchronous>, transform_indices = @transform_11, window_bounds = array<i64: 128, 256>}, {pipeline_mode = #tpu.pipeline_mode<synchronous>, transform_indices = @transform_12, window_bounds = array<i64: 1, 1>}, {pipeline_mode = #tpu.pipeline_mode<synchronous>, transform_indices = @transform_13, window_bounds = array<i64: 256, 192>}, {pipeline_mode = #tpu.pipeline_mode<synchronous>, transform_indices = @transform_14, window_bounds = array<i64: 1, 256>}, {pipeline_mode = #tpu.pipeline_mode<synchronous>, transform_indices = @transform_15, window_bounds = array<i64: 256, 256>}, {pipeline_mode = #tpu.pipeline_mode<synchronous>, transform_indices = @transform_16, window_bounds = array<i64: 1, 256>}, {pipeline_mode = #tpu.pipeline_mode<synchronous>, transform_indices = @transform_17, window_bounds = array<i64: 128, 256>}, {pipeline_mode = #tpu.pipeline_mode<synchronous>, transform_indices = @transform_18, window_bounds = array<i64: 1, 1>}, {pipeline_mode = #tpu.pipeline_mode<synchronous>, transform_indices = @transform_19, window_bounds = array<i64: 100, 1>}, {pipeline_mode = #tpu.pipeline_mode<synchronous>, transform_indices = @transform_20, window_bounds = array<i64: 100, 1>}]} {
    %eq3A = arith.constant 0 : i32
    %eq3A_0 = arith.cmpi eq, %arg0, %eq3A : i32
    %convert_element_type3A = arith.extui %eq3A_0 : i1 to i32
    %cond3A = arith.constant 0 : i32
    %cond3A_1 = arith.cmpi ne, %convert_element_type3A, %cond3A : i32
    scf.if %cond3A_1 {
      %broadcast_in_dim3A_55 = arith.constant 0.000000e+00 : f32
      %broadcast_in_dim3A_56 = vector.broadcast %broadcast_in_dim3A_55 : f32 to vector<128x128xf32>
      %swap3A_57 = arith.constant 0 : index
      %swap3A_58 = arith.constant 0 : index
      %swap3A_59 = vector.load %arg22[%swap3A_57, %swap3A_58] : memref<128x128xf32, #tpu.memory_space<vmem>>, vector<128x128xf32>
      tpu.vector_store %arg22[%swap3A_57, %swap3A_58], %broadcast_in_dim3A_56 {strides = array<i32>} : memref<128x128xf32, #tpu.memory_space<vmem>>, vector<128x128xf32>,
    } else {
    }
    %get3A = arith.constant 0 : index
    %get3A_2 = arith.constant 0 : index
    %get3A_3 = arith.constant 0 : index
    %get3A_4 = vector.load %arg1[%get3A, %get3A_2, %get3A_3] : memref<2x512x128xf32, #tpu.memory_space<vmem>>, vector<1x512x128xf32>
    %get3A_5 = vector.shape_cast %get3A_4 : vector<1x512x128xf32> to vector<512x128xf32>
    %get3A_6 = arith.constant 1 : index
    %get3A_7 = arith.constant 0 : index
    %get3A_8 = arith.constant 0 : index
    %get3A_9 = vector.load %arg1[%get3A_6, %get3A_7, %get3A_8] : memref<2x512x128xf32, #tpu.memory_space<vmem>>, vector<1x512x128xf32>
    %get3A_10 = vector.shape_cast %get3A_9 : vector<1x512x128xf32> to vector<512x128xf32>
    %add3A = arith.addf %get3A_5, %get3A_10 : vector<512x128xf32>
    %slice3A = vector.extract_strided_slice %add3A {offsets = [0, 0], sizes = [512, 64], strides = [1, 1]} : vector<512x128xf32> to vector<512x64xf32>
    %get3A_11 = arith.constant 0 : index
    %get3A_12 = arith.constant 0 : index
    %get3A_13 = arith.constant 0 : index
    %get3A_14 = vector.load %arg2[%get3A_11, %get3A_12, %get3A_13] : memref<2x512x128xf32, #tpu.memory_space<vmem>>, vector<1x512x1xf32>
    %get3A_15 = vector.shape_cast %get3A_14 : vector<1x512x1xf32> to vector<512x1xf32>
    %get3A_16 = arith.constant 1 : index
    %get3A_17 = arith.constant 0 : index
    %get3A_18 = arith.constant 0 : index
    %get3A_19 = vector.load %arg2[%get3A_16, %get3A_17, %get3A_18] : memref<2x512x128xf32, #tpu.memory_space<vmem>>, vector<1x512x1xf32>
    %get3A_20 = vector.shape_cast %get3A_19 : vector<1x512x1xf32> to vector<512x1xf32>
    %add3A_21 = arith.addf %get3A_15, %get3A_20 : vector<512x1xf32>
    %gt3A = arith.constant 0.000000e+00 : f32
    %gt3A_22 = vector.broadcast %gt3A : f32 to vector<512x1xf32>
    %gt3A_23 = arith.cmpf ogt, %add3A_21, %gt3A_22 : vector<512x1xf32>
    %convert_element_type3A_24 = arith.extui %gt3A_23 : vector<512x1xi1> to vector<512x1xi32>
    %convert_element_type3A_25 = arith.sitofp %convert_element_type3A_24 : vector<512x1xi32> to vector<512x1xf32>
    %max3A = arith.constant 1.000000e+00 : f32
    %max3A_26 = vector.broadcast %max3A : f32 to vector<512x1xf32>
    %max3A_27 = arith.maximumf %add3A_21, %max3A_26 : vector<512x1xf32>
    %div3A = arith.constant 1.000000e+00 : f32
    %div3A_28 = vector.broadcast %div3A : f32 to vector<512x1xf32>
    %div3A_29 = arith.divf %div3A_28, %max3A_27 : vector<512x1xf32>
    %mul3A = vector.broadcast %div3A_29 : vector<512x1xf32> to vector<512x64xf32>
    %mul3A_30 = arith.mulf %slice3A, %mul3A : vector<512x64xf32>
    %broadcast_in_dim3A = arith.constant 1.000000e+00 : f32
    %broadcast_in_dim3A_31 = vector.broadcast %broadcast_in_dim3A : f32 to vector<512x1xf32>
    %broadcast_in_dim3A_32 = arith.constant 0.000000e+00 : f32
    %broadcast_in_dim3A_33 = vector.broadcast %broadcast_in_dim3A_32 : f32 to vector<512x62xf32>
    %concatenate3A = tpu.concatenate %mul3A_30, %convert_element_type3A_25, %broadcast_in_dim3A_31, %broadcast_in_dim3A_33 in 1 : vector<512x64xf32>, vector<512x1xf32>, vector<512x1xf32>, vector<512x62xf32> -> vector<512x128xf32>
    %get3A_34 = arith.constant 0 : index
    %get3A_35 = arith.constant 0 : index
    %get3A_36 = arith.constant 0 : index
    %get3A_37 = vector.load %arg3[%get3A_34, %get3A_35, %get3A_36] : memref<1x1x512xi32, #tpu.memory_space<vmem>>, vector<1x1x512xi32>
    %get3A_38 = vector.shape_cast %get3A_37 : vector<1x1x512xi32> to vector<1x512xi32>
    %iota3A = tpu.iota {dimensions = array<i32: 0>} : vector<128x512xi32>
    %eq3A_39 = vector.broadcast %get3A_38 : vector<1x512xi32> to vector<128x512xi32>
    %eq3A_40 = arith.cmpi eq, %iota3A, %eq3A_39 : vector<128x512xi32>
    %convert_element_type3A_41 = arith.extui %eq3A_40 : vector<128x512xi1> to vector<128x512xi32>
    %convert_element_type3A_42 = arith.sitofp %convert_element_type3A_41 : vector<128x512xi32> to vector<128x512xf32>
    %get3A_43 = arith.constant 0 : index
    %get3A_44 = arith.constant 0 : index
    %get3A_45 = vector.load %arg22[%get3A_43, %get3A_44] : memref<128x128xf32, #tpu.memory_space<vmem>>, vector<128x128xf32>
    %dot_general3A = arith.constant dense<0.000000e+00> : vector<128x128xf32>
    %dot_general3A_46 = tpu.matmul %convert_element_type3A_42, %concatenate3A, %dot_general3A {dimension_numbers = #tpu.dot_dimension_numbers<[1], [0], [0], [1], [0, 0, 1, 1], [], []>, precision = #tpu.contract_precision<fp32>, transpose_lhs_hint = false} : vector<128x512xf32>, vector<512x128xf32>, vector<128x128xf32> -> vector<128x128xf32>
    %add3A_47 = arith.addf %get3A_45, %dot_general3A_46 : vector<128x128xf32>
    %swap3A = arith.constant 0 : index
    %swap3A_48 = arith.constant 0 : index
    %swap3A_49 = vector.load %arg22[%swap3A, %swap3A_48] : memref<128x128xf32, #tpu.memory_space<vmem>>, vector<128x128xf32>
    tpu.vector_store %arg22[%swap3A, %swap3A_48], %add3A_47 {strides = array<i32>} : memref<128x128xf32, #tpu.memory_space<vmem>>, vector<128x128xf32>,
    %eq3A_50 = arith.constant 19 : i32
    %eq3A_51 = arith.cmpi eq, %arg0, %eq3A_50 : i32
    %convert_element_type3A_52 = arith.extui %eq3A_51 : i1 to i32
    %cond3A_53 = arith.constant 0 : i32
    %cond3A_54 = arith.cmpi ne, %convert_element_type3A_52, %cond3A_53 : i32
    scf.if %cond3A_54 {
      %get3A_55 = arith.constant 0 : index
      %get3A_56 = arith.constant 0 : index
      %get3A_57 = vector.load %arg22[%get3A_55, %get3A_56] : memref<128x128xf32, #tpu.memory_space<vmem>>, vector<128x128xf32>
      %slice3A_58 = vector.extract_strided_slice %get3A_57 {offsets = [0, 0], sizes = [128, 64], strides = [1, 1]} : vector<128x128xf32> to vector<128x64xf32>
      %slice3A_59 = vector.extract_strided_slice %get3A_57 {offsets = [0, 64], sizes = [128, 1], strides = [1, 1]} : vector<128x128xf32> to vector<128x1xf32>
      %slice3A_60 = vector.extract_strided_slice %get3A_57 {offsets = [0, 65], sizes = [128, 1], strides = [1, 1]} : vector<128x128xf32> to vector<128x1xf32>
      %get3A_61 = arith.constant 0 : index
      %get3A_62 = arith.constant 0 : index
      %get3A_63 = vector.load %arg6[%get3A_61, %get3A_62] : memref<64x64xf32, #tpu.memory_space<vmem>>, vector<64x64xf32>
      %dot_general3A_64 = arith.constant dense<0.000000e+00> : vector<128x64xf32>
      %dot_general3A_65 = tpu.matmul %slice3A_58, %get3A_63, %dot_general3A_64 {dimension_numbers = #tpu.dot_dimension_numbers<[1], [1], [0], [0], [0, 0, 1, 0], [], []>, precision = #tpu.contract_precision<fp32>, transpose_lhs_hint = false} : vector<128x64xf32>, vector<64x64xf32>, vector<128x64xf32> -> vector<128x64xf32>
      %get3A_66 = arith.constant 0 : index
      %get3A_67 = arith.constant 0 : index
      %get3A_68 = vector.load %arg7[%get3A_66, %get3A_67] : memref<1x64xf32, #tpu.memory_space<vmem>>, vector<1x64xf32>
      %mul3A_69 = vector.broadcast %get3A_68 : vector<1x64xf32> to vector<128x64xf32>
      %mul3A_70 = vector.broadcast %slice3A_59 : vector<128x1xf32> to vector<128x64xf32>
      %mul3A_71 = arith.mulf %mul3A_69, %mul3A_70 : vector<128x64xf32>
      %add3A_72 = arith.addf %dot_general3A_65, %mul3A_71 : vector<128x64xf32>
      %max3A_73 = arith.constant 1.000000e+00 : f32
      %max3A_74 = vector.broadcast %max3A_73 : f32 to vector<128x1xf32>
      %max3A_75 = arith.maximumf %slice3A_60, %max3A_74 : vector<128x1xf32>
      %div3A_76 = arith.constant 1.000000e+00 : f32
      %div3A_77 = vector.broadcast %div3A_76 : f32 to vector<128x1xf32>
      %div3A_78 = arith.divf %div3A_77, %max3A_75 : vector<128x1xf32>
      %mul3A_79 = vector.broadcast %div3A_78 : vector<128x1xf32> to vector<128x64xf32>
      %mul3A_80 = arith.mulf %add3A_72, %mul3A_79 : vector<128x64xf32>
      %get3A_81 = arith.constant 0 : index
      %get3A_82 = arith.constant 0 : index
      %get3A_83 = vector.load %arg4[%get3A_81, %get3A_82] : memref<128x96xf32, #tpu.memory_space<vmem>>, vector<128x96xf32>
      %get3A_84 = arith.constant 0 : index
      %get3A_85 = arith.constant 0 : index
      %get3A_86 = vector.load %arg5[%get3A_84, %get3A_85] : memref<128x32xf32, #tpu.memory_space<vmem>>, vector<128x32xf32>
      %concatenate3A_87 = tpu.concatenate %get3A_83, %get3A_86, %mul3A_80 in 1 : vector<128x96xf32>, vector<128x32xf32>, vector<128x64xf32> -> vector<128x192xf32>
      %get3A_88 = arith.constant 0 : index
      %get3A_89 = arith.constant 0 : index
      %get3A_90 = vector.load %arg8[%get3A_88, %get3A_89] : memref<256x192xf32, #tpu.memory_space<vmem>>, vector<256x192xf32>
      %dot_general3A_91 = arith.constant dense<0.000000e+00> : vector<128x256xf32>
      %dot_general3A_92 = tpu.matmul %concatenate3A_87, %get3A_90, %dot_general3A_91 {dimension_numbers = #tpu.dot_dimension_numbers<[1], [1], [0], [0], [0, 0, 1, 0], [], []>, precision = #tpu.contract_precision<fp32>, transpose_lhs_hint = false} : vector<128x192xf32>, vector<256x192xf32>, vector<128x256xf32> -> vector<128x256xf32>
      %get3A_93 = arith.constant 0 : index
      %get3A_94 = arith.constant 0 : index
      %get3A_95 = vector.load %arg9[%get3A_93, %get3A_94] : memref<1x256xf32, #tpu.memory_space<vmem>>, vector<1x256xf32>
      %add3A_96 = vector.broadcast %get3A_95 : vector<1x256xf32> to vector<128x256xf32>
      %add3A_97 = arith.addf %dot_general3A_92, %add3A_96 : vector<128x256xf32>
      %max3A_98 = arith.constant 0.000000e+00 : f32
      %max3A_99 = vector.broadcast %max3A_98 : f32 to vector<128x256xf32>
      %max3A_100 = arith.maximumf %add3A_97, %max3A_99 : vector<128x256xf32>
      %get3A_101 = arith.constant 0 : index
      %get3A_102 = arith.constant 0 : index
      %get3A_103 = vector.load %arg10[%get3A_101, %get3A_102] : memref<256x256xf32, #tpu.memory_space<vmem>>, vector<256x256xf32>
      %dot_general3A_104 = arith.constant dense<0.000000e+00> : vector<128x256xf32>
      %dot_general3A_105 = tpu.matmul %max3A_100, %get3A_103, %dot_general3A_104 {dimension_numbers = #tpu.dot_dimension_numbers<[1], [1], [0], [0], [0, 0, 1, 0], [], []>, precision = #tpu.contract_precision<fp32>, transpose_lhs_hint = false} : vector<128x256xf32>, vector<256x256xf32>, vector<128x256xf32> -> vector<128x256xf32>
      %get3A_106 = arith.constant 0 : index
      %get3A_107 = arith.constant 0 : index
      %get3A_108 = vector.load %arg11[%get3A_106, %get3A_107] : memref<1x256xf32, #tpu.memory_space<vmem>>, vector<1x256xf32>
      %add3A_109 = vector.broadcast %get3A_108 : vector<1x256xf32> to vector<128x256xf32>
      %add3A_110 = arith.addf %dot_general3A_105, %add3A_109 : vector<128x256xf32>
      %max3A_111 = arith.constant 0.000000e+00 : f32
      %max3A_112 = vector.broadcast %max3A_111 : f32 to vector<128x256xf32>
      %max3A_113 = arith.maximumf %add3A_110, %max3A_112 : vector<128x256xf32>
      %get3A_114 = arith.constant 0 : index
      %get3A_115 = arith.constant 0 : index
      %get3A_116 = vector.load %arg12[%get3A_114, %get3A_115] : memref<128x256xf32, #tpu.memory_space<vmem>>, vector<128x256xf32>
      %dot_general3A_117 = arith.constant dense<0.000000e+00> : vector<128x128xf32>
      %dot_general3A_118 = tpu.matmul %max3A_113, %get3A_116, %dot_general3A_117 {dimension_numbers = #tpu.dot_dimension_numbers<[1], [1], [0], [0], [0, 0, 1, 0], [], []>, precision = #tpu.contract_precision<fp32>, transpose_lhs_hint = false} : vector<128x256xf32>, vector<128x256xf32>, vector<128x128xf32> -> vector<128x128xf32>
      %slice3A_119 = vector.extract_strided_slice %dot_general3A_118 {offsets = [0, 0], sizes = [128, 1], strides = [1, 1]} : vector<128x128xf32> to vector<128x1xf32>
      %get3A_120 = arith.constant 0 : index
      %get3A_121 = arith.constant 0 : index
      %get3A_122 = vector.load %arg13[%get3A_120, %get3A_121] : memref<1x1xf32, #tpu.memory_space<vmem>>, vector<1x1xf32>
      %get3A_123 = vector.extract %get3A_122[0, 0] : f32 from vector<1x1xf32>
      %add3A_124 = vector.broadcast %get3A_123 : f32 to vector<128x1xf32>
      %add3A_125 = arith.addf %slice3A_119, %add3A_124 : vector<128x1xf32>
      %get3A_126 = arith.constant 0 : index
      %get3A_127 = arith.constant 0 : index
      %get3A_128 = vector.load %arg14[%get3A_126, %get3A_127] : memref<256x192xf32, #tpu.memory_space<vmem>>, vector<256x192xf32>
      %dot_general3A_129 = arith.constant dense<0.000000e+00> : vector<128x256xf32>
      %dot_general3A_130 = tpu.matmul %concatenate3A_87, %get3A_128, %dot_general3A_129 {dimension_numbers = #tpu.dot_dimension_numbers<[1], [1], [0], [0], [0, 0, 1, 0], [], []>, precision = #tpu.contract_precision<fp32>, transpose_lhs_hint = false} : vector<128x192xf32>, vector<256x192xf32>, vector<128x256xf32> -> vector<128x256xf32>
      %get3A_131 = arith.constant 0 : index
      %get3A_132 = arith.constant 0 : index
      %get3A_133 = vector.load %arg15[%get3A_131, %get3A_132] : memref<1x256xf32, #tpu.memory_space<vmem>>, vector<1x256xf32>
      %add3A_134 = vector.broadcast %get3A_133 : vector<1x256xf32> to vector<128x256xf32>
      %add3A_135 = arith.addf %dot_general3A_130, %add3A_134 : vector<128x256xf32>
      %max3A_136 = arith.constant 0.000000e+00 : f32
      %max3A_137 = vector.broadcast %max3A_136 : f32 to vector<128x256xf32>
      %max3A_138 = arith.maximumf %add3A_135, %max3A_137 : vector<128x256xf32>
      %get3A_139 = arith.constant 0 : index
      %get3A_140 = arith.constant 0 : index
      %get3A_141 = vector.load %arg16[%get3A_139, %get3A_140] : memref<256x256xf32, #tpu.memory_space<vmem>>, vector<256x256xf32>
      %dot_general3A_142 = arith.constant dense<0.000000e+00> : vector<128x256xf32>
      %dot_general3A_143 = tpu.matmul %max3A_138, %get3A_141, %dot_general3A_142 {dimension_numbers = #tpu.dot_dimension_numbers<[1], [1], [0], [0], [0, 0, 1, 0], [], []>, precision = #tpu.contract_precision<fp32>, transpose_lhs_hint = false} : vector<128x256xf32>, vector<256x256xf32>, vector<128x256xf32> -> vector<128x256xf32>
      %get3A_144 = arith.constant 0 : index
      %get3A_145 = arith.constant 0 : index
      %get3A_146 = vector.load %arg17[%get3A_144, %get3A_145] : memref<1x256xf32, #tpu.memory_space<vmem>>, vector<1x256xf32>
      %add3A_147 = vector.broadcast %get3A_146 : vector<1x256xf32> to vector<128x256xf32>
      %add3A_148 = arith.addf %dot_general3A_143, %add3A_147 : vector<128x256xf32>
      %max3A_149 = arith.constant 0.000000e+00 : f32
      %max3A_150 = vector.broadcast %max3A_149 : f32 to vector<128x256xf32>
      %max3A_151 = arith.maximumf %add3A_148, %max3A_150 : vector<128x256xf32>
      %get3A_152 = arith.constant 0 : index
      %get3A_153 = arith.constant 0 : index
      %get3A_154 = vector.load %arg18[%get3A_152, %get3A_153] : memref<128x256xf32, #tpu.memory_space<vmem>>, vector<128x256xf32>
      %dot_general3A_155 = arith.constant dense<0.000000e+00> : vector<128x128xf32>
      %dot_general3A_156 = tpu.matmul %max3A_151, %get3A_154, %dot_general3A_155 {dimension_numbers = #tpu.dot_dimension_numbers<[1], [1], [0], [0], [0, 0, 1, 0], [], []>, precision = #tpu.contract_precision<fp32>, transpose_lhs_hint = false} : vector<128x256xf32>, vector<128x256xf32>, vector<128x128xf32> -> vector<128x128xf32>
      %slice3A_157 = vector.extract_strided_slice %dot_general3A_156 {offsets = [0, 0], sizes = [128, 1], strides = [1, 1]} : vector<128x128xf32> to vector<128x1xf32>
      %get3A_158 = arith.constant 0 : index
      %get3A_159 = arith.constant 0 : index
      %get3A_160 = vector.load %arg19[%get3A_158, %get3A_159] : memref<1x1xf32, #tpu.memory_space<vmem>>, vector<1x1xf32>
      %get3A_161 = vector.extract %get3A_160[0, 0] : f32 from vector<1x1xf32>
      %add3A_162 = vector.broadcast %get3A_161 : f32 to vector<128x1xf32>
      %add3A_163 = arith.addf %slice3A_157, %add3A_162 : vector<128x1xf32>
      %slice3A_164 = vector.extract_strided_slice %add3A_125 {offsets = [0, 0], sizes = [100, 1], strides = [1, 1]} : vector<128x1xf32> to vector<100x1xf32>
      %swap3A_165 = arith.constant 0 : index
      %swap3A_166 = arith.constant 0 : index
      %swap3A_167 = vector.load %arg20[%swap3A_165, %swap3A_166] : memref<100x1xf32, #tpu.memory_space<vmem>>, vector<100x1xf32>
      tpu.vector_store %arg20[%swap3A_165, %swap3A_166], %slice3A_164 {strides = array<i32>} : memref<100x1xf32, #tpu.memory_space<vmem>>, vector<100x1xf32>,
      %slice3A_168 = vector.extract_strided_slice %add3A_163 {offsets = [0, 0], sizes = [100, 1], strides = [1, 1]} : vector<128x1xf32> to vector<100x1xf32>
      %swap3A_169 = arith.constant 0 : index
      %swap3A_170 = arith.constant 0 : index
      %swap3A_171 = vector.load %arg21[%swap3A_169, %swap3A_170] : memref<100x1xf32, #tpu.memory_space<vmem>>, vector<100x1xf32>
      tpu.vector_store %arg21[%swap3A_169, %swap3A_170], %slice3A_168 {strides = array<i32>} : memref<100x1xf32, #tpu.memory_space<vmem>>, vector<100x1xf32>,
    } else {
    }
    return
  }
  func.func @transform_0(%arg0: i32) -> (i32, i32, i32) {
    %c0_i32 = arith.constant 0 : i32
    %c0_i32_0 = arith.constant 0 : i32
    %c0_i32_1 = arith.constant 0 : i32
    return %c0_i32, %arg0, %c0_i32_0 : i32, i32, i32
  }
  func.func @transform_1(%arg0: i32) -> (i32, i32, i32) {
    %c0_i32 = arith.constant 0 : i32
    %c0_i32_0 = arith.constant 0 : i32
    %c0_i32_1 = arith.constant 0 : i32
    return %c0_i32, %arg0, %c0_i32_0 : i32, i32, i32
  }
  func.func @transform_2(%arg0: i32) -> (i32, i32, i32) {
    %c0_i32 = arith.constant 0 : i32
    %c0_i32_0 = arith.constant 0 : i32
    %c0_i32_1 = arith.constant 0 : i32
    return %arg0, %c0_i32, %c0_i32_0 : i32, i32, i32
  }
  func.func @transform_3(%arg0: i32) -> (i32, i32) {
    %c0_i32 = arith.constant 0 : i32
    %c0_i32_0 = arith.constant 0 : i32
    %c0_i32_1 = arith.constant 0 : i32
    return %c0_i32, %c0_i32_0 : i32, i32
  }
  func.func @transform_4(%arg0: i32) -> (i32, i32) {
    %c0_i32 = arith.constant 0 : i32
    %c0_i32_0 = arith.constant 0 : i32
    %c0_i32_1 = arith.constant 0 : i32
    return %c0_i32, %c0_i32_0 : i32, i32
  }
  func.func @transform_5(%arg0: i32) -> (i32, i32) {
    %c0_i32 = arith.constant 0 : i32
    %c0_i32_0 = arith.constant 0 : i32
    %c0_i32_1 = arith.constant 0 : i32
    return %c0_i32, %c0_i32_0 : i32, i32
  }
  func.func @transform_6(%arg0: i32) -> (i32, i32) {
    %c0_i32 = arith.constant 0 : i32
    %c0_i32_0 = arith.constant 0 : i32
    %c0_i32_1 = arith.constant 0 : i32
    return %c0_i32, %c0_i32_0 : i32, i32
  }
  func.func @transform_7(%arg0: i32) -> (i32, i32) {
    %c0_i32 = arith.constant 0 : i32
    %c0_i32_0 = arith.constant 0 : i32
    %c0_i32_1 = arith.constant 0 : i32
    return %c0_i32, %c0_i32_0 : i32, i32
  }
  func.func @transform_8(%arg0: i32) -> (i32, i32) {
    %c0_i32 = arith.constant 0 : i32
    %c0_i32_0 = arith.constant 0 : i32
    %c0_i32_1 = arith.constant 0 : i32
    return %c0_i32, %c0_i32_0 : i32, i32
  }
  func.func @transform_9(%arg0: i32) -> (i32, i32) {
    %c0_i32 = arith.constant 0 : i32
    %c0_i32_0 = arith.constant 0 : i32
    %c0_i32_1 = arith.constant 0 : i32
    return %c0_i32, %c0_i32_0 : i32, i32
  }
  func.func @transform_10(%arg0: i32) -> (i32, i32) {
    %c0_i32 = arith.constant 0 : i32
    %c0_i32_0 = arith.constant 0 : i32
    %c0_i32_1 = arith.constant 0 : i32
    return %c0_i32, %c0_i32_0 : i32, i32
  }
  func.func @transform_11(%arg0: i32) -> (i32, i32) {
    %c0_i32 = arith.constant 0 : i32
    %c0_i32_0 = arith.constant 0 : i32
    %c0_i32_1 = arith.constant 0 : i32
    return %c0_i32, %c0_i32_0 : i32, i32
  }
  func.func @transform_12(%arg0: i32) -> (i32, i32) {
    %c0_i32 = arith.constant 0 : i32
    %c0_i32_0 = arith.constant 0 : i32
    %c0_i32_1 = arith.constant 0 : i32
    return %c0_i32, %c0_i32_0 : i32, i32
  }
  func.func @transform_13(%arg0: i32) -> (i32, i32) {
    %c0_i32 = arith.constant 0 : i32
    %c0_i32_0 = arith.constant 0 : i32
    %c0_i32_1 = arith.constant 0 : i32
    return %c0_i32, %c0_i32_0 : i32, i32
  }
  func.func @transform_14(%arg0: i32) -> (i32, i32) {
    %c0_i32 = arith.constant 0 : i32
    %c0_i32_0 = arith.constant 0 : i32
    %c0_i32_1 = arith.constant 0 : i32
    return %c0_i32, %c0_i32_0 : i32, i32
  }
  func.func @transform_15(%arg0: i32) -> (i32, i32) {
    %c0_i32 = arith.constant 0 : i32
    %c0_i32_0 = arith.constant 0 : i32
    %c0_i32_1 = arith.constant 0 : i32
    return %c0_i32, %c0_i32_0 : i32, i32
  }
  func.func @transform_16(%arg0: i32) -> (i32, i32) {
    %c0_i32 = arith.constant 0 : i32
    %c0_i32_0 = arith.constant 0 : i32
    %c0_i32_1 = arith.constant 0 : i32
    return %c0_i32, %c0_i32_0 : i32, i32
  }
  func.func @transform_17(%arg0: i32) -> (i32, i32) {
    %c0_i32 = arith.constant 0 : i32
    %c0_i32_0 = arith.constant 0 : i32
    %c0_i32_1 = arith.constant 0 : i32
    return %c0_i32, %c0_i32_0 : i32, i32
  }
  func.func @transform_18(%arg0: i32) -> (i32, i32) {
    %c0_i32 = arith.constant 0 : i32
    %c0_i32_0 = arith.constant 0 : i32
    %c0_i32_1 = arith.constant 0 : i32
    return %c0_i32, %c0_i32_0 : i32, i32
  }
  func.func @transform_19(%arg0: i32) -> (i32, i32) {
    %c0_i32 = arith.constant 0 : i32
    %c0_i32_0 = arith.constant 0 : i32
    %c0_i32_1 = arith.constant 0 : i32
    return %c0_i32, %c0_i32_0 : i32, i32
  }
  func.func @transform_20(%arg0: i32) -> (i32, i32) {
    %c0_i32 = arith.constant 0 : i32
    %c0_i32_0 = arith.constant 0 : i32
    %c0_i32_1 = arith.constant 0 : i32
    return %c0_i32, %c0_i32_0 : i32, i32
  }
}

</mosaic_0001>

<sc_bundles>
// kernel: kernel.11.cloned.1.call-start
scs
__scs_entry_jumppad:
0x0: {  	(pc) =	sbr.rel $0x88, $3  }
0x1: {  	(tag) =	ssettag $0x0;
	lr =	simm.s32 $0x1  }
0x2: {  	[smem:$0x3F88] =	sst lr;
	_ =	strace $0xD0000000  }
0x3: {  	_ = 	snop  }
0x4: {  	_ = 	snop  }
0x5: {  	_ = 	snop  }
0x6: {  	_ = 	snop  }
0x7: {  	_ = 	snop  }
__scs_overlays_trampoline_lowered:
0x8: {  	[smem:$0x3F97] =	sst s0  }
0x9: {  	[smem:$0x3F98] =	sst s1  }
0xa: {  	[smem:$0x3F99] =	sst s2  }
0xb: {  	[smem:$0x3F9A] =	sst s3  }
0xc: {  	[smem:$0x3F9B] =	sst s4  }
0xd: {  	[smem:$0x3F9C] =	sst s5  }
0xe: {  	[smem:$0x3F9D] =	sst s6  }
0xf: {  	[smem:$0x3F9E] =	sst s7  }
0x10: {  	[smem:$0x3F9F] =	sst s8  }
0x11: {  	[smem:$0x3FA0] =	sst s9;
	s0 =	simm.s32 @!p0 $0x0  }
0x12: {  	s1 =	sld [smem:$0x3F86];
	s0 =	simm.s32 @p0 $0x1  }
0x13: {  	[smem:$0x3FA1] =	sst s0;
	s0 =	simm.s32 @!p1 $0x0  }
0x14: {  	s2 =	sld [smem:$0x3F85];
	s0 =	simm.s32 @p1 $0x1  }
0x15: {  	[smem:$0x3FA2] =	sst s0;
	s0 =	simm.s32 @!p2 $0x0  }
0x16: {  	s3 =	sld [smem:$0x3FDB];
	s0 =	simm.s32 @p2 $0x1  }
0x17: {  	s4 =	simm.s32 $0x1BF5;
	[smem:$0x3FA4] =	sst s0  }
0x18: {  	s0 =	sld [smem:$0x3F87];
	_ =	swait.ge [sflag:s4], $0x0  }
0x19: {  	s7 =	sld [smem:$0x3F88]  }
0x1a: {  	s8 =	sadd.s32 $0xFFFFE003, lr  }
0x1b: {  	s9 =	sadd.s32 $0xFFFFFEF7, lr;
	s5 =	simm.s32 $0xFFFFFFFF;
	p2 =	slt.u32 s8, $0xFFFFF086  }
0x1c: {  	p1 =	slt.u32 s9, $0xF7A;
	s5 =	simm.s32 @!p2 $0x0  }
0x1d: {  	s5 =	simm.s32 @p1 $0x1;
	p0 =	seq.s32 s7, s2  }
0x1e: {  	s7 =	smul.u32 @!p0 $0xF7A, s2;
	p2 =	seq.s32 @!p0 s5, $0x0  }
0x1f: {  	s9 =	smul.u32 $0xF7A, s1;
	s8 =	simm.s32 @!p0 $0x1BF5;
	p2 =	por !p2, p0  }
0x20: {  	[sflag:s8] =	ssyncset.s32 @!p0 $0xFFFFF086;
	s6 =	sadd.s32 @!p0 s3, s7;
	s7 =	simm.s32 @!p0 $0x108  }
0x21: {  	s3 =	sadd.s32 s3, s9;
	s6 =	sadd.s32 @!p0 $0x88, s6;
	s7 =	simm.s32 @p2 $0x1082  }
0x22: {  	[simem:s7], [sflag:s8] =	dma.local @!p0 [hbm:s6], $0xF7A  }
0x23: {  	s9 =	sor.u32 $0xD0000000, s2;
	s6 =	simm.s32 $0x108;
	_ =	swait.ge @!p0 [sflag:s8], $0x0  }
0x24: {  	s3 =	sadd.s32 $0x88, s3;
	s6 =	simm.s32 @!p1 $0x1082;
	[sflag:s4] =	ssyncset.s32 $0xFFFFF086  }
0x25: {  	[simem:s6], [sflag:s4] =	dma.local [hbm:s3], $0xF7A  }
0x26: {  	[smem:$0x3F88] =	sst s1;
	(tag) =	ssettag s2;
	_ =	strace s9  }
0x27: {  	s1 =	sld [smem:$0x3F98]  }
0x28: {  	s2 =	sld [smem:$0x3F99]  }
0x29: {  	s4 =	sld [smem:$0x3F9B]  }
0x2a: {  	p0 =	seq.s32 s5, $0x0;
	s5 =	sld [smem:$0x3F9C]  }
0x2b: {  	s6 =	sld [smem:$0x3F9D]  }
0x2c: {  	s7 =	sld [smem:$0x3F9E]  }
0x2d: {  	s3 =	simm.s32 $0x108;
	s8 =	sld [smem:$0x3F9F]  }
0x2e: {  	s3 =	simm.s32 @!p0 $0x1082;
	s9 =	sld [smem:$0x3FA0]  }
0x2f: {  	lr =	sadd.s32 s0, s3;
	s0 =	sld [smem:$0x3F97]  }
0x30: {  	s3 =	sld [smem:$0x3F9A]  }
0x31: {  	[smem:$0x3FA3] =	sst s10  }
0x32: {  	s10 =	sld [smem:$0x3FA1];
	_ =	sdelay $0x3  }
0x33: {  	p0 =	seq.s32 s10, $0x1;
	s10 =	sld [smem:$0x3FA3];
	_ =	sdelay $0x3  }
0x34: {  	[smem:$0x3FA3] =	sst s10  }
0x35: {  	s10 =	sld [smem:$0x3FA2];
	_ =	sdelay $0x3  }
0x36: {  	p1 =	seq.s32 s10, $0x1;
	s10 =	sld [smem:$0x3FA3];
	_ =	sdelay $0x3  }
0x37: {  	[smem:$0x3FA3] =	sst s10  }
0x38: {  	s10 =	sld [smem:$0x3FA4]  }
0x39: {  	_ = 	snop;
	(pc) =	sbr.ind lr, $3  }
0x3a: {  	_ = 	snop  }
0x3b: {  	_ = 	snop  }
0x3c: {  	p2 =	seq.s32 s10, $0x1;
	s10 =	sld [smem:$0x3FA3]  }
0x3d: {  	_ =	shalt  }
0x3e: {  	_ =	shalt  }
0x3f: {  	_ =	shalt  }
0x40: {  	_ =	shalt  }
0x41: {  	_ =	shalt  }
0x42: {  	_ =	shalt  }
0x43: {  	_ =	shalt  }
0x44: {  	_ =	shalt  }
0x45: {  	_ =	shalt  }
0x46: {  	_ =	shalt  }
0x47: {  	_ =	shalt  }
0x48: {  	_ =	shalt  }
0x49: {  	_ =	shalt  }
0x4a: {  	_ =	shalt  }
0x4b: {  	_ =	shalt  }
0x4c: {  	_ =	shalt  }
0x4d: {  	_ =	shalt  }
0x4e: {  	_ =	shalt  }
0x4f: {  	_ =	shalt  }
0x50: {  	_ =	shalt  }
0x51: {  	_ =	shalt  }
0x52: {  	_ =	shalt  }
0x53: {  	_ =	shalt  }
0x54: {  	_ =	shalt  }
0x55: {  	_ =	shalt  }
0x56: {  	_ =	shalt  }
0x57: {  	_ =	shalt  }
0x58: {  	_ =	shalt  }
0x59: {  	_ =	shalt  }
0x5a: {  	_ =	shalt  }
0x5b: {  	_ =	shalt  }
0x5c: {  	_ =	shalt  }
0x5d: {  	_ =	shalt  }
0x5e: {  	_ =	shalt  }
0x5f: {  	_ =	shalt  }
0x60: {  	_ =	shalt  }
0x61: {  	_ =	shalt  }
0x62: {  	_ =	shalt  }
0x63: {  	_ =	shalt  }
0x64: {  	_ =	shalt  }
0x65: {  	_ =	shalt  }
0x66: {  	_ =	shalt  }
0x67: {  	_ =	shalt  }
0x68: {  	_ =	shalt  }
0x69: {  	_ =	shalt  }
0x6a: {  	_ =	shalt  }
0x6b: {  	_ =	shalt  }
0x6c: {  	_ =	shalt  }
0x6d: {  	_ =	shalt  }
0x6e: {  	_ =	shalt  }
0x6f: {  	_ =	shalt  }
0x70: {  	_ =	shalt  }
0x71: {  	_ =	shalt  }
0x72: {  	_ =	shalt  }
0x73: {  	_ =	shalt  }
0x74: {  	_ =	shalt  }
0x75: {  	_ =	shalt  }
0x76: {  	_ =	shalt  }
0x77: {  	_ =	shalt  }
0x78: {  	_ =	shalt  }
0x79: {  	_ =	shalt  }
0x7a: {  	_ =	shalt  }
0x7b: {  	_ =	shalt  }
0x7c: {  	_ =	shalt  }
0x7d: {  	_ =	shalt  }
0x7e: {  	_ =	shalt  }
0x7f: {  	_ =	shalt  }
0x80: {  	_ =	shalt  }
0x81: {  	_ =	shalt  }
0x82: {  	_ =	shalt  }
0x83: {  	_ =	shalt  }
0x84: {  	_ =	shalt  }
0x85: {  	_ =	shalt  }
0x86: {  	_ =	shalt  }
0x87: {  	_ =	shalt  }
.Lfunc_end0:
.L_simem_size_0:
called_computation.1_lowered:
.L_overlay_start_0:
0x88: {  	s2 =	sld [smem:$0x3FD9]  }
0x89: {  	s3 =	sld [smem:$0x3FFE];
	_ =	sdelay $0x1  }
0x8a: {  	s1 =	srdreg.scid  }
0x8b: {  	s0 =	sand.u32 $0x1, s1  }
0x8c: {  	s16 =	sshll.u32 s0, $0xA;
	s2 =	sadd.s32 s3, s2  }
0x8d: {  	s2 =	sadd.s32 s2, s16  }
0x8e: {  	[smem:$0x3FAF] =	sst s2  }
0x8f: {  	_ = 	snop  }
0x90: {  	(tm) =	ssettm $0x1  }
0x91: {  	s17 =	sld [smem:$0x3FFB];
	_ =	sdelay $0x3  }
0x92: {  	_ =	strace s17  }
0x93: {  	s2 =	sld [smem:$0x3FFC];
	_ =	sdelay $0x3  }
0x94: {  	_ =	strace s2  }
0x95: {  	s2 =	sld [smem:$0x3FFD];
	_ =	sdelay $0x3  }
0x96: {  	_ =	strace s2  }
0x97: {  	_ =	strace $0x8FFFFFFF  }
0x98: {  	s18 =	sld [smem:$0x3FDB];
	_ =	sdelay $0x1  }
0x99: {  	s19 =	simm.s32 $_scs_section_size  }
0x9a: {  	s4 =	simm.s32 $_size__tile_overlayer_lowered;
	s5 =	simm.s32 $_tile_overlayer_lowered  }
0x9b: {  	s22 =	simm.s32 $0x1BFF;
	s21 =	sshll.u32 s5, $0x1;
	s2 =	sadd.s32 s19, s18  }
0x9c: {  	s6 =	simm.s32 $0x0;
	s20 =	sshll.u32 s4, $0x1;
	s4 =	sadd.s32 s21, s2  }
0x9d: {  	[timem:s6], [sflag:s22] =	dma.local [hbm:s4], s20  }
0x9e: {  	_ =	swait.ge [sflag:s22], s20  }
0x9f: {  	s3 =	ssub.s32 $0x0, s20;
	[sflag:s22] =	ssyncset.done $0x0  }
0xa0: {  	[sflag:s22] =	ssyncadd.s32 s3;
	_ =	sdelay $0x1  }
0xa1: {  	s23 =	simm.s32 $0x1B8B  }
0xa2: {  	_ =	swait.ge [sflag:s23], $0x1  }
0xa3: {  	[sflag:s23] =	ssyncset.done $0x0  }
0xa4: {  	s25 =	simm.s32 $0x1B8E;
	s24 =	sld [smem:$0x3FFE];
	[sflag:s23] =	ssyncadd.s32 $0xFFFFFFFF  }
0xa5: {  	s26 =	simm.s32 $execute0_lowered;
	[smem:$0x3FD2] =	sst s25  }
0xa6: {  	s4 =	sshll.u32 s26, $0x1;
	_ =	strace $0x80000046;
	[dreg:$0x1] =	wrdreg $0xFFFFFFFF  }
0xa7: {  	s28 =	simm.s32 $_size_execute0_lowered;
	s2 =	sadd.s32 s2, s4;
	[dreg:$0x0] =	wrdreg $0x0  }
0xa8: {  	s4 =	sshll.u32 s28, $0x1;
	[dreg:$0x2] =	wrdreg s2  }
0xa9: {  	[dreg:$0x3] =	wrdreg s4  }
0xaa: {  	[dreg:$0x4] =	wrdreg $0xC0  }
0xab: {  	_ =	task [dreg:s6], $0x5FFFF  }
0xac: {  	[dreg:$0x1] =	wrdreg $0xFFFFFFFF  }
0xad: {  	[dreg:$0x0] =	wrdreg $0x60  }
0xae: {  	[dreg:$0x2] =	wrdreg s24  }
0xaf: {  	[dreg:$0x3] =	wrdreg $0xA2000  }
0xb0: {  	[dreg:$0x4] =	wrdreg $0xA  }
0xb1: {  	_ =	task.clear_ibuf [dreg:s6], $0x5FFFF;
	_ =	strace $0x90000046  }
0xb2: {  	s29 =	simm.s32 $0xA;
	_ =	strace $0x80000048  }
0xb3: {  	_ =	swait.ge [sflag:s29], $0x1  }
0xb4: {  	[sflag:s29] =	ssyncadd.s32 $0xFFFFFFFF  }
0xb5: {  	_ =	strace $0x90000048  }
0xb6: {  	_ =	sfence  }
0xb7: {  	s30 =	sld [smem:$0x0];
	_ =	sdelay $0x2  }
0xb8: {  	s31 =	sshll.u32 s1, $0xD;
	s1 =	sshrl.u32 s1, $0x2  }
0xb9: {  	s3 =	sand.u32 $0x4000, s31;
	s1 =	sadd.s32 s1, s30  }
0xba: {  	s0 =	sor.u32 s3, s0;
	s1 =	sshll.u32 s1, $0x11  }
0xbb: {  	s0 =	sor.u32 s1, s0  }
0xbc: {  	s0 =	sadd.s32 $0x8F2B, s0  }
0xbd: {  	[sflag:s0] =	ssyncadd.remote.s32 $0x1  }
0xbe: {  	_ =	sfence.sel $0xFFFF  }
0xbf: {  	[dreg:$0x0] =	wrdreg $0xFFFFFFFF;
	(pc) =	sbr.abs _section_cstart, $3  }
0xc0: {  	[dreg:$0x1] =	wrdreg $0xFFFFFFFF  }
0xc1: {  	_ =	task.clear_ibuf [dreg:s6], $0x2FFFF;
	_ =	strace $0x9FFFFFFF  }
0xc2: {  	(tm) =	ssettm $0x7FFFFFFF  }
0xc3: {  	_ =	shalt  }
tec
execute0_lowered:
.L_overlay_start_1:
0x0: {  	(tag) =	ssettag $0x1  }
0x1: {  	s1 =	srdreg.scid;
	s0 =	rddreg [dreg:$0x0]  }
0x2: {  	s23 =	stileid.u32;
	s2 =	rddreg [dreg:$0x1];
	s31 =	simm.s32 $0x200  }
0x3: {  	s1 =	sand.u32 $0x1, s1;
	s3 =	sshll.u32 s23, $0x1;
	s7 =	smul.u32 $0x4F000, s23  }
0x4: {  	s13 =	smul.u32 $0x13C00, s23;
	s14 =	sadd.s32 $0x74E00, s0;
	s28 =	sadd.s32 $0x5640, s0  }
0x5: {  	s29 =	sadd.s32 $0x5660, s0;
	p0 =	sne.s32 s23, $0x0;
	s4 =	sor.u32 s1, s3  }
0x6: {  	s3 =	simm.s32 $0x0;
	s6 =	ssub.s32 $0x2, s1;
	s1 =	smul.u32 $0x140000, s1  }
0x7: {  	[smem:$0x7FF] =	sst s3;
	s8 =	sshrl.u32 s6, $0x1;
	s25 =	sshrl.u32 s7, $0x2  }
0x8: {  	s16 =	sadd.s32 $0x2800, s13;
	s17 =	sadd.s32 $0x5000, s13;
	s18 =	sadd.s32 $0x7800, s13  }
0x9: {  	s19 =	sadd.s32 $0xA000, s13;
	s20 =	sadd.s32 $0xC800, s13;
	s21 =	sadd.s32 $0xF000, s13  }
0xa: {  	s22 =	sadd.s32 $0x11800, s13;
	_ =	strace $0x80000047;
	s15 =	ssub.s32 s6, s8  }
0xb: {  	s24 =	sadd.s32 s25, s2;
	s26 =	sadd.s32 s16, s2;
	s7 =	sadd.s32 s17, s2  }
0xc: {  	s8 =	sadd.s32 s18, s2;
	s9 =	sadd.s32 s19, s2;
	s10 =	sadd.s32 s20, s2  }
0xd: {  	s11 =	sadd.s32 s21, s2;
	s12 =	sadd.s32 s22, s2;
	s13 =	sadd.s32 s13, s1  }
0xe: {  	s16 =	sadd.s32 s1, s16;
	s17 =	sadd.s32 s1, s17;
	s18 =	sadd.s32 s1, s18  }
0xf: {  	s19 =	sadd.s32 s1, s19;
	s20 =	sadd.s32 s1, s20;
	s21 =	sadd.s32 s1, s21  }
0x10: {  	s22 =	sadd.s32 s1, s22;
	s1 =	sshrl.u32 s1, $0x3;
	[dreg:$0x3] =	wrdreg s26  }
0x11: {  	s1 =	sadd.s32 s14, s1;
	s13 =	sshrl.u32 s13, $0x3;
	s16 =	sshrl.u32 s16, $0x3  }
0x12: {  	s25 =	sshrl.u32 s18, $0x3;
	s26 =	sshrl.u32 s19, $0x3;
	s30 =	sadd.s32 s14, s13  }
0x13: {  	s19 =	sshrl.u32 s22, $0x3;
	s13 =	sadd.s32 s14, s16;
	[dreg:$0x4] =	wrdreg s30  }
0x14: {  	s18 =	sshrl.u32 s21, $0x3;
	s21 =	sadd.s32 s14, s19;
	[dreg:$0x5] =	wrdreg s13  }
0x15: {  	s5 =	smul.u32 $0xFC0, s4;
	s22 =	sadd.s32 $0x27800, s1;
	[dreg:$0xb] =	wrdreg s21  }
0x16: {  	s16 =	sshrl.u32 s17, $0x3;
	s1 =	sadd.s32 $0x27D00, s1;
	[dreg:$0xc] =	wrdreg s22  }
0x17: {  	s4 =	smul.u32 $0x7E, s4;
	s17 =	sadd.s32 s14, s16;
	[dreg:$0xd] =	wrdreg s1  }
0x18: {  	s5 =	sadd.s32 s5, s0;
	s30 =	sadd.s32 s14, s25;
	[dreg:$0x6] =	wrdreg s17  }
0x19: {  	s19 =	simm.s32 $0x3;
	s13 =	sadd.s32 s14, s26;
	[dreg:$0x7] =	wrdreg s30  }
0x1a: {  	s16 =	sshrl.u32 s20, $0x3;
	s20 =	sadd.s32 s14, s18;
	[dreg:$0x8] =	wrdreg s13  }
0x1b: {  	s25 =	sadd.s32 $0x5600, s5;
	s26 =	sadd.s32 $0x5620, s5;
	[dreg:$0xa] =	wrdreg s20  }
0x1c: {  	s1 =	simm.s32 $0x7;
	s18 =	simm.s32 $0x1;
	[dreg:$0xe] =	wrdreg s25  }
.Ltmp0:
0x1d: {  	s17 =	sadd.s32 s14, s16;
	[dreg:$0xf] =	wrdreg s26;
	(pc) =	sbr.rel .LBB2_1-.Ltmp0, $4  }
0x1e: {  	s25 =	sadd.s32 $0x24E00, s0;
	s26 =	sadd.s32 $0x4CE00, s0;
	s30 =	smax.u32 s15, $0x1  }
0x1f: {  	s0 =	simm.s32 $0x100;
	s13 =	simm.s32 $0x50;
	s14 =	simm.s32 $0x80  }
0x20: {  	s15 =	simm.s32 $0x180;
	s16 =	simm.s32 $0x2A00;
	[dreg:$0x9] =	wrdreg s17  }
0x21: {  	v0 =	vimm.f32 $0.0e+00;
	s20 =	simm.s32 $0x6;
	[dreg:$0x10] =	wrdreg s30;
	s17 =	simm.s32 $0x7A00  }
.LBB2_10:
0x22: {  	s5 =	stileid.u32  }
0x23: {  	[bflag:$0x0] =	sbarrier.arrive $0xFFFF;
	s5 =	sshll.u32 s5, $0x6  }
0x24: {  	s21 =	sshrl.u32 s6, $0x3;
	s23 =	rddreg [dreg:$0x4];
	s5 =	sor.u32 $0x1C07, s5  }
0x25: {  	[hbm:s23], [sflag:s5] =	dma.local [spmem:s21], $0x500  }
0x26: {  	_ =	swait.ge [sflag:s1], $0x500  }
0x27: {  	s24 =	smov.u32 s6;
	[sflag:s1] =	ssyncset.done $0x0;
	s30 =	rddreg [dreg:$0x3]  }
0x28: {  	s22 =	rddreg [dreg:$0x5];
	[sflag:s1] =	ssyncadd.s32 $0xFFFFFB00;
	s6 =	sshrl.u32 s30, $0x3  }
0x29: {  	[hbm:s22], [sflag:s5] =	dma.local [spmem:s6], $0x500  }
0x2a: {  	_ =	swait.ge [sflag:s1], $0x500  }
0x2b: {  	[sflag:s1] =	ssyncset.done $0x0  }
0x2c: {  	s23 =	sshrl.u32 s7, $0x3;
	s30 =	rddreg [dreg:$0x6];
	[sflag:s1] =	ssyncadd.s32 $0xFFFFFB00  }
0x2d: {  	[hbm:s30], [sflag:s5] =	dma.local [spmem:s23], $0x500  }
0x2e: {  	_ =	swait.ge [sflag:s1], $0x500  }
0x2f: {  	[sflag:s1] =	ssyncset.done $0x0  }
0x30: {  	s6 =	sshrl.u32 s8, $0x3;
	s22 =	rddreg [dreg:$0x7];
	[sflag:s1] =	ssyncadd.s32 $0xFFFFFB00  }
0x31: {  	[hbm:s22], [sflag:s5] =	dma.local [spmem:s6], $0x500  }
0x32: {  	_ =	swait.ge [sflag:s1], $0x500  }
0x33: {  	[sflag:s1] =	ssyncset.done $0x0  }
0x34: {  	s23 =	sshrl.u32 s9, $0x3;
	s30 =	rddreg [dreg:$0x8];
	[sflag:s1] =	ssyncadd.s32 $0xFFFFFB00  }
0x35: {  	[hbm:s30], [sflag:s5] =	dma.local [spmem:s23], $0x500  }
0x36: {  	_ =	swait.ge [sflag:s1], $0x500  }
0x37: {  	[sflag:s1] =	ssyncset.done $0x0  }
0x38: {  	s6 =	sshrl.u32 s10, $0x3;
	s22 =	rddreg [dreg:$0x9];
	[sflag:s1] =	ssyncadd.s32 $0xFFFFFB00  }
0x39: {  	[hbm:s22], [sflag:s5] =	dma.local [spmem:s6], $0x500  }
0x3a: {  	_ =	swait.ge [sflag:s1], $0x500  }
0x3b: {  	[sflag:s1] =	ssyncset.done $0x0  }
0x3c: {  	s23 =	sshrl.u32 s11, $0x3;
	s30 =	rddreg [dreg:$0xa];
	[sflag:s1] =	ssyncadd.s32 $0xFFFFFB00  }
0x3d: {  	[hbm:s30], [sflag:s5] =	dma.local [spmem:s23], $0x500  }
0x3e: {  	_ =	swait.ge [sflag:s1], $0x500  }
0x3f: {  	[sflag:s1] =	ssyncset.done $0x0  }
0x40: {  	s22 =	sshrl.u32 s12, $0x3;
	s23 =	rddreg [dreg:$0xb];
	[sflag:s1] =	ssyncadd.s32 $0xFFFFFB00  }
0x41: {  	[hbm:s23], [sflag:s5] =	dma.local [spmem:s22], $0x480  }
0x42: {  	_ =	swait.ge [sflag:s1], $0x480  }
0x43: {  	s3 =	sadd.s32 $0x1, s3;
	s30 =	rddreg [dreg:$0x10]  }
0x44: {  	p1 =	sne.s32 s3, s30  }
.Ltmp1:
0x45: {  	_ = 	snop;
	(pc) =	sbr.rel @!p1 .LBB2_11-.Ltmp1, $3  }
0x46: {  	_ =	sdelay $0x1  }
0x47: {  	[sflag:s1] =	ssyncset.done $0x0  }
0x48: {  	[sflag:s1] =	ssyncadd.s32 $0xFFFFFB80  }
.LBB2_1:
0x49: {  	s5 =	simm.s32 $0x0;
	s21 =	simm.s32 $0x200  }
.LBB2_2:
0x4a: {  	p1 =	sne.s32 s21, $0x9E00;
	[tilespmem:s5+$0x270] =	vst v0  }
0x4b: {  	[tilespmem:s5+$0x200] =	vst v0  }
0x4c: {  	[tilespmem:s5+$0x210] =	vst v0  }
.Ltmp2:
0x4d: {  	[tilespmem:s5+$0x220] =	vst v0;
	(pc) =	sbr.rel @p1 .LBB2_2-.Ltmp2, $4  }
0x4e: {  	[tilespmem:s5+$0x230] =	vst v0  }
0x4f: {  	[tilespmem:s5+$0x240] =	vst v0  }
0x50: {  	[tilespmem:s5+$0x250] =	vst v0  }
0x51: {  	[tilespmem:s5+$0x260] =	vst v0;
	s5 =	sshra.s32 s21, $0x2;
	s21 =	sadd.s32 $0x200, s21  }
0x52: {  	[tilespmem:s5+$0x270] =	vst v0  }
0x53: {  	[tilespmem:s5+$0x200] =	vst v0  }
0x54: {  	[tilespmem:s5+$0x210] =	vst v0  }
0x55: {  	[tilespmem:s5+$0x220] =	vst v0  }
0x56: {  	[tilespmem:s5+$0x230] =	vst v0  }
0x57: {  	[tilespmem:s5+$0x240] =	vst v0  }
0x58: {  	[tilespmem:s5+$0x250] =	vst v0  }
0x59: {  	[tilespmem:s5+$0x260] =	vst v0  }
0x5a: {  	[spmem:s24] =	stream.linear.scatter [tilespmem:s31], [sflag:$0x7], $0x2800, $0x38;
	[tilespmem:$0x1DE00] =	vst v63  }
0x5b: {  	_ =	swait.ge [sflag:s1], $0x2800  }
0x5c: {  	[sflag:s1] =	ssyncset.done $0x0  }
0x5d: {  	s22 =	rddreg [dreg:$0x3];
	[sflag:s1] =	ssyncadd.s32 $0xFFFFD800  }
0x5e: {  	[spmem:s22] =	stream.linear.scatter [tilespmem:s31], [sflag:$0x7], $0x2800, $0x38;
	[tilespmem:$0x1DE00] =	vst v63  }
0x5f: {  	_ =	swait.ge [sflag:s1], $0x2800  }
0x60: {  	[sflag:s1] =	ssyncset.done $0x0  }
0x61: {  	[sflag:s1] =	ssyncadd.s32 $0xFFFFD800  }
0x62: {  	[spmem:s7] =	stream.linear.scatter [tilespmem:s31], [sflag:$0x7], $0x2800, $0x38;
	[tilespmem:$0x1DE00] =	vst v63  }
0x63: {  	_ =	swait.ge [sflag:s1], $0x2800  }
0x64: {  	[sflag:s1] =	ssyncset.done $0x0  }
0x65: {  	[sflag:s1] =	ssyncadd.s32 $0xFFFFD800  }
0x66: {  	[spmem:s8] =	stream.linear.scatter [tilespmem:s31], [sflag:$0x7], $0x2800, $0x38;
	[tilespmem:$0x1DE00] =	vst v63  }
0x67: {  	_ =	swait.ge [sflag:s1], $0x2800  }
0x68: {  	[sflag:s1] =	ssyncset.done $0x0  }
0x69: {  	[sflag:s1] =	ssyncadd.s32 $0xFFFFD800  }
0x6a: {  	[spmem:s9] =	stream.linear.scatter [tilespmem:s31], [sflag:$0x7], $0x2800, $0x38;
	[tilespmem:$0x1DE00] =	vst v63  }
0x6b: {  	_ =	swait.ge [sflag:s1], $0x2800  }
0x6c: {  	[sflag:s1] =	ssyncset.done $0x0  }
0x6d: {  	[sflag:s1] =	ssyncadd.s32 $0xFFFFD800  }
0x6e: {  	[spmem:s10] =	stream.linear.scatter [tilespmem:s31], [sflag:$0x7], $0x2800, $0x38;
	[tilespmem:$0x1DE00] =	vst v63  }
0x6f: {  	_ =	swait.ge [sflag:s1], $0x2800  }
0x70: {  	[sflag:s1] =	ssyncset.done $0x0  }
0x71: {  	[sflag:s1] =	ssyncadd.s32 $0xFFFFD800  }
0x72: {  	[spmem:s11] =	stream.linear.scatter [tilespmem:s31], [sflag:$0x7], $0x2800, $0x38;
	[tilespmem:$0x1DE00] =	vst v63  }
0x73: {  	_ =	swait.ge [sflag:s1], $0x2800  }
0x74: {  	[sflag:s1] =	ssyncset.done $0x0  }
0x75: {  	[sflag:s1] =	ssyncadd.s32 $0xFFFFD800  }
0x76: {  	[spmem:s12] =	stream.linear.scatter [tilespmem:s31], [sflag:$0x7], $0x2400, $0x38;
	[tilespmem:$0x1DE00] =	vst v63  }
0x77: {  	_ =	swait.ge [sflag:s1], $0x2400  }
0x78: {  	s5 =	simm.s32 @!p0 $0x0;
	[sflag:s1] =	ssyncset.done $0x0  }
0x79: {  	s21 =	simm.s32 @!p0 $0x200;
	s22 =	rddreg [dreg:$0xc];
	[sflag:s1] =	ssyncadd.s32 $0xFFFFDC00  }
0x7a: {  	[hbm4b:s22+s5] =	stream.linear.scatter @!p0 [tilespmem:s21], [sflag:$0x7], $0x2800, $0x38;
	[tilespmem:$0x1DE00] =	vst v63  }
0x7b: {  	s22 =	simm.s32 @!p0 $0x7  }
0x7c: {  	_ =	swait.ge @!p0 [sflag:s22], $0x2800  }
0x7d: {  	[sflag:s22] =	ssyncset.done @!p0 $0x0  }
0x7e: {  	s23 =	rddreg [dreg:$0xd];
	[sflag:s22] =	ssyncadd.s32 @!p0 $0xFFFFD800  }
0x7f: {  	[hbm4b:s23+s5] =	stream.linear.scatter @!p0 [tilespmem:s21], [sflag:$0x7], $0x1800, $0x38;
	[tilespmem:$0x1DE00] =	vst v63  }
0x80: {  	_ =	swait.ge @!p0 [sflag:s22], $0x1800  }
0x81: {  	[sflag:s22] =	ssyncset.done @!p0 $0x0  }
0x82: {  	[sflag:s22] =	ssyncadd.s32 @!p0 $0xFFFFE800  }
0x83: {  	[bflag:$0x0] =	sbarrier.arrive $0xFFFF  }
0x84: {  	s21 =	simm.s32 $0x0;
	s23 =	rddreg [dreg:$0xe]  }
0x85: {  	[tilespmem:s21], [sflag:$0x7] =	stream.linear.gather [hbm4b:s23+s21], $0x100, $0x38;
	[tilespmem:$0x1DE00] =	vst v63  }
0x86: {  	_ =	swait.ge [sflag:s1], $0x100  }
0x87: {  	[sflag:s1] =	ssyncset.done $0x0  }
0x88: {  	s6 =	smov.u32 s24;
	s24 =	rddreg [dreg:$0xf];
	[sflag:s1] =	ssyncadd.s32 $0xFFFFFF00  }
0x89: {  	[tilespmem:s0], [sflag:$0x7] =	stream.linear.gather [hbm4b:s24+s21], $0x100, $0x38;
	[tilespmem:$0x1DE00] =	vst v63  }
0x8a: {  	_ =	swait.ge [sflag:s1], $0x100  }
0x8b: {  	[sflag:s1] =	ssyncset.done $0x0  }
0x8c: {  	[sflag:s1] =	ssyncadd.s32 $0xFFFFFF00  }
0x8d: {  	[tilespmem:s31], [sflag:$0x1] =	stream.indirect.gather [hbm4b:s25+s13], $0x80, s14, s13, $0xb8;
	[tilespmem:$0x1DE00] =	vst v63  }
0x8e: {  	s30 =	simm.s32 $0x5200  }
0x8f: {  	[tilespmem:s30], [sflag:$0x3] =	stream.indirect.gather [hbm4b:s26+s13], $0x80, s21, s13, $0xb8;
	[tilespmem:$0x1DE00] =	vst v63  }
0x90: {  	_ = 	snop  }
0x91: {  	[tilespmem:s16], [sflag:$0x2] =	stream.indirect.gather [hbm4b:s25+s13], $0x80, s15, s13, $0xb8;
	[tilespmem:$0x1DE00] =	vst v63  }
0x92: {  	_ = 	snop  }
0x93: {  	[tilespmem:s17], [sflag:$0x4] =	stream.indirect.gather [hbm4b:s26+s13], $0x80, s0, s13, $0xb8;
	[tilespmem:$0x1DE00] =	vst v63  }
.LBB2_4:
0x94: {  	_ =	swait.ge [sflag:s18], $0x2800  }
0x95: {  	[sflag:s18] =	ssyncset.done $0x0  }
0x96: {  	s5 =	sshll.u32 s21, $0x1;
	[sflag:s18] =	ssyncadd.s32 $0xFFFFD800  }
0x97: {  	p1 =	seq.s32 s21, $0x3E;
	s5 =	sadd.s32 s4, s5;
	_ =	swait.ge [sflag:s19], $0x2800  }
0x98: {  	s22 =	sshll.u32 @!p1 s5, $0x5;
	[sflag:s19] =	ssyncset.done $0x0  }
0x99: {  	s23 =	simm.s32 @!p1 $0x0;
	s5 =	sadd.s32 @!p1 s22, s28;
	[sflag:s19] =	ssyncadd.s32 $0xFFFFD800  }
0x9a: {  	[tilespmem:s23], [sflag:$0x5] =	stream.linear.gather @!p1 [hbm4b:s5+s23], $0x100, $0x38;
	[tilespmem:$0x1DE00] =	vst v63  }
0x9b: {  	s23 =	simm.s32 $0x280  }
0x9c: {  	s24 =	simm.s32 $0x5280;
	v1 =	vld [tilespmem:s23+$0xFFFFFF80]  }
0x9d: {  	v2 =	vld [tilespmem:s24+$0xFFFFFF80];
	_ =	sdelay $0x4  }
0x9e: {  	v1 =	vadd.f32 v2, v1;
	_ =	sdelay $0x1  }
0x9f: {  	v1 =	vmax.f32 v1, $0.0e+00  }
0xa0: {  	[tilespmem:s23+$0xFFFFFF80] =	vst v1;
	v1 =	vld [tilespmem:s23+$0xFFFFFF90]  }
0xa1: {  	v2 =	vld [tilespmem:s24+$0xFFFFFF90];
	_ =	sdelay $0x4  }
0xa2: {  	v1 =	vadd.f32 v2, v1;
	_ =	sdelay $0x1  }
0xa3: {  	v1 =	vmax.f32 v1, $0.0e+00  }
0xa4: {  	[tilespmem:s23+$0xFFFFFF90] =	vst v1;
	v1 =	vld [tilespmem:s23+$0xFFFFFFA0]  }
0xa5: {  	v2 =	vld [tilespmem:s24+$0xFFFFFFA0];
	_ =	sdelay $0x4  }
0xa6: {  	v1 =	vadd.f32 v2, v1;
	_ =	sdelay $0x1  }
0xa7: {  	v1 =	vmax.f32 v1, $0.0e+00  }
0xa8: {  	[tilespmem:s23+$0xFFFFFFA0] =	vst v1;
	v1 =	vld [tilespmem:s23+$0xFFFFFFB0]  }
0xa9: {  	v2 =	vld [tilespmem:s24+$0xFFFFFFB0];
	_ =	sdelay $0x4  }
0xaa: {  	v1 =	vadd.f32 v2, v1;
	_ =	sdelay $0x1  }
0xab: {  	v1 =	vmax.f32 v1, $0.0e+00  }
0xac: {  	[tilespmem:s23+$0xFFFFFFB0] =	vst v1;
	v1 =	vld [tilespmem:s23+$0xFFFFFFC0]  }
0xad: {  	v2 =	vld [tilespmem:s24+$0xFFFFFFC0];
	_ =	sdelay $0x4  }
0xae: {  	v1 =	vadd.f32 v2, v1;
	_ =	sdelay $0x1  }
0xaf: {  	v1 =	vmax.f32 v1, $0.0e+00  }
0xb0: {  	[tilespmem:s23+$0xFFFFFFC0] =	vst v1;
	v1 =	vld [tilespmem:s23+$0xFFFFFFD0]  }
0xb1: {  	v2 =	vld [tilespmem:s24+$0xFFFFFFD0];
	_ =	sdelay $0x4  }
0xb2: {  	v1 =	vadd.f32 v2, v1;
	_ =	sdelay $0x1  }
0xb3: {  	v1 =	vmax.f32 v1, $0.0e+00  }
0xb4: {  	[tilespmem:s23+$0xFFFFFFD0] =	vst v1;
	v1 =	vld [tilespmem:s23+$0xFFFFFFE0]  }
0xb5: {  	v2 =	vld [tilespmem:s24+$0xFFFFFFE0];
	_ =	sdelay $0x4  }
0xb6: {  	v1 =	vadd.f32 v2, v1;
	_ =	sdelay $0x1  }
0xb7: {  	v1 =	vmax.f32 v1, $0.0e+00  }
0xb8: {  	[tilespmem:s23+$0xFFFFFFE0] =	vst v1;
	v1 =	vld [tilespmem:s23+$0xFFFFFFF0]  }
0xb9: {  	v2 =	vld [tilespmem:s24+$0xFFFFFFF0];
	_ =	sdelay $0x4  }
0xba: {  	v1 =	vadd.f32 v2, v1;
	_ =	sdelay $0x1  }
0xbb: {  	v1 =	vmax.f32 v1, $0.0e+00  }
0xbc: {  	[tilespmem:s23+$0xFFFFFFF0] =	vst v1;
	v1 =	vld [tilespmem:s23+$0x0]  }
0xbd: {  	v2 =	vld [tilespmem:s24+$0x0];
	_ =	sdelay $0x4  }
0xbe: {  	v1 =	vadd.f32 v2, v1;
	_ =	sdelay $0x1  }
0xbf: {  	v1 =	vmax.f32 v1, $0.0e+00  }
0xc0: {  	[tilespmem:s23+$0x0] =	vst v1;
	v1 =	vld [tilespmem:s23+$0x10]  }
0xc1: {  	v2 =	vld [tilespmem:s24+$0x10];
	_ =	sdelay $0x4  }
0xc2: {  	v1 =	vadd.f32 v2, v1;
	_ =	sdelay $0x1  }
0xc3: {  	v1 =	vmax.f32 v1, $0.0e+00  }
0xc4: {  	[tilespmem:s23+$0x10] =	vst v1;
	v1 =	vld [tilespmem:s23+$0x20]  }
0xc5: {  	v2 =	vld [tilespmem:s24+$0x20];
	_ =	sdelay $0x4  }
0xc6: {  	v1 =	vadd.f32 v2, v1;
	_ =	sdelay $0x1  }
0xc7: {  	v1 =	vmax.f32 v1, $0.0e+00  }
0xc8: {  	[tilespmem:s23+$0x20] =	vst v1;
	v1 =	vld [tilespmem:s23+$0x30]  }
0xc9: {  	v2 =	vld [tilespmem:s24+$0x30];
	_ =	sdelay $0x4  }
0xca: {  	v1 =	vadd.f32 v2, v1;
	_ =	sdelay $0x1  }
0xcb: {  	v1 =	vmax.f32 v1, $0.0e+00  }
0xcc: {  	[tilespmem:s23+$0x30] =	vst v1;
	v1 =	vld [tilespmem:s23+$0x40]  }
0xcd: {  	v2 =	vld [tilespmem:s24+$0x40];
	_ =	sdelay $0x4  }
0xce: {  	v1 =	vadd.f32 v2, v1;
	_ =	sdelay $0x1  }
0xcf: {  	v1 =	vmax.f32 v1, $0.0e+00  }
0xd0: {  	[tilespmem:s23+$0x40] =	vst v1;
	v1 =	vld [tilespmem:s23+$0x50]  }
0xd1: {  	v2 =	vld [tilespmem:s24+$0x50];
	_ =	sdelay $0x4  }
0xd2: {  	v1 =	vadd.f32 v2, v1;
	_ =	sdelay $0x1  }
0xd3: {  	v1 =	vmax.f32 v1, $0.0e+00  }
0xd4: {  	[tilespmem:s23+$0x50] =	vst v1;
	v1 =	vld [tilespmem:s23+$0x60]  }
0xd5: {  	v2 =	vld [tilespmem:s24+$0x60];
	_ =	sdelay $0x4  }
0xd6: {  	v1 =	vadd.f32 v2, v1;
	_ =	sdelay $0x1  }
0xd7: {  	v1 =	vmax.f32 v1, $0.0e+00  }
0xd8: {  	[tilespmem:s23+$0x60] =	vst v1;
	v1 =	vld [tilespmem:s23+$0x70]  }
0xd9: {  	v2 =	vld [tilespmem:s24+$0x70];
	_ =	sdelay $0x4  }
0xda: {  	v1 =	vadd.f32 v2, v1;
	_ =	sdelay $0x1  }
0xdb: {  	s30 =	simm.s32 $0x0;
	s5 =	simm.s32 $0x380;
	v1 =	vmax.f32 v1, $0.0e+00  }
.LBB2_5:
0xdc: {  	v2 =	vld [tilespmem:s5+$0xFFFFFF80];
	[tilespmem:s23+$0x70] =	vst v1;
	s24 =	sadd.s32 $0x100, s24;
	s23 =	smov.u32 s5  }
0xdd: {  	s30 =	sadd.s32 $0x2, s30;
	v1 =	vld [tilespmem:s24+$0xFFFFFF80]  }
0xde: {  	p2 =	slt.u32 s30, $0x4E;
	_ =	sdelay $0x3  }
0xdf: {  	v1 =	vadd.f32 v1, v2;
	_ =	sdelay $0x1  }
0xe0: {  	v1 =	vmax.f32 v1, $0.0e+00  }
0xe1: {  	[tilespmem:s5+$0xFFFFFF80] =	vst v1;
	v1 =	vld [tilespmem:s5+$0xFFFFFF90]  }
0xe2: {  	v2 =	vld [tilespmem:s24+$0xFFFFFF90];
	_ =	sdelay $0x4  }
0xe3: {  	v1 =	vadd.f32 v2, v1;
	_ =	sdelay $0x1  }
0xe4: {  	v1 =	vmax.f32 v1, $0.0e+00  }
0xe5: {  	[tilespmem:s5+$0xFFFFFF90] =	vst v1;
	v1 =	vld [tilespmem:s5+$0xFFFFFFA0]  }
0xe6: {  	v2 =	vld [tilespmem:s24+$0xFFFFFFA0];
	_ =	sdelay $0x4  }
0xe7: {  	v1 =	vadd.f32 v2, v1;
	_ =	sdelay $0x1  }
0xe8: {  	v1 =	vmax.f32 v1, $0.0e+00  }
0xe9: {  	[tilespmem:s5+$0xFFFFFFA0] =	vst v1;
	v1 =	vld [tilespmem:s5+$0xFFFFFFB0]  }
0xea: {  	v2 =	vld [tilespmem:s24+$0xFFFFFFB0];
	_ =	sdelay $0x4  }
0xeb: {  	v1 =	vadd.f32 v2, v1;
	_ =	sdelay $0x1  }
0xec: {  	v1 =	vmax.f32 v1, $0.0e+00  }
0xed: {  	[tilespmem:s5+$0xFFFFFFB0] =	vst v1;
	v1 =	vld [tilespmem:s5+$0xFFFFFFC0]  }
0xee: {  	v2 =	vld [tilespmem:s24+$0xFFFFFFC0];
	_ =	sdelay $0x4  }
0xef: {  	v1 =	vadd.f32 v2, v1;
	_ =	sdelay $0x1  }
0xf0: {  	v1 =	vmax.f32 v1, $0.0e+00  }
0xf1: {  	[tilespmem:s5+$0xFFFFFFC0] =	vst v1;
	v1 =	vld [tilespmem:s5+$0xFFFFFFD0]  }
0xf2: {  	v2 =	vld [tilespmem:s24+$0xFFFFFFD0];
	_ =	sdelay $0x4  }
0xf3: {  	v1 =	vadd.f32 v2, v1;
	_ =	sdelay $0x1  }
0xf4: {  	v1 =	vmax.f32 v1, $0.0e+00  }
0xf5: {  	[tilespmem:s5+$0xFFFFFFD0] =	vst v1;
	v1 =	vld [tilespmem:s5+$0xFFFFFFE0]  }
0xf6: {  	v2 =	vld [tilespmem:s24+$0xFFFFFFE0];
	_ =	sdelay $0x4  }
0xf7: {  	v1 =	vadd.f32 v2, v1;
	_ =	sdelay $0x1  }
0xf8: {  	v1 =	vmax.f32 v1, $0.0e+00  }
0xf9: {  	[tilespmem:s5+$0xFFFFFFE0] =	vst v1;
	v1 =	vld [tilespmem:s5+$0xFFFFFFF0]  }
0xfa: {  	v2 =	vld [tilespmem:s24+$0xFFFFFFF0];
	_ =	sdelay $0x4  }
0xfb: {  	v1 =	vadd.f32 v2, v1;
	_ =	sdelay $0x1  }
0xfc: {  	v1 =	vmax.f32 v1, $0.0e+00  }
0xfd: {  	[tilespmem:s5+$0xFFFFFFF0] =	vst v1;
	v1 =	vld [tilespmem:s5+$0x0]  }
0xfe: {  	v2 =	vld [tilespmem:s24+$0x0];
	_ =	sdelay $0x4  }
0xff: {  	v1 =	vadd.f32 v2, v1;
	_ =	sdelay $0x1  }
0x100: {  	v1 =	vmax.f32 v1, $0.0e+00  }
0x101: {  	[tilespmem:s5+$0x0] =	vst v1;
	v1 =	vld [tilespmem:s5+$0x10]  }
0x102: {  	v2 =	vld [tilespmem:s24+$0x10];
	_ =	sdelay $0x4  }
0x103: {  	v1 =	vadd.f32 v2, v1;
	_ =	sdelay $0x1  }
0x104: {  	v1 =	vmax.f32 v1, $0.0e+00  }
0x105: {  	[tilespmem:s5+$0x10] =	vst v1;
	v1 =	vld [tilespmem:s5+$0x20]  }
0x106: {  	v2 =	vld [tilespmem:s24+$0x20];
	_ =	sdelay $0x4  }
0x107: {  	v1 =	vadd.f32 v2, v1;
	_ =	sdelay $0x1  }
0x108: {  	v1 =	vmax.f32 v1, $0.0e+00  }
0x109: {  	[tilespmem:s5+$0x20] =	vst v1;
	v1 =	vld [tilespmem:s5+$0x30]  }
0x10a: {  	v2 =	vld [tilespmem:s24+$0x30];
	_ =	sdelay $0x4  }
0x10b: {  	v1 =	vadd.f32 v2, v1;
	_ =	sdelay $0x1  }
0x10c: {  	v1 =	vmax.f32 v1, $0.0e+00  }
0x10d: {  	[tilespmem:s5+$0x30] =	vst v1;
	v1 =	vld [tilespmem:s5+$0x40]  }
0x10e: {  	v2 =	vld [tilespmem:s24+$0x40];
	_ =	sdelay $0x4  }
0x10f: {  	v1 =	vadd.f32 v2, v1;
	_ =	sdelay $0x1  }
0x110: {  	v1 =	vmax.f32 v1, $0.0e+00  }
0x111: {  	[tilespmem:s5+$0x40] =	vst v1;
	v1 =	vld [tilespmem:s5+$0x50]  }
0x112: {  	v2 =	vld [tilespmem:s24+$0x50];
	_ =	sdelay $0x4  }
0x113: {  	v1 =	vadd.f32 v2, v1;
	_ =	sdelay $0x1  }
0x114: {  	v1 =	vmax.f32 v1, $0.0e+00  }
0x115: {  	[tilespmem:s5+$0x50] =	vst v1;
	v1 =	vld [tilespmem:s5+$0x60]  }
0x116: {  	v2 =	vld [tilespmem:s24+$0x60];
	_ =	sdelay $0x4  }
0x117: {  	v1 =	vadd.f32 v2, v1;
	_ =	sdelay $0x1  }
0x118: {  	v1 =	vmax.f32 v1, $0.0e+00  }
0x119: {  	[tilespmem:s5+$0x60] =	vst v1;
	v1 =	vld [tilespmem:s5+$0x70]  }
0x11a: {  	v2 =	vld [tilespmem:s24+$0x70];
	_ =	sdelay $0x2  }
.Ltmp3:
0x11b: {  	(pc) =	sbr.rel @p2 .LBB2_5-.Ltmp3, $3  }
0x11c: {  	_ = 	snop  }
0x11d: {  	v1 =	vadd.f32 v2, v1;
	_ =	sdelay $0x1  }
0x11e: {  	s5 =	sadd.s32 $0x100, s5;
	v1 =	vmax.f32 v1, $0.0e+00  }
0x11f: {  	[tilespmem:s23+$0x70] =	vst v1  }
0x120: {  	[spmem:s2] =	stream.indirect.scatter.add.f32 [tilespmem:s31], [sflag:$0x7], $0x80, s14, s13, $0xb8;
	[tilespmem:$0x1DE00] =	vst v63  }
0x121: {  	_ =	swait.ge [sflag:s1], $0x2800  }
0x122: {  	[sflag:s1] =	ssyncset.done $0x0  }
0x123: {  	s5 =	simm.s32 @p1 $0x2;
	[sflag:s1] =	ssyncadd.s32 $0xFFFFD800  }
0x124: {  	_ =	swait.ge @p1 [sflag:s5], $0x2800  }
0x125: {  	[sflag:s5] =	ssyncset.done @p1 $0x0  }
0x126: {  	[sflag:s5] =	ssyncadd.s32 @p1 $0xFFFFD800;
	s5 =	simm.s32 @p1 $0x4  }
0x127: {  	_ =	swait.ge @p1 [sflag:s5], $0x2800  }
0x128: {  	[sflag:s5] =	ssyncset.done @p1 $0x0  }
0x129: {  	[sflag:s5] =	ssyncadd.s32 @p1 $0xFFFFD800;
	s5 =	simm.s32 @!p1 $0x5  }
0x12a: {  	_ =	swait.ge @!p1 [sflag:s5], $0x100  }
0x12b: {  	s23 =	simm.s32 @!p1 $0x80;
	[sflag:s5] =	ssyncset.done @!p1 $0x0  }
0x12c: {  	s24 =	simm.s32 @!p1 $0x200;
	[sflag:s5] =	ssyncadd.s32 @!p1 $0xFFFFFF00;
	s5 =	simm.s32 @!p1 $0x50  }
0x12d: {  	[tilespmem:s24], [sflag:$0x1] =	stream.indirect.gather @!p1 [hbm4b:s25+s5], $0x80, s23, s5, $0xb8;
	[tilespmem:$0x1DE00] =	vst v63  }
0x12e: {  	s23 =	simm.s32 @!p1 $0x0;
	s24 =	simm.s32 @!p1 $0x5200  }
0x12f: {  	[tilespmem:s24], [sflag:$0x3] =	stream.indirect.gather @!p1 [hbm4b:s26+s5], $0x80, s23, s5, $0xb8;
	[tilespmem:$0x1DE00] =	vst v63  }
0x130: {  	s5 =	simm.s32 @!p1 $0x2  }
0x131: {  	_ =	swait.ge @!p1 [sflag:s5], $0x2800  }
0x132: {  	[sflag:s5] =	ssyncset.done @!p1 $0x0  }
0x133: {  	[sflag:s5] =	ssyncadd.s32 @!p1 $0xFFFFD800;
	s5 =	simm.s32 @!p1 $0x4  }
0x134: {  	_ =	swait.ge @!p1 [sflag:s5], $0x2800  }
0x135: {  	[sflag:s5] =	ssyncset.done @!p1 $0x0  }
0x136: {  	[sflag:s5] =	ssyncadd.s32 @!p1 $0xFFFFD800;
	s5 =	sadd.s32 @!p1 s22, s29;
	s22 =	simm.s32 @!p1 $0x100  }
0x137: {  	[tilespmem:s22], [sflag:$0x6] =	stream.linear.gather @!p1 [hbm4b:s5+s23], $0x100, $0x38;
	[tilespmem:$0x1DE00] =	vst v63  }
0x138: {  	s22 =	simm.s32 $0x2A80  }
0x139: {  	s23 =	simm.s32 $0x7A80;
	v1 =	vld [tilespmem:s22+$0xFFFFFF80]  }
0x13a: {  	v2 =	vld [tilespmem:s23+$0xFFFFFF80];
	_ =	sdelay $0x4  }
0x13b: {  	v1 =	vadd.f32 v2, v1;
	_ =	sdelay $0x1  }
0x13c: {  	v1 =	vmax.f32 v1, $0.0e+00  }
0x13d: {  	[tilespmem:s22+$0xFFFFFF80] =	vst v1;
	v1 =	vld [tilespmem:s22+$0xFFFFFF90]  }
0x13e: {  	v2 =	vld [tilespmem:s23+$0xFFFFFF90];
	_ =	sdelay $0x4  }
0x13f: {  	v1 =	vadd.f32 v2, v1;
	_ =	sdelay $0x1  }
0x140: {  	v1 =	vmax.f32 v1, $0.0e+00  }
0x141: {  	[tilespmem:s22+$0xFFFFFF90] =	vst v1;
	v1 =	vld [tilespmem:s22+$0xFFFFFFA0]  }
0x142: {  	v2 =	vld [tilespmem:s23+$0xFFFFFFA0];
	_ =	sdelay $0x4  }
0x143: {  	v1 =	vadd.f32 v2, v1;
	_ =	sdelay $0x1  }
0x144: {  	v1 =	vmax.f32 v1, $0.0e+00  }
0x145: {  	[tilespmem:s22+$0xFFFFFFA0] =	vst v1;
	v1 =	vld [tilespmem:s22+$0xFFFFFFB0]  }
0x146: {  	v2 =	vld [tilespmem:s23+$0xFFFFFFB0];
	_ =	sdelay $0x4  }
0x147: {  	v1 =	vadd.f32 v2, v1;
	_ =	sdelay $0x1  }
0x148: {  	v1 =	vmax.f32 v1, $0.0e+00  }
0x149: {  	[tilespmem:s22+$0xFFFFFFB0] =	vst v1;
	v1 =	vld [tilespmem:s22+$0xFFFFFFC0]  }
0x14a: {  	v2 =	vld [tilespmem:s23+$0xFFFFFFC0];
	_ =	sdelay $0x4  }
0x14b: {  	v1 =	vadd.f32 v2, v1;
	_ =	sdelay $0x1  }
0x14c: {  	v1 =	vmax.f32 v1, $0.0e+00  }
0x14d: {  	[tilespmem:s22+$0xFFFFFFC0] =	vst v1;
	v1 =	vld [tilespmem:s22+$0xFFFFFFD0]  }
0x14e: {  	v2 =	vld [tilespmem:s23+$0xFFFFFFD0];
	_ =	sdelay $0x4  }
0x14f: {  	v1 =	vadd.f32 v2, v1;
	_ =	sdelay $0x1  }
0x150: {  	v1 =	vmax.f32 v1, $0.0e+00  }
0x151: {  	[tilespmem:s22+$0xFFFFFFD0] =	vst v1;
	v1 =	vld [tilespmem:s22+$0xFFFFFFE0]  }
0x152: {  	v2 =	vld [tilespmem:s23+$0xFFFFFFE0];
	_ =	sdelay $0x4  }
0x153: {  	v1 =	vadd.f32 v2, v1;
	_ =	sdelay $0x1  }
0x154: {  	v1 =	vmax.f32 v1, $0.0e+00  }
0x155: {  	[tilespmem:s22+$0xFFFFFFE0] =	vst v1;
	v1 =	vld [tilespmem:s22+$0xFFFFFFF0]  }
0x156: {  	v2 =	vld [tilespmem:s23+$0xFFFFFFF0];
	_ =	sdelay $0x4  }
0x157: {  	v1 =	vadd.f32 v2, v1;
	_ =	sdelay $0x1  }
0x158: {  	v1 =	vmax.f32 v1, $0.0e+00  }
0x159: {  	[tilespmem:s22+$0xFFFFFFF0] =	vst v1;
	v1 =	vld [tilespmem:s22+$0x0]  }
0x15a: {  	v2 =	vld [tilespmem:s23+$0x0];
	_ =	sdelay $0x4  }
0x15b: {  	v1 =	vadd.f32 v2, v1;
	_ =	sdelay $0x1  }
0x15c: {  	v1 =	vmax.f32 v1, $0.0e+00  }
0x15d: {  	[tilespmem:s22+$0x0] =	vst v1;
	v1 =	vld [tilespmem:s22+$0x10]  }
0x15e: {  	v2 =	vld [tilespmem:s23+$0x10];
	_ =	sdelay $0x4  }
0x15f: {  	v1 =	vadd.f32 v2, v1;
	_ =	sdelay $0x1  }
0x160: {  	v1 =	vmax.f32 v1, $0.0e+00  }
0x161: {  	[tilespmem:s22+$0x10] =	vst v1;
	v1 =	vld [tilespmem:s22+$0x20]  }
0x162: {  	v2 =	vld [tilespmem:s23+$0x20];
	_ =	sdelay $0x4  }
0x163: {  	v1 =	vadd.f32 v2, v1;
	_ =	sdelay $0x1  }
0x164: {  	v1 =	vmax.f32 v1, $0.0e+00  }
0x165: {  	[tilespmem:s22+$0x20] =	vst v1;
	v1 =	vld [tilespmem:s22+$0x30]  }
0x166: {  	v2 =	vld [tilespmem:s23+$0x30];
	_ =	sdelay $0x4  }
0x167: {  	v1 =	vadd.f32 v2, v1;
	_ =	sdelay $0x1  }
0x168: {  	v1 =	vmax.f32 v1, $0.0e+00  }
0x169: {  	[tilespmem:s22+$0x30] =	vst v1;
	v1 =	vld [tilespmem:s22+$0x40]  }
0x16a: {  	v2 =	vld [tilespmem:s23+$0x40];
	_ =	sdelay $0x4  }
0x16b: {  	v1 =	vadd.f32 v2, v1;
	_ =	sdelay $0x1  }
0x16c: {  	v1 =	vmax.f32 v1, $0.0e+00  }
0x16d: {  	[tilespmem:s22+$0x40] =	vst v1;
	v1 =	vld [tilespmem:s22+$0x50]  }
0x16e: {  	v2 =	vld [tilespmem:s23+$0x50];
	_ =	sdelay $0x4  }
0x16f: {  	v1 =	vadd.f32 v2, v1;
	_ =	sdelay $0x1  }
0x170: {  	v1 =	vmax.f32 v1, $0.0e+00  }
0x171: {  	[tilespmem:s22+$0x50] =	vst v1;
	v1 =	vld [tilespmem:s22+$0x60]  }
0x172: {  	v2 =	vld [tilespmem:s23+$0x60];
	_ =	sdelay $0x4  }
0x173: {  	v1 =	vadd.f32 v2, v1;
	_ =	sdelay $0x1  }
0x174: {  	v1 =	vmax.f32 v1, $0.0e+00  }
0x175: {  	[tilespmem:s22+$0x60] =	vst v1;
	v1 =	vld [tilespmem:s22+$0x70]  }
0x176: {  	v2 =	vld [tilespmem:s23+$0x70];
	_ =	sdelay $0x4  }
0x177: {  	v1 =	vadd.f32 v2, v1;
	_ =	sdelay $0x1  }
0x178: {  	s24 =	simm.s32 $0x0;
	s5 =	simm.s32 $0x2B80;
	v1 =	vmax.f32 v1, $0.0e+00  }
.LBB2_7:
0x179: {  	v2 =	vld [tilespmem:s5+$0xFFFFFF80];
	[tilespmem:s22+$0x70] =	vst v1;
	s23 =	sadd.s32 $0x100, s23;
	s22 =	smov.u32 s5  }
0x17a: {  	s24 =	sadd.s32 $0x2, s24;
	v1 =	vld [tilespmem:s23+$0xFFFFFF80]  }
0x17b: {  	p2 =	slt.u32 s24, $0x4E;
	_ =	sdelay $0x3  }
0x17c: {  	v1 =	vadd.f32 v1, v2;
	_ =	sdelay $0x1  }
0x17d: {  	v1 =	vmax.f32 v1, $0.0e+00  }
0x17e: {  	[tilespmem:s5+$0xFFFFFF80] =	vst v1;
	v1 =	vld [tilespmem:s5+$0xFFFFFF90]  }
0x17f: {  	v2 =	vld [tilespmem:s23+$0xFFFFFF90];
	_ =	sdelay $0x4  }
0x180: {  	v1 =	vadd.f32 v2, v1;
	_ =	sdelay $0x1  }
0x181: {  	v1 =	vmax.f32 v1, $0.0e+00  }
0x182: {  	[tilespmem:s5+$0xFFFFFF90] =	vst v1;
	v1 =	vld [tilespmem:s5+$0xFFFFFFA0]  }
0x183: {  	v2 =	vld [tilespmem:s23+$0xFFFFFFA0];
	_ =	sdelay $0x4  }
0x184: {  	v1 =	vadd.f32 v2, v1;
	_ =	sdelay $0x1  }
0x185: {  	v1 =	vmax.f32 v1, $0.0e+00  }
0x186: {  	[tilespmem:s5+$0xFFFFFFA0] =	vst v1;
	v1 =	vld [tilespmem:s5+$0xFFFFFFB0]  }
0x187: {  	v2 =	vld [tilespmem:s23+$0xFFFFFFB0];
	_ =	sdelay $0x4  }
0x188: {  	v1 =	vadd.f32 v2, v1;
	_ =	sdelay $0x1  }
0x189: {  	v1 =	vmax.f32 v1, $0.0e+00  }
0x18a: {  	[tilespmem:s5+$0xFFFFFFB0] =	vst v1;
	v1 =	vld [tilespmem:s5+$0xFFFFFFC0]  }
0x18b: {  	v2 =	vld [tilespmem:s23+$0xFFFFFFC0];
	_ =	sdelay $0x4  }
0x18c: {  	v1 =	vadd.f32 v2, v1;
	_ =	sdelay $0x1  }
0x18d: {  	v1 =	vmax.f32 v1, $0.0e+00  }
0x18e: {  	[tilespmem:s5+$0xFFFFFFC0] =	vst v1;
	v1 =	vld [tilespmem:s5+$0xFFFFFFD0]  }
0x18f: {  	v2 =	vld [tilespmem:s23+$0xFFFFFFD0];
	_ =	sdelay $0x4  }
0x190: {  	v1 =	vadd.f32 v2, v1;
	_ =	sdelay $0x1  }
0x191: {  	v1 =	vmax.f32 v1, $0.0e+00  }
0x192: {  	[tilespmem:s5+$0xFFFFFFD0] =	vst v1;
	v1 =	vld [tilespmem:s5+$0xFFFFFFE0]  }
0x193: {  	v2 =	vld [tilespmem:s23+$0xFFFFFFE0];
	_ =	sdelay $0x4  }
0x194: {  	v1 =	vadd.f32 v2, v1;
	_ =	sdelay $0x1  }
0x195: {  	v1 =	vmax.f32 v1, $0.0e+00  }
0x196: {  	[tilespmem:s5+$0xFFFFFFE0] =	vst v1;
	v1 =	vld [tilespmem:s5+$0xFFFFFFF0]  }
0x197: {  	v2 =	vld [tilespmem:s23+$0xFFFFFFF0];
	_ =	sdelay $0x4  }
0x198: {  	v1 =	vadd.f32 v2, v1;
	_ =	sdelay $0x1  }
0x199: {  	v1 =	vmax.f32 v1, $0.0e+00  }
0x19a: {  	[tilespmem:s5+$0xFFFFFFF0] =	vst v1;
	v1 =	vld [tilespmem:s5+$0x0]  }
0x19b: {  	v2 =	vld [tilespmem:s23+$0x0];
	_ =	sdelay $0x4  }
0x19c: {  	v1 =	vadd.f32 v2, v1;
	_ =	sdelay $0x1  }
0x19d: {  	v1 =	vmax.f32 v1, $0.0e+00  }
0x19e: {  	[tilespmem:s5+$0x0] =	vst v1;
	v1 =	vld [tilespmem:s5+$0x10]  }
0x19f: {  	v2 =	vld [tilespmem:s23+$0x10];
	_ =	sdelay $0x4  }
0x1a0: {  	v1 =	vadd.f32 v2, v1;
	_ =	sdelay $0x1  }
0x1a1: {  	v1 =	vmax.f32 v1, $0.0e+00  }
0x1a2: {  	[tilespmem:s5+$0x10] =	vst v1;
	v1 =	vld [tilespmem:s5+$0x20]  }
0x1a3: {  	v2 =	vld [tilespmem:s23+$0x20];
	_ =	sdelay $0x4  }
0x1a4: {  	v1 =	vadd.f32 v2, v1;
	_ =	sdelay $0x1  }
0x1a5: {  	v1 =	vmax.f32 v1, $0.0e+00  }
0x1a6: {  	[tilespmem:s5+$0x20] =	vst v1;
	v1 =	vld [tilespmem:s5+$0x30]  }
0x1a7: {  	v2 =	vld [tilespmem:s23+$0x30];
	_ =	sdelay $0x4  }
0x1a8: {  	v1 =	vadd.f32 v2, v1;
	_ =	sdelay $0x1  }
0x1a9: {  	v1 =	vmax.f32 v1, $0.0e+00  }
0x1aa: {  	[tilespmem:s5+$0x30] =	vst v1;
	v1 =	vld [tilespmem:s5+$0x40]  }
0x1ab: {  	v2 =	vld [tilespmem:s23+$0x40];
	_ =	sdelay $0x4  }
0x1ac: {  	v1 =	vadd.f32 v2, v1;
	_ =	sdelay $0x1  }
0x1ad: {  	v1 =	vmax.f32 v1, $0.0e+00  }
0x1ae: {  	[tilespmem:s5+$0x40] =	vst v1;
	v1 =	vld [tilespmem:s5+$0x50]  }
0x1af: {  	v2 =	vld [tilespmem:s23+$0x50];
	_ =	sdelay $0x4  }
0x1b0: {  	v1 =	vadd.f32 v2, v1;
	_ =	sdelay $0x1  }
0x1b1: {  	v1 =	vmax.f32 v1, $0.0e+00  }
0x1b2: {  	[tilespmem:s5+$0x50] =	vst v1;
	v1 =	vld [tilespmem:s5+$0x60]  }
0x1b3: {  	v2 =	vld [tilespmem:s23+$0x60];
	_ =	sdelay $0x4  }
0x1b4: {  	v1 =	vadd.f32 v2, v1;
	_ =	sdelay $0x1  }
0x1b5: {  	v1 =	vmax.f32 v1, $0.0e+00  }
0x1b6: {  	[tilespmem:s5+$0x60] =	vst v1;
	v1 =	vld [tilespmem:s5+$0x70]  }
0x1b7: {  	v2 =	vld [tilespmem:s23+$0x70];
	_ =	sdelay $0x2  }
.Ltmp4:
0x1b8: {  	(pc) =	sbr.rel @p2 .LBB2_7-.Ltmp4, $3  }
0x1b9: {  	_ = 	snop  }
0x1ba: {  	v1 =	vadd.f32 v2, v1;
	_ =	sdelay $0x1  }
0x1bb: {  	s5 =	sadd.s32 $0x100, s5;
	v1 =	vmax.f32 v1, $0.0e+00  }
.Ltmp5:
0x1bc: {  	[tilespmem:s22+$0x70] =	vst v1;
	(pc) =	sbr.rel @p1 .LBB2_10-.Ltmp5, $4  }
0x1bd: {  	[spmem:s2] =	stream.indirect.scatter.add.f32 [tilespmem:s16], [sflag:$0x7], $0x80, s15, s13, $0xb8;
	[tilespmem:$0x1DE00] =	vst v63  }
0x1be: {  	_ =	swait.ge [sflag:s1], $0x2800  }
0x1bf: {  	[sflag:s1] =	ssyncset.done $0x0  }
0x1c0: {  	[sflag:s1] =	ssyncadd.s32 $0xFFFFD800  }
0x1c1: {  	_ =	swait.ge [sflag:s20], $0x100  }
.Ltmp6:
0x1c2: {  	[sflag:s20] =	ssyncset.done $0x0;
	(pc) =	sbr.rel .LBB2_4-.Ltmp6, $4  }
0x1c3: {  	[sflag:s20] =	ssyncadd.s32 $0xFFFFFF00  }
0x1c4: {  	[tilespmem:s16], [sflag:$0x2] =	stream.indirect.gather [hbm4b:s25+s13], $0x80, s15, s13, $0xb8;
	[tilespmem:$0x1DE00] =	vst v63  }
0x1c5: {  	s21 =	sadd.s32 $0x1, s21  }
0x1c6: {  	[tilespmem:s17], [sflag:$0x4] =	stream.indirect.gather [hbm4b:s26+s13], $0x80, s0, s13, $0xb8;
	[tilespmem:$0x1DE00] =	vst v63  }
.LBB2_11:
0x1c7: {  	_ =	sfence.sel $0x180000  }
0x1c8: {  	[bflag:$0x0] =	sbarrier.arrive $0xFFFF  }
0x1c9: {  	_ =	strace $0x90000047  }
0x1ca: {  	[bflag:$0x2] =	sbarrier.arrive $0xFFFF  }
0x1cb: {  	s0 =	rddreg [dreg:$0x2]  }
0x1cc: {  	s0 =	sadd.s32 @!p0 $0x100000, s0  }
0x1cd: {  	[sflag:s0] =	ssyncadd.tile.s32 @!p0 $0x1;
	_ =	shalt  }
.Lfunc_end2:
_tile_overlayer_lowered:
.L_overlay_start_2:
0x1ce: {  	(tag) =	ssettag $0x2  }
0x1cf: {  	s0 =	rddreg [dreg:$0x0];
	s2 =	stileid.u32  }
0x1d0: {  	s1 =	rddreg [dreg:$0x1];
	p0 =	sne.s32 s2, $0x0  }
0x1d1: {  	s3 =	rddreg [dreg:$0x2];
	[bflag:$0x3] =	sbarrier.arrive $0xFFFF;
	s2 =	simm.s32 @!p0 $0x1C07  }
0x1d2: {  	[timem:s3], [sflag:s2] =	dma.local @!p0 [hbm:s0], s1  }
0x1d3: {  	s0 =	simm.s32 @!p0 $0x7  }
0x1d4: {  	_ =	swait.ge @!p0 [sflag:s0], s1  }
0x1d5: {  	s1 =	ssub.s32 @!p0 $0x0, s1;
	[sflag:s0] =	ssyncset.done @!p0 $0x0  }
0x1d6: {  	[sflag:s0] =	ssyncadd.s32 @!p0 s1  }
0x1d7: {  	[bflag:$0x3] =	sbarrier.arrive $0xFFFF  }
0x1d8: {  	_ =	shalt  }

// kernel: kernel.14.cloned.1.call-start
scs
__scs_entry_jumppad:
0x0: {  	(pc) =	sbr.rel $0x88, $3  }
0x1: {  	(tag) =	ssettag $0x0;
	lr =	simm.s32 $0x1  }
0x2: {  	[smem:$0x3F88] =	sst lr;
	_ =	strace $0xD0000000  }
0x3: {  	_ = 	snop  }
0x4: {  	_ = 	snop  }
0x5: {  	_ = 	snop  }
0x6: {  	_ = 	snop  }
0x7: {  	_ = 	snop  }
__scs_overlays_trampoline_lowered:
0x8: {  	[smem:$0x3F97] =	sst s0  }
0x9: {  	[smem:$0x3F98] =	sst s1  }
0xa: {  	[smem:$0x3F99] =	sst s2  }
0xb: {  	[smem:$0x3F9A] =	sst s3  }
0xc: {  	[smem:$0x3F9B] =	sst s4  }
0xd: {  	[smem:$0x3F9C] =	sst s5  }
0xe: {  	[smem:$0x3F9D] =	sst s6  }
0xf: {  	[smem:$0x3F9E] =	sst s7  }
0x10: {  	[smem:$0x3F9F] =	sst s8  }
0x11: {  	[smem:$0x3FA0] =	sst s9;
	s0 =	simm.s32 @!p0 $0x0  }
0x12: {  	s1 =	sld [smem:$0x3F86];
	s0 =	simm.s32 @p0 $0x1  }
0x13: {  	[smem:$0x3FA1] =	sst s0;
	s0 =	simm.s32 @!p1 $0x0  }
0x14: {  	s2 =	sld [smem:$0x3F85];
	s0 =	simm.s32 @p1 $0x1  }
0x15: {  	[smem:$0x3FA2] =	sst s0;
	s0 =	simm.s32 @!p2 $0x0  }
0x16: {  	s3 =	sld [smem:$0x3FDB];
	s0 =	simm.s32 @p2 $0x1  }
0x17: {  	s4 =	simm.s32 $0x1BF5;
	[smem:$0x3FA4] =	sst s0  }
0x18: {  	s0 =	sld [smem:$0x3F87];
	_ =	swait.ge [sflag:s4], $0x0  }
0x19: {  	s7 =	sld [smem:$0x3F88]  }
0x1a: {  	s8 =	sadd.s32 $0xFFFFE003, lr  }
0x1b: {  	s9 =	sadd.s32 $0xFFFFFEF7, lr;
	s5 =	simm.s32 $0xFFFFFFFF;
	p2 =	slt.u32 s8, $0xFFFFF086  }
0x1c: {  	p1 =	slt.u32 s9, $0xF7A;
	s5 =	simm.s32 @!p2 $0x0  }
0x1d: {  	s5 =	simm.s32 @p1 $0x1;
	p0 =	seq.s32 s7, s2  }
0x1e: {  	s7 =	smul.u32 @!p0 $0xF7A, s2;
	p2 =	seq.s32 @!p0 s5, $0x0  }
0x1f: {  	s9 =	smul.u32 $0xF7A, s1;
	s8 =	simm.s32 @!p0 $0x1BF5;
	p2 =	por !p2, p0  }
0x20: {  	[sflag:s8] =	ssyncset.s32 @!p0 $0xFFFFF086;
	s6 =	sadd.s32 @!p0 s3, s7;
	s7 =	simm.s32 @!p0 $0x108  }
0x21: {  	s3 =	sadd.s32 s3, s9;
	s6 =	sadd.s32 @!p0 $0x88, s6;
	s7 =	simm.s32 @p2 $0x1082  }
0x22: {  	[simem:s7], [sflag:s8] =	dma.local @!p0 [hbm:s6], $0xF7A  }
0x23: {  	s9 =	sor.u32 $0xD0000000, s2;
	s6 =	simm.s32 $0x108;
	_ =	swait.ge @!p0 [sflag:s8], $0x0  }
0x24: {  	s3 =	sadd.s32 $0x88, s3;
	s6 =	simm.s32 @!p1 $0x1082;
	[sflag:s4] =	ssyncset.s32 $0xFFFFF086  }
0x25: {  	[simem:s6], [sflag:s4] =	dma.local [hbm:s3], $0xF7A  }
0x26: {  	[smem:$0x3F88] =	sst s1;
	(tag) =	ssettag s2;
	_ =	strace s9  }
0x27: {  	s1 =	sld [smem:$0x3F98]  }
0x28: {  	s2 =	sld [smem:$0x3F99]  }
0x29: {  	s4 =	sld [smem:$0x3F9B]  }
0x2a: {  	p0 =	seq.s32 s5, $0x0;
	s5 =	sld [smem:$0x3F9C]  }
0x2b: {  	s6 =	sld [smem:$0x3F9D]  }
0x2c: {  	s7 =	sld [smem:$0x3F9E]  }
0x2d: {  	s3 =	simm.s32 $0x108;
	s8 =	sld [smem:$0x3F9F]  }
0x2e: {  	s3 =	simm.s32 @!p0 $0x1082;
	s9 =	sld [smem:$0x3FA0]  }
0x2f: {  	lr =	sadd.s32 s0, s3;
	s0 =	sld [smem:$0x3F97]  }
0x30: {  	s3 =	sld [smem:$0x3F9A]  }
0x31: {  	[smem:$0x3FA3] =	sst s10  }
0x32: {  	s10 =	sld [smem:$0x3FA1];
	_ =	sdelay $0x3  }
0x33: {  	p0 =	seq.s32 s10, $0x1;
	s10 =	sld [smem:$0x3FA3];
	_ =	sdelay $0x3  }
0x34: {  	[smem:$0x3FA3] =	sst s10  }
0x35: {  	s10 =	sld [smem:$0x3FA2];
	_ =	sdelay $0x3  }
0x36: {  	p1 =	seq.s32 s10, $0x1;
	s10 =	sld [smem:$0x3FA3];
	_ =	sdelay $0x3  }
0x37: {  	[smem:$0x3FA3] =	sst s10  }
0x38: {  	s10 =	sld [smem:$0x3FA4]  }
0x39: {  	_ = 	snop;
	(pc) =	sbr.ind lr, $3  }
0x3a: {  	_ = 	snop  }
0x3b: {  	_ = 	snop  }
0x3c: {  	p2 =	seq.s32 s10, $0x1;
	s10 =	sld [smem:$0x3FA3]  }
0x3d: {  	_ =	shalt  }
0x3e: {  	_ =	shalt  }
0x3f: {  	_ =	shalt  }
0x40: {  	_ =	shalt  }
0x41: {  	_ =	shalt  }
0x42: {  	_ =	shalt  }
0x43: {  	_ =	shalt  }
0x44: {  	_ =	shalt  }
0x45: {  	_ =	shalt  }
0x46: {  	_ =	shalt  }
0x47: {  	_ =	shalt  }
0x48: {  	_ =	shalt  }
0x49: {  	_ =	shalt  }
0x4a: {  	_ =	shalt  }
0x4b: {  	_ =	shalt  }
0x4c: {  	_ =	shalt  }
0x4d: {  	_ =	shalt  }
0x4e: {  	_ =	shalt  }
0x4f: {  	_ =	shalt  }
0x50: {  	_ =	shalt  }
0x51: {  	_ =	shalt  }
0x52: {  	_ =	shalt  }
0x53: {  	_ =	shalt  }
0x54: {  	_ =	shalt  }
0x55: {  	_ =	shalt  }
0x56: {  	_ =	shalt  }
0x57: {  	_ =	shalt  }
0x58: {  	_ =	shalt  }
0x59: {  	_ =	shalt  }
0x5a: {  	_ =	shalt  }
0x5b: {  	_ =	shalt  }
0x5c: {  	_ =	shalt  }
0x5d: {  	_ =	shalt  }
0x5e: {  	_ =	shalt  }
0x5f: {  	_ =	shalt  }
0x60: {  	_ =	shalt  }
0x61: {  	_ =	shalt  }
0x62: {  	_ =	shalt  }
0x63: {  	_ =	shalt  }
0x64: {  	_ =	shalt  }
0x65: {  	_ =	shalt  }
0x66: {  	_ =	shalt  }
0x67: {  	_ =	shalt  }
0x68: {  	_ =	shalt  }
0x69: {  	_ =	shalt  }
0x6a: {  	_ =	shalt  }
0x6b: {  	_ =	shalt  }
0x6c: {  	_ =	shalt  }
0x6d: {  	_ =	shalt  }
0x6e: {  	_ =	shalt  }
0x6f: {  	_ =	shalt  }
0x70: {  	_ =	shalt  }
0x71: {  	_ =	shalt  }
0x72: {  	_ =	shalt  }
0x73: {  	_ =	shalt  }
0x74: {  	_ =	shalt  }
0x75: {  	_ =	shalt  }
0x76: {  	_ =	shalt  }
0x77: {  	_ =	shalt  }
0x78: {  	_ =	shalt  }
0x79: {  	_ =	shalt  }
0x7a: {  	_ =	shalt  }
0x7b: {  	_ =	shalt  }
0x7c: {  	_ =	shalt  }
0x7d: {  	_ =	shalt  }
0x7e: {  	_ =	shalt  }
0x7f: {  	_ =	shalt  }
0x80: {  	_ =	shalt  }
0x81: {  	_ =	shalt  }
0x82: {  	_ =	shalt  }
0x83: {  	_ =	shalt  }
0x84: {  	_ =	shalt  }
0x85: {  	_ =	shalt  }
0x86: {  	_ =	shalt  }
0x87: {  	_ =	shalt  }
.Lfunc_end0:
.L_simem_size_0:
called_computation.2_lowered:
.L_overlay_start_0:
0x88: {  	s2 =	sld [smem:$0x3FD9]  }
0x89: {  	s3 =	sld [smem:$0x3FFE];
	_ =	sdelay $0x1  }
0x8a: {  	s1 =	srdreg.scid  }
0x8b: {  	s0 =	sand.u32 $0x1, s1  }
0x8c: {  	s16 =	sshll.u32 s0, $0xA;
	s2 =	sadd.s32 s3, s2  }
0x8d: {  	s2 =	sadd.s32 s2, s16  }
0x8e: {  	[smem:$0x3FAF] =	sst s2  }
0x8f: {  	_ = 	snop  }
0x90: {  	(tm) =	ssettm $0x1  }
0x91: {  	s17 =	sld [smem:$0x3FFB];
	_ =	sdelay $0x3  }
0x92: {  	_ =	strace s17  }
0x93: {  	s2 =	sld [smem:$0x3FFC];
	_ =	sdelay $0x3  }
0x94: {  	_ =	strace s2  }
0x95: {  	s2 =	sld [smem:$0x3FFD];
	_ =	sdelay $0x3  }
0x96: {  	_ =	strace s2  }
0x97: {  	_ =	strace $0x8FFFFFFF  }
0x98: {  	s18 =	sld [smem:$0x3FDB];
	_ =	sdelay $0x1  }
0x99: {  	s19 =	simm.s32 $_scs_section_size  }
0x9a: {  	s4 =	simm.s32 $_size__tile_overlayer_lowered;
	s5 =	simm.s32 $_tile_overlayer_lowered  }
0x9b: {  	s22 =	simm.s32 $0x1BFF;
	s21 =	sshll.u32 s5, $0x1;
	s2 =	sadd.s32 s19, s18  }
0x9c: {  	s6 =	simm.s32 $0x0;
	s20 =	sshll.u32 s4, $0x1;
	s4 =	sadd.s32 s21, s2  }
0x9d: {  	[timem:s6], [sflag:s22] =	dma.local [hbm:s4], s20  }
0x9e: {  	_ =	swait.ge [sflag:s22], s20  }
0x9f: {  	s3 =	ssub.s32 $0x0, s20;
	[sflag:s22] =	ssyncset.done $0x0  }
0xa0: {  	[sflag:s22] =	ssyncadd.s32 s3;
	_ =	sdelay $0x1  }
0xa1: {  	s23 =	simm.s32 $0x1B8B  }
0xa2: {  	_ =	swait.ge [sflag:s23], $0x1  }
0xa3: {  	[sflag:s23] =	ssyncset.done $0x0  }
0xa4: {  	s25 =	simm.s32 $0x1B8E;
	s24 =	sld [smem:$0x3FFE];
	[sflag:s23] =	ssyncadd.s32 $0xFFFFFFFF  }
0xa5: {  	s26 =	simm.s32 $execute0_lowered;
	[smem:$0x3FD2] =	sst s25  }
0xa6: {  	s4 =	sshll.u32 s26, $0x1;
	_ =	strace $0x8000004C;
	[dreg:$0x1] =	wrdreg $0xFFFFFFFF  }
0xa7: {  	s28 =	simm.s32 $_size_execute0_lowered;
	s2 =	sadd.s32 s2, s4;
	[dreg:$0x0] =	wrdreg $0x0  }
0xa8: {  	s4 =	sshll.u32 s28, $0x1;
	[dreg:$0x2] =	wrdreg s2  }
0xa9: {  	[dreg:$0x3] =	wrdreg s4  }
0xaa: {  	[dreg:$0x4] =	wrdreg $0xC0  }
0xab: {  	_ =	task [dreg:s6], $0x5FFFF  }
0xac: {  	[dreg:$0x1] =	wrdreg $0xFFFFFFFF  }
0xad: {  	[dreg:$0x0] =	wrdreg $0x60  }
0xae: {  	[dreg:$0x2] =	wrdreg s24  }
0xaf: {  	[dreg:$0x3] =	wrdreg $0xA2000  }
0xb0: {  	[dreg:$0x4] =	wrdreg $0x9  }
0xb1: {  	_ =	task.clear_ibuf [dreg:s6], $0x5FFFF;
	_ =	strace $0x9000004C  }
0xb2: {  	s29 =	simm.s32 $0x9;
	_ =	strace $0x8000004E  }
0xb3: {  	_ =	swait.ge [sflag:s29], $0x1  }
0xb4: {  	[sflag:s29] =	ssyncadd.s32 $0xFFFFFFFF  }
0xb5: {  	_ =	strace $0x9000004E  }
0xb6: {  	_ =	sfence  }
0xb7: {  	s30 =	sld [smem:$0x0];
	_ =	sdelay $0x2  }
0xb8: {  	s31 =	sshll.u32 s1, $0xD;
	s1 =	sshrl.u32 s1, $0x2  }
0xb9: {  	s3 =	sand.u32 $0x4000, s31;
	s1 =	sadd.s32 s1, s30  }
0xba: {  	s0 =	sor.u32 s3, s0;
	s1 =	sshll.u32 s1, $0x11  }
0xbb: {  	s0 =	sor.u32 s1, s0  }
0xbc: {  	s0 =	sadd.s32 $0x8F2B, s0  }
0xbd: {  	[sflag:s0] =	ssyncadd.remote.s32 $0x1  }
0xbe: {  	_ =	sfence.sel $0xFFFF  }
0xbf: {  	[dreg:$0x0] =	wrdreg $0xFFFFFFFF;
	(pc) =	sbr.abs _section_cstart, $3  }
0xc0: {  	[dreg:$0x1] =	wrdreg $0xFFFFFFFF  }
0xc1: {  	_ =	task.clear_ibuf [dreg:s6], $0x2FFFF;
	_ =	strace $0x9FFFFFFF  }
0xc2: {  	(tm) =	ssettm $0x7FFFFFFF  }
0xc3: {  	_ =	shalt  }
tec
execute0_lowered:
.L_overlay_start_1:
0x0: {  	(tag) =	ssettag $0x1  }
0x1: {  	s1 =	srdreg.scid  }
0x2: {  	s24 =	stileid.u32;
	s0 =	rddreg [dreg:$0x0]  }
0x3: {  	s2 =	rddreg [dreg:$0x1];
	s30 =	simm.s32 $0x200;
	s31 =	simm.s32 $0x7  }
0x4: {  	s1 =	sand.u32 $0x1, s1;
	s3 =	sshll.u32 s24, $0x1;
	s6 =	smul.u32 $0x4F000, s24  }
0x5: {  	s13 =	smul.u32 $0x13C00, s24;
	s15 =	sadd.s32 $0x4CE00, s0;
	s28 =	sadd.s32 $0x5660, s0  }
0x6: {  	s4 =	sor.u32 s1, s3;
	s7 =	ssub.s32 $0x2, s1;
	s1 =	smul.u32 $0x140000, s1  }
0x7: {  	p0 =	sne.s32 s24, $0x0;
	s3 =	simm.s32 $0x0;
	s5 =	smul.u32 $0xFC0, s4  }
0x8: {  	[smem:$0x7FF] =	sst s3;
	s11 =	sshrl.u32 s7, $0x1;
	s12 =	sshrl.u32 s6, $0x2  }
0x9: {  	s17 =	sadd.s32 $0x2800, s13;
	s4 =	smul.u32 $0x7E, s4;
	s18 =	sadd.s32 $0x5000, s13  }
0xa: {  	s19 =	sadd.s32 $0x7800, s13;
	s20 =	sadd.s32 $0xA000, s13;
	s21 =	sadd.s32 $0xC800, s13  }
0xb: {  	s22 =	sadd.s32 $0xF000, s13;
	s23 =	sadd.s32 $0x11800, s13;
	_ =	strace $0x8000004D  }
0xc: {  	s16 =	ssub.s32 s7, s11;
	s6 =	sadd.s32 s17, s2;
	s7 =	sadd.s32 s18, s2  }
0xd: {  	s8 =	sadd.s32 s19, s2;
	s9 =	sadd.s32 s20, s2;
	s10 =	sadd.s32 s21, s2  }
0xe: {  	s11 =	sadd.s32 s22, s2;
	s13 =	sadd.s32 s13, s1;
	s17 =	sadd.s32 s1, s17  }
0xf: {  	s18 =	sadd.s32 s1, s18;
	s19 =	sadd.s32 s1, s19;
	s20 =	sadd.s32 s1, s20  }
0x10: {  	s21 =	sadd.s32 s1, s21;
	s22 =	sadd.s32 s1, s22;
	s14 =	sadd.s32 s5, s0  }
0x11: {  	s5 =	sadd.s32 s12, s2;
	s12 =	sadd.s32 s23, s2;
	s23 =	sadd.s32 s1, s23  }
0x12: {  	s1 =	sshrl.u32 s1, $0x3;
	s13 =	sshrl.u32 s13, $0x3;
	s17 =	sshrl.u32 s17, $0x3  }
0x13: {  	s18 =	sshrl.u32 s18, $0x3;
	s25 =	sshrl.u32 s19, $0x3;
	s13 =	sadd.s32 s15, s13  }
0x14: {  	s26 =	sshrl.u32 s20, $0x3;
	s17 =	sadd.s32 s15, s17;
	[dreg:$0x3] =	wrdreg s13  }
0x15: {  	s19 =	sshrl.u32 s22, $0x3;
	s29 =	sadd.s32 s15, s25;
	[dreg:$0x4] =	wrdreg s17  }
0x16: {  	s1 =	sadd.s32 s15, s1;
	s25 =	sadd.s32 $0x5600, s14;
	[dreg:$0x6] =	wrdreg s29  }
0x17: {  	s20 =	sshrl.u32 s23, $0x3;
	s13 =	sadd.s32 s15, s18;
	[dreg:$0xd] =	wrdreg s25  }
0x18: {  	s17 =	sadd.s32 s15, s26;
	s18 =	sshrl.u32 s21, $0x3;
	[dreg:$0x5] =	wrdreg s13  }
0x19: {  	s21 =	sadd.s32 s15, s19;
	s22 =	sadd.s32 s15, s20;
	[dreg:$0x7] =	wrdreg s17  }
0x1a: {  	s23 =	sadd.s32 $0x27800, s1;
	s1 =	sadd.s32 $0x27D00, s1;
	[dreg:$0x9] =	wrdreg s21  }
0x1b: {  	s26 =	sadd.s32 $0x5620, s14;
	s25 =	sadd.s32 $0x24E00, s0;
	[dreg:$0xa] =	wrdreg s22  }
0x1c: {  	s29 =	smax.u32 s16, $0x1;
	s14 =	simm.s32 $0x180;
	[dreg:$0xb] =	wrdreg s23  }
.Ltmp0:
0x1d: {  	s16 =	simm.s32 $0x7A00;
	[dreg:$0xc] =	wrdreg s1;
	(pc) =	sbr.rel .LBB2_1-.Ltmp0, $4  }
0x1e: {  	s19 =	simm.s32 $0x6;
	s13 =	sadd.s32 s15, s18;
	[dreg:$0xe] =	wrdreg s26  }
0x1f: {  	s26 =	sadd.s32 $0x5640, s0;
	[dreg:$0xf] =	wrdreg s29;
	s1 =	simm.s32 $0x100  }
0x20: {  	s0 =	simm.s32 $0x50;
	s15 =	simm.s32 $0x2A00;
	s17 =	simm.s32 $0x1  }
0x21: {  	v0 =	vimm.f32 $0.0e+00;
	s18 =	simm.s32 $0x3;
	[dreg:$0x8] =	wrdreg s13;
	s13 =	simm.s32 $0x80  }
.LBB2_10:
0x22: {  	s20 =	stileid.u32  }
0x23: {  	[bflag:$0x0] =	sbarrier.arrive $0xFFFF;
	s20 =	sshll.u32 s20, $0x6  }
0x24: {  	s21 =	sshrl.u32 s5, $0x3;
	s22 =	rddreg [dreg:$0x3];
	s20 =	sor.u32 $0x1C07, s20  }
0x25: {  	[hbm:s22], [sflag:s20] =	dma.local [spmem:s21], $0x500  }
0x26: {  	_ =	swait.ge [sflag:s31], $0x500  }
0x27: {  	[sflag:s31] =	ssyncset.done $0x0  }
0x28: {  	s22 =	sshrl.u32 s6, $0x3;
	s23 =	rddreg [dreg:$0x4];
	[sflag:s31] =	ssyncadd.s32 $0xFFFFFB00  }
0x29: {  	[hbm:s23], [sflag:s20] =	dma.local [spmem:s22], $0x500  }
0x2a: {  	_ =	swait.ge [sflag:s31], $0x500  }
0x2b: {  	[sflag:s31] =	ssyncset.done $0x0  }
0x2c: {  	s24 =	sshrl.u32 s7, $0x3;
	s29 =	rddreg [dreg:$0x5];
	[sflag:s31] =	ssyncadd.s32 $0xFFFFFB00  }
0x2d: {  	[hbm:s29], [sflag:s20] =	dma.local [spmem:s24], $0x500  }
0x2e: {  	_ =	swait.ge [sflag:s31], $0x500  }
0x2f: {  	[sflag:s31] =	ssyncset.done $0x0  }
0x30: {  	s22 =	sshrl.u32 s8, $0x3;
	s23 =	rddreg [dreg:$0x6];
	[sflag:s31] =	ssyncadd.s32 $0xFFFFFB00  }
0x31: {  	[hbm:s23], [sflag:s20] =	dma.local [spmem:s22], $0x500  }
0x32: {  	_ =	swait.ge [sflag:s31], $0x500  }
0x33: {  	[sflag:s31] =	ssyncset.done $0x0  }
0x34: {  	s24 =	sshrl.u32 s9, $0x3;
	s29 =	rddreg [dreg:$0x7];
	[sflag:s31] =	ssyncadd.s32 $0xFFFFFB00  }
0x35: {  	[hbm:s29], [sflag:s20] =	dma.local [spmem:s24], $0x500  }
0x36: {  	_ =	swait.ge [sflag:s31], $0x500  }
0x37: {  	[sflag:s31] =	ssyncset.done $0x0  }
0x38: {  	s22 =	sshrl.u32 s10, $0x3;
	s23 =	rddreg [dreg:$0x8];
	[sflag:s31] =	ssyncadd.s32 $0xFFFFFB00  }
0x39: {  	[hbm:s23], [sflag:s20] =	dma.local [spmem:s22], $0x500  }
0x3a: {  	_ =	swait.ge [sflag:s31], $0x500  }
0x3b: {  	[sflag:s31] =	ssyncset.done $0x0  }
0x3c: {  	s24 =	sshrl.u32 s11, $0x3;
	s29 =	rddreg [dreg:$0x9];
	[sflag:s31] =	ssyncadd.s32 $0xFFFFFB00  }
0x3d: {  	[hbm:s29], [sflag:s20] =	dma.local [spmem:s24], $0x500  }
0x3e: {  	_ =	swait.ge [sflag:s31], $0x500  }
0x3f: {  	[sflag:s31] =	ssyncset.done $0x0  }
0x40: {  	s23 =	sshrl.u32 s12, $0x3;
	s24 =	rddreg [dreg:$0xa];
	[sflag:s31] =	ssyncadd.s32 $0xFFFFFB00  }
0x41: {  	[hbm:s24], [sflag:s20] =	dma.local [spmem:s23], $0x480  }
0x42: {  	_ =	swait.ge [sflag:s31], $0x480  }
0x43: {  	s3 =	sadd.s32 $0x1, s3;
	s29 =	rddreg [dreg:$0xf]  }
0x44: {  	p1 =	sne.s32 s3, s29  }
.Ltmp1:
0x45: {  	_ = 	snop;
	(pc) =	sbr.rel @!p1 .LBB2_11-.Ltmp1, $3  }
0x46: {  	_ =	sdelay $0x1  }
0x47: {  	[sflag:s31] =	ssyncset.done $0x0  }
0x48: {  	[sflag:s31] =	ssyncadd.s32 $0xFFFFFB80  }
.LBB2_1:
0x49: {  	s20 =	simm.s32 $0x0;
	s21 =	simm.s32 $0x200  }
.LBB2_2:
0x4a: {  	p1 =	sne.s32 s21, $0x9E00;
	[tilespmem:s20+$0x270] =	vst v0  }
0x4b: {  	[tilespmem:s20+$0x200] =	vst v0  }
0x4c: {  	[tilespmem:s20+$0x210] =	vst v0  }
.Ltmp2:
0x4d: {  	[tilespmem:s20+$0x220] =	vst v0;
	(pc) =	sbr.rel @p1 .LBB2_2-.Ltmp2, $4  }
0x4e: {  	[tilespmem:s20+$0x230] =	vst v0  }
0x4f: {  	[tilespmem:s20+$0x240] =	vst v0  }
0x50: {  	[tilespmem:s20+$0x250] =	vst v0  }
0x51: {  	[tilespmem:s20+$0x260] =	vst v0;
	s20 =	sshra.s32 s21, $0x2;
	s21 =	sadd.s32 $0x200, s21  }
0x52: {  	[tilespmem:s20+$0x270] =	vst v0  }
0x53: {  	[tilespmem:s20+$0x200] =	vst v0  }
0x54: {  	[tilespmem:s20+$0x210] =	vst v0  }
0x55: {  	[tilespmem:s20+$0x220] =	vst v0  }
0x56: {  	[tilespmem:s20+$0x230] =	vst v0  }
0x57: {  	[tilespmem:s20+$0x240] =	vst v0  }
0x58: {  	[tilespmem:s20+$0x250] =	vst v0  }
0x59: {  	[tilespmem:s20+$0x260] =	vst v0  }
0x5a: {  	[spmem:s5] =	stream.linear.scatter [tilespmem:s30], [sflag:$0x7], $0x2800, $0x38;
	[tilespmem:$0x1DE00] =	vst v63  }
0x5b: {  	_ =	swait.ge [sflag:s31], $0x2800  }
0x5c: {  	[sflag:s31] =	ssyncset.done $0x0  }
0x5d: {  	[sflag:s31] =	ssyncadd.s32 $0xFFFFD800  }
0x5e: {  	[spmem:s6] =	stream.linear.scatter [tilespmem:s30], [sflag:$0x7], $0x2800, $0x38;
	[tilespmem:$0x1DE00] =	vst v63  }
0x5f: {  	_ =	swait.ge [sflag:s31], $0x2800  }
0x60: {  	[sflag:s31] =	ssyncset.done $0x0  }
0x61: {  	[sflag:s31] =	ssyncadd.s32 $0xFFFFD800  }
0x62: {  	[spmem:s7] =	stream.linear.scatter [tilespmem:s30], [sflag:$0x7], $0x2800, $0x38;
	[tilespmem:$0x1DE00] =	vst v63  }
0x63: {  	_ =	swait.ge [sflag:s31], $0x2800  }
0x64: {  	[sflag:s31] =	ssyncset.done $0x0  }
0x65: {  	[sflag:s31] =	ssyncadd.s32 $0xFFFFD800  }
0x66: {  	[spmem:s8] =	stream.linear.scatter [tilespmem:s30], [sflag:$0x7], $0x2800, $0x38;
	[tilespmem:$0x1DE00] =	vst v63  }
0x67: {  	_ =	swait.ge [sflag:s31], $0x2800  }
0x68: {  	[sflag:s31] =	ssyncset.done $0x0  }
0x69: {  	[sflag:s31] =	ssyncadd.s32 $0xFFFFD800  }
0x6a: {  	[spmem:s9] =	stream.linear.scatter [tilespmem:s30], [sflag:$0x7], $0x2800, $0x38;
	[tilespmem:$0x1DE00] =	vst v63  }
0x6b: {  	_ =	swait.ge [sflag:s31], $0x2800  }
0x6c: {  	[sflag:s31] =	ssyncset.done $0x0  }
0x6d: {  	[sflag:s31] =	ssyncadd.s32 $0xFFFFD800  }
0x6e: {  	[spmem:s10] =	stream.linear.scatter [tilespmem:s30], [sflag:$0x7], $0x2800, $0x38;
	[tilespmem:$0x1DE00] =	vst v63  }
0x6f: {  	_ =	swait.ge [sflag:s31], $0x2800  }
0x70: {  	[sflag:s31] =	ssyncset.done $0x0  }
0x71: {  	[sflag:s31] =	ssyncadd.s32 $0xFFFFD800  }
0x72: {  	[spmem:s11] =	stream.linear.scatter [tilespmem:s30], [sflag:$0x7], $0x2800, $0x38;
	[tilespmem:$0x1DE00] =	vst v63  }
0x73: {  	_ =	swait.ge [sflag:s31], $0x2800  }
0x74: {  	[sflag:s31] =	ssyncset.done $0x0  }
0x75: {  	[sflag:s31] =	ssyncadd.s32 $0xFFFFD800  }
0x76: {  	[spmem:s12] =	stream.linear.scatter [tilespmem:s30], [sflag:$0x7], $0x2400, $0x38;
	[tilespmem:$0x1DE00] =	vst v63  }
0x77: {  	_ =	swait.ge [sflag:s31], $0x2400  }
0x78: {  	s20 =	simm.s32 @!p0 $0x0;
	[sflag:s31] =	ssyncset.done $0x0  }
0x79: {  	s21 =	simm.s32 @!p0 $0x200;
	s22 =	rddreg [dreg:$0xb];
	[sflag:s31] =	ssyncadd.s32 $0xFFFFDC00  }
0x7a: {  	[hbm4b:s22+s20] =	stream.linear.scatter @!p0 [tilespmem:s21], [sflag:$0x7], $0x2800, $0x38;
	[tilespmem:$0x1DE00] =	vst v63  }
0x7b: {  	s22 =	simm.s32 @!p0 $0x7  }
0x7c: {  	_ =	swait.ge @!p0 [sflag:s22], $0x2800  }
0x7d: {  	[sflag:s22] =	ssyncset.done @!p0 $0x0  }
0x7e: {  	s23 =	rddreg [dreg:$0xc];
	[sflag:s22] =	ssyncadd.s32 @!p0 $0xFFFFD800  }
0x7f: {  	[hbm4b:s23+s20] =	stream.linear.scatter @!p0 [tilespmem:s21], [sflag:$0x7], $0x1800, $0x38;
	[tilespmem:$0x1DE00] =	vst v63  }
0x80: {  	_ =	swait.ge @!p0 [sflag:s22], $0x1800  }
0x81: {  	[sflag:s22] =	ssyncset.done @!p0 $0x0  }
0x82: {  	[sflag:s22] =	ssyncadd.s32 @!p0 $0xFFFFE800  }
0x83: {  	[bflag:$0x0] =	sbarrier.arrive $0xFFFF  }
0x84: {  	s20 =	simm.s32 $0x0;
	s23 =	rddreg [dreg:$0xd]  }
0x85: {  	[tilespmem:s20], [sflag:$0x7] =	stream.linear.gather [hbm4b:s23+s20], $0x100, $0x38;
	[tilespmem:$0x1DE00] =	vst v63  }
0x86: {  	_ =	swait.ge [sflag:s31], $0x100  }
0x87: {  	[sflag:s31] =	ssyncset.done $0x0  }
0x88: {  	s24 =	rddreg [dreg:$0xe];
	[sflag:s31] =	ssyncadd.s32 $0xFFFFFF00  }
0x89: {  	[tilespmem:s1], [sflag:$0x7] =	stream.linear.gather [hbm4b:s24+s20], $0x100, $0x38;
	[tilespmem:$0x1DE00] =	vst v63  }
0x8a: {  	_ =	swait.ge [sflag:s31], $0x100  }
0x8b: {  	[sflag:s31] =	ssyncset.done $0x0  }
0x8c: {  	[sflag:s31] =	ssyncadd.s32 $0xFFFFFF00  }
0x8d: {  	[tilespmem:s30], [sflag:$0x1] =	stream.indirect.gather [hbm4b:s25+s0], $0x80, s13, s0, $0xb8;
	[tilespmem:$0x1DE00] =	vst v63  }
0x8e: {  	s29 =	simm.s32 $0x5200  }
0x8f: {  	[tilespmem:s29], [sflag:$0x3] =	stream.indirect.gather [hbm4b:s25+s0], $0x80, s20, s0, $0xb8;
	[tilespmem:$0x1DE00] =	vst v63  }
0x90: {  	_ = 	snop  }
0x91: {  	[tilespmem:s15], [sflag:$0x2] =	stream.indirect.gather [hbm4b:s25+s0], $0x80, s14, s0, $0xb8;
	[tilespmem:$0x1DE00] =	vst v63  }
0x92: {  	_ = 	snop  }
0x93: {  	[tilespmem:s16], [sflag:$0x4] =	stream.indirect.gather [hbm4b:s25+s0], $0x80, s1, s0, $0xb8;
	[tilespmem:$0x1DE00] =	vst v63  }
.LBB2_4:
0x94: {  	_ =	swait.ge [sflag:s17], $0x2800  }
0x95: {  	[sflag:s17] =	ssyncset.done $0x0  }
0x96: {  	s21 =	sshll.u32 s20, $0x1;
	[sflag:s17] =	ssyncadd.s32 $0xFFFFD800  }
0x97: {  	p1 =	seq.s32 s20, $0x3E;
	s21 =	sadd.s32 s4, s21;
	_ =	swait.ge [sflag:s18], $0x2800  }
0x98: {  	s21 =	sshll.u32 @!p1 s21, $0x5;
	[sflag:s18] =	ssyncset.done $0x0  }
0x99: {  	s23 =	simm.s32 @!p1 $0x0;
	s22 =	sadd.s32 @!p1 s21, s26;
	[sflag:s18] =	ssyncadd.s32 $0xFFFFD800  }
0x9a: {  	[tilespmem:s23], [sflag:$0x5] =	stream.linear.gather @!p1 [hbm4b:s22+s23], $0x100, $0x38;
	[tilespmem:$0x1DE00] =	vst v63  }
0x9b: {  	s22 =	simm.s32 $0x280  }
0x9c: {  	s23 =	simm.s32 $0x52C0;
	v1 =	vld [tilespmem:s22+$0xFFFFFF80]  }
0x9d: {  	v2 =	vld [tilespmem:s23+$0xFFFFFF80];
	_ =	sdelay $0x4  }
0x9e: {  	v1 =	vadd.f32 v2, v1;
	_ =	sdelay $0x1  }
0x9f: {  	v1 =	vmax.f32 v1, $0.0e+00  }
0xa0: {  	[tilespmem:s22+$0xFFFFFF80] =	vst v1;
	v1 =	vld [tilespmem:s22+$0xFFFFFF90]  }
0xa1: {  	v2 =	vld [tilespmem:s23+$0xFFFFFF90];
	_ =	sdelay $0x4  }
0xa2: {  	v1 =	vadd.f32 v2, v1;
	_ =	sdelay $0x1  }
0xa3: {  	v1 =	vmax.f32 v1, $0.0e+00  }
0xa4: {  	[tilespmem:s22+$0xFFFFFF90] =	vst v1;
	v1 =	vld [tilespmem:s22+$0xFFFFFFA0]  }
0xa5: {  	v2 =	vld [tilespmem:s23+$0xFFFFFFA0];
	_ =	sdelay $0x4  }
0xa6: {  	v1 =	vadd.f32 v2, v1;
	_ =	sdelay $0x1  }
0xa7: {  	v1 =	vmax.f32 v1, $0.0e+00  }
0xa8: {  	[tilespmem:s22+$0xFFFFFFA0] =	vst v1;
	v1 =	vld [tilespmem:s22+$0xFFFFFFB0]  }
0xa9: {  	v2 =	vld [tilespmem:s23+$0xFFFFFFB0];
	_ =	sdelay $0x4  }
0xaa: {  	v1 =	vadd.f32 v2, v1;
	_ =	sdelay $0x1  }
0xab: {  	v1 =	vmax.f32 v1, $0.0e+00  }
0xac: {  	[tilespmem:s22+$0xFFFFFFB0] =	vst v1;
	v1 =	vld [tilespmem:s22+$0x0]  }
0xad: {  	v2 =	vld [tilespmem:s23+$0x0];
	_ =	sdelay $0x4  }
0xae: {  	v1 =	vadd.f32 v2, v1;
	_ =	sdelay $0x1  }
0xaf: {  	v1 =	vmax.f32 v1, $0.0e+00  }
0xb0: {  	[tilespmem:s22+$0x0] =	vst v1;
	v1 =	vld [tilespmem:s22+$0x10]  }
0xb1: {  	v2 =	vld [tilespmem:s23+$0x10];
	_ =	sdelay $0x4  }
0xb2: {  	v1 =	vadd.f32 v2, v1;
	_ =	sdelay $0x1  }
0xb3: {  	v1 =	vmax.f32 v1, $0.0e+00  }
0xb4: {  	[tilespmem:s22+$0x10] =	vst v1;
	v1 =	vld [tilespmem:s22+$0x20]  }
0xb5: {  	v2 =	vld [tilespmem:s23+$0x20];
	_ =	sdelay $0x4  }
0xb6: {  	v1 =	vadd.f32 v2, v1;
	_ =	sdelay $0x1  }
0xb7: {  	v1 =	vmax.f32 v1, $0.0e+00  }
0xb8: {  	[tilespmem:s22+$0x20] =	vst v1;
	v1 =	vld [tilespmem:s22+$0x30]  }
0xb9: {  	v2 =	vld [tilespmem:s23+$0x30];
	_ =	sdelay $0x4  }
0xba: {  	v1 =	vadd.f32 v2, v1;
	_ =	sdelay $0x1  }
0xbb: {  	s24 =	simm.s32 $0x0;
	s29 =	simm.s32 $0x380;
	v1 =	vmax.f32 v1, $0.0e+00  }
.LBB2_5:
0xbc: {  	v2 =	vld [tilespmem:s29+$0xFFFFFF80];
	[tilespmem:s22+$0x30] =	vst v1;
	s23 =	sadd.s32 $0x100, s23;
	s22 =	smov.u32 s29  }
0xbd: {  	s24 =	sadd.s32 $0x2, s24;
	v1 =	vld [tilespmem:s23+$0xFFFFFF80]  }
0xbe: {  	p2 =	slt.u32 s24, $0x4E;
	_ =	sdelay $0x3  }
0xbf: {  	v1 =	vadd.f32 v1, v2;
	_ =	sdelay $0x1  }
0xc0: {  	v1 =	vmax.f32 v1, $0.0e+00  }
0xc1: {  	[tilespmem:s29+$0xFFFFFF80] =	vst v1;
	v1 =	vld [tilespmem:s29+$0xFFFFFF90]  }
0xc2: {  	v2 =	vld [tilespmem:s23+$0xFFFFFF90];
	_ =	sdelay $0x4  }
0xc3: {  	v1 =	vadd.f32 v2, v1;
	_ =	sdelay $0x1  }
0xc4: {  	v1 =	vmax.f32 v1, $0.0e+00  }
0xc5: {  	[tilespmem:s29+$0xFFFFFF90] =	vst v1;
	v1 =	vld [tilespmem:s29+$0xFFFFFFA0]  }
0xc6: {  	v2 =	vld [tilespmem:s23+$0xFFFFFFA0];
	_ =	sdelay $0x4  }
0xc7: {  	v1 =	vadd.f32 v2, v1;
	_ =	sdelay $0x1  }
0xc8: {  	v1 =	vmax.f32 v1, $0.0e+00  }
0xc9: {  	[tilespmem:s29+$0xFFFFFFA0] =	vst v1;
	v1 =	vld [tilespmem:s29+$0xFFFFFFB0]  }
0xca: {  	v2 =	vld [tilespmem:s23+$0xFFFFFFB0];
	_ =	sdelay $0x4  }
0xcb: {  	v1 =	vadd.f32 v2, v1;
	_ =	sdelay $0x1  }
0xcc: {  	v1 =	vmax.f32 v1, $0.0e+00  }
0xcd: {  	[tilespmem:s29+$0xFFFFFFB0] =	vst v1;
	v1 =	vld [tilespmem:s29+$0x0]  }
0xce: {  	v2 =	vld [tilespmem:s23+$0x0];
	_ =	sdelay $0x4  }
0xcf: {  	v1 =	vadd.f32 v2, v1;
	_ =	sdelay $0x1  }
0xd0: {  	v1 =	vmax.f32 v1, $0.0e+00  }
0xd1: {  	[tilespmem:s29+$0x0] =	vst v1;
	v1 =	vld [tilespmem:s29+$0x10]  }
0xd2: {  	v2 =	vld [tilespmem:s23+$0x10];
	_ =	sdelay $0x4  }
0xd3: {  	v1 =	vadd.f32 v2, v1;
	_ =	sdelay $0x1  }
0xd4: {  	v1 =	vmax.f32 v1, $0.0e+00  }
0xd5: {  	[tilespmem:s29+$0x10] =	vst v1;
	v1 =	vld [tilespmem:s29+$0x20]  }
0xd6: {  	v2 =	vld [tilespmem:s23+$0x20];
	_ =	sdelay $0x4  }
0xd7: {  	v1 =	vadd.f32 v2, v1;
	_ =	sdelay $0x1  }
0xd8: {  	v1 =	vmax.f32 v1, $0.0e+00  }
0xd9: {  	[tilespmem:s29+$0x20] =	vst v1;
	v1 =	vld [tilespmem:s29+$0x30]  }
0xda: {  	v2 =	vld [tilespmem:s23+$0x30];
	_ =	sdelay $0x2  }
.Ltmp3:
0xdb: {  	(pc) =	sbr.rel @p2 .LBB2_5-.Ltmp3, $3  }
0xdc: {  	_ = 	snop  }
0xdd: {  	v1 =	vadd.f32 v2, v1;
	_ =	sdelay $0x1  }
0xde: {  	s29 =	sadd.s32 $0x100, s29;
	v1 =	vmax.f32 v1, $0.0e+00  }
0xdf: {  	[tilespmem:s22+$0x30] =	vst v1  }
0xe0: {  	[spmem:s2] =	stream.indirect.scatter.add.f32 [tilespmem:s30], [sflag:$0x7], $0x80, s13, s0, $0xb8;
	[tilespmem:$0x1DE00] =	vst v63  }
0xe1: {  	_ =	swait.ge [sflag:s31], $0x2800  }
0xe2: {  	[sflag:s31] =	ssyncset.done $0x0  }
0xe3: {  	s22 =	simm.s32 @p1 $0x2;
	[sflag:s31] =	ssyncadd.s32 $0xFFFFD800  }
0xe4: {  	_ =	swait.ge @p1 [sflag:s22], $0x2800  }
0xe5: {  	[sflag:s22] =	ssyncset.done @p1 $0x0  }
0xe6: {  	[sflag:s22] =	ssyncadd.s32 @p1 $0xFFFFD800;
	s22 =	simm.s32 @p1 $0x4  }
0xe7: {  	_ =	swait.ge @p1 [sflag:s22], $0x2800  }
0xe8: {  	[sflag:s22] =	ssyncset.done @p1 $0x0  }
0xe9: {  	[sflag:s22] =	ssyncadd.s32 @p1 $0xFFFFD800;
	s22 =	simm.s32 @!p1 $0x5  }
0xea: {  	_ =	swait.ge @!p1 [sflag:s22], $0x100  }
0xeb: {  	s23 =	simm.s32 @!p1 $0x80;
	[sflag:s22] =	ssyncset.done @!p1 $0x0  }
0xec: {  	s24 =	simm.s32 @!p1 $0x200;
	[sflag:s22] =	ssyncadd.s32 @!p1 $0xFFFFFF00;
	s22 =	simm.s32 @!p1 $0x50  }
0xed: {  	[tilespmem:s24], [sflag:$0x1] =	stream.indirect.gather @!p1 [hbm4b:s25+s22], $0x80, s23, s22, $0xb8;
	[tilespmem:$0x1DE00] =	vst v63  }
0xee: {  	s23 =	simm.s32 @!p1 $0x0;
	s24 =	simm.s32 @!p1 $0x5200  }
0xef: {  	[tilespmem:s24], [sflag:$0x3] =	stream.indirect.gather @!p1 [hbm4b:s25+s22], $0x80, s23, s22, $0xb8;
	[tilespmem:$0x1DE00] =	vst v63  }
0xf0: {  	s22 =	simm.s32 @!p1 $0x2  }
0xf1: {  	_ =	swait.ge @!p1 [sflag:s22], $0x2800  }
0xf2: {  	[sflag:s22] =	ssyncset.done @!p1 $0x0  }
0xf3: {  	[sflag:s22] =	ssyncadd.s32 @!p1 $0xFFFFD800;
	s22 =	simm.s32 @!p1 $0x4  }
0xf4: {  	_ =	swait.ge @!p1 [sflag:s22], $0x2800  }
0xf5: {  	[sflag:s22] =	ssyncset.done @!p1 $0x0  }
0xf6: {  	s21 =	sadd.s32 @!p1 s21, s28;
	[sflag:s22] =	ssyncadd.s32 @!p1 $0xFFFFD800;
	s22 =	simm.s32 @!p1 $0x100  }
0xf7: {  	[tilespmem:s22], [sflag:$0x6] =	stream.linear.gather @!p1 [hbm4b:s21+s23], $0x100, $0x38;
	[tilespmem:$0x1DE00] =	vst v63  }
0xf8: {  	s21 =	simm.s32 $0x2A80  }
0xf9: {  	s22 =	simm.s32 $0x7AC0;
	v1 =	vld [tilespmem:s21+$0xFFFFFF80]  }
0xfa: {  	v2 =	vld [tilespmem:s22+$0xFFFFFF80];
	_ =	sdelay $0x4  }
0xfb: {  	v1 =	vadd.f32 v2, v1;
	_ =	sdelay $0x1  }
0xfc: {  	v1 =	vmax.f32 v1, $0.0e+00  }
0xfd: {  	[tilespmem:s21+$0xFFFFFF80] =	vst v1;
	v1 =	vld [tilespmem:s21+$0xFFFFFF90]  }
0xfe: {  	v2 =	vld [tilespmem:s22+$0xFFFFFF90];
	_ =	sdelay $0x4  }
0xff: {  	v1 =	vadd.f32 v2, v1;
	_ =	sdelay $0x1  }
0x100: {  	v1 =	vmax.f32 v1, $0.0e+00  }
0x101: {  	[tilespmem:s21+$0xFFFFFF90] =	vst v1;
	v1 =	vld [tilespmem:s21+$0xFFFFFFA0]  }
0x102: {  	v2 =	vld [tilespmem:s22+$0xFFFFFFA0];
	_ =	sdelay $0x4  }
0x103: {  	v1 =	vadd.f32 v2, v1;
	_ =	sdelay $0x1  }
0x104: {  	v1 =	vmax.f32 v1, $0.0e+00  }
0x105: {  	[tilespmem:s21+$0xFFFFFFA0] =	vst v1;
	v1 =	vld [tilespmem:s21+$0xFFFFFFB0]  }
0x106: {  	v2 =	vld [tilespmem:s22+$0xFFFFFFB0];
	_ =	sdelay $0x4  }
0x107: {  	v1 =	vadd.f32 v2, v1;
	_ =	sdelay $0x1  }
0x108: {  	v1 =	vmax.f32 v1, $0.0e+00  }
0x109: {  	[tilespmem:s21+$0xFFFFFFB0] =	vst v1;
	v1 =	vld [tilespmem:s21+$0x0]  }
0x10a: {  	v2 =	vld [tilespmem:s22+$0x0];
	_ =	sdelay $0x4  }
0x10b: {  	v1 =	vadd.f32 v2, v1;
	_ =	sdelay $0x1  }
0x10c: {  	v1 =	vmax.f32 v1, $0.0e+00  }
0x10d: {  	[tilespmem:s21+$0x0] =	vst v1;
	v1 =	vld [tilespmem:s21+$0x10]  }
0x10e: {  	v2 =	vld [tilespmem:s22+$0x10];
	_ =	sdelay $0x4  }
0x10f: {  	v1 =	vadd.f32 v2, v1;
	_ =	sdelay $0x1  }
0x110: {  	v1 =	vmax.f32 v1, $0.0e+00  }
0x111: {  	[tilespmem:s21+$0x10] =	vst v1;
	v1 =	vld [tilespmem:s21+$0x20]  }
0x112: {  	v2 =	vld [tilespmem:s22+$0x20];
	_ =	sdelay $0x4  }
0x113: {  	v1 =	vadd.f32 v2, v1;
	_ =	sdelay $0x1  }
0x114: {  	v1 =	vmax.f32 v1, $0.0e+00  }
0x115: {  	[tilespmem:s21+$0x20] =	vst v1;
	v1 =	vld [tilespmem:s21+$0x30]  }
0x116: {  	v2 =	vld [tilespmem:s22+$0x30];
	_ =	sdelay $0x4  }
0x117: {  	v1 =	vadd.f32 v2, v1;
	_ =	sdelay $0x1  }
0x118: {  	s24 =	simm.s32 $0x2B80;
	s23 =	simm.s32 $0x0;
	v1 =	vmax.f32 v1, $0.0e+00  }
.LBB2_7:
0x119: {  	v2 =	vld [tilespmem:s24+$0xFFFFFF80];
	[tilespmem:s21+$0x30] =	vst v1;
	s22 =	sadd.s32 $0x100, s22;
	s21 =	smov.u32 s24  }
0x11a: {  	s23 =	sadd.s32 $0x2, s23;
	v1 =	vld [tilespmem:s22+$0xFFFFFF80]  }
0x11b: {  	p2 =	slt.u32 s23, $0x4E;
	_ =	sdelay $0x3  }
0x11c: {  	v1 =	vadd.f32 v1, v2;
	_ =	sdelay $0x1  }
0x11d: {  	v1 =	vmax.f32 v1, $0.0e+00  }
0x11e: {  	[tilespmem:s24+$0xFFFFFF80] =	vst v1;
	v1 =	vld [tilespmem:s24+$0xFFFFFF90]  }
0x11f: {  	v2 =	vld [tilespmem:s22+$0xFFFFFF90];
	_ =	sdelay $0x4  }
0x120: {  	v1 =	vadd.f32 v2, v1;
	_ =	sdelay $0x1  }
0x121: {  	v1 =	vmax.f32 v1, $0.0e+00  }
0x122: {  	[tilespmem:s24+$0xFFFFFF90] =	vst v1;
	v1 =	vld [tilespmem:s24+$0xFFFFFFA0]  }
0x123: {  	v2 =	vld [tilespmem:s22+$0xFFFFFFA0];
	_ =	sdelay $0x4  }
0x124: {  	v1 =	vadd.f32 v2, v1;
	_ =	sdelay $0x1  }
0x125: {  	v1 =	vmax.f32 v1, $0.0e+00  }
0x126: {  	[tilespmem:s24+$0xFFFFFFA0] =	vst v1;
	v1 =	vld [tilespmem:s24+$0xFFFFFFB0]  }
0x127: {  	v2 =	vld [tilespmem:s22+$0xFFFFFFB0];
	_ =	sdelay $0x4  }
0x128: {  	v1 =	vadd.f32 v2, v1;
	_ =	sdelay $0x1  }
0x129: {  	v1 =	vmax.f32 v1, $0.0e+00  }
0x12a: {  	[tilespmem:s24+$0xFFFFFFB0] =	vst v1;
	v1 =	vld [tilespmem:s24+$0x0]  }
0x12b: {  	v2 =	vld [tilespmem:s22+$0x0];
	_ =	sdelay $0x4  }
0x12c: {  	v1 =	vadd.f32 v2, v1;
	_ =	sdelay $0x1  }
0x12d: {  	v1 =	vmax.f32 v1, $0.0e+00  }
0x12e: {  	[tilespmem:s24+$0x0] =	vst v1;
	v1 =	vld [tilespmem:s24+$0x10]  }
0x12f: {  	v2 =	vld [tilespmem:s22+$0x10];
	_ =	sdelay $0x4  }
0x130: {  	v1 =	vadd.f32 v2, v1;
	_ =	sdelay $0x1  }
0x131: {  	v1 =	vmax.f32 v1, $0.0e+00  }
0x132: {  	[tilespmem:s24+$0x10] =	vst v1;
	v1 =	vld [tilespmem:s24+$0x20]  }
0x133: {  	v2 =	vld [tilespmem:s22+$0x20];
	_ =	sdelay $0x4  }
0x134: {  	v1 =	vadd.f32 v2, v1;
	_ =	sdelay $0x1  }
0x135: {  	v1 =	vmax.f32 v1, $0.0e+00  }
0x136: {  	[tilespmem:s24+$0x20] =	vst v1;
	v1 =	vld [tilespmem:s24+$0x30]  }
0x137: {  	v2 =	vld [tilespmem:s22+$0x30];
	_ =	sdelay $0x2  }
.Ltmp4:
0x138: {  	(pc) =	sbr.rel @p2 .LBB2_7-.Ltmp4, $3  }
0x139: {  	_ = 	snop  }
0x13a: {  	v1 =	vadd.f32 v2, v1;
	_ =	sdelay $0x1  }
0x13b: {  	s24 =	sadd.s32 $0x100, s24;
	v1 =	vmax.f32 v1, $0.0e+00  }
.Ltmp5:
0x13c: {  	[tilespmem:s21+$0x30] =	vst v1;
	(pc) =	sbr.rel @p1 .LBB2_10-.Ltmp5, $4  }
0x13d: {  	[spmem:s2] =	stream.indirect.scatter.add.f32 [tilespmem:s15], [sflag:$0x7], $0x80, s14, s0, $0xb8;
	[tilespmem:$0x1DE00] =	vst v63  }
0x13e: {  	_ =	swait.ge [sflag:s31], $0x2800  }
0x13f: {  	[sflag:s31] =	ssyncset.done $0x0  }
0x140: {  	[sflag:s31] =	ssyncadd.s32 $0xFFFFD800  }
0x141: {  	_ =	swait.ge [sflag:s19], $0x100  }
.Ltmp6:
0x142: {  	[sflag:s19] =	ssyncset.done $0x0;
	(pc) =	sbr.rel .LBB2_4-.Ltmp6, $4  }
0x143: {  	[sflag:s19] =	ssyncadd.s32 $0xFFFFFF00  }
0x144: {  	[tilespmem:s15], [sflag:$0x2] =	stream.indirect.gather [hbm4b:s25+s0], $0x80, s14, s0, $0xb8;
	[tilespmem:$0x1DE00] =	vst v63  }
0x145: {  	s20 =	sadd.s32 $0x1, s20  }
0x146: {  	[tilespmem:s16], [sflag:$0x4] =	stream.indirect.gather [hbm4b:s25+s0], $0x80, s1, s0, $0xb8;
	[tilespmem:$0x1DE00] =	vst v63  }
.LBB2_11:
0x147: {  	_ =	sfence.sel $0x180000  }
0x148: {  	[bflag:$0x0] =	sbarrier.arrive $0xFFFF  }
0x149: {  	_ =	strace $0x9000004D  }
0x14a: {  	[bflag:$0x2] =	sbarrier.arrive $0xFFFF  }
0x14b: {  	s0 =	rddreg [dreg:$0x2]  }
0x14c: {  	s0 =	sadd.s32 @!p0 $0x100000, s0  }
0x14d: {  	[sflag:s0] =	ssyncadd.tile.s32 @!p0 $0x1;
	_ =	shalt  }
.Lfunc_end2:
_tile_overlayer_lowered:
.L_overlay_start_2:
0x14e: {  	(tag) =	ssettag $0x2  }
0x14f: {  	s0 =	rddreg [dreg:$0x0];
	s2 =	stileid.u32  }
0x150: {  	s1 =	rddreg [dreg:$0x1];
	p0 =	sne.s32 s2, $0x0  }
0x151: {  	s3 =	rddreg [dreg:$0x2];
	[bflag:$0x3] =	sbarrier.arrive $0xFFFF;
	s2 =	simm.s32 @!p0 $0x1C07  }
0x152: {  	[timem:s3], [sflag:s2] =	dma.local @!p0 [hbm:s0], s1  }
0x153: {  	s0 =	simm.s32 @!p0 $0x7  }
0x154: {  	_ =	swait.ge @!p0 [sflag:s0], s1  }
0x155: {  	s1 =	ssub.s32 @!p0 $0x0, s1;
	[sflag:s0] =	ssyncset.done @!p0 $0x0  }
0x156: {  	[sflag:s0] =	ssyncadd.s32 @!p0 s1  }
0x157: {  	[bflag:$0x3] =	sbarrier.arrive $0xFFFF  }
0x158: {  	_ =	shalt  }

// kernel: kernel.8.cloned.1.call-start
scs
__scs_entry_jumppad:
0x0: {  	(pc) =	sbr.rel $0x88, $3  }
0x1: {  	(tag) =	ssettag $0x0;
	lr =	simm.s32 $0x1  }
0x2: {  	[smem:$0x3F88] =	sst lr;
	_ =	strace $0xD0000000  }
0x3: {  	_ = 	snop  }
0x4: {  	_ = 	snop  }
0x5: {  	_ = 	snop  }
0x6: {  	_ = 	snop  }
0x7: {  	_ = 	snop  }
__scs_overlays_trampoline_lowered:
0x8: {  	[smem:$0x3F97] =	sst s0  }
0x9: {  	[smem:$0x3F98] =	sst s1  }
0xa: {  	[smem:$0x3F99] =	sst s2  }
0xb: {  	[smem:$0x3F9A] =	sst s3  }
0xc: {  	[smem:$0x3F9B] =	sst s4  }
0xd: {  	[smem:$0x3F9C] =	sst s5  }
0xe: {  	[smem:$0x3F9D] =	sst s6  }
0xf: {  	[smem:$0x3F9E] =	sst s7  }
0x10: {  	[smem:$0x3F9F] =	sst s8  }
0x11: {  	[smem:$0x3FA0] =	sst s9;
	s0 =	simm.s32 @!p0 $0x0  }
0x12: {  	s1 =	sld [smem:$0x3F86];
	s0 =	simm.s32 @p0 $0x1  }
0x13: {  	[smem:$0x3FA1] =	sst s0;
	s0 =	simm.s32 @!p1 $0x0  }
0x14: {  	s2 =	sld [smem:$0x3F85];
	s0 =	simm.s32 @p1 $0x1  }
0x15: {  	[smem:$0x3FA2] =	sst s0;
	s0 =	simm.s32 @!p2 $0x0  }
0x16: {  	s3 =	sld [smem:$0x3FDB];
	s0 =	simm.s32 @p2 $0x1  }
0x17: {  	s4 =	simm.s32 $0x1BF5;
	[smem:$0x3FA4] =	sst s0  }
0x18: {  	s0 =	sld [smem:$0x3F87];
	_ =	swait.ge [sflag:s4], $0x0  }
0x19: {  	s7 =	sld [smem:$0x3F88]  }
0x1a: {  	s8 =	sadd.s32 $0xFFFFE003, lr  }
0x1b: {  	s9 =	sadd.s32 $0xFFFFFEF7, lr;
	s5 =	simm.s32 $0xFFFFFFFF;
	p2 =	slt.u32 s8, $0xFFFFF086  }
0x1c: {  	p1 =	slt.u32 s9, $0xF7A;
	s5 =	simm.s32 @!p2 $0x0  }
0x1d: {  	s5 =	simm.s32 @p1 $0x1;
	p0 =	seq.s32 s7, s2  }
0x1e: {  	s7 =	smul.u32 @!p0 $0xF7A, s2;
	p2 =	seq.s32 @!p0 s5, $0x0  }
0x1f: {  	s9 =	smul.u32 $0xF7A, s1;
	s8 =	simm.s32 @!p0 $0x1BF5;
	p2 =	por !p2, p0  }
0x20: {  	[sflag:s8] =	ssyncset.s32 @!p0 $0xFFFFF086;
	s6 =	sadd.s32 @!p0 s3, s7;
	s7 =	simm.s32 @!p0 $0x108  }
0x21: {  	s3 =	sadd.s32 s3, s9;
	s6 =	sadd.s32 @!p0 $0x88, s6;
	s7 =	simm.s32 @p2 $0x1082  }
0x22: {  	[simem:s7], [sflag:s8] =	dma.local @!p0 [hbm:s6], $0xF7A  }
0x23: {  	s9 =	sor.u32 $0xD0000000, s2;
	s6 =	simm.s32 $0x108;
	_ =	swait.ge @!p0 [sflag:s8], $0x0  }
0x24: {  	s3 =	sadd.s32 $0x88, s3;
	s6 =	simm.s32 @!p1 $0x1082;
	[sflag:s4] =	ssyncset.s32 $0xFFFFF086  }
0x25: {  	[simem:s6], [sflag:s4] =	dma.local [hbm:s3], $0xF7A  }
0x26: {  	[smem:$0x3F88] =	sst s1;
	(tag) =	ssettag s2;
	_ =	strace s9  }
0x27: {  	s1 =	sld [smem:$0x3F98]  }
0x28: {  	s2 =	sld [smem:$0x3F99]  }
0x29: {  	s4 =	sld [smem:$0x3F9B]  }
0x2a: {  	p0 =	seq.s32 s5, $0x0;
	s5 =	sld [smem:$0x3F9C]  }
0x2b: {  	s6 =	sld [smem:$0x3F9D]  }
0x2c: {  	s7 =	sld [smem:$0x3F9E]  }
0x2d: {  	s3 =	simm.s32 $0x108;
	s8 =	sld [smem:$0x3F9F]  }
0x2e: {  	s3 =	simm.s32 @!p0 $0x1082;
	s9 =	sld [smem:$0x3FA0]  }
0x2f: {  	lr =	sadd.s32 s0, s3;
	s0 =	sld [smem:$0x3F97]  }
0x30: {  	s3 =	sld [smem:$0x3F9A]  }
0x31: {  	[smem:$0x3FA3] =	sst s10  }
0x32: {  	s10 =	sld [smem:$0x3FA1];
	_ =	sdelay $0x3  }
0x33: {  	p0 =	seq.s32 s10, $0x1;
	s10 =	sld [smem:$0x3FA3];
	_ =	sdelay $0x3  }
0x34: {  	[smem:$0x3FA3] =	sst s10  }
0x35: {  	s10 =	sld [smem:$0x3FA2];
	_ =	sdelay $0x3  }
0x36: {  	p1 =	seq.s32 s10, $0x1;
	s10 =	sld [smem:$0x3FA3];
	_ =	sdelay $0x3  }
0x37: {  	[smem:$0x3FA3] =	sst s10  }
0x38: {  	s10 =	sld [smem:$0x3FA4]  }
0x39: {  	_ = 	snop;
	(pc) =	sbr.ind lr, $3  }
0x3a: {  	_ = 	snop  }
0x3b: {  	_ = 	snop  }
0x3c: {  	p2 =	seq.s32 s10, $0x1;
	s10 =	sld [smem:$0x3FA3]  }
0x3d: {  	_ =	shalt  }
0x3e: {  	_ =	shalt  }
0x3f: {  	_ =	shalt  }
0x40: {  	_ =	shalt  }
0x41: {  	_ =	shalt  }
0x42: {  	_ =	shalt  }
0x43: {  	_ =	shalt  }
0x44: {  	_ =	shalt  }
0x45: {  	_ =	shalt  }
0x46: {  	_ =	shalt  }
0x47: {  	_ =	shalt  }
0x48: {  	_ =	shalt  }
0x49: {  	_ =	shalt  }
0x4a: {  	_ =	shalt  }
0x4b: {  	_ =	shalt  }
0x4c: {  	_ =	shalt  }
0x4d: {  	_ =	shalt  }
0x4e: {  	_ =	shalt  }
0x4f: {  	_ =	shalt  }
0x50: {  	_ =	shalt  }
0x51: {  	_ =	shalt  }
0x52: {  	_ =	shalt  }
0x53: {  	_ =	shalt  }
0x54: {  	_ =	shalt  }
0x55: {  	_ =	shalt  }
0x56: {  	_ =	shalt  }
0x57: {  	_ =	shalt  }
0x58: {  	_ =	shalt  }
0x59: {  	_ =	shalt  }
0x5a: {  	_ =	shalt  }
0x5b: {  	_ =	shalt  }
0x5c: {  	_ =	shalt  }
0x5d: {  	_ =	shalt  }
0x5e: {  	_ =	shalt  }
0x5f: {  	_ =	shalt  }
0x60: {  	_ =	shalt  }
0x61: {  	_ =	shalt  }
0x62: {  	_ =	shalt  }
0x63: {  	_ =	shalt  }
0x64: {  	_ =	shalt  }
0x65: {  	_ =	shalt  }
0x66: {  	_ =	shalt  }
0x67: {  	_ =	shalt  }
0x68: {  	_ =	shalt  }
0x69: {  	_ =	shalt  }
0x6a: {  	_ =	shalt  }
0x6b: {  	_ =	shalt  }
0x6c: {  	_ =	shalt  }
0x6d: {  	_ =	shalt  }
0x6e: {  	_ =	shalt  }
0x6f: {  	_ =	shalt  }
0x70: {  	_ =	shalt  }
0x71: {  	_ =	shalt  }
0x72: {  	_ =	shalt  }
0x73: {  	_ =	shalt  }
0x74: {  	_ =	shalt  }
0x75: {  	_ =	shalt  }
0x76: {  	_ =	shalt  }
0x77: {  	_ =	shalt  }
0x78: {  	_ =	shalt  }
0x79: {  	_ =	shalt  }
0x7a: {  	_ =	shalt  }
0x7b: {  	_ =	shalt  }
0x7c: {  	_ =	shalt  }
0x7d: {  	_ =	shalt  }
0x7e: {  	_ =	shalt  }
0x7f: {  	_ =	shalt  }
0x80: {  	_ =	shalt  }
0x81: {  	_ =	shalt  }
0x82: {  	_ =	shalt  }
0x83: {  	_ =	shalt  }
0x84: {  	_ =	shalt  }
0x85: {  	_ =	shalt  }
0x86: {  	_ =	shalt  }
0x87: {  	_ =	shalt  }
.Lfunc_end0:
.L_simem_size_0:
called_computation_lowered:
.L_overlay_start_0:
0x88: {  	s2 =	sld [smem:$0x3FD9]  }
0x89: {  	s3 =	sld [smem:$0x3FFE];
	_ =	sdelay $0x1  }
0x8a: {  	s1 =	srdreg.scid  }
0x8b: {  	s0 =	sand.u32 $0x1, s1  }
0x8c: {  	s17 =	sshll.u32 s0, $0xA;
	s2 =	sadd.s32 s3, s2  }
0x8d: {  	s2 =	sadd.s32 s2, s17  }
0x8e: {  	[smem:$0x3FAF] =	sst s2  }
0x8f: {  	_ = 	snop  }
0x90: {  	(tm) =	ssettm $0x1  }
0x91: {  	s18 =	sld [smem:$0x3FFB];
	_ =	sdelay $0x3  }
0x92: {  	_ =	strace s18  }
0x93: {  	s2 =	sld [smem:$0x3FFC];
	_ =	sdelay $0x3  }
0x94: {  	_ =	strace s2  }
0x95: {  	s2 =	sld [smem:$0x3FFD];
	_ =	sdelay $0x3  }
0x96: {  	_ =	strace s2  }
0x97: {  	_ =	strace $0x8FFFFFFF  }
0x98: {  	s19 =	sld [smem:$0x3FDB];
	_ =	sdelay $0x1  }
0x99: {  	s20 =	simm.s32 $_scs_section_size  }
0x9a: {  	s4 =	simm.s32 $_size__tile_overlayer_lowered;
	s5 =	simm.s32 $_tile_overlayer_lowered  }
0x9b: {  	s6 =	simm.s32 $0x1BFF;
	s21 =	sshll.u32 s5, $0x1;
	s3 =	sadd.s32 s20, s19  }
0x9c: {  	s22 =	simm.s32 $0x0;
	s4 =	sshll.u32 s4, $0x1;
	s5 =	sadd.s32 s21, s3  }
0x9d: {  	[timem:s22], [sflag:s6] =	dma.local [hbm:s5], s4  }
0x9e: {  	_ =	swait.ge [sflag:s6], s4  }
0x9f: {  	s4 =	ssub.s32 $0x0, s4;
	[sflag:s6] =	ssyncset.done $0x0  }
0xa0: {  	[sflag:s6] =	ssyncadd.s32 s4;
	_ =	sdelay $0x1  }
0xa1: {  	s23 =	simm.s32 $0x1B8B  }
0xa2: {  	_ =	swait.ge [sflag:s23], $0x1  }
0xa3: {  	[sflag:s23] =	ssyncset.done $0x0  }
0xa4: {  	[sflag:s23] =	ssyncadd.s32 $0xFFFFFFFF  }
0xa5: {  	s4 =	sld [smem:$0x0]  }
0xa6: {  	s5 =	sand.u32 $0xFFFFFFFE, s1  }
0xa7: {  	p0 =	sne.s32 s1, s5  }
0xa8: {  	s5 =	sshll.u32 @p0 s5, $0xE  }
0xa9: {  	s5 =	sadd.s32 @p0 $0x11B8D, s5;
	s6 =	sshll.u32 @p0 s4, $0x11  }
0xaa: {  	s5 =	sor.u32 @p0 s6, s5  }
0xab: {  	[sflag:s5] =	ssyncadd.remote.s32 @p0 $0x1;
	_ =	sdelay $0x1  }
0xac: {  	s5 =	simm.s32 @p0 $0x1B8D  }
0xad: {  	_ =	swait.eq @p0 [sflag:s5], $0x1  }
0xae: {  	[sflag:s5] =	ssyncadd.s32 @p0 $0xFFFFFFFF  }
0xaf: {  	s6 =	sshll.u32 @!p0 s1, $0xE  }
0xb0: {  	s6 =	sor.u32 @!p0 $0x4000, s6;
	s5 =	simm.s32 @!p0 $0x1B8D  }
0xb1: {  	s4 =	sshll.u32 @!p0 s4, $0x11;
	s6 =	sadd.s32 @!p0 $0x11B8D, s6;
	_ =	swait.eq @!p0 [sflag:s5], $0x1  }
0xb2: {  	s4 =	sor.u32 @!p0 s4, s6;
	[sflag:s5] =	ssyncadd.s32 @!p0 $0xFFFFFFFF  }
0xb3: {  	s25 =	simm.s32 $0x1B8E;
	s24 =	sld [smem:$0x3FFE];
	[sflag:s4] =	ssyncadd.remote.s32 @!p0 $0x1  }
0xb4: {  	s26 =	simm.s32 $execute0_lowered;
	[smem:$0x3FD2] =	sst s25  }
0xb5: {  	s5 =	sshll.u32 s26, $0x1;
	_ =	strace $0x80000049;
	[dreg:$0x1] =	wrdreg $0xFFFFFFFF  }
0xb6: {  	s28 =	simm.s32 $_size_execute0_lowered;
	s3 =	sadd.s32 s3, s5;
	[dreg:$0x0] =	wrdreg $0x0  }
0xb7: {  	s5 =	sshll.u32 s28, $0x1;
	[dreg:$0x2] =	wrdreg s3  }
0xb8: {  	[dreg:$0x3] =	wrdreg s5  }
0xb9: {  	[dreg:$0x4] =	wrdreg $0xC0  }
0xba: {  	_ =	task [dreg:s22], $0x5FFFF  }
0xbb: {  	[dreg:$0x1] =	wrdreg $0xFFFFFFFF  }
0xbc: {  	[dreg:$0x0] =	wrdreg $0x60  }
0xbd: {  	[dreg:$0x2] =	wrdreg s24  }
0xbe: {  	[dreg:$0x3] =	wrdreg $0x2A000  }
0xbf: {  	[dreg:$0x4] =	wrdreg $0x9  }
0xc0: {  	_ =	task.clear_ibuf [dreg:s22], $0x5FFFF;
	_ =	strace $0x90000049  }
0xc1: {  	s29 =	simm.s32 $0x9;
	_ =	strace $0x8000004B  }
0xc2: {  	_ =	swait.ge [sflag:s29], $0x1  }
0xc3: {  	[sflag:s29] =	ssyncadd.s32 $0xFFFFFFFF  }
0xc4: {  	_ =	strace $0x9000004B  }
0xc5: {  	_ =	sfence  }
0xc6: {  	s30 =	sld [smem:$0x0];
	_ =	sdelay $0x2  }
0xc7: {  	s31 =	sshll.u32 s1, $0xD;
	s1 =	sshrl.u32 s1, $0x2  }
0xc8: {  	s4 =	sand.u32 $0x4000, s31;
	s1 =	sadd.s32 s1, s30  }
0xc9: {  	s0 =	sor.u32 s4, s0;
	s1 =	sshll.u32 s1, $0x11  }
0xca: {  	s0 =	sor.u32 s1, s0  }
0xcb: {  	s0 =	sadd.s32 $0x8F2B, s0  }
0xcc: {  	[sflag:s0] =	ssyncadd.remote.s32 $0x1  }
0xcd: {  	_ =	sfence.sel $0xFFFF  }
0xce: {  	[dreg:$0x0] =	wrdreg $0xFFFFFFFF;
	(pc) =	sbr.abs _section_cstart, $3  }
0xcf: {  	[dreg:$0x1] =	wrdreg $0xFFFFFFFF  }
0xd0: {  	_ =	task.clear_ibuf [dreg:s22], $0x2FFFF;
	_ =	strace $0x9FFFFFFF  }
0xd1: {  	(tm) =	ssettm $0x7FFFFFFF  }
tec
execute0_lowered:
.L_overlay_start_1:
0x0: {  	(tag) =	ssettag $0x1  }
0x1: {  	s0 =	rddreg [dreg:$0x0]  }
0x2: {  	s1 =	rddreg [dreg:$0x1]  }
0x3: {  	s2 =	simm.s32 $0x0;
	s3 =	srdreg.scid;
	s26 =	stileid.u32  }
0x4: {  	s29 =	simm.s32 $0x200;
	s30 =	simm.s32 $0x3;
	s31 =	simm.s32 $0x100  }
0x5: {  	[smem:$0x7FF] =	sst s2;
	s3 =	sand.u32 $0x1, s3;
	s5 =	smul.u32 $0x4F000, s26  }
0x6: {  	s11 =	sadd.s32 $0x5600, s0;
	s0 =	sadd.s32 $0xC4E00, s0;
	s7 =	sshll.u32 s26, $0x1  }
0x7: {  	s12 =	smul.u32 $0x13C00, s26;
	p0 =	sne.s32 s26, $0x0;
	_ =	strace $0x8000004A  }
0x8: {  	s4 =	ssub.s32 $0x2, s3;
	s14 =	sor.u32 s3, s7;
	s20 =	smul.u32 $0x140000, s3  }
0x9: {  	s3 =	smul.u32 $0xFC0, s3;
	s6 =	sshrl.u32 s4, $0x1;
	s5 =	sshrl.u32 s5, $0x2  }
0xa: {  	s15 =	sadd.s32 $0x2800, s12;
	s16 =	sadd.s32 $0x5000, s12;
	s17 =	sadd.s32 $0x7800, s12  }
0xb: {  	s18 =	sadd.s32 $0xA000, s12;
	s19 =	sadd.s32 $0xC800, s12;
	s21 =	sadd.s32 $0xF000, s12  }
0xc: {  	s22 =	sadd.s32 $0x11800, s12;
	s14 =	smul.u32 $0xFC0, s14;
	s13 =	ssub.s32 s4, s6  }
0xd: {  	s4 =	sadd.s32 s5, s1;
	s5 =	sadd.s32 s15, s1;
	s6 =	sadd.s32 s16, s1  }
0xe: {  	s7 =	sadd.s32 s17, s1;
	s8 =	sadd.s32 s18, s1;
	s9 =	sadd.s32 s19, s1  }
0xf: {  	s10 =	sadd.s32 s21, s1;
	s23 =	sshrl.u32 s20, $0x3;
	s12 =	sadd.s32 s12, s20  }
0x10: {  	s15 =	sadd.s32 s20, s15;
	s16 =	sadd.s32 s20, s16;
	s24 =	sadd.s32 s20, s17  }
0x11: {  	s25 =	sadd.s32 s20, s18;
	s18 =	sadd.s32 s20, s19;
	s19 =	sadd.s32 s20, s21  }
0x12: {  	s20 =	sadd.s32 s20, s22;
	s23 =	sadd.s32 s0, s23;
	s12 =	sshrl.u32 s12, $0x3  }
0x13: {  	s15 =	sshrl.u32 s15, $0x3;
	s21 =	sshrl.u32 s19, $0x3;
	s12 =	sadd.s32 s0, s12  }
0x14: {  	s19 =	sadd.s32 s22, s1;
	s15 =	sadd.s32 s0, s15;
	[dreg:$0x3] =	wrdreg s12  }
0x15: {  	s22 =	sadd.s32 $0x27D00, s23;
	[dreg:$0x4] =	wrdreg s15;
	s12 =	sshrl.u32 s16, $0x3  }
0x16: {  	s15 =	sshrl.u32 s24, $0x3;
	s16 =	sshrl.u32 s25, $0x3;
	s24 =	sshrl.u32 s20, $0x3  }
0x17: {  	s25 =	smul.u32 $0x1F80, s26;
	s20 =	sadd.s32 s11, s14;
	s12 =	sadd.s32 s0, s12  }
0x18: {  	s14 =	simm.s32 $0x0;
	s17 =	sadd.s32 s0, s16;
	[dreg:$0x5] =	wrdreg s12  }
0x19: {  	s26 =	sadd.s32 $0x40, s20;
	s12 =	sadd.s32 s0, s15;
	[dreg:$0x7] =	wrdreg s17  }
0x1a: {  	s28 =	sadd.s32 $0x60, s20;
	[dreg:$0x6] =	wrdreg s12;
	s12 =	sshrl.u32 s18, $0x3  }
0x1b: {  	s18 =	sadd.s32 s0, s24;
	s24 =	sadd.s32 $0x20, s20;
	s12 =	sadd.s32 s0, s12  }
0x1c: {  	[dreg:$0x8] =	wrdreg s12;
	s12 =	sadd.s32 s0, s21;
	s0 =	sadd.s32 s25, s11  }
0x1d: {  	s21 =	sadd.s32 $0x27800, s23;
	s25 =	smax.u32 s13, $0x1;
	s11 =	simm.s32 $0x180  }
0x1e: {  	s13 =	simm.s32 $0x2;
	[dreg:$0x9] =	wrdreg s12;
	s23 =	sadd.s32 s3, s0  }
0x1f: {  	v0 =	vimm.f32 $0.0e+00;
	v1 =	vimm.f32 $1.000000000e+00;
	s0 =	simm.s32 $0x50;
	s3 =	simm.s32 $0x80;
	s12 =	simm.s32 $0x1  }
.LBB2_1:
0x20: {  	s15 =	simm.s32 $0x0;
	s16 =	simm.s32 $0x200  }
.LBB2_2:
0x21: {  	p1 =	sne.s32 s16, $0x9E00;
	[tilespmem:s15+$0x270] =	vst v0  }
0x22: {  	[tilespmem:s15+$0x200] =	vst v0  }
0x23: {  	[tilespmem:s15+$0x210] =	vst v0  }
.Ltmp0:
0x24: {  	[tilespmem:s15+$0x220] =	vst v0;
	(pc) =	sbr.rel @p1 .LBB2_2-.Ltmp0, $4  }
0x25: {  	[tilespmem:s15+$0x230] =	vst v0  }
0x26: {  	[tilespmem:s15+$0x240] =	vst v0  }
0x27: {  	[tilespmem:s15+$0x250] =	vst v0  }
0x28: {  	[tilespmem:s15+$0x260] =	vst v0;
	s15 =	sshra.s32 s16, $0x2;
	s16 =	sadd.s32 $0x200, s16  }
0x29: {  	[tilespmem:s15+$0x270] =	vst v0  }
0x2a: {  	[tilespmem:s15+$0x200] =	vst v0  }
0x2b: {  	[tilespmem:s15+$0x210] =	vst v0  }
0x2c: {  	[tilespmem:s15+$0x220] =	vst v0  }
0x2d: {  	[tilespmem:s15+$0x230] =	vst v0  }
0x2e: {  	[tilespmem:s15+$0x240] =	vst v0  }
0x2f: {  	[tilespmem:s15+$0x250] =	vst v0  }
0x30: {  	[tilespmem:s15+$0x260] =	vst v0  }
0x31: {  	[spmem:s4] =	stream.linear.scatter [tilespmem:s29], [sflag:$0x3], $0x2800, $0x38;
	[tilespmem:$0x16600] =	vst v63  }
0x32: {  	_ =	swait.ge [sflag:s30], $0x2800  }
0x33: {  	[sflag:s30] =	ssyncset.done $0x0  }
0x34: {  	[sflag:s30] =	ssyncadd.s32 $0xFFFFD800  }
0x35: {  	[spmem:s5] =	stream.linear.scatter [tilespmem:s29], [sflag:$0x3], $0x2800, $0x38;
	[tilespmem:$0x16600] =	vst v63  }
0x36: {  	_ =	swait.ge [sflag:s30], $0x2800  }
0x37: {  	[sflag:s30] =	ssyncset.done $0x0  }
0x38: {  	[sflag:s30] =	ssyncadd.s32 $0xFFFFD800  }
0x39: {  	[spmem:s6] =	stream.linear.scatter [tilespmem:s29], [sflag:$0x3], $0x2800, $0x38;
	[tilespmem:$0x16600] =	vst v63  }
0x3a: {  	_ =	swait.ge [sflag:s30], $0x2800  }
0x3b: {  	[sflag:s30] =	ssyncset.done $0x0  }
0x3c: {  	[sflag:s30] =	ssyncadd.s32 $0xFFFFD800  }
0x3d: {  	[spmem:s7] =	stream.linear.scatter [tilespmem:s29], [sflag:$0x3], $0x2800, $0x38;
	[tilespmem:$0x16600] =	vst v63  }
0x3e: {  	_ =	swait.ge [sflag:s30], $0x2800  }
0x3f: {  	[sflag:s30] =	ssyncset.done $0x0  }
0x40: {  	[sflag:s30] =	ssyncadd.s32 $0xFFFFD800  }
0x41: {  	[spmem:s8] =	stream.linear.scatter [tilespmem:s29], [sflag:$0x3], $0x2800, $0x38;
	[tilespmem:$0x16600] =	vst v63  }
0x42: {  	_ =	swait.ge [sflag:s30], $0x2800  }
0x43: {  	[sflag:s30] =	ssyncset.done $0x0  }
0x44: {  	[sflag:s30] =	ssyncadd.s32 $0xFFFFD800  }
0x45: {  	[spmem:s9] =	stream.linear.scatter [tilespmem:s29], [sflag:$0x3], $0x2800, $0x38;
	[tilespmem:$0x16600] =	vst v63  }
0x46: {  	_ =	swait.ge [sflag:s30], $0x2800  }
0x47: {  	[sflag:s30] =	ssyncset.done $0x0  }
0x48: {  	[sflag:s30] =	ssyncadd.s32 $0xFFFFD800  }
0x49: {  	[spmem:s10] =	stream.linear.scatter [tilespmem:s29], [sflag:$0x3], $0x2800, $0x38;
	[tilespmem:$0x16600] =	vst v63  }
0x4a: {  	_ =	swait.ge [sflag:s30], $0x2800  }
0x4b: {  	[sflag:s30] =	ssyncset.done $0x0  }
0x4c: {  	[sflag:s30] =	ssyncadd.s32 $0xFFFFD800  }
0x4d: {  	[spmem:s19] =	stream.linear.scatter [tilespmem:s29], [sflag:$0x3], $0x2400, $0x38;
	[tilespmem:$0x16600] =	vst v63  }
0x4e: {  	_ =	swait.ge [sflag:s30], $0x2400  }
0x4f: {  	s15 =	simm.s32 @!p0 $0x0;
	[sflag:s30] =	ssyncset.done $0x0  }
0x50: {  	s16 =	simm.s32 @!p0 $0x200;
	s17 =	simm.s32 @!p0 $0x3;
	[sflag:s30] =	ssyncadd.s32 $0xFFFFDC00  }
0x51: {  	[hbm4b:s21+s15] =	stream.linear.scatter @!p0 [tilespmem:s16], [sflag:$0x3], $0x2800, $0x38;
	[tilespmem:$0x16600] =	vst v63  }
0x52: {  	_ =	swait.ge @!p0 [sflag:s17], $0x2800  }
0x53: {  	[sflag:s17] =	ssyncset.done @!p0 $0x0  }
0x54: {  	[sflag:s17] =	ssyncadd.s32 @!p0 $0xFFFFD800  }
0x55: {  	[hbm4b:s22+s15] =	stream.linear.scatter @!p0 [tilespmem:s16], [sflag:$0x3], $0x1800, $0x38;
	[tilespmem:$0x16600] =	vst v63  }
0x56: {  	_ =	swait.ge @!p0 [sflag:s17], $0x1800  }
0x57: {  	[sflag:s17] =	ssyncset.done @!p0 $0x0  }
0x58: {  	s15 =	simm.s32 $0x0;
	s16 =	simm.s32 $0x200;
	[sflag:s17] =	ssyncadd.s32 @!p0 $0xFFFFE800  }
.LBB2_4:
0x59: {  	p1 =	sne.s32 s16, $0x9E00;
	[tilespmem:s15+$0x270] =	vst v1  }
0x5a: {  	[tilespmem:s15+$0x200] =	vst v1  }
0x5b: {  	[tilespmem:s15+$0x210] =	vst v1  }
.Ltmp1:
0x5c: {  	[tilespmem:s15+$0x220] =	vst v1;
	(pc) =	sbr.rel @p1 .LBB2_4-.Ltmp1, $4  }
0x5d: {  	[tilespmem:s15+$0x230] =	vst v1  }
0x5e: {  	[tilespmem:s15+$0x240] =	vst v1  }
0x5f: {  	[tilespmem:s15+$0x250] =	vst v1  }
0x60: {  	[tilespmem:s15+$0x260] =	vst v1;
	s15 =	sshra.s32 s16, $0x2;
	s16 =	sadd.s32 $0x200, s16  }
0x61: {  	[tilespmem:s15+$0x270] =	vst v1  }
0x62: {  	[tilespmem:s15+$0x200] =	vst v1  }
0x63: {  	[tilespmem:s15+$0x210] =	vst v1  }
0x64: {  	[tilespmem:s15+$0x220] =	vst v1  }
0x65: {  	[tilespmem:s15+$0x230] =	vst v1  }
0x66: {  	[tilespmem:s15+$0x240] =	vst v1  }
0x67: {  	[tilespmem:s15+$0x250] =	vst v1  }
0x68: {  	[tilespmem:s15+$0x260] =	vst v1  }
0x69: {  	[bflag:$0x0] =	sbarrier.arrive $0xFFFF  }
0x6a: {  	[tilespmem:s2], [sflag:$0x3] =	stream.linear.gather [hbm4b:s20+s2], $0x100, $0x38;
	[tilespmem:$0x16600] =	vst v63  }
0x6b: {  	_ =	swait.ge [sflag:s30], $0x100  }
0x6c: {  	[sflag:s30] =	ssyncset.done $0x0  }
0x6d: {  	[sflag:s30] =	ssyncadd.s32 $0xFFFFFF00  }
0x6e: {  	[tilespmem:s31], [sflag:$0x3] =	stream.linear.gather [hbm4b:s24+s2], $0x100, $0x38;
	[tilespmem:$0x16600] =	vst v63  }
0x6f: {  	_ =	swait.ge [sflag:s30], $0x100  }
0x70: {  	[sflag:s30] =	ssyncset.done $0x0  }
0x71: {  	[sflag:s30] =	ssyncadd.s32 $0xFFFFFF00  }
0x72: {  	[tilespmem:s2], [sflag:$0x1] =	stream.linear.gather [hbm4b:s26+s2], $0x100, $0x38;
	[tilespmem:$0x16600] =	vst v63  }
0x73: {  	_ = 	snop  }
0x74: {  	[spmem:s1] =	stream.indirect.scatter.add.f32 [tilespmem:s29], [sflag:$0x3], $0x80, s3, s0, $0xb8;
	[tilespmem:$0x16600] =	vst v63  }
0x75: {  	_ =	swait.ge [sflag:s30], $0x2800  }
0x76: {  	[sflag:s30] =	ssyncset.done $0x0  }
0x77: {  	[sflag:s30] =	ssyncadd.s32 $0xFFFFD800  }
0x78: {  	[tilespmem:s31], [sflag:$0x2] =	stream.linear.gather [hbm4b:s28+s2], $0x100, $0x38;
	[tilespmem:$0x16600] =	vst v63  }
0x79: {  	_ = 	snop  }
0x7a: {  	[spmem:s1] =	stream.indirect.scatter.add.f32 [tilespmem:s29], [sflag:$0x3], $0x80, s11, s0, $0xb8;
	[tilespmem:$0x16600] =	vst v63  }
0x7b: {  	_ =	swait.ge [sflag:s30], $0x2800  }
0x7c: {  	[sflag:s30] =	ssyncset.done $0x0  }
0x7d: {  	[sflag:s30] =	ssyncadd.s32 $0xFFFFD800  }
0x7e: {  	_ =	swait.ge [sflag:s12], $0x100  }
0x7f: {  	s17 =	sadd.s32 $0xFFFFF0C0, s23;
	[sflag:s12] =	ssyncset.done $0x0  }
0x80: {  	s16 =	sadd.s32 $0xFC0, s17;
	[sflag:s12] =	ssyncadd.s32 $0xFFFFFF00  }
0x81: {  	[tilespmem:s2], [sflag:$0x1] =	stream.linear.gather [hbm4b:s16+s2], $0x100, $0x38;
	[tilespmem:$0x16600] =	vst v63  }
0x82: {  	_ = 	snop  }
0x83: {  	[spmem:s1] =	stream.indirect.scatter.add.f32 [tilespmem:s29], [sflag:$0x3], $0x80, s3, s0, $0xb8;
	[tilespmem:$0x16600] =	vst v63  }
0x84: {  	_ =	swait.ge [sflag:s30], $0x2800  }
0x85: {  	[sflag:s30] =	ssyncset.done $0x0  }
0x86: {  	[sflag:s30] =	ssyncadd.s32 $0xFFFFD800  }
0x87: {  	_ =	swait.ge [sflag:s13], $0x100  }
0x88: {  	[sflag:s13] =	ssyncset.done $0x0  }
0x89: {  	s15 =	sadd.s32 $0xFE0, s17;
	[sflag:s13] =	ssyncadd.s32 $0xFFFFFF00  }
0x8a: {  	[tilespmem:s31], [sflag:$0x2] =	stream.linear.gather [hbm4b:s15+s2], $0x100, $0x38;
	[tilespmem:$0x16600] =	vst v63  }
0x8b: {  	_ = 	snop  }
0x8c: {  	[spmem:s1] =	stream.indirect.scatter.add.f32 [tilespmem:s29], [sflag:$0x3], $0x80, s11, s0, $0xb8;
	[tilespmem:$0x16600] =	vst v63  }
0x8d: {  	_ =	swait.ge [sflag:s30], $0x2800  }
0x8e: {  	s15 =	simm.s32 $0xFFFFF100;
	[sflag:s30] =	ssyncset.done $0x0  }
.LBB2_6:
0x8f: {  	p1 =	sne.s32 s15, $0xFFFFFFC0  }
0x90: {  	[sflag:s30] =	ssyncadd.s32 $0xFFFFD800;
	s16 =	smov.u32 s15;
	s15 =	sadd.s32 $0x40, s15  }
0x91: {  	_ = 	snop  }
0x92: {  	_ =	swait.ge [sflag:s12], $0x100  }
0x93: {  	s16 =	sadd.s32 s16, s23;
	[sflag:s12] =	ssyncset.done $0x0  }
0x94: {  	s17 =	sadd.s32 $0xFC0, s16;
	[sflag:s12] =	ssyncadd.s32 $0xFFFFFF00  }
0x95: {  	[tilespmem:s2], [sflag:$0x1] =	stream.linear.gather [hbm4b:s17+s2], $0x100, $0x38;
	[tilespmem:$0x16600] =	vst v63  }
0x96: {  	_ = 	snop  }
0x97: {  	[spmem:s1] =	stream.indirect.scatter.add.f32 [tilespmem:s29], [sflag:$0x3], $0x80, s3, s0, $0xb8;
	[tilespmem:$0x16600] =	vst v63  }
0x98: {  	_ =	swait.ge [sflag:s30], $0x2800  }
0x99: {  	[sflag:s30] =	ssyncset.done $0x0  }
0x9a: {  	[sflag:s30] =	ssyncadd.s32 $0xFFFFD800  }
0x9b: {  	_ =	swait.ge [sflag:s13], $0x100  }
0x9c: {  	[sflag:s13] =	ssyncset.done $0x0  }
0x9d: {  	s16 =	sadd.s32 $0xFE0, s16;
	[sflag:s13] =	ssyncadd.s32 $0xFFFFFF00  }
0x9e: {  	[tilespmem:s31], [sflag:$0x2] =	stream.linear.gather [hbm4b:s16+s2], $0x100, $0x38;
	[tilespmem:$0x16600] =	vst v63  }
.Ltmp2:
0x9f: {  	_ = 	snop;
	(pc) =	sbr.rel @p1 .LBB2_6-.Ltmp2, $4  }
0xa0: {  	_ = 	snop  }
0xa1: {  	[spmem:s1] =	stream.indirect.scatter.add.f32 [tilespmem:s29], [sflag:$0x3], $0x80, s11, s0, $0xb8;
	[tilespmem:$0x16600] =	vst v63  }
0xa2: {  	_ =	swait.ge [sflag:s30], $0x2800  }
0xa3: {  	[sflag:s30] =	ssyncset.done $0x0  }
0xa4: {  	[sflag:s30] =	ssyncadd.s32 $0xFFFFD800  }
0xa5: {  	_ =	swait.ge [sflag:s12], $0x100  }
0xa6: {  	[sflag:s12] =	ssyncset.done $0x0  }
0xa7: {  	[sflag:s12] =	ssyncadd.s32 $0xFFFFFF00  }
0xa8: {  	[spmem:s1] =	stream.indirect.scatter.add.f32 [tilespmem:s29], [sflag:$0x3], $0x80, s3, s0, $0xb8;
	[tilespmem:$0x16600] =	vst v63  }
0xa9: {  	_ =	swait.ge [sflag:s30], $0x2800  }
0xaa: {  	[sflag:s30] =	ssyncset.done $0x0  }
0xab: {  	[sflag:s30] =	ssyncadd.s32 $0xFFFFD800  }
0xac: {  	_ =	swait.ge [sflag:s13], $0x100  }
0xad: {  	[sflag:s13] =	ssyncset.done $0x0  }
0xae: {  	[sflag:s13] =	ssyncadd.s32 $0xFFFFFF00  }
0xaf: {  	[spmem:s1] =	stream.indirect.scatter.add.f32 [tilespmem:s29], [sflag:$0x3], $0x80, s11, s0, $0xb8;
	[tilespmem:$0x16600] =	vst v63  }
0xb0: {  	_ =	swait.ge [sflag:s30], $0x2800  }
0xb1: {  	[sflag:s30] =	ssyncset.done $0x0  }
0xb2: {  	s15 =	stileid.u32;
	[sflag:s30] =	ssyncadd.s32 $0xFFFFD800  }
0xb3: {  	s15 =	sshll.u32 s15, $0x6;
	[bflag:$0x0] =	sbarrier.arrive $0xFFFF  }
0xb4: {  	s16 =	sshrl.u32 s4, $0x3;
	s15 =	sor.u32 $0x1C03, s15;
	s17 =	rddreg [dreg:$0x3]  }
0xb5: {  	[hbm:s17], [sflag:s15] =	dma.local [spmem:s16], $0x500  }
0xb6: {  	_ =	swait.ge [sflag:s30], $0x500  }
0xb7: {  	[sflag:s30] =	ssyncset.done $0x0  }
0xb8: {  	s16 =	sshrl.u32 s5, $0x3;
	s17 =	rddreg [dreg:$0x4];
	[sflag:s30] =	ssyncadd.s32 $0xFFFFFB00  }
0xb9: {  	[hbm:s17], [sflag:s15] =	dma.local [spmem:s16], $0x500  }
0xba: {  	_ =	swait.ge [sflag:s30], $0x500  }
0xbb: {  	[sflag:s30] =	ssyncset.done $0x0  }
0xbc: {  	s16 =	sshrl.u32 s6, $0x3;
	s17 =	rddreg [dreg:$0x5];
	[sflag:s30] =	ssyncadd.s32 $0xFFFFFB00  }
0xbd: {  	[hbm:s17], [sflag:s15] =	dma.local [spmem:s16], $0x500  }
0xbe: {  	_ =	swait.ge [sflag:s30], $0x500  }
0xbf: {  	[sflag:s30] =	ssyncset.done $0x0  }
0xc0: {  	s16 =	sshrl.u32 s7, $0x3;
	s17 =	rddreg [dreg:$0x6];
	[sflag:s30] =	ssyncadd.s32 $0xFFFFFB00  }
0xc1: {  	[hbm:s17], [sflag:s15] =	dma.local [spmem:s16], $0x500  }
0xc2: {  	_ =	swait.ge [sflag:s30], $0x500  }
0xc3: {  	[sflag:s30] =	ssyncset.done $0x0  }
0xc4: {  	s16 =	sshrl.u32 s8, $0x3;
	s17 =	rddreg [dreg:$0x7];
	[sflag:s30] =	ssyncadd.s32 $0xFFFFFB00  }
0xc5: {  	[hbm:s17], [sflag:s15] =	dma.local [spmem:s16], $0x500  }
0xc6: {  	_ =	swait.ge [sflag:s30], $0x500  }
0xc7: {  	[sflag:s30] =	ssyncset.done $0x0  }
0xc8: {  	s16 =	sshrl.u32 s9, $0x3;
	s17 =	rddreg [dreg:$0x8];
	[sflag:s30] =	ssyncadd.s32 $0xFFFFFB00  }
0xc9: {  	[hbm:s17], [sflag:s15] =	dma.local [spmem:s16], $0x500  }
0xca: {  	_ =	swait.ge [sflag:s30], $0x500  }
0xcb: {  	[sflag:s30] =	ssyncset.done $0x0  }
0xcc: {  	s16 =	sshrl.u32 s10, $0x3;
	s17 =	rddreg [dreg:$0x9];
	[sflag:s30] =	ssyncadd.s32 $0xFFFFFB00  }
0xcd: {  	[hbm:s17], [sflag:s15] =	dma.local [spmem:s16], $0x500  }
0xce: {  	s14 =	sadd.s32 $0x1, s14;
	_ =	swait.ge [sflag:s30], $0x500  }
0xcf: {  	p1 =	sne.s32 s14, s25;
	[sflag:s30] =	ssyncset.done $0x0  }
.Ltmp3:
0xd0: {  	s17 =	sshrl.u32 s19, $0x3;
	[sflag:s30] =	ssyncadd.s32 $0xFFFFFB00;
	(pc) =	sbr.rel @p1 .LBB2_1-.Ltmp3, $4  }
0xd1: {  	[hbm:s18], [sflag:s15] =	dma.local [spmem:s17], $0x480  }
0xd2: {  	_ =	swait.ge [sflag:s30], $0x480  }
0xd3: {  	[sflag:s30] =	ssyncset.done $0x0  }
0xd4: {  	[sflag:s30] =	ssyncadd.s32 $0xFFFFFB80  }
0xd5: {  	_ =	sfence.sel $0x180000  }
0xd6: {  	[bflag:$0x0] =	sbarrier.arrive $0xFFFF  }
0xd7: {  	_ =	strace $0x9000004A  }
0xd8: {  	[bflag:$0x2] =	sbarrier.arrive $0xFFFF  }
0xd9: {  	s0 =	rddreg [dreg:$0x2]  }
0xda: {  	s0 =	sadd.s32 @!p0 $0x100000, s0  }
0xdb: {  	[sflag:s0] =	ssyncadd.tile.s32 @!p0 $0x1;
	_ =	shalt  }
.Lfunc_end2:
_tile_overlayer_lowered:
.L_overlay_start_2:
0xdc: {  	(tag) =	ssettag $0x2  }
0xdd: {  	s0 =	rddreg [dreg:$0x0];
	s2 =	stileid.u32  }
0xde: {  	s1 =	rddreg [dreg:$0x1];
	p0 =	sne.s32 s2, $0x0  }
0xdf: {  	s3 =	rddreg [dreg:$0x2];
	[bflag:$0x3] =	sbarrier.arrive $0xFFFF;
	s2 =	simm.s32 @!p0 $0x1C03  }
0xe0: {  	[timem:s3], [sflag:s2] =	dma.local @!p0 [hbm:s0], s1  }
0xe1: {  	s0 =	simm.s32 @!p0 $0x3  }
0xe2: {  	_ =	swait.ge @!p0 [sflag:s0], s1  }
0xe3: {  	s1 =	ssub.s32 @!p0 $0x0, s1;
	[sflag:s0] =	ssyncset.done @!p0 $0x0  }
0xe4: {  	[sflag:s0] =	ssyncadd.s32 @!p0 s1  }
0xe5: {  	[bflag:$0x3] =	sbarrier.arrive $0xFFFF  }
0xe6: {  	_ =	shalt  }

</sc_bundles>
